<compile_context>
chip_gen: v7x
topology: tpu7x:2x2x1
jax: 0.10.2.dev20260603
libtpu: 0.0.44.dev20260713+nightly
codegen_flags: <defaults>
</compile_context>

<pallas_src>
import functools

import jax
import jax.numpy as jnp
from jax import lax
from jax.experimental import pallas as pl
from jax.experimental.pallas import tpu as pltpu
from jax.experimental.pallas import tpu_sc as plsc

_LANES = 16
_NBUF = 8


@functools.lru_cache(maxsize=None)
def _build(B, K, N, NC, NS):
    NW = NC * NS
    b_per_w = B // NW
    n_groups = b_per_w // _LANES
    kb_n = K // 8
    mesh = plsc.VectorSubcoreMesh(core_axis_name="c", subcore_axis_name="s")

    @functools.partial(
        pl.kernel,
        mesh=mesh,
        compiler_params=pltpu.CompilerParams(needs_layout_passes=False),
        out_type=jax.ShapeDtypeStruct((B,), jnp.float32),
        scratch_types=[
            pltpu.VMEM((b_per_w,), jnp.int32),
            pltpu.VMEM((b_per_w,), jnp.int32),
            pltpu.VMEM((_NBUF, K // 8, 8, 128), jnp.float32),
            pltpu.VMEM((_NBUF, K // 8, 8, 128), jnp.float32),
            pltpu.VMEM((b_per_w,), jnp.float32),
            pltpu.SemaphoreType.DMA,
            pltpu.SemaphoreType.DMA,
        ],
    )
    def sc_kernel(u_hbm, i_hbm, pt_hbm, qt_hbm, out_hbm,
                  u_v, i_v, ps_v, qs_v, out_v, sem_p, sem_q):
        wid = lax.axis_index("s") * NC + lax.axis_index("c")
        base = wid * b_per_w

        pltpu.sync_copy(u_hbm.at[pl.ds(base, b_per_w)], u_v)
        pltpu.sync_copy(i_hbm.at[pl.ds(base, b_per_w)], i_v)
        lanes = lax.broadcasted_iota(jnp.int32, (_LANES,), 0)
        lane_last = jnp.full((_LANES,), _LANES - 1, jnp.int32)

        def enqueue(g, r, buf):
            u16 = u_v[pl.ds(g * _LANES, _LANES)]
            i16 = i_v[pl.ds(g * _LANES, _LANES)]
            ur = u16[r]
            ir = i16[r]
            ub = pl.multiple_of((ur >> 7) << 7, 128)
            ib = pl.multiple_of((ir >> 7) << 7, 128)
            pltpu.async_copy(
                pt_hbm.at[:, :, pl.ds(ub, 128)],
                ps_v.at[buf], sem_p)
            pltpu.async_copy(
                qt_hbm.at[:, :, pl.ds(ib, 128)],
                qs_v.at[buf], sem_q)

        def drain(buf):
            pltpu.make_async_copy(
                pt_hbm.at[:, :, pl.ds(0, 128)],
                ps_v.at[buf], sem_p).wait()
            pltpu.make_async_copy(
                qt_hbm.at[:, :, pl.ds(0, 128)],
                qs_v.at[buf], sem_q).wait()

        def compute(g, r, buf, acc16):
            u16 = u_v[pl.ds(g * _LANES, _LANES)]
            i16 = i_v[pl.ds(g * _LANES, _LANES)]
            ul = jnp.full((_LANES,), u16[r] & 127, jnp.int32)
            il = jnp.full((_LANES,), i16[r] & 127, jnp.int32)
            bufv = jnp.full((_LANES,), buf, jnp.int32)
            acc = jnp.zeros((_LANES,), jnp.float32)
            for h in range(K // _LANES):
                ks = h * _LANES + lanes
                a = plsc.load_gather(ps_v, [bufv, ks >> 3, ks & 7, ul])
                b = plsc.load_gather(qs_v, [bufv, ks >> 3, ks & 7, il])
                acc = acc + a * b
            csum = plsc.cumsum(acc)
            tot = csum.at[lane_last].get(mode="promise_in_bounds")
            return jnp.where(lanes == r, tot, acc16)

        for r in range(_NBUF):
            enqueue(0, r, r)

        def group_body(g, carry):
            acc16 = jnp.zeros((_LANES,), jnp.float32)
            for r in range(_LANES):
                buf = r % _NBUF
                drain(buf)
                acc16 = compute(g, r, buf, acc16)
                nr = (r + _NBUF) % _LANES
                ng = g if r + _NBUF < _LANES else g + 1

                @pl.when(ng < n_groups)
                def _():
                    enqueue(ng, nr, buf)

            out_v[pl.ds(g * _LANES, _LANES)] = acc16
            return carry

        lax.fori_loop(0, n_groups, group_body, 0)

        pltpu.sync_copy(out_v, out_hbm.at[pl.ds(base, b_per_w)])

    return sc_kernel


def kernel(u, i, P, Q, mu):
    B = u.shape[0]
    N, K = P.shape
    info = plsc.get_sparse_core_info()
    sc = _build(B, K, N, info.num_cores, info.num_subcores)
    pt = P.T.reshape(K // 8, 8, N)
    qt = Q.T.reshape(K // 8, 8, N)
    out = sc(u.astype(jnp.int32), i.astype(jnp.int32), pt, qt)
    return out + mu

# --- scband reference (transcript-rebuilt; emitter-appended) ---
"""Pipeline reference for scband-classical-svd-88587995447763 (READ-ONLY COPY).

The authoritative reference and input builder live on the scoring server;
editing this copy changes nothing except your own understanding.
"""

import jax, jax.numpy as jnp
import numpy as np

N_USERS = 1000000
N_ITEMS = 1000000
K = 32
BATCH = 16384


def setup_inputs(seed: int = 0) -> dict:
    key = jax.random.key(seed)
    k_u, k_i, k_p, k_q = jax.random.split(key, 4)
    u = jax.random.randint(k_u, (BATCH,), 0, N_USERS, dtype=jnp.int64 if jax.config.jax_enable_x64 else jnp.int32)
    i = jax.random.randint(k_i, (BATCH,), 0, N_ITEMS, dtype=jnp.int64 if jax.config.jax_enable_x64 else jnp.int32)
    P = jax.random.normal(k_p, (N_USERS, K), dtype=jnp.float32) * 0.05
    Q = jax.random.normal(k_q, (N_ITEMS, K), dtype=jnp.float32) * 0.05
    mu = jnp.zeros((1,), dtype=jnp.float32)
    return {"u": u, "i": i, "P": P, "Q": Q, "mu": mu}


def reference(u, i, P, Q, mu):
    # ClassicalSVD forward: (P(u) * Q(i)).sum(1) + mu
    pu = jnp.take(P, u, axis=0)  # [B, K] gather (embedding lookup)
    qi = jnp.take(Q, i, axis=0)  # [B, K] gather (embedding lookup)
    return (pu * qi).sum(axis=1) + mu

if __name__ == "__main__":
    import jax
    _d = setup_inputs()
    print(jax.jit(kernel)(*tuple(_d.values())))

</pallas_src>

<mosaic_0001>
#map = affine_map<(d0, d1) -> (0)>
#map1 = affine_map<(d0, d1) -> (0, 0, 0)>
module attributes {stable_mosaic.version = 14 : i64} {
  func.func @sc_kernel(%arg0: i32, %arg1: i32, %arg2: memref<16384xi32, #tpu.memory_space<hbm>>, %arg3: memref<16384xi32, #tpu.memory_space<hbm>>, %arg4: memref<4x8x1000000xf32, #tpu.memory_space<hbm>>, %arg5: memref<4x8x1000000xf32, #tpu.memory_space<hbm>>, %arg6: memref<16384xf32, #tpu.memory_space<hbm>>, %arg7: memref<512xi32, #tpu.memory_space<vmem>>, %arg8: memref<512xi32, #tpu.memory_space<vmem>>, %arg9: memref<8x4x8x128xf32, #tpu.memory_space<vmem>>, %arg10: memref<8x4x8x128xf32, #tpu.memory_space<vmem>>, %arg11: memref<512xf32, #tpu.memory_space<vmem>>, %arg12: memref<!tpu.dma_semaphore, #tpu.memory_space<semaphore_mem>>, %arg13: memref<!tpu.dma_semaphore, #tpu.memory_space<semaphore_mem>>) attributes {dimension_semantics = [#tpu.dimension_semantics<core_parallel>, #tpu.dimension_semantics<subcore_parallel>], iteration_bounds = array<i64: 2, 16>, scalar_prefetch = 0 : i64, scratch_operands = 7 : i64, tpu.core_type = #tpu.core_type<sc_vector_subcore>, window_params = [{transform_indices = #map}, {transform_indices = #map}, {transform_indices = #map1}, {transform_indices = #map1}, {transform_indices = #map}]} {
    %mul3A = arith.constant 2 : i32
    %mul3A_0 = arith.muli %arg1, %mul3A : i32
    %add3A = arith.addi %mul3A_0, %arg0 : i32
    %mul3A_1 = arith.constant 512 : i32
    %mul3A_2 = arith.muli %add3A, %mul3A_1 : i32
    "tpu.region"() ({
      %run_scoped3A = tpu.sem_alloc : memref<!tpu.dma_semaphore, #tpu.memory_space<semaphore_mem>>
      %dma_start3A_418 = tpu.memref_slice %arg2[%mul3A_2] : memref<16384xi32, #tpu.memory_space<hbm>> -> memref<512xi32, #tpu.memory_space<hbm>>
      %dma_start3A_419 = tpu.memref_slice %arg2[%mul3A_2] : memref<16384xi32, #tpu.memory_space<hbm>> -> memref<512xi32, #tpu.memory_space<hbm>>
      tpu.enqueue_dma source(%dma_start3A_419 : memref<512xi32, #tpu.memory_space<hbm>>) target(%arg7 : memref<512xi32, #tpu.memory_space<vmem>>) target_semaphore(%run_scoped3A : memref<!tpu.dma_semaphore, #tpu.memory_space<semaphore_mem>>)
      %dma_wait3A = tpu.memref_slice %arg2[%mul3A_2] : memref<16384xi32, #tpu.memory_space<hbm>> -> memref<512xi32, #tpu.memory_space<hbm>>
      %dma_wait3A_420 = tpu.memref_slice %arg2[%mul3A_2] : memref<16384xi32, #tpu.memory_space<hbm>> -> memref<512xi32, #tpu.memory_space<hbm>>
      tpu.wait_dma2 semaphore(%run_scoped3A : memref<!tpu.dma_semaphore, #tpu.memory_space<semaphore_mem>>) src(%dma_wait3A_420 : memref<512xi32, #tpu.memory_space<hbm>>) dst(%arg7 : memref<512xi32, #tpu.memory_space<vmem>>)
      tpu.yield
    }) : () -> ()
    "tpu.region"() ({
      %run_scoped3A = tpu.sem_alloc : memref<!tpu.dma_semaphore, #tpu.memory_space<semaphore_mem>>
      %dma_start3A_418 = tpu.memref_slice %arg3[%mul3A_2] : memref<16384xi32, #tpu.memory_space<hbm>> -> memref<512xi32, #tpu.memory_space<hbm>>
      %dma_start3A_419 = tpu.memref_slice %arg3[%mul3A_2] : memref<16384xi32, #tpu.memory_space<hbm>> -> memref<512xi32, #tpu.memory_space<hbm>>
      tpu.enqueue_dma source(%dma_start3A_419 : memref<512xi32, #tpu.memory_space<hbm>>) target(%arg8 : memref<512xi32, #tpu.memory_space<vmem>>) target_semaphore(%run_scoped3A : memref<!tpu.dma_semaphore, #tpu.memory_space<semaphore_mem>>)
      %dma_wait3A = tpu.memref_slice %arg3[%mul3A_2] : memref<16384xi32, #tpu.memory_space<hbm>> -> memref<512xi32, #tpu.memory_space<hbm>>
      %dma_wait3A_420 = tpu.memref_slice %arg3[%mul3A_2] : memref<16384xi32, #tpu.memory_space<hbm>> -> memref<512xi32, #tpu.memory_space<hbm>>
      tpu.wait_dma2 semaphore(%run_scoped3A : memref<!tpu.dma_semaphore, #tpu.memory_space<semaphore_mem>>) src(%dma_wait3A_420 : memref<512xi32, #tpu.memory_space<hbm>>) dst(%arg8 : memref<512xi32, #tpu.memory_space<vmem>>)
      tpu.yield
    }) : () -> ()
    %iota3A = tpu.iota {dimensions = array<i32: 0>} : vector<16xi32>
    %broadcast_in_dim3A = arith.constant 15 : i32
    %broadcast_in_dim3A_3 = vector.broadcast %broadcast_in_dim3A : i32 to vector<16xi32>
    %get3A = arith.constant 0 : index
    %get3A_4 = tpu.vector_load %arg7[%get3A] {strides = array<i32>} : memref<512xi32, #tpu.memory_space<vmem>>, vector<16xi32>,
    %get3A_5 = arith.constant 0 : index
    %get3A_6 = tpu.vector_load %arg8[%get3A_5] {strides = array<i32>} : memref<512xi32, #tpu.memory_space<vmem>>, vector<16xi32>,
    %slice3A = vector.extract_strided_slice %get3A_4 {offsets = [0], sizes = [1], strides = [1]} : vector<16xi32> to vector<1xi32>
    %squeeze3A = vector.extract %slice3A[0] : i32 from vector<1xi32>
    %slice3A_7 = vector.extract_strided_slice %get3A_6 {offsets = [0], sizes = [1], strides = [1]} : vector<16xi32> to vector<1xi32>
    %squeeze3A_8 = vector.extract %slice3A_7[0] : i32 from vector<1xi32>
    %shift_right_arithmetic3A = arith.constant 7 : i32
    %shift_right_arithmetic3A_9 = arith.shrsi %squeeze3A, %shift_right_arithmetic3A : i32
    %shift_left3A = arith.constant 7 : i32
    %shift_left3A_10 = arith.shli %shift_right_arithmetic3A_9, %shift_left3A : i32
    %multiple_of3A = tpu.assume_multiple %shift_left3A_10, 128 : i32
    %shift_right_arithmetic3A_11 = arith.constant 7 : i32
    %shift_right_arithmetic3A_12 = arith.shrsi %squeeze3A_8, %shift_right_arithmetic3A_11 : i32
    %shift_left3A_13 = arith.constant 7 : i32
    %shift_left3A_14 = arith.shli %shift_right_arithmetic3A_12, %shift_left3A_13 : i32
    %multiple_of3A_15 = tpu.assume_multiple %shift_left3A_14, 128 : i32
    %dma_start3A = arith.constant 0 : i32
    %dma_start3A_16 = arith.constant 0 : i32
    %dma_start3A_17 = arith.constant 0 : i32
    %dma_start3A_18 = arith.constant 0 : i32
    %dma_start3A_19 = tpu.memref_slice %arg9[%dma_start3A, %dma_start3A_16, %dma_start3A_17, %dma_start3A_18] : memref<8x4x8x128xf32, #tpu.memory_space<vmem>> -> memref<1x4x8x128xf32, #tpu.memory_space<vmem>>
    %dma_start3A_20 = tpu.memref_squeeze %dma_start3A_19 : memref<1x4x8x128xf32, #tpu.memory_space<vmem>> -> memref<4x8x128xf32, #tpu.memory_space<vmem>>
    %dma_start3A_21 = arith.constant 0 : i32
    %dma_start3A_22 = arith.constant 0 : i32
    %dma_start3A_23 = tpu.memref_slice %arg4[%dma_start3A_21, %dma_start3A_22, %multiple_of3A] : memref<4x8x1000000xf32, #tpu.memory_space<hbm>> -> memref<4x8x128xf32, #tpu.memory_space<hbm>>
    %dma_start3A_24 = arith.constant 0 : i32
    %dma_start3A_25 = arith.constant 0 : i32
    %dma_start3A_26 = arith.constant 0 : i32
    %dma_start3A_27 = tpu.memref_slice %arg9[%dma_start3A, %dma_start3A_24, %dma_start3A_25, %dma_start3A_26] : memref<8x4x8x128xf32, #tpu.memory_space<vmem>> -> memref<1x4x8x128xf32, #tpu.memory_space<vmem>>
    %dma_start3A_28 = tpu.memref_squeeze %dma_start3A_27 : memref<1x4x8x128xf32, #tpu.memory_space<vmem>> -> memref<4x8x128xf32, #tpu.memory_space<vmem>>
    %dma_start3A_29 = arith.constant 0 : i32
    %dma_start3A_30 = arith.constant 0 : i32
    %dma_start3A_31 = tpu.memref_slice %arg4[%dma_start3A_29, %dma_start3A_30, %multiple_of3A] : memref<4x8x1000000xf32, #tpu.memory_space<hbm>> -> memref<4x8x128xf32, #tpu.memory_space<hbm>>
    tpu.enqueue_dma source(%dma_start3A_31 : memref<4x8x128xf32, #tpu.memory_space<hbm>>) target(%dma_start3A_28 : memref<4x8x128xf32, #tpu.memory_space<vmem>>) target_semaphore(%arg12 : memref<!tpu.dma_semaphore, #tpu.memory_space<semaphore_mem>>)
    %dma_start3A_32 = arith.constant 0 : i32
    %dma_start3A_33 = arith.constant 0 : i32
    %dma_start3A_34 = arith.constant 0 : i32
    %dma_start3A_35 = arith.constant 0 : i32
    %dma_start3A_36 = tpu.memref_slice %arg10[%dma_start3A_32, %dma_start3A_33, %dma_start3A_34, %dma_start3A_35] : memref<8x4x8x128xf32, #tpu.memory_space<vmem>> -> memref<1x4x8x128xf32, #tpu.memory_space<vmem>>
    %dma_start3A_37 = tpu.memref_squeeze %dma_start3A_36 : memref<1x4x8x128xf32, #tpu.memory_space<vmem>> -> memref<4x8x128xf32, #tpu.memory_space<vmem>>
    %dma_start3A_38 = arith.constant 0 : i32
    %dma_start3A_39 = arith.constant 0 : i32
    %dma_start3A_40 = tpu.memref_slice %arg5[%dma_start3A_38, %dma_start3A_39, %multiple_of3A_15] : memref<4x8x1000000xf32, #tpu.memory_space<hbm>> -> memref<4x8x128xf32, #tpu.memory_space<hbm>>
    %dma_start3A_41 = arith.constant 0 : i32
    %dma_start3A_42 = arith.constant 0 : i32
    %dma_start3A_43 = arith.constant 0 : i32
    %dma_start3A_44 = tpu.memref_slice %arg10[%dma_start3A_32, %dma_start3A_41, %dma_start3A_42, %dma_start3A_43] : memref<8x4x8x128xf32, #tpu.memory_space<vmem>> -> memref<1x4x8x128xf32, #tpu.memory_space<vmem>>
    %dma_start3A_45 = tpu.memref_squeeze %dma_start3A_44 : memref<1x4x8x128xf32, #tpu.memory_space<vmem>> -> memref<4x8x128xf32, #tpu.memory_space<vmem>>
    %dma_start3A_46 = arith.constant 0 : i32
    %dma_start3A_47 = arith.constant 0 : i32
    %dma_start3A_48 = tpu.memref_slice %arg5[%dma_start3A_46, %dma_start3A_47, %multiple_of3A_15] : memref<4x8x1000000xf32, #tpu.memory_space<hbm>> -> memref<4x8x128xf32, #tpu.memory_space<hbm>>
    tpu.enqueue_dma source(%dma_start3A_48 : memref<4x8x128xf32, #tpu.memory_space<hbm>>) target(%dma_start3A_45 : memref<4x8x128xf32, #tpu.memory_space<vmem>>) target_semaphore(%arg13 : memref<!tpu.dma_semaphore, #tpu.memory_space<semaphore_mem>>)
    %get3A_49 = arith.constant 0 : index
    %get3A_50 = tpu.vector_load %arg7[%get3A_49] {strides = array<i32>} : memref<512xi32, #tpu.memory_space<vmem>>, vector<16xi32>,
    %get3A_51 = arith.constant 0 : index
    %get3A_52 = tpu.vector_load %arg8[%get3A_51] {strides = array<i32>} : memref<512xi32, #tpu.memory_space<vmem>>, vector<16xi32>,
    %slice3A_53 = vector.extract_strided_slice %get3A_50 {offsets = [1], sizes = [1], strides = [1]} : vector<16xi32> to vector<1xi32>
    %squeeze3A_54 = vector.extract %slice3A_53[0] : i32 from vector<1xi32>
    %slice3A_55 = vector.extract_strided_slice %get3A_52 {offsets = [1], sizes = [1], strides = [1]} : vector<16xi32> to vector<1xi32>
    %squeeze3A_56 = vector.extract %slice3A_55[0] : i32 from vector<1xi32>
    %shift_right_arithmetic3A_57 = arith.constant 7 : i32
    %shift_right_arithmetic3A_58 = arith.shrsi %squeeze3A_54, %shift_right_arithmetic3A_57 : i32
    %shift_left3A_59 = arith.constant 7 : i32
    %shift_left3A_60 = arith.shli %shift_right_arithmetic3A_58, %shift_left3A_59 : i32
    %multiple_of3A_61 = tpu.assume_multiple %shift_left3A_60, 128 : i32
    %shift_right_arithmetic3A_62 = arith.constant 7 : i32
    %shift_right_arithmetic3A_63 = arith.shrsi %squeeze3A_56, %shift_right_arithmetic3A_62 : i32
    %shift_left3A_64 = arith.constant 7 : i32
    %shift_left3A_65 = arith.shli %shift_right_arithmetic3A_63, %shift_left3A_64 : i32
    %multiple_of3A_66 = tpu.assume_multiple %shift_left3A_65, 128 : i32
    %dma_start3A_67 = arith.constant 1 : i32
    %dma_start3A_68 = arith.constant 0 : i32
    %dma_start3A_69 = arith.constant 0 : i32
    %dma_start3A_70 = arith.constant 0 : i32
    %dma_start3A_71 = tpu.memref_slice %arg9[%dma_start3A_67, %dma_start3A_68, %dma_start3A_69, %dma_start3A_70] : memref<8x4x8x128xf32, #tpu.memory_space<vmem>> -> memref<1x4x8x128xf32, #tpu.memory_space<vmem>>
    %dma_start3A_72 = tpu.memref_squeeze %dma_start3A_71 : memref<1x4x8x128xf32, #tpu.memory_space<vmem>> -> memref<4x8x128xf32, #tpu.memory_space<vmem>>
    %dma_start3A_73 = arith.constant 0 : i32
    %dma_start3A_74 = arith.constant 0 : i32
    %dma_start3A_75 = tpu.memref_slice %arg4[%dma_start3A_73, %dma_start3A_74, %multiple_of3A_61] : memref<4x8x1000000xf32, #tpu.memory_space<hbm>> -> memref<4x8x128xf32, #tpu.memory_space<hbm>>
    %dma_start3A_76 = arith.constant 0 : i32
    %dma_start3A_77 = arith.constant 0 : i32
    %dma_start3A_78 = arith.constant 0 : i32
    %dma_start3A_79 = tpu.memref_slice %arg9[%dma_start3A_67, %dma_start3A_76, %dma_start3A_77, %dma_start3A_78] : memref<8x4x8x128xf32, #tpu.memory_space<vmem>> -> memref<1x4x8x128xf32, #tpu.memory_space<vmem>>
    %dma_start3A_80 = tpu.memref_squeeze %dma_start3A_79 : memref<1x4x8x128xf32, #tpu.memory_space<vmem>> -> memref<4x8x128xf32, #tpu.memory_space<vmem>>
    %dma_start3A_81 = arith.constant 0 : i32
    %dma_start3A_82 = arith.constant 0 : i32
    %dma_start3A_83 = tpu.memref_slice %arg4[%dma_start3A_81, %dma_start3A_82, %multiple_of3A_61] : memref<4x8x1000000xf32, #tpu.memory_space<hbm>> -> memref<4x8x128xf32, #tpu.memory_space<hbm>>
    tpu.enqueue_dma source(%dma_start3A_83 : memref<4x8x128xf32, #tpu.memory_space<hbm>>) target(%dma_start3A_80 : memref<4x8x128xf32, #tpu.memory_space<vmem>>) target_semaphore(%arg12 : memref<!tpu.dma_semaphore, #tpu.memory_space<semaphore_mem>>)
    %dma_start3A_84 = arith.constant 1 : i32
    %dma_start3A_85 = arith.constant 0 : i32
    %dma_start3A_86 = arith.constant 0 : i32
    %dma_start3A_87 = arith.constant 0 : i32
    %dma_start3A_88 = tpu.memref_slice %arg10[%dma_start3A_84, %dma_start3A_85, %dma_start3A_86, %dma_start3A_87] : memref<8x4x8x128xf32, #tpu.memory_space<vmem>> -> memref<1x4x8x128xf32, #tpu.memory_space<vmem>>
    %dma_start3A_89 = tpu.memref_squeeze %dma_start3A_88 : memref<1x4x8x128xf32, #tpu.memory_space<vmem>> -> memref<4x8x128xf32, #tpu.memory_space<vmem>>
    %dma_start3A_90 = arith.constant 0 : i32
    %dma_start3A_91 = arith.constant 0 : i32
    %dma_start3A_92 = tpu.memref_slice %arg5[%dma_start3A_90, %dma_start3A_91, %multiple_of3A_66] : memref<4x8x1000000xf32, #tpu.memory_space<hbm>> -> memref<4x8x128xf32, #tpu.memory_space<hbm>>
    %dma_start3A_93 = arith.constant 0 : i32
    %dma_start3A_94 = arith.constant 0 : i32
    %dma_start3A_95 = arith.constant 0 : i32
    %dma_start3A_96 = tpu.memref_slice %arg10[%dma_start3A_84, %dma_start3A_93, %dma_start3A_94, %dma_start3A_95] : memref<8x4x8x128xf32, #tpu.memory_space<vmem>> -> memref<1x4x8x128xf32, #tpu.memory_space<vmem>>
    %dma_start3A_97 = tpu.memref_squeeze %dma_start3A_96 : memref<1x4x8x128xf32, #tpu.memory_space<vmem>> -> memref<4x8x128xf32, #tpu.memory_space<vmem>>
    %dma_start3A_98 = arith.constant 0 : i32
    %dma_start3A_99 = arith.constant 0 : i32
    %dma_start3A_100 = tpu.memref_slice %arg5[%dma_start3A_98, %dma_start3A_99, %multiple_of3A_66] : memref<4x8x1000000xf32, #tpu.memory_space<hbm>> -> memref<4x8x128xf32, #tpu.memory_space<hbm>>
    tpu.enqueue_dma source(%dma_start3A_100 : memref<4x8x128xf32, #tpu.memory_space<hbm>>) target(%dma_start3A_97 : memref<4x8x128xf32, #tpu.memory_space<vmem>>) target_semaphore(%arg13 : memref<!tpu.dma_semaphore, #tpu.memory_space<semaphore_mem>>)
    %get3A_101 = arith.constant 0 : index
    %get3A_102 = tpu.vector_load %arg7[%get3A_101] {strides = array<i32>} : memref<512xi32, #tpu.memory_space<vmem>>, vector<16xi32>,
    %get3A_103 = arith.constant 0 : index
    %get3A_104 = tpu.vector_load %arg8[%get3A_103] {strides = array<i32>} : memref<512xi32, #tpu.memory_space<vmem>>, vector<16xi32>,
    %slice3A_105 = vector.extract_strided_slice %get3A_102 {offsets = [2], sizes = [1], strides = [1]} : vector<16xi32> to vector<1xi32>
    %squeeze3A_106 = vector.extract %slice3A_105[0] : i32 from vector<1xi32>
    %slice3A_107 = vector.extract_strided_slice %get3A_104 {offsets = [2], sizes = [1], strides = [1]} : vector<16xi32> to vector<1xi32>
    %squeeze3A_108 = vector.extract %slice3A_107[0] : i32 from vector<1xi32>
    %shift_right_arithmetic3A_109 = arith.constant 7 : i32
    %shift_right_arithmetic3A_110 = arith.shrsi %squeeze3A_106, %shift_right_arithmetic3A_109 : i32
    %shift_left3A_111 = arith.constant 7 : i32
    %shift_left3A_112 = arith.shli %shift_right_arithmetic3A_110, %shift_left3A_111 : i32
    %multiple_of3A_113 = tpu.assume_multiple %shift_left3A_112, 128 : i32
    %shift_right_arithmetic3A_114 = arith.constant 7 : i32
    %shift_right_arithmetic3A_115 = arith.shrsi %squeeze3A_108, %shift_right_arithmetic3A_114 : i32
    %shift_left3A_116 = arith.constant 7 : i32
    %shift_left3A_117 = arith.shli %shift_right_arithmetic3A_115, %shift_left3A_116 : i32
    %multiple_of3A_118 = tpu.assume_multiple %shift_left3A_117, 128 : i32
    %dma_start3A_119 = arith.constant 2 : i32
    %dma_start3A_120 = arith.constant 0 : i32
    %dma_start3A_121 = arith.constant 0 : i32
    %dma_start3A_122 = arith.constant 0 : i32
    %dma_start3A_123 = tpu.memref_slice %arg9[%dma_start3A_119, %dma_start3A_120, %dma_start3A_121, %dma_start3A_122] : memref<8x4x8x128xf32, #tpu.memory_space<vmem>> -> memref<1x4x8x128xf32, #tpu.memory_space<vmem>>
    %dma_start3A_124 = tpu.memref_squeeze %dma_start3A_123 : memref<1x4x8x128xf32, #tpu.memory_space<vmem>> -> memref<4x8x128xf32, #tpu.memory_space<vmem>>
    %dma_start3A_125 = arith.constant 0 : i32
    %dma_start3A_126 = arith.constant 0 : i32
    %dma_start3A_127 = tpu.memref_slice %arg4[%dma_start3A_125, %dma_start3A_126, %multiple_of3A_113] : memref<4x8x1000000xf32, #tpu.memory_space<hbm>> -> memref<4x8x128xf32, #tpu.memory_space<hbm>>
    %dma_start3A_128 = arith.constant 0 : i32
    %dma_start3A_129 = arith.constant 0 : i32
    %dma_start3A_130 = arith.constant 0 : i32
    %dma_start3A_131 = tpu.memref_slice %arg9[%dma_start3A_119, %dma_start3A_128, %dma_start3A_129, %dma_start3A_130] : memref<8x4x8x128xf32, #tpu.memory_space<vmem>> -> memref<1x4x8x128xf32, #tpu.memory_space<vmem>>
    %dma_start3A_132 = tpu.memref_squeeze %dma_start3A_131 : memref<1x4x8x128xf32, #tpu.memory_space<vmem>> -> memref<4x8x128xf32, #tpu.memory_space<vmem>>
    %dma_start3A_133 = arith.constant 0 : i32
    %dma_start3A_134 = arith.constant 0 : i32
    %dma_start3A_135 = tpu.memref_slice %arg4[%dma_start3A_133, %dma_start3A_134, %multiple_of3A_113] : memref<4x8x1000000xf32, #tpu.memory_space<hbm>> -> memref<4x8x128xf32, #tpu.memory_space<hbm>>
    tpu.enqueue_dma source(%dma_start3A_135 : memref<4x8x128xf32, #tpu.memory_space<hbm>>) target(%dma_start3A_132 : memref<4x8x128xf32, #tpu.memory_space<vmem>>) target_semaphore(%arg12 : memref<!tpu.dma_semaphore, #tpu.memory_space<semaphore_mem>>)
    %dma_start3A_136 = arith.constant 2 : i32
    %dma_start3A_137 = arith.constant 0 : i32
    %dma_start3A_138 = arith.constant 0 : i32
    %dma_start3A_139 = arith.constant 0 : i32
    %dma_start3A_140 = tpu.memref_slice %arg10[%dma_start3A_136, %dma_start3A_137, %dma_start3A_138, %dma_start3A_139] : memref<8x4x8x128xf32, #tpu.memory_space<vmem>> -> memref<1x4x8x128xf32, #tpu.memory_space<vmem>>
    %dma_start3A_141 = tpu.memref_squeeze %dma_start3A_140 : memref<1x4x8x128xf32, #tpu.memory_space<vmem>> -> memref<4x8x128xf32, #tpu.memory_space<vmem>>
    %dma_start3A_142 = arith.constant 0 : i32
    %dma_start3A_143 = arith.constant 0 : i32
    %dma_start3A_144 = tpu.memref_slice %arg5[%dma_start3A_142, %dma_start3A_143, %multiple_of3A_118] : memref<4x8x1000000xf32, #tpu.memory_space<hbm>> -> memref<4x8x128xf32, #tpu.memory_space<hbm>>
    %dma_start3A_145 = arith.constant 0 : i32
    %dma_start3A_146 = arith.constant 0 : i32
    %dma_start3A_147 = arith.constant 0 : i32
    %dma_start3A_148 = tpu.memref_slice %arg10[%dma_start3A_136, %dma_start3A_145, %dma_start3A_146, %dma_start3A_147] : memref<8x4x8x128xf32, #tpu.memory_space<vmem>> -> memref<1x4x8x128xf32, #tpu.memory_space<vmem>>
    %dma_start3A_149 = tpu.memref_squeeze %dma_start3A_148 : memref<1x4x8x128xf32, #tpu.memory_space<vmem>> -> memref<4x8x128xf32, #tpu.memory_space<vmem>>
    %dma_start3A_150 = arith.constant 0 : i32
    %dma_start3A_151 = arith.constant 0 : i32
    %dma_start3A_152 = tpu.memref_slice %arg5[%dma_start3A_150, %dma_start3A_151, %multiple_of3A_118] : memref<4x8x1000000xf32, #tpu.memory_space<hbm>> -> memref<4x8x128xf32, #tpu.memory_space<hbm>>
    tpu.enqueue_dma source(%dma_start3A_152 : memref<4x8x128xf32, #tpu.memory_space<hbm>>) target(%dma_start3A_149 : memref<4x8x128xf32, #tpu.memory_space<vmem>>) target_semaphore(%arg13 : memref<!tpu.dma_semaphore, #tpu.memory_space<semaphore_mem>>)
    %get3A_153 = arith.constant 0 : index
    %get3A_154 = tpu.vector_load %arg7[%get3A_153] {strides = array<i32>} : memref<512xi32, #tpu.memory_space<vmem>>, vector<16xi32>,
    %get3A_155 = arith.constant 0 : index
    %get3A_156 = tpu.vector_load %arg8[%get3A_155] {strides = array<i32>} : memref<512xi32, #tpu.memory_space<vmem>>, vector<16xi32>,
    %slice3A_157 = vector.extract_strided_slice %get3A_154 {offsets = [3], sizes = [1], strides = [1]} : vector<16xi32> to vector<1xi32>
    %squeeze3A_158 = vector.extract %slice3A_157[0] : i32 from vector<1xi32>
    %slice3A_159 = vector.extract_strided_slice %get3A_156 {offsets = [3], sizes = [1], strides = [1]} : vector<16xi32> to vector<1xi32>
    %squeeze3A_160 = vector.extract %slice3A_159[0] : i32 from vector<1xi32>
    %shift_right_arithmetic3A_161 = arith.constant 7 : i32
    %shift_right_arithmetic3A_162 = arith.shrsi %squeeze3A_158, %shift_right_arithmetic3A_161 : i32
    %shift_left3A_163 = arith.constant 7 : i32
    %shift_left3A_164 = arith.shli %shift_right_arithmetic3A_162, %shift_left3A_163 : i32
    %multiple_of3A_165 = tpu.assume_multiple %shift_left3A_164, 128 : i32
    %shift_right_arithmetic3A_166 = arith.constant 7 : i32
    %shift_right_arithmetic3A_167 = arith.shrsi %squeeze3A_160, %shift_right_arithmetic3A_166 : i32
    %shift_left3A_168 = arith.constant 7 : i32
    %shift_left3A_169 = arith.shli %shift_right_arithmetic3A_167, %shift_left3A_168 : i32
    %multiple_of3A_170 = tpu.assume_multiple %shift_left3A_169, 128 : i32
    %dma_start3A_171 = arith.constant 3 : i32
    %dma_start3A_172 = arith.constant 0 : i32
    %dma_start3A_173 = arith.constant 0 : i32
    %dma_start3A_174 = arith.constant 0 : i32
    %dma_start3A_175 = tpu.memref_slice %arg9[%dma_start3A_171, %dma_start3A_172, %dma_start3A_173, %dma_start3A_174] : memref<8x4x8x128xf32, #tpu.memory_space<vmem>> -> memref<1x4x8x128xf32, #tpu.memory_space<vmem>>
    %dma_start3A_176 = tpu.memref_squeeze %dma_start3A_175 : memref<1x4x8x128xf32, #tpu.memory_space<vmem>> -> memref<4x8x128xf32, #tpu.memory_space<vmem>>
    %dma_start3A_177 = arith.constant 0 : i32
    %dma_start3A_178 = arith.constant 0 : i32
    %dma_start3A_179 = tpu.memref_slice %arg4[%dma_start3A_177, %dma_start3A_178, %multiple_of3A_165] : memref<4x8x1000000xf32, #tpu.memory_space<hbm>> -> memref<4x8x128xf32, #tpu.memory_space<hbm>>
    %dma_start3A_180 = arith.constant 0 : i32
    %dma_start3A_181 = arith.constant 0 : i32
    %dma_start3A_182 = arith.constant 0 : i32
    %dma_start3A_183 = tpu.memref_slice %arg9[%dma_start3A_171, %dma_start3A_180, %dma_start3A_181, %dma_start3A_182] : memref<8x4x8x128xf32, #tpu.memory_space<vmem>> -> memref<1x4x8x128xf32, #tpu.memory_space<vmem>>
    %dma_start3A_184 = tpu.memref_squeeze %dma_start3A_183 : memref<1x4x8x128xf32, #tpu.memory_space<vmem>> -> memref<4x8x128xf32, #tpu.memory_space<vmem>>
    %dma_start3A_185 = arith.constant 0 : i32
    %dma_start3A_186 = arith.constant 0 : i32
    %dma_start3A_187 = tpu.memref_slice %arg4[%dma_start3A_185, %dma_start3A_186, %multiple_of3A_165] : memref<4x8x1000000xf32, #tpu.memory_space<hbm>> -> memref<4x8x128xf32, #tpu.memory_space<hbm>>
    tpu.enqueue_dma source(%dma_start3A_187 : memref<4x8x128xf32, #tpu.memory_space<hbm>>) target(%dma_start3A_184 : memref<4x8x128xf32, #tpu.memory_space<vmem>>) target_semaphore(%arg12 : memref<!tpu.dma_semaphore, #tpu.memory_space<semaphore_mem>>)
    %dma_start3A_188 = arith.constant 3 : i32
    %dma_start3A_189 = arith.constant 0 : i32
    %dma_start3A_190 = arith.constant 0 : i32
    %dma_start3A_191 = arith.constant 0 : i32
    %dma_start3A_192 = tpu.memref_slice %arg10[%dma_start3A_188, %dma_start3A_189, %dma_start3A_190, %dma_start3A_191] : memref<8x4x8x128xf32, #tpu.memory_space<vmem>> -> memref<1x4x8x128xf32, #tpu.memory_space<vmem>>
    %dma_start3A_193 = tpu.memref_squeeze %dma_start3A_192 : memref<1x4x8x128xf32, #tpu.memory_space<vmem>> -> memref<4x8x128xf32, #tpu.memory_space<vmem>>
    %dma_start3A_194 = arith.constant 0 : i32
    %dma_start3A_195 = arith.constant 0 : i32
    %dma_start3A_196 = tpu.memref_slice %arg5[%dma_start3A_194, %dma_start3A_195, %multiple_of3A_170] : memref<4x8x1000000xf32, #tpu.memory_space<hbm>> -> memref<4x8x128xf32, #tpu.memory_space<hbm>>
    %dma_start3A_197 = arith.constant 0 : i32
    %dma_start3A_198 = arith.constant 0 : i32
    %dma_start3A_199 = arith.constant 0 : i32
    %dma_start3A_200 = tpu.memref_slice %arg10[%dma_start3A_188, %dma_start3A_197, %dma_start3A_198, %dma_start3A_199] : memref<8x4x8x128xf32, #tpu.memory_space<vmem>> -> memref<1x4x8x128xf32, #tpu.memory_space<vmem>>
    %dma_start3A_201 = tpu.memref_squeeze %dma_start3A_200 : memref<1x4x8x128xf32, #tpu.memory_space<vmem>> -> memref<4x8x128xf32, #tpu.memory_space<vmem>>
    %dma_start3A_202 = arith.constant 0 : i32
    %dma_start3A_203 = arith.constant 0 : i32
    %dma_start3A_204 = tpu.memref_slice %arg5[%dma_start3A_202, %dma_start3A_203, %multiple_of3A_170] : memref<4x8x1000000xf32, #tpu.memory_space<hbm>> -> memref<4x8x128xf32, #tpu.memory_space<hbm>>
    tpu.enqueue_dma source(%dma_start3A_204 : memref<4x8x128xf32, #tpu.memory_space<hbm>>) target(%dma_start3A_201 : memref<4x8x128xf32, #tpu.memory_space<vmem>>) target_semaphore(%arg13 : memref<!tpu.dma_semaphore, #tpu.memory_space<semaphore_mem>>)
    %get3A_205 = arith.constant 0 : index
    %get3A_206 = tpu.vector_load %arg7[%get3A_205] {strides = array<i32>} : memref<512xi32, #tpu.memory_space<vmem>>, vector<16xi32>,
    %get3A_207 = arith.constant 0 : index
    %get3A_208 = tpu.vector_load %arg8[%get3A_207] {strides = array<i32>} : memref<512xi32, #tpu.memory_space<vmem>>, vector<16xi32>,
    %slice3A_209 = vector.extract_strided_slice %get3A_206 {offsets = [4], sizes = [1], strides = [1]} : vector<16xi32> to vector<1xi32>
    %squeeze3A_210 = vector.extract %slice3A_209[0] : i32 from vector<1xi32>
    %slice3A_211 = vector.extract_strided_slice %get3A_208 {offsets = [4], sizes = [1], strides = [1]} : vector<16xi32> to vector<1xi32>
    %squeeze3A_212 = vector.extract %slice3A_211[0] : i32 from vector<1xi32>
    %shift_right_arithmetic3A_213 = arith.constant 7 : i32
    %shift_right_arithmetic3A_214 = arith.shrsi %squeeze3A_210, %shift_right_arithmetic3A_213 : i32
    %shift_left3A_215 = arith.constant 7 : i32
    %shift_left3A_216 = arith.shli %shift_right_arithmetic3A_214, %shift_left3A_215 : i32
    %multiple_of3A_217 = tpu.assume_multiple %shift_left3A_216, 128 : i32
    %shift_right_arithmetic3A_218 = arith.constant 7 : i32
    %shift_right_arithmetic3A_219 = arith.shrsi %squeeze3A_212, %shift_right_arithmetic3A_218 : i32
    %shift_left3A_220 = arith.constant 7 : i32
    %shift_left3A_221 = arith.shli %shift_right_arithmetic3A_219, %shift_left3A_220 : i32
    %multiple_of3A_222 = tpu.assume_multiple %shift_left3A_221, 128 : i32
    %dma_start3A_223 = arith.constant 4 : i32
    %dma_start3A_224 = arith.constant 0 : i32
    %dma_start3A_225 = arith.constant 0 : i32
    %dma_start3A_226 = arith.constant 0 : i32
    %dma_start3A_227 = tpu.memref_slice %arg9[%dma_start3A_223, %dma_start3A_224, %dma_start3A_225, %dma_start3A_226] : memref<8x4x8x128xf32, #tpu.memory_space<vmem>> -> memref<1x4x8x128xf32, #tpu.memory_space<vmem>>
    %dma_start3A_228 = tpu.memref_squeeze %dma_start3A_227 : memref<1x4x8x128xf32, #tpu.memory_space<vmem>> -> memref<4x8x128xf32, #tpu.memory_space<vmem>>
    %dma_start3A_229 = arith.constant 0 : i32
    %dma_start3A_230 = arith.constant 0 : i32
    %dma_start3A_231 = tpu.memref_slice %arg4[%dma_start3A_229, %dma_start3A_230, %multiple_of3A_217] : memref<4x8x1000000xf32, #tpu.memory_space<hbm>> -> memref<4x8x128xf32, #tpu.memory_space<hbm>>
    %dma_start3A_232 = arith.constant 0 : i32
    %dma_start3A_233 = arith.constant 0 : i32
    %dma_start3A_234 = arith.constant 0 : i32
    %dma_start3A_235 = tpu.memref_slice %arg9[%dma_start3A_223, %dma_start3A_232, %dma_start3A_233, %dma_start3A_234] : memref<8x4x8x128xf32, #tpu.memory_space<vmem>> -> memref<1x4x8x128xf32, #tpu.memory_space<vmem>>
    %dma_start3A_236 = tpu.memref_squeeze %dma_start3A_235 : memref<1x4x8x128xf32, #tpu.memory_space<vmem>> -> memref<4x8x128xf32, #tpu.memory_space<vmem>>
    %dma_start3A_237 = arith.constant 0 : i32
    %dma_start3A_238 = arith.constant 0 : i32
    %dma_start3A_239 = tpu.memref_slice %arg4[%dma_start3A_237, %dma_start3A_238, %multiple_of3A_217] : memref<4x8x1000000xf32, #tpu.memory_space<hbm>> -> memref<4x8x128xf32, #tpu.memory_space<hbm>>
    tpu.enqueue_dma source(%dma_start3A_239 : memref<4x8x128xf32, #tpu.memory_space<hbm>>) target(%dma_start3A_236 : memref<4x8x128xf32, #tpu.memory_space<vmem>>) target_semaphore(%arg12 : memref<!tpu.dma_semaphore, #tpu.memory_space<semaphore_mem>>)
    %dma_start3A_240 = arith.constant 4 : i32
    %dma_start3A_241 = arith.constant 0 : i32
    %dma_start3A_242 = arith.constant 0 : i32
    %dma_start3A_243 = arith.constant 0 : i32
    %dma_start3A_244 = tpu.memref_slice %arg10[%dma_start3A_240, %dma_start3A_241, %dma_start3A_242, %dma_start3A_243] : memref<8x4x8x128xf32, #tpu.memory_space<vmem>> -> memref<1x4x8x128xf32, #tpu.memory_space<vmem>>
    %dma_start3A_245 = tpu.memref_squeeze %dma_start3A_244 : memref<1x4x8x128xf32, #tpu.memory_space<vmem>> -> memref<4x8x128xf32, #tpu.memory_space<vmem>>
    %dma_start3A_246 = arith.constant 0 : i32
    %dma_start3A_247 = arith.constant 0 : i32
    %dma_start3A_248 = tpu.memref_slice %arg5[%dma_start3A_246, %dma_start3A_247, %multiple_of3A_222] : memref<4x8x1000000xf32, #tpu.memory_space<hbm>> -> memref<4x8x128xf32, #tpu.memory_space<hbm>>
    %dma_start3A_249 = arith.constant 0 : i32
    %dma_start3A_250 = arith.constant 0 : i32
    %dma_start3A_251 = arith.constant 0 : i32
    %dma_start3A_252 = tpu.memref_slice %arg10[%dma_start3A_240, %dma_start3A_249, %dma_start3A_250, %dma_start3A_251] : memref<8x4x8x128xf32, #tpu.memory_space<vmem>> -> memref<1x4x8x128xf32, #tpu.memory_space<vmem>>
    %dma_start3A_253 = tpu.memref_squeeze %dma_start3A_252 : memref<1x4x8x128xf32, #tpu.memory_space<vmem>> -> memref<4x8x128xf32, #tpu.memory_space<vmem>>
    %dma_start3A_254 = arith.constant 0 : i32
    %dma_start3A_255 = arith.constant 0 : i32
    %dma_start3A_256 = tpu.memref_slice %arg5[%dma_start3A_254, %dma_start3A_255, %multiple_of3A_222] : memref<4x8x1000000xf32, #tpu.memory_space<hbm>> -> memref<4x8x128xf32, #tpu.memory_space<hbm>>
    tpu.enqueue_dma source(%dma_start3A_256 : memref<4x8x128xf32, #tpu.memory_space<hbm>>) target(%dma_start3A_253 : memref<4x8x128xf32, #tpu.memory_space<vmem>>) target_semaphore(%arg13 : memref<!tpu.dma_semaphore, #tpu.memory_space<semaphore_mem>>)
    %get3A_257 = arith.constant 0 : index
    %get3A_258 = tpu.vector_load %arg7[%get3A_257] {strides = array<i32>} : memref<512xi32, #tpu.memory_space<vmem>>, vector<16xi32>,
    %get3A_259 = arith.constant 0 : index
    %get3A_260 = tpu.vector_load %arg8[%get3A_259] {strides = array<i32>} : memref<512xi32, #tpu.memory_space<vmem>>, vector<16xi32>,
    %slice3A_261 = vector.extract_strided_slice %get3A_258 {offsets = [5], sizes = [1], strides = [1]} : vector<16xi32> to vector<1xi32>
    %squeeze3A_262 = vector.extract %slice3A_261[0] : i32 from vector<1xi32>
    %slice3A_263 = vector.extract_strided_slice %get3A_260 {offsets = [5], sizes = [1], strides = [1]} : vector<16xi32> to vector<1xi32>
    %squeeze3A_264 = vector.extract %slice3A_263[0] : i32 from vector<1xi32>
    %shift_right_arithmetic3A_265 = arith.constant 7 : i32
    %shift_right_arithmetic3A_266 = arith.shrsi %squeeze3A_262, %shift_right_arithmetic3A_265 : i32
    %shift_left3A_267 = arith.constant 7 : i32
    %shift_left3A_268 = arith.shli %shift_right_arithmetic3A_266, %shift_left3A_267 : i32
    %multiple_of3A_269 = tpu.assume_multiple %shift_left3A_268, 128 : i32
    %shift_right_arithmetic3A_270 = arith.constant 7 : i32
    %shift_right_arithmetic3A_271 = arith.shrsi %squeeze3A_264, %shift_right_arithmetic3A_270 : i32
    %shift_left3A_272 = arith.constant 7 : i32
    %shift_left3A_273 = arith.shli %shift_right_arithmetic3A_271, %shift_left3A_272 : i32
    %multiple_of3A_274 = tpu.assume_multiple %shift_left3A_273, 128 : i32
    %dma_start3A_275 = arith.constant 5 : i32
    %dma_start3A_276 = arith.constant 0 : i32
    %dma_start3A_277 = arith.constant 0 : i32
    %dma_start3A_278 = arith.constant 0 : i32
    %dma_start3A_279 = tpu.memref_slice %arg9[%dma_start3A_275, %dma_start3A_276, %dma_start3A_277, %dma_start3A_278] : memref<8x4x8x128xf32, #tpu.memory_space<vmem>> -> memref<1x4x8x128xf32, #tpu.memory_space<vmem>>
    %dma_start3A_280 = tpu.memref_squeeze %dma_start3A_279 : memref<1x4x8x128xf32, #tpu.memory_space<vmem>> -> memref<4x8x128xf32, #tpu.memory_space<vmem>>
    %dma_start3A_281 = arith.constant 0 : i32
    %dma_start3A_282 = arith.constant 0 : i32
    %dma_start3A_283 = tpu.memref_slice %arg4[%dma_start3A_281, %dma_start3A_282, %multiple_of3A_269] : memref<4x8x1000000xf32, #tpu.memory_space<hbm>> -> memref<4x8x128xf32, #tpu.memory_space<hbm>>
    %dma_start3A_284 = arith.constant 0 : i32
    %dma_start3A_285 = arith.constant 0 : i32
    %dma_start3A_286 = arith.constant 0 : i32
    %dma_start3A_287 = tpu.memref_slice %arg9[%dma_start3A_275, %dma_start3A_284, %dma_start3A_285, %dma_start3A_286] : memref<8x4x8x128xf32, #tpu.memory_space<vmem>> -> memref<1x4x8x128xf32, #tpu.memory_space<vmem>>
    %dma_start3A_288 = tpu.memref_squeeze %dma_start3A_287 : memref<1x4x8x128xf32, #tpu.memory_space<vmem>> -> memref<4x8x128xf32, #tpu.memory_space<vmem>>
    %dma_start3A_289 = arith.constant 0 : i32
    %dma_start3A_290 = arith.constant 0 : i32
    %dma_start3A_291 = tpu.memref_slice %arg4[%dma_start3A_289, %dma_start3A_290, %multiple_of3A_269] : memref<4x8x1000000xf32, #tpu.memory_space<hbm>> -> memref<4x8x128xf32, #tpu.memory_space<hbm>>
    tpu.enqueue_dma source(%dma_start3A_291 : memref<4x8x128xf32, #tpu.memory_space<hbm>>) target(%dma_start3A_288 : memref<4x8x128xf32, #tpu.memory_space<vmem>>) target_semaphore(%arg12 : memref<!tpu.dma_semaphore, #tpu.memory_space<semaphore_mem>>)
    %dma_start3A_292 = arith.constant 5 : i32
    %dma_start3A_293 = arith.constant 0 : i32
    %dma_start3A_294 = arith.constant 0 : i32
    %dma_start3A_295 = arith.constant 0 : i32
    %dma_start3A_296 = tpu.memref_slice %arg10[%dma_start3A_292, %dma_start3A_293, %dma_start3A_294, %dma_start3A_295] : memref<8x4x8x128xf32, #tpu.memory_space<vmem>> -> memref<1x4x8x128xf32, #tpu.memory_space<vmem>>
    %dma_start3A_297 = tpu.memref_squeeze %dma_start3A_296 : memref<1x4x8x128xf32, #tpu.memory_space<vmem>> -> memref<4x8x128xf32, #tpu.memory_space<vmem>>
    %dma_start3A_298 = arith.constant 0 : i32
    %dma_start3A_299 = arith.constant 0 : i32
    %dma_start3A_300 = tpu.memref_slice %arg5[%dma_start3A_298, %dma_start3A_299, %multiple_of3A_274] : memref<4x8x1000000xf32, #tpu.memory_space<hbm>> -> memref<4x8x128xf32, #tpu.memory_space<hbm>>
    %dma_start3A_301 = arith.constant 0 : i32
    %dma_start3A_302 = arith.constant 0 : i32
    %dma_start3A_303 = arith.constant 0 : i32
    %dma_start3A_304 = tpu.memref_slice %arg10[%dma_start3A_292, %dma_start3A_301, %dma_start3A_302, %dma_start3A_303] : memref<8x4x8x128xf32, #tpu.memory_space<vmem>> -> memref<1x4x8x128xf32, #tpu.memory_space<vmem>>
    %dma_start3A_305 = tpu.memref_squeeze %dma_start3A_304 : memref<1x4x8x128xf32, #tpu.memory_space<vmem>> -> memref<4x8x128xf32, #tpu.memory_space<vmem>>
    %dma_start3A_306 = arith.constant 0 : i32
    %dma_start3A_307 = arith.constant 0 : i32
    %dma_start3A_308 = tpu.memref_slice %arg5[%dma_start3A_306, %dma_start3A_307, %multiple_of3A_274] : memref<4x8x1000000xf32, #tpu.memory_space<hbm>> -> memref<4x8x128xf32, #tpu.memory_space<hbm>>
    tpu.enqueue_dma source(%dma_start3A_308 : memref<4x8x128xf32, #tpu.memory_space<hbm>>) target(%dma_start3A_305 : memref<4x8x128xf32, #tpu.memory_space<vmem>>) target_semaphore(%arg13 : memref<!tpu.dma_semaphore, #tpu.memory_space<semaphore_mem>>)
    %get3A_309 = arith.constant 0 : index
    %get3A_310 = tpu.vector_load %arg7[%get3A_309] {strides = array<i32>} : memref<512xi32, #tpu.memory_space<vmem>>, vector<16xi32>,
    %get3A_311 = arith.constant 0 : index
    %get3A_312 = tpu.vector_load %arg8[%get3A_311] {strides = array<i32>} : memref<512xi32, #tpu.memory_space<vmem>>, vector<16xi32>,
    %slice3A_313 = vector.extract_strided_slice %get3A_310 {offsets = [6], sizes = [1], strides = [1]} : vector<16xi32> to vector<1xi32>
    %squeeze3A_314 = vector.extract %slice3A_313[0] : i32 from vector<1xi32>
    %slice3A_315 = vector.extract_strided_slice %get3A_312 {offsets = [6], sizes = [1], strides = [1]} : vector<16xi32> to vector<1xi32>
    %squeeze3A_316 = vector.extract %slice3A_315[0] : i32 from vector<1xi32>
    %shift_right_arithmetic3A_317 = arith.constant 7 : i32
    %shift_right_arithmetic3A_318 = arith.shrsi %squeeze3A_314, %shift_right_arithmetic3A_317 : i32
    %shift_left3A_319 = arith.constant 7 : i32
    %shift_left3A_320 = arith.shli %shift_right_arithmetic3A_318, %shift_left3A_319 : i32
    %multiple_of3A_321 = tpu.assume_multiple %shift_left3A_320, 128 : i32
    %shift_right_arithmetic3A_322 = arith.constant 7 : i32
    %shift_right_arithmetic3A_323 = arith.shrsi %squeeze3A_316, %shift_right_arithmetic3A_322 : i32
    %shift_left3A_324 = arith.constant 7 : i32
    %shift_left3A_325 = arith.shli %shift_right_arithmetic3A_323, %shift_left3A_324 : i32
    %multiple_of3A_326 = tpu.assume_multiple %shift_left3A_325, 128 : i32
    %dma_start3A_327 = arith.constant 6 : i32
    %dma_start3A_328 = arith.constant 0 : i32
    %dma_start3A_329 = arith.constant 0 : i32
    %dma_start3A_330 = arith.constant 0 : i32
    %dma_start3A_331 = tpu.memref_slice %arg9[%dma_start3A_327, %dma_start3A_328, %dma_start3A_329, %dma_start3A_330] : memref<8x4x8x128xf32, #tpu.memory_space<vmem>> -> memref<1x4x8x128xf32, #tpu.memory_space<vmem>>
    %dma_start3A_332 = tpu.memref_squeeze %dma_start3A_331 : memref<1x4x8x128xf32, #tpu.memory_space<vmem>> -> memref<4x8x128xf32, #tpu.memory_space<vmem>>
    %dma_start3A_333 = arith.constant 0 : i32
    %dma_start3A_334 = arith.constant 0 : i32
    %dma_start3A_335 = tpu.memref_slice %arg4[%dma_start3A_333, %dma_start3A_334, %multiple_of3A_321] : memref<4x8x1000000xf32, #tpu.memory_space<hbm>> -> memref<4x8x128xf32, #tpu.memory_space<hbm>>
    %dma_start3A_336 = arith.constant 0 : i32
    %dma_start3A_337 = arith.constant 0 : i32
    %dma_start3A_338 = arith.constant 0 : i32
    %dma_start3A_339 = tpu.memref_slice %arg9[%dma_start3A_327, %dma_start3A_336, %dma_start3A_337, %dma_start3A_338] : memref<8x4x8x128xf32, #tpu.memory_space<vmem>> -> memref<1x4x8x128xf32, #tpu.memory_space<vmem>>
    %dma_start3A_340 = tpu.memref_squeeze %dma_start3A_339 : memref<1x4x8x128xf32, #tpu.memory_space<vmem>> -> memref<4x8x128xf32, #tpu.memory_space<vmem>>
    %dma_start3A_341 = arith.constant 0 : i32
    %dma_start3A_342 = arith.constant 0 : i32
    %dma_start3A_343 = tpu.memref_slice %arg4[%dma_start3A_341, %dma_start3A_342, %multiple_of3A_321] : memref<4x8x1000000xf32, #tpu.memory_space<hbm>> -> memref<4x8x128xf32, #tpu.memory_space<hbm>>
    tpu.enqueue_dma source(%dma_start3A_343 : memref<4x8x128xf32, #tpu.memory_space<hbm>>) target(%dma_start3A_340 : memref<4x8x128xf32, #tpu.memory_space<vmem>>) target_semaphore(%arg12 : memref<!tpu.dma_semaphore, #tpu.memory_space<semaphore_mem>>)
    %dma_start3A_344 = arith.constant 6 : i32
    %dma_start3A_345 = arith.constant 0 : i32
    %dma_start3A_346 = arith.constant 0 : i32
    %dma_start3A_347 = arith.constant 0 : i32
    %dma_start3A_348 = tpu.memref_slice %arg10[%dma_start3A_344, %dma_start3A_345, %dma_start3A_346, %dma_start3A_347] : memref<8x4x8x128xf32, #tpu.memory_space<vmem>> -> memref<1x4x8x128xf32, #tpu.memory_space<vmem>>
    %dma_start3A_349 = tpu.memref_squeeze %dma_start3A_348 : memref<1x4x8x128xf32, #tpu.memory_space<vmem>> -> memref<4x8x128xf32, #tpu.memory_space<vmem>>
    %dma_start3A_350 = arith.constant 0 : i32
    %dma_start3A_351 = arith.constant 0 : i32
    %dma_start3A_352 = tpu.memref_slice %arg5[%dma_start3A_350, %dma_start3A_351, %multiple_of3A_326] : memref<4x8x1000000xf32, #tpu.memory_space<hbm>> -> memref<4x8x128xf32, #tpu.memory_space<hbm>>
    %dma_start3A_353 = arith.constant 0 : i32
    %dma_start3A_354 = arith.constant 0 : i32
    %dma_start3A_355 = arith.constant 0 : i32
    %dma_start3A_356 = tpu.memref_slice %arg10[%dma_start3A_344, %dma_start3A_353, %dma_start3A_354, %dma_start3A_355] : memref<8x4x8x128xf32, #tpu.memory_space<vmem>> -> memref<1x4x8x128xf32, #tpu.memory_space<vmem>>
    %dma_start3A_357 = tpu.memref_squeeze %dma_start3A_356 : memref<1x4x8x128xf32, #tpu.memory_space<vmem>> -> memref<4x8x128xf32, #tpu.memory_space<vmem>>
    %dma_start3A_358 = arith.constant 0 : i32
    %dma_start3A_359 = arith.constant 0 : i32
    %dma_start3A_360 = tpu.memref_slice %arg5[%dma_start3A_358, %dma_start3A_359, %multiple_of3A_326] : memref<4x8x1000000xf32, #tpu.memory_space<hbm>> -> memref<4x8x128xf32, #tpu.memory_space<hbm>>
    tpu.enqueue_dma source(%dma_start3A_360 : memref<4x8x128xf32, #tpu.memory_space<hbm>>) target(%dma_start3A_357 : memref<4x8x128xf32, #tpu.memory_space<vmem>>) target_semaphore(%arg13 : memref<!tpu.dma_semaphore, #tpu.memory_space<semaphore_mem>>)
    %get3A_361 = arith.constant 0 : index
    %get3A_362 = tpu.vector_load %arg7[%get3A_361] {strides = array<i32>} : memref<512xi32, #tpu.memory_space<vmem>>, vector<16xi32>,
    %get3A_363 = arith.constant 0 : index
    %get3A_364 = tpu.vector_load %arg8[%get3A_363] {strides = array<i32>} : memref<512xi32, #tpu.memory_space<vmem>>, vector<16xi32>,
    %slice3A_365 = vector.extract_strided_slice %get3A_362 {offsets = [7], sizes = [1], strides = [1]} : vector<16xi32> to vector<1xi32>
    %squeeze3A_366 = vector.extract %slice3A_365[0] : i32 from vector<1xi32>
    %slice3A_367 = vector.extract_strided_slice %get3A_364 {offsets = [7], sizes = [1], strides = [1]} : vector<16xi32> to vector<1xi32>
    %squeeze3A_368 = vector.extract %slice3A_367[0] : i32 from vector<1xi32>
    %shift_right_arithmetic3A_369 = arith.constant 7 : i32
    %shift_right_arithmetic3A_370 = arith.shrsi %squeeze3A_366, %shift_right_arithmetic3A_369 : i32
    %shift_left3A_371 = arith.constant 7 : i32
    %shift_left3A_372 = arith.shli %shift_right_arithmetic3A_370, %shift_left3A_371 : i32
    %multiple_of3A_373 = tpu.assume_multiple %shift_left3A_372, 128 : i32
    %shift_right_arithmetic3A_374 = arith.constant 7 : i32
    %shift_right_arithmetic3A_375 = arith.shrsi %squeeze3A_368, %shift_right_arithmetic3A_374 : i32
    %shift_left3A_376 = arith.constant 7 : i32
    %shift_left3A_377 = arith.shli %shift_right_arithmetic3A_375, %shift_left3A_376 : i32
    %multiple_of3A_378 = tpu.assume_multiple %shift_left3A_377, 128 : i32
    %dma_start3A_379 = arith.constant 7 : i32
    %dma_start3A_380 = arith.constant 0 : i32
    %dma_start3A_381 = arith.constant 0 : i32
    %dma_start3A_382 = arith.constant 0 : i32
    %dma_start3A_383 = tpu.memref_slice %arg9[%dma_start3A_379, %dma_start3A_380, %dma_start3A_381, %dma_start3A_382] : memref<8x4x8x128xf32, #tpu.memory_space<vmem>> -> memref<1x4x8x128xf32, #tpu.memory_space<vmem>>
    %dma_start3A_384 = tpu.memref_squeeze %dma_start3A_383 : memref<1x4x8x128xf32, #tpu.memory_space<vmem>> -> memref<4x8x128xf32, #tpu.memory_space<vmem>>
    %dma_start3A_385 = arith.constant 0 : i32
    %dma_start3A_386 = arith.constant 0 : i32
    %dma_start3A_387 = tpu.memref_slice %arg4[%dma_start3A_385, %dma_start3A_386, %multiple_of3A_373] : memref<4x8x1000000xf32, #tpu.memory_space<hbm>> -> memref<4x8x128xf32, #tpu.memory_space<hbm>>
    %dma_start3A_388 = arith.constant 0 : i32
    %dma_start3A_389 = arith.constant 0 : i32
    %dma_start3A_390 = arith.constant 0 : i32
    %dma_start3A_391 = tpu.memref_slice %arg9[%dma_start3A_379, %dma_start3A_388, %dma_start3A_389, %dma_start3A_390] : memref<8x4x8x128xf32, #tpu.memory_space<vmem>> -> memref<1x4x8x128xf32, #tpu.memory_space<vmem>>
    %dma_start3A_392 = tpu.memref_squeeze %dma_start3A_391 : memref<1x4x8x128xf32, #tpu.memory_space<vmem>> -> memref<4x8x128xf32, #tpu.memory_space<vmem>>
    %dma_start3A_393 = arith.constant 0 : i32
    %dma_start3A_394 = arith.constant 0 : i32
    %dma_start3A_395 = tpu.memref_slice %arg4[%dma_start3A_393, %dma_start3A_394, %multiple_of3A_373] : memref<4x8x1000000xf32, #tpu.memory_space<hbm>> -> memref<4x8x128xf32, #tpu.memory_space<hbm>>
    tpu.enqueue_dma source(%dma_start3A_395 : memref<4x8x128xf32, #tpu.memory_space<hbm>>) target(%dma_start3A_392 : memref<4x8x128xf32, #tpu.memory_space<vmem>>) target_semaphore(%arg12 : memref<!tpu.dma_semaphore, #tpu.memory_space<semaphore_mem>>)
    %dma_start3A_396 = arith.constant 7 : i32
    %dma_start3A_397 = arith.constant 0 : i32
    %dma_start3A_398 = arith.constant 0 : i32
    %dma_start3A_399 = arith.constant 0 : i32
    %dma_start3A_400 = tpu.memref_slice %arg10[%dma_start3A_396, %dma_start3A_397, %dma_start3A_398, %dma_start3A_399] : memref<8x4x8x128xf32, #tpu.memory_space<vmem>> -> memref<1x4x8x128xf32, #tpu.memory_space<vmem>>
    %dma_start3A_401 = tpu.memref_squeeze %dma_start3A_400 : memref<1x4x8x128xf32, #tpu.memory_space<vmem>> -> memref<4x8x128xf32, #tpu.memory_space<vmem>>
    %dma_start3A_402 = arith.constant 0 : i32
    %dma_start3A_403 = arith.constant 0 : i32
    %dma_start3A_404 = tpu.memref_slice %arg5[%dma_start3A_402, %dma_start3A_403, %multiple_of3A_378] : memref<4x8x1000000xf32, #tpu.memory_space<hbm>> -> memref<4x8x128xf32, #tpu.memory_space<hbm>>
    %dma_start3A_405 = arith.constant 0 : i32
    %dma_start3A_406 = arith.constant 0 : i32
    %dma_start3A_407 = arith.constant 0 : i32
    %dma_start3A_408 = tpu.memref_slice %arg10[%dma_start3A_396, %dma_start3A_405, %dma_start3A_406, %dma_start3A_407] : memref<8x4x8x128xf32, #tpu.memory_space<vmem>> -> memref<1x4x8x128xf32, #tpu.memory_space<vmem>>
    %dma_start3A_409 = tpu.memref_squeeze %dma_start3A_408 : memref<1x4x8x128xf32, #tpu.memory_space<vmem>> -> memref<4x8x128xf32, #tpu.memory_space<vmem>>
    %dma_start3A_410 = arith.constant 0 : i32
    %dma_start3A_411 = arith.constant 0 : i32
    %dma_start3A_412 = tpu.memref_slice %arg5[%dma_start3A_410, %dma_start3A_411, %multiple_of3A_378] : memref<4x8x1000000xf32, #tpu.memory_space<hbm>> -> memref<4x8x128xf32, #tpu.memory_space<hbm>>
    tpu.enqueue_dma source(%dma_start3A_412 : memref<4x8x128xf32, #tpu.memory_space<hbm>>) target(%dma_start3A_409 : memref<4x8x128xf32, #tpu.memory_space<vmem>>) target_semaphore(%arg13 : memref<!tpu.dma_semaphore, #tpu.memory_space<semaphore_mem>>)
    %scan3A = arith.constant 0 : i32
    %scan3A_413 = arith.constant 0 : i32
    %scan3A_414 = arith.constant 32 : i32
    %scan3A_415 = arith.addi %scan3A_413, %scan3A_414 : i32
    %scan3A_416 = arith.constant 1 : i32
    scf.for %scan3A_418 = %scan3A_413 to %scan3A_415 step %scan3A_416  : i32 {
      %broadcast_in_dim3A_419 = arith.constant 0.000000e+00 : f32
      %broadcast_in_dim3A_420 = vector.broadcast %broadcast_in_dim3A_419 : f32 to vector<16xf32>
      %dma_wait3A = arith.constant 0 : i32
      %dma_wait3A_421 = arith.constant 0 : i32
      %dma_wait3A_422 = arith.constant 0 : i32
      %dma_wait3A_423 = arith.constant 0 : i32
      %dma_wait3A_424 = tpu.memref_slice %arg9[%dma_wait3A, %dma_wait3A_421, %dma_wait3A_422, %dma_wait3A_423] : memref<8x4x8x128xf32, #tpu.memory_space<vmem>> -> memref<1x4x8x128xf32, #tpu.memory_space<vmem>>
      %dma_wait3A_425 = tpu.memref_squeeze %dma_wait3A_424 : memref<1x4x8x128xf32, #tpu.memory_space<vmem>> -> memref<4x8x128xf32, #tpu.memory_space<vmem>>
      %dma_wait3A_426 = arith.constant 0 : i32
      %dma_wait3A_427 = arith.constant 0 : i32
      %dma_wait3A_428 = arith.constant 0 : i32
      %dma_wait3A_429 = tpu.memref_slice %arg4[%dma_wait3A_426, %dma_wait3A_427, %dma_wait3A_428] : memref<4x8x1000000xf32, #tpu.memory_space<hbm>> -> memref<4x8x128xf32, #tpu.memory_space<hbm>>
      %dma_wait3A_430 = arith.constant 0 : i32
      %dma_wait3A_431 = arith.constant 0 : i32
      %dma_wait3A_432 = arith.constant 0 : i32
      %dma_wait3A_433 = tpu.memref_slice %arg9[%dma_wait3A, %dma_wait3A_430, %dma_wait3A_431, %dma_wait3A_432] : memref<8x4x8x128xf32, #tpu.memory_space<vmem>> -> memref<1x4x8x128xf32, #tpu.memory_space<vmem>>
      %dma_wait3A_434 = tpu.memref_squeeze %dma_wait3A_433 : memref<1x4x8x128xf32, #tpu.memory_space<vmem>> -> memref<4x8x128xf32, #tpu.memory_space<vmem>>
      %dma_wait3A_435 = arith.constant 0 : i32
      %dma_wait3A_436 = arith.constant 0 : i32
      %dma_wait3A_437 = arith.constant 0 : i32
      %dma_wait3A_438 = tpu.memref_slice %arg4[%dma_wait3A_435, %dma_wait3A_436, %dma_wait3A_437] : memref<4x8x1000000xf32, #tpu.memory_space<hbm>> -> memref<4x8x128xf32, #tpu.memory_space<hbm>>
      tpu.wait_dma2 semaphore(%arg12 : memref<!tpu.dma_semaphore, #tpu.memory_space<semaphore_mem>>) src(%dma_wait3A_438 : memref<4x8x128xf32, #tpu.memory_space<hbm>>) dst(%dma_wait3A_434 : memref<4x8x128xf32, #tpu.memory_space<vmem>>)
      %dma_wait3A_439 = arith.constant 0 : i32
      %dma_wait3A_440 = arith.constant 0 : i32
      %dma_wait3A_441 = arith.constant 0 : i32
      %dma_wait3A_442 = arith.constant 0 : i32
      %dma_wait3A_443 = tpu.memref_slice %arg10[%dma_wait3A_439, %dma_wait3A_440, %dma_wait3A_441, %dma_wait3A_442] : memref<8x4x8x128xf32, #tpu.memory_space<vmem>> -> memref<1x4x8x128xf32, #tpu.memory_space<vmem>>
      %dma_wait3A_444 = tpu.memref_squeeze %dma_wait3A_443 : memref<1x4x8x128xf32, #tpu.memory_space<vmem>> -> memref<4x8x128xf32, #tpu.memory_space<vmem>>
      %dma_wait3A_445 = arith.constant 0 : i32
      %dma_wait3A_446 = arith.constant 0 : i32
      %dma_wait3A_447 = arith.constant 0 : i32
      %dma_wait3A_448 = tpu.memref_slice %arg5[%dma_wait3A_445, %dma_wait3A_446, %dma_wait3A_447] : memref<4x8x1000000xf32, #tpu.memory_space<hbm>> -> memref<4x8x128xf32, #tpu.memory_space<hbm>>
      %dma_wait3A_449 = arith.constant 0 : i32
      %dma_wait3A_450 = arith.constant 0 : i32
      %dma_wait3A_451 = arith.constant 0 : i32
      %dma_wait3A_452 = tpu.memref_slice %arg10[%dma_wait3A_439, %dma_wait3A_449, %dma_wait3A_450, %dma_wait3A_451] : memref<8x4x8x128xf32, #tpu.memory_space<vmem>> -> memref<1x4x8x128xf32, #tpu.memory_space<vmem>>
      %dma_wait3A_453 = tpu.memref_squeeze %dma_wait3A_452 : memref<1x4x8x128xf32, #tpu.memory_space<vmem>> -> memref<4x8x128xf32, #tpu.memory_space<vmem>>
      %dma_wait3A_454 = arith.constant 0 : i32
      %dma_wait3A_455 = arith.constant 0 : i32
      %dma_wait3A_456 = arith.constant 0 : i32
      %dma_wait3A_457 = tpu.memref_slice %arg5[%dma_wait3A_454, %dma_wait3A_455, %dma_wait3A_456] : memref<4x8x1000000xf32, #tpu.memory_space<hbm>> -> memref<4x8x128xf32, #tpu.memory_space<hbm>>
      tpu.wait_dma2 semaphore(%arg13 : memref<!tpu.dma_semaphore, #tpu.memory_space<semaphore_mem>>) src(%dma_wait3A_457 : memref<4x8x128xf32, #tpu.memory_space<hbm>>) dst(%dma_wait3A_453 : memref<4x8x128xf32, #tpu.memory_space<vmem>>)
      %mul3A_458 = arith.constant 16 : i32
      %mul3A_459 = arith.muli %scan3A_418, %mul3A_458 : i32
      %get3A_460 = arith.index_cast %mul3A_459 : i32 to index
      %get3A_461 = tpu.vector_load %arg7[%get3A_460] {strides = array<i32>} : memref<512xi32, #tpu.memory_space<vmem>>, vector<16xi32>,
      %mul3A_462 = arith.constant 16 : i32
      %mul3A_463 = arith.muli %scan3A_418, %mul3A_462 : i32
      %get3A_464 = arith.index_cast %mul3A_463 : i32 to index
      %get3A_465 = tpu.vector_load %arg8[%get3A_464] {strides = array<i32>} : memref<512xi32, #tpu.memory_space<vmem>>, vector<16xi32>,
      %slice3A_466 = vector.extract_strided_slice %get3A_461 {offsets = [0], sizes = [1], strides = [1]} : vector<16xi32> to vector<1xi32>
      %squeeze3A_467 = vector.extract %slice3A_466[0] : i32 from vector<1xi32>
      %and3A = arith.constant 127 : i32
      %and3A_468 = arith.andi %squeeze3A_467, %and3A : i32
      %broadcast_in_dim3A_469 = vector.broadcast %and3A_468 : i32 to vector<16xi32>
      %slice3A_470 = vector.extract_strided_slice %get3A_465 {offsets = [0], sizes = [1], strides = [1]} : vector<16xi32> to vector<1xi32>
      %squeeze3A_471 = vector.extract %slice3A_470[0] : i32 from vector<1xi32>
      %and3A_472 = arith.constant 127 : i32
      %and3A_473 = arith.andi %squeeze3A_471, %and3A_472 : i32
      %broadcast_in_dim3A_474 = vector.broadcast %and3A_473 : i32 to vector<16xi32>
      %broadcast_in_dim3A_475 = arith.constant 0 : i32
      %broadcast_in_dim3A_476 = vector.broadcast %broadcast_in_dim3A_475 : i32 to vector<16xi32>
      %broadcast_in_dim3A_477 = arith.constant 0.000000e+00 : f32
      %broadcast_in_dim3A_478 = vector.broadcast %broadcast_in_dim3A_477 : f32 to vector<16xf32>
      %add3A_479 = arith.constant 0 : i32
      %add3A_480 = vector.broadcast %add3A_479 : i32 to vector<16xi32>
      %add3A_481 = arith.addi %add3A_480, %iota3A : vector<16xi32>
      %shift_right_arithmetic3A_482 = arith.constant 3 : i32
      %shift_right_arithmetic3A_483 = vector.broadcast %shift_right_arithmetic3A_482 : i32 to vector<16xi32>
      %shift_right_arithmetic3A_484 = arith.shrsi %add3A_481, %shift_right_arithmetic3A_483 : vector<16xi32>
      %and3A_485 = arith.constant 7 : i32
      %and3A_486 = vector.broadcast %and3A_485 : i32 to vector<16xi32>
      %and3A_487 = arith.andi %add3A_481, %and3A_486 : vector<16xi32>
      %gather3A = tpu.vector_load_idx %arg9[%broadcast_in_dim3A_476, %shift_right_arithmetic3A_484, %and3A_487, %broadcast_in_dim3A_469] : memref<8x4x8x128xf32, #tpu.memory_space<vmem>>[vector<16xi32>, vector<16xi32>, vector<16xi32>, vector<16xi32>], vector<16xf32>,
      %shift_right_arithmetic3A_488 = arith.constant 3 : i32
      %shift_right_arithmetic3A_489 = vector.broadcast %shift_right_arithmetic3A_488 : i32 to vector<16xi32>
      %shift_right_arithmetic3A_490 = arith.shrsi %add3A_481, %shift_right_arithmetic3A_489 : vector<16xi32>
      %and3A_491 = arith.constant 7 : i32
      %and3A_492 = vector.broadcast %and3A_491 : i32 to vector<16xi32>
      %and3A_493 = arith.andi %add3A_481, %and3A_492 : vector<16xi32>
      %gather3A_494 = tpu.vector_load_idx %arg10[%broadcast_in_dim3A_476, %shift_right_arithmetic3A_490, %and3A_493, %broadcast_in_dim3A_474] : memref<8x4x8x128xf32, #tpu.memory_space<vmem>>[vector<16xi32>, vector<16xi32>, vector<16xi32>, vector<16xi32>], vector<16xf32>,
      %mul3A_495 = arith.mulf %gather3A, %gather3A_494 : vector<16xf32>
      %add3A_496 = arith.addf %broadcast_in_dim3A_478, %mul3A_495 : vector<16xf32>
      %add3A_497 = arith.constant 16 : i32
      %add3A_498 = vector.broadcast %add3A_497 : i32 to vector<16xi32>
      %add3A_499 = arith.addi %add3A_498, %iota3A : vector<16xi32>
      %shift_right_arithmetic3A_500 = arith.constant 3 : i32
      %shift_right_arithmetic3A_501 = vector.broadcast %shift_right_arithmetic3A_500 : i32 to vector<16xi32>
      %shift_right_arithmetic3A_502 = arith.shrsi %add3A_499, %shift_right_arithmetic3A_501 : vector<16xi32>
      %and3A_503 = arith.constant 7 : i32
      %and3A_504 = vector.broadcast %and3A_503 : i32 to vector<16xi32>
      %and3A_505 = arith.andi %add3A_499, %and3A_504 : vector<16xi32>
      %gather3A_506 = tpu.vector_load_idx %arg9[%broadcast_in_dim3A_476, %shift_right_arithmetic3A_502, %and3A_505, %broadcast_in_dim3A_469] : memref<8x4x8x128xf32, #tpu.memory_space<vmem>>[vector<16xi32>, vector<16xi32>, vector<16xi32>, vector<16xi32>], vector<16xf32>,
      %shift_right_arithmetic3A_507 = arith.constant 3 : i32
      %shift_right_arithmetic3A_508 = vector.broadcast %shift_right_arithmetic3A_507 : i32 to vector<16xi32>
      %shift_right_arithmetic3A_509 = arith.shrsi %add3A_499, %shift_right_arithmetic3A_508 : vector<16xi32>
      %and3A_510 = arith.constant 7 : i32
      %and3A_511 = vector.broadcast %and3A_510 : i32 to vector<16xi32>
      %and3A_512 = arith.andi %add3A_499, %and3A_511 : vector<16xi32>
      %gather3A_513 = tpu.vector_load_idx %arg10[%broadcast_in_dim3A_476, %shift_right_arithmetic3A_509, %and3A_512, %broadcast_in_dim3A_474] : memref<8x4x8x128xf32, #tpu.memory_space<vmem>>[vector<16xi32>, vector<16xi32>, vector<16xi32>, vector<16xi32>], vector<16xf32>,
      %mul3A_514 = arith.mulf %gather3A_506, %gather3A_513 : vector<16xf32>
      %add3A_515 = arith.addf %add3A_496, %mul3A_514 : vector<16xf32>
      %broadcast_in_dim3A_516 = arith.constant true
      %broadcast_in_dim3A_517 = vector.broadcast %broadcast_in_dim3A_516 : i1 to vector<16xi1>
      %masked_cumsum3A = tpu.scan <sum>, %add3A_515 masked %broadcast_in_dim3A_517 : vector<16xf32>, vector<16xi1> -> vector<16xf32>
      %lt3A = arith.constant 0 : i32
      %lt3A_518 = vector.broadcast %lt3A : i32 to vector<16xi32>
      %lt3A_519 = arith.cmpi slt, %broadcast_in_dim3A_3, %lt3A_518 : vector<16xi32>
      %add3A_520 = arith.constant 16 : i32
      %add3A_521 = vector.broadcast %add3A_520 : i32 to vector<16xi32>
      %add3A_522 = arith.addi %broadcast_in_dim3A_3, %add3A_521 : vector<16xi32>
      %select_n3A = arith.select %lt3A_519, %add3A_522, %broadcast_in_dim3A_3 : vector<16xi1>, vector<16xi32>
      %broadcast_in_dim3A_523 = vector.shape_cast %select_n3A : vector<16xi32> to vector<16x1xi32>
      %gather3A_524 = vector.shape_cast %broadcast_in_dim3A_523 : vector<16x1xi32> to vector<16xi32>
      %gather3A_525 = tpu.dynamic_gather %masked_cumsum3A[%gather3A_524] in [0] : vector<16xf32>, vector<16xi32> -> vector<16xf32>
      %eq3A = arith.constant 0 : i32
      %eq3A_526 = vector.broadcast %eq3A : i32 to vector<16xi32>
      %eq3A_527 = arith.cmpi eq, %iota3A, %eq3A_526 : vector<16xi32>
      %select_n3A_528 = arith.select %eq3A_527, %gather3A_525, %broadcast_in_dim3A_420 : vector<16xi1>, vector<16xf32>
      %lt3A_529 = arith.constant 32 : i32
      %lt3A_530 = arith.cmpi slt, %scan3A_418, %lt3A_529 : i32
      %convert_element_type3A = arith.extui %lt3A_530 : i1 to i32
      %cond3A = arith.constant 0 : i32
      %cond3A_531 = arith.cmpi ne, %convert_element_type3A, %cond3A : i32
      scf.if %cond3A_531 {
        %mul3A_2351 = arith.constant 16 : i32
        %mul3A_2352 = arith.muli %scan3A_418, %mul3A_2351 : i32
        %get3A_2353 = arith.index_cast %mul3A_2352 : i32 to index
        %get3A_2354 = tpu.vector_load %arg7[%get3A_2353] {strides = array<i32>} : memref<512xi32, #tpu.memory_space<vmem>>, vector<16xi32>,
        %mul3A_2355 = arith.constant 16 : i32
        %mul3A_2356 = arith.muli %scan3A_418, %mul3A_2355 : i32
        %get3A_2357 = arith.index_cast %mul3A_2356 : i32 to index
        %get3A_2358 = tpu.vector_load %arg8[%get3A_2357] {strides = array<i32>} : memref<512xi32, #tpu.memory_space<vmem>>, vector<16xi32>,
        %slice3A_2359 = vector.extract_strided_slice %get3A_2354 {offsets = [8], sizes = [1], strides = [1]} : vector<16xi32> to vector<1xi32>
        %squeeze3A_2360 = vector.extract %slice3A_2359[0] : i32 from vector<1xi32>
        %slice3A_2361 = vector.extract_strided_slice %get3A_2358 {offsets = [8], sizes = [1], strides = [1]} : vector<16xi32> to vector<1xi32>
        %squeeze3A_2362 = vector.extract %slice3A_2361[0] : i32 from vector<1xi32>
        %shift_right_arithmetic3A_2363 = arith.constant 7 : i32
        %shift_right_arithmetic3A_2364 = arith.shrsi %squeeze3A_2360, %shift_right_arithmetic3A_2363 : i32
        %shift_left3A_2365 = arith.constant 7 : i32
        %shift_left3A_2366 = arith.shli %shift_right_arithmetic3A_2364, %shift_left3A_2365 : i32
        %multiple_of3A_2367 = tpu.assume_multiple %shift_left3A_2366, 128 : i32
        %shift_right_arithmetic3A_2368 = arith.constant 7 : i32
        %shift_right_arithmetic3A_2369 = arith.shrsi %squeeze3A_2362, %shift_right_arithmetic3A_2368 : i32
        %shift_left3A_2370 = arith.constant 7 : i32
        %shift_left3A_2371 = arith.shli %shift_right_arithmetic3A_2369, %shift_left3A_2370 : i32
        %multiple_of3A_2372 = tpu.assume_multiple %shift_left3A_2371, 128 : i32
        %dma_start3A_2373 = arith.constant 0 : i32
        %dma_start3A_2374 = arith.constant 0 : i32
        %dma_start3A_2375 = arith.constant 0 : i32
        %dma_start3A_2376 = arith.constant 0 : i32
        %dma_start3A_2377 = tpu.memref_slice %arg9[%dma_start3A_2373, %dma_start3A_2374, %dma_start3A_2375, %dma_start3A_2376] : memref<8x4x8x128xf32, #tpu.memory_space<vmem>> -> memref<1x4x8x128xf32, #tpu.memory_space<vmem>>
        %dma_start3A_2378 = tpu.memref_squeeze %dma_start3A_2377 : memref<1x4x8x128xf32, #tpu.memory_space<vmem>> -> memref<4x8x128xf32, #tpu.memory_space<vmem>>
        %dma_start3A_2379 = arith.constant 0 : i32
        %dma_start3A_2380 = arith.constant 0 : i32
        %dma_start3A_2381 = tpu.memref_slice %arg4[%dma_start3A_2379, %dma_start3A_2380, %multiple_of3A_2367] : memref<4x8x1000000xf32, #tpu.memory_space<hbm>> -> memref<4x8x128xf32, #tpu.memory_space<hbm>>
        %dma_start3A_2382 = arith.constant 0 : i32
        %dma_start3A_2383 = arith.constant 0 : i32
        %dma_start3A_2384 = arith.constant 0 : i32
        %dma_start3A_2385 = tpu.memref_slice %arg9[%dma_start3A_2373, %dma_start3A_2382, %dma_start3A_2383, %dma_start3A_2384] : memref<8x4x8x128xf32, #tpu.memory_space<vmem>> -> memref<1x4x8x128xf32, #tpu.memory_space<vmem>>
        %dma_start3A_2386 = tpu.memref_squeeze %dma_start3A_2385 : memref<1x4x8x128xf32, #tpu.memory_space<vmem>> -> memref<4x8x128xf32, #tpu.memory_space<vmem>>
        %dma_start3A_2387 = arith.constant 0 : i32
        %dma_start3A_2388 = arith.constant 0 : i32
        %dma_start3A_2389 = tpu.memref_slice %arg4[%dma_start3A_2387, %dma_start3A_2388, %multiple_of3A_2367] : memref<4x8x1000000xf32, #tpu.memory_space<hbm>> -> memref<4x8x128xf32, #tpu.memory_space<hbm>>
        tpu.enqueue_dma source(%dma_start3A_2389 : memref<4x8x128xf32, #tpu.memory_space<hbm>>) target(%dma_start3A_2386 : memref<4x8x128xf32, #tpu.memory_space<vmem>>) target_semaphore(%arg12 : memref<!tpu.dma_semaphore, #tpu.memory_space<semaphore_mem>>)
        %dma_start3A_2390 = arith.constant 0 : i32
        %dma_start3A_2391 = arith.constant 0 : i32
        %dma_start3A_2392 = arith.constant 0 : i32
        %dma_start3A_2393 = arith.constant 0 : i32
        %dma_start3A_2394 = tpu.memref_slice %arg10[%dma_start3A_2390, %dma_start3A_2391, %dma_start3A_2392, %dma_start3A_2393] : memref<8x4x8x128xf32, #tpu.memory_space<vmem>> -> memref<1x4x8x128xf32, #tpu.memory_space<vmem>>
        %dma_start3A_2395 = tpu.memref_squeeze %dma_start3A_2394 : memref<1x4x8x128xf32, #tpu.memory_space<vmem>> -> memref<4x8x128xf32, #tpu.memory_space<vmem>>
        %dma_start3A_2396 = arith.constant 0 : i32
        %dma_start3A_2397 = arith.constant 0 : i32
        %dma_start3A_2398 = tpu.memref_slice %arg5[%dma_start3A_2396, %dma_start3A_2397, %multiple_of3A_2372] : memref<4x8x1000000xf32, #tpu.memory_space<hbm>> -> memref<4x8x128xf32, #tpu.memory_space<hbm>>
        %dma_start3A_2399 = arith.constant 0 : i32
        %dma_start3A_2400 = arith.constant 0 : i32
        %dma_start3A_2401 = arith.constant 0 : i32
        %dma_start3A_2402 = tpu.memref_slice %arg10[%dma_start3A_2390, %dma_start3A_2399, %dma_start3A_2400, %dma_start3A_2401] : memref<8x4x8x128xf32, #tpu.memory_space<vmem>> -> memref<1x4x8x128xf32, #tpu.memory_space<vmem>>
        %dma_start3A_2403 = tpu.memref_squeeze %dma_start3A_2402 : memref<1x4x8x128xf32, #tpu.memory_space<vmem>> -> memref<4x8x128xf32, #tpu.memory_space<vmem>>
        %dma_start3A_2404 = arith.constant 0 : i32
        %dma_start3A_2405 = arith.constant 0 : i32
        %dma_start3A_2406 = tpu.memref_slice %arg5[%dma_start3A_2404, %dma_start3A_2405, %multiple_of3A_2372] : memref<4x8x1000000xf32, #tpu.memory_space<hbm>> -> memref<4x8x128xf32, #tpu.memory_space<hbm>>
        tpu.enqueue_dma source(%dma_start3A_2406 : memref<4x8x128xf32, #tpu.memory_space<hbm>>) target(%dma_start3A_2403 : memref<4x8x128xf32, #tpu.memory_space<vmem>>) target_semaphore(%arg13 : memref<!tpu.dma_semaphore, #tpu.memory_space<semaphore_mem>>)
      } else {
      }
      %dma_wait3A_532 = arith.constant 1 : i32
      %dma_wait3A_533 = arith.constant 0 : i32
      %dma_wait3A_534 = arith.constant 0 : i32
      %dma_wait3A_535 = arith.constant 0 : i32
      %dma_wait3A_536 = tpu.memref_slice %arg9[%dma_wait3A_532, %dma_wait3A_533, %dma_wait3A_534, %dma_wait3A_535] : memref<8x4x8x128xf32, #tpu.memory_space<vmem>> -> memref<1x4x8x128xf32, #tpu.memory_space<vmem>>
      %dma_wait3A_537 = tpu.memref_squeeze %dma_wait3A_536 : memref<1x4x8x128xf32, #tpu.memory_space<vmem>> -> memref<4x8x128xf32, #tpu.memory_space<vmem>>
      %dma_wait3A_538 = arith.constant 0 : i32
      %dma_wait3A_539 = arith.constant 0 : i32
      %dma_wait3A_540 = arith.constant 0 : i32
      %dma_wait3A_541 = tpu.memref_slice %arg4[%dma_wait3A_538, %dma_wait3A_539, %dma_wait3A_540] : memref<4x8x1000000xf32, #tpu.memory_space<hbm>> -> memref<4x8x128xf32, #tpu.memory_space<hbm>>
      %dma_wait3A_542 = arith.constant 0 : i32
      %dma_wait3A_543 = arith.constant 0 : i32
      %dma_wait3A_544 = arith.constant 0 : i32
      %dma_wait3A_545 = tpu.memref_slice %arg9[%dma_wait3A_532, %dma_wait3A_542, %dma_wait3A_543, %dma_wait3A_544] : memref<8x4x8x128xf32, #tpu.memory_space<vmem>> -> memref<1x4x8x128xf32, #tpu.memory_space<vmem>>
      %dma_wait3A_546 = tpu.memref_squeeze %dma_wait3A_545 : memref<1x4x8x128xf32, #tpu.memory_space<vmem>> -> memref<4x8x128xf32, #tpu.memory_space<vmem>>
      %dma_wait3A_547 = arith.constant 0 : i32
      %dma_wait3A_548 = arith.constant 0 : i32
      %dma_wait3A_549 = arith.constant 0 : i32
      %dma_wait3A_550 = tpu.memref_slice %arg4[%dma_wait3A_547, %dma_wait3A_548, %dma_wait3A_549] : memref<4x8x1000000xf32, #tpu.memory_space<hbm>> -> memref<4x8x128xf32, #tpu.memory_space<hbm>>
      tpu.wait_dma2 semaphore(%arg12 : memref<!tpu.dma_semaphore, #tpu.memory_space<semaphore_mem>>) src(%dma_wait3A_550 : memref<4x8x128xf32, #tpu.memory_space<hbm>>) dst(%dma_wait3A_546 : memref<4x8x128xf32, #tpu.memory_space<vmem>>)
      %dma_wait3A_551 = arith.constant 1 : i32
      %dma_wait3A_552 = arith.constant 0 : i32
      %dma_wait3A_553 = arith.constant 0 : i32
      %dma_wait3A_554 = arith.constant 0 : i32
      %dma_wait3A_555 = tpu.memref_slice %arg10[%dma_wait3A_551, %dma_wait3A_552, %dma_wait3A_553, %dma_wait3A_554] : memref<8x4x8x128xf32, #tpu.memory_space<vmem>> -> memref<1x4x8x128xf32, #tpu.memory_space<vmem>>
      %dma_wait3A_556 = tpu.memref_squeeze %dma_wait3A_555 : memref<1x4x8x128xf32, #tpu.memory_space<vmem>> -> memref<4x8x128xf32, #tpu.memory_space<vmem>>
      %dma_wait3A_557 = arith.constant 0 : i32
      %dma_wait3A_558 = arith.constant 0 : i32
      %dma_wait3A_559 = arith.constant 0 : i32
      %dma_wait3A_560 = tpu.memref_slice %arg5[%dma_wait3A_557, %dma_wait3A_558, %dma_wait3A_559] : memref<4x8x1000000xf32, #tpu.memory_space<hbm>> -> memref<4x8x128xf32, #tpu.memory_space<hbm>>
      %dma_wait3A_561 = arith.constant 0 : i32
      %dma_wait3A_562 = arith.constant 0 : i32
      %dma_wait3A_563 = arith.constant 0 : i32
      %dma_wait3A_564 = tpu.memref_slice %arg10[%dma_wait3A_551, %dma_wait3A_561, %dma_wait3A_562, %dma_wait3A_563] : memref<8x4x8x128xf32, #tpu.memory_space<vmem>> -> memref<1x4x8x128xf32, #tpu.memory_space<vmem>>
      %dma_wait3A_565 = tpu.memref_squeeze %dma_wait3A_564 : memref<1x4x8x128xf32, #tpu.memory_space<vmem>> -> memref<4x8x128xf32, #tpu.memory_space<vmem>>
      %dma_wait3A_566 = arith.constant 0 : i32
      %dma_wait3A_567 = arith.constant 0 : i32
      %dma_wait3A_568 = arith.constant 0 : i32
      %dma_wait3A_569 = tpu.memref_slice %arg5[%dma_wait3A_566, %dma_wait3A_567, %dma_wait3A_568] : memref<4x8x1000000xf32, #tpu.memory_space<hbm>> -> memref<4x8x128xf32, #tpu.memory_space<hbm>>
      tpu.wait_dma2 semaphore(%arg13 : memref<!tpu.dma_semaphore, #tpu.memory_space<semaphore_mem>>) src(%dma_wait3A_569 : memref<4x8x128xf32, #tpu.memory_space<hbm>>) dst(%dma_wait3A_565 : memref<4x8x128xf32, #tpu.memory_space<vmem>>)
      %mul3A_570 = arith.constant 16 : i32
      %mul3A_571 = arith.muli %scan3A_418, %mul3A_570 : i32
      %get3A_572 = arith.index_cast %mul3A_571 : i32 to index
      %get3A_573 = tpu.vector_load %arg7[%get3A_572] {strides = array<i32>} : memref<512xi32, #tpu.memory_space<vmem>>, vector<16xi32>,
      %mul3A_574 = arith.constant 16 : i32
      %mul3A_575 = arith.muli %scan3A_418, %mul3A_574 : i32
      %get3A_576 = arith.index_cast %mul3A_575 : i32 to index
      %get3A_577 = tpu.vector_load %arg8[%get3A_576] {strides = array<i32>} : memref<512xi32, #tpu.memory_space<vmem>>, vector<16xi32>,
      %slice3A_578 = vector.extract_strided_slice %get3A_573 {offsets = [1], sizes = [1], strides = [1]} : vector<16xi32> to vector<1xi32>
      %squeeze3A_579 = vector.extract %slice3A_578[0] : i32 from vector<1xi32>
      %and3A_580 = arith.constant 127 : i32
      %and3A_581 = arith.andi %squeeze3A_579, %and3A_580 : i32
      %broadcast_in_dim3A_582 = vector.broadcast %and3A_581 : i32 to vector<16xi32>
      %slice3A_583 = vector.extract_strided_slice %get3A_577 {offsets = [1], sizes = [1], strides = [1]} : vector<16xi32> to vector<1xi32>
      %squeeze3A_584 = vector.extract %slice3A_583[0] : i32 from vector<1xi32>
      %and3A_585 = arith.constant 127 : i32
      %and3A_586 = arith.andi %squeeze3A_584, %and3A_585 : i32
      %broadcast_in_dim3A_587 = vector.broadcast %and3A_586 : i32 to vector<16xi32>
      %broadcast_in_dim3A_588 = arith.constant 1 : i32
      %broadcast_in_dim3A_589 = vector.broadcast %broadcast_in_dim3A_588 : i32 to vector<16xi32>
      %broadcast_in_dim3A_590 = arith.constant 0.000000e+00 : f32
      %broadcast_in_dim3A_591 = vector.broadcast %broadcast_in_dim3A_590 : f32 to vector<16xf32>
      %add3A_592 = arith.constant 0 : i32
      %add3A_593 = vector.broadcast %add3A_592 : i32 to vector<16xi32>
      %add3A_594 = arith.addi %add3A_593, %iota3A : vector<16xi32>
      %shift_right_arithmetic3A_595 = arith.constant 3 : i32
      %shift_right_arithmetic3A_596 = vector.broadcast %shift_right_arithmetic3A_595 : i32 to vector<16xi32>
      %shift_right_arithmetic3A_597 = arith.shrsi %add3A_594, %shift_right_arithmetic3A_596 : vector<16xi32>
      %and3A_598 = arith.constant 7 : i32
      %and3A_599 = vector.broadcast %and3A_598 : i32 to vector<16xi32>
      %and3A_600 = arith.andi %add3A_594, %and3A_599 : vector<16xi32>
      %gather3A_601 = tpu.vector_load_idx %arg9[%broadcast_in_dim3A_589, %shift_right_arithmetic3A_597, %and3A_600, %broadcast_in_dim3A_582] : memref<8x4x8x128xf32, #tpu.memory_space<vmem>>[vector<16xi32>, vector<16xi32>, vector<16xi32>, vector<16xi32>], vector<16xf32>,
      %shift_right_arithmetic3A_602 = arith.constant 3 : i32
      %shift_right_arithmetic3A_603 = vector.broadcast %shift_right_arithmetic3A_602 : i32 to vector<16xi32>
      %shift_right_arithmetic3A_604 = arith.shrsi %add3A_594, %shift_right_arithmetic3A_603 : vector<16xi32>
      %and3A_605 = arith.constant 7 : i32
      %and3A_606 = vector.broadcast %and3A_605 : i32 to vector<16xi32>
      %and3A_607 = arith.andi %add3A_594, %and3A_606 : vector<16xi32>
      %gather3A_608 = tpu.vector_load_idx %arg10[%broadcast_in_dim3A_589, %shift_right_arithmetic3A_604, %and3A_607, %broadcast_in_dim3A_587] : memref<8x4x8x128xf32, #tpu.memory_space<vmem>>[vector<16xi32>, vector<16xi32>, vector<16xi32>, vector<16xi32>], vector<16xf32>,
      %mul3A_609 = arith.mulf %gather3A_601, %gather3A_608 : vector<16xf32>
      %add3A_610 = arith.addf %broadcast_in_dim3A_591, %mul3A_609 : vector<16xf32>
      %add3A_611 = arith.constant 16 : i32
      %add3A_612 = vector.broadcast %add3A_611 : i32 to vector<16xi32>
      %add3A_613 = arith.addi %add3A_612, %iota3A : vector<16xi32>
      %shift_right_arithmetic3A_614 = arith.constant 3 : i32
      %shift_right_arithmetic3A_615 = vector.broadcast %shift_right_arithmetic3A_614 : i32 to vector<16xi32>
      %shift_right_arithmetic3A_616 = arith.shrsi %add3A_613, %shift_right_arithmetic3A_615 : vector<16xi32>
      %and3A_617 = arith.constant 7 : i32
      %and3A_618 = vector.broadcast %and3A_617 : i32 to vector<16xi32>
      %and3A_619 = arith.andi %add3A_613, %and3A_618 : vector<16xi32>
      %gather3A_620 = tpu.vector_load_idx %arg9[%broadcast_in_dim3A_589, %shift_right_arithmetic3A_616, %and3A_619, %broadcast_in_dim3A_582] : memref<8x4x8x128xf32, #tpu.memory_space<vmem>>[vector<16xi32>, vector<16xi32>, vector<16xi32>, vector<16xi32>], vector<16xf32>,
      %shift_right_arithmetic3A_621 = arith.constant 3 : i32
      %shift_right_arithmetic3A_622 = vector.broadcast %shift_right_arithmetic3A_621 : i32 to vector<16xi32>
      %shift_right_arithmetic3A_623 = arith.shrsi %add3A_613, %shift_right_arithmetic3A_622 : vector<16xi32>
      %and3A_624 = arith.constant 7 : i32
      %and3A_625 = vector.broadcast %and3A_624 : i32 to vector<16xi32>
      %and3A_626 = arith.andi %add3A_613, %and3A_625 : vector<16xi32>
      %gather3A_627 = tpu.vector_load_idx %arg10[%broadcast_in_dim3A_589, %shift_right_arithmetic3A_623, %and3A_626, %broadcast_in_dim3A_587] : memref<8x4x8x128xf32, #tpu.memory_space<vmem>>[vector<16xi32>, vector<16xi32>, vector<16xi32>, vector<16xi32>], vector<16xf32>,
      %mul3A_628 = arith.mulf %gather3A_620, %gather3A_627 : vector<16xf32>
      %add3A_629 = arith.addf %add3A_610, %mul3A_628 : vector<16xf32>
      %broadcast_in_dim3A_630 = arith.constant true
      %broadcast_in_dim3A_631 = vector.broadcast %broadcast_in_dim3A_630 : i1 to vector<16xi1>
      %masked_cumsum3A_632 = tpu.scan <sum>, %add3A_629 masked %broadcast_in_dim3A_631 : vector<16xf32>, vector<16xi1> -> vector<16xf32>
      %lt3A_633 = arith.constant 0 : i32
      %lt3A_634 = vector.broadcast %lt3A_633 : i32 to vector<16xi32>
      %lt3A_635 = arith.cmpi slt, %broadcast_in_dim3A_3, %lt3A_634 : vector<16xi32>
      %add3A_636 = arith.constant 16 : i32
      %add3A_637 = vector.broadcast %add3A_636 : i32 to vector<16xi32>
      %add3A_638 = arith.addi %broadcast_in_dim3A_3, %add3A_637 : vector<16xi32>
      %select_n3A_639 = arith.select %lt3A_635, %add3A_638, %broadcast_in_dim3A_3 : vector<16xi1>, vector<16xi32>
      %broadcast_in_dim3A_640 = vector.shape_cast %select_n3A_639 : vector<16xi32> to vector<16x1xi32>
      %gather3A_641 = vector.shape_cast %broadcast_in_dim3A_640 : vector<16x1xi32> to vector<16xi32>
      %gather3A_642 = tpu.dynamic_gather %masked_cumsum3A_632[%gather3A_641] in [0] : vector<16xf32>, vector<16xi32> -> vector<16xf32>
      %eq3A_643 = arith.constant 1 : i32
      %eq3A_644 = vector.broadcast %eq3A_643 : i32 to vector<16xi32>
      %eq3A_645 = arith.cmpi eq, %iota3A, %eq3A_644 : vector<16xi32>
      %select_n3A_646 = arith.select %eq3A_645, %gather3A_642, %select_n3A_528 : vector<16xi1>, vector<16xf32>
      %lt3A_647 = arith.constant 32 : i32
      %lt3A_648 = arith.cmpi slt, %scan3A_418, %lt3A_647 : i32
      %convert_element_type3A_649 = arith.extui %lt3A_648 : i1 to i32
      %cond3A_650 = arith.constant 0 : i32
      %cond3A_651 = arith.cmpi ne, %convert_element_type3A_649, %cond3A_650 : i32
      scf.if %cond3A_651 {
        %mul3A_2351 = arith.constant 16 : i32
        %mul3A_2352 = arith.muli %scan3A_418, %mul3A_2351 : i32
        %get3A_2353 = arith.index_cast %mul3A_2352 : i32 to index
        %get3A_2354 = tpu.vector_load %arg7[%get3A_2353] {strides = array<i32>} : memref<512xi32, #tpu.memory_space<vmem>>, vector<16xi32>,
        %mul3A_2355 = arith.constant 16 : i32
        %mul3A_2356 = arith.muli %scan3A_418, %mul3A_2355 : i32
        %get3A_2357 = arith.index_cast %mul3A_2356 : i32 to index
        %get3A_2358 = tpu.vector_load %arg8[%get3A_2357] {strides = array<i32>} : memref<512xi32, #tpu.memory_space<vmem>>, vector<16xi32>,
        %slice3A_2359 = vector.extract_strided_slice %get3A_2354 {offsets = [9], sizes = [1], strides = [1]} : vector<16xi32> to vector<1xi32>
        %squeeze3A_2360 = vector.extract %slice3A_2359[0] : i32 from vector<1xi32>
        %slice3A_2361 = vector.extract_strided_slice %get3A_2358 {offsets = [9], sizes = [1], strides = [1]} : vector<16xi32> to vector<1xi32>
        %squeeze3A_2362 = vector.extract %slice3A_2361[0] : i32 from vector<1xi32>
        %shift_right_arithmetic3A_2363 = arith.constant 7 : i32
        %shift_right_arithmetic3A_2364 = arith.shrsi %squeeze3A_2360, %shift_right_arithmetic3A_2363 : i32
        %shift_left3A_2365 = arith.constant 7 : i32
        %shift_left3A_2366 = arith.shli %shift_right_arithmetic3A_2364, %shift_left3A_2365 : i32
        %multiple_of3A_2367 = tpu.assume_multiple %shift_left3A_2366, 128 : i32
        %shift_right_arithmetic3A_2368 = arith.constant 7 : i32
        %shift_right_arithmetic3A_2369 = arith.shrsi %squeeze3A_2362, %shift_right_arithmetic3A_2368 : i32
        %shift_left3A_2370 = arith.constant 7 : i32
        %shift_left3A_2371 = arith.shli %shift_right_arithmetic3A_2369, %shift_left3A_2370 : i32
        %multiple_of3A_2372 = tpu.assume_multiple %shift_left3A_2371, 128 : i32
        %dma_start3A_2373 = arith.constant 1 : i32
        %dma_start3A_2374 = arith.constant 0 : i32
        %dma_start3A_2375 = arith.constant 0 : i32
        %dma_start3A_2376 = arith.constant 0 : i32
        %dma_start3A_2377 = tpu.memref_slice %arg9[%dma_start3A_2373, %dma_start3A_2374, %dma_start3A_2375, %dma_start3A_2376] : memref<8x4x8x128xf32, #tpu.memory_space<vmem>> -> memref<1x4x8x128xf32, #tpu.memory_space<vmem>>
        %dma_start3A_2378 = tpu.memref_squeeze %dma_start3A_2377 : memref<1x4x8x128xf32, #tpu.memory_space<vmem>> -> memref<4x8x128xf32, #tpu.memory_space<vmem>>
        %dma_start3A_2379 = arith.constant 0 : i32
        %dma_start3A_2380 = arith.constant 0 : i32
        %dma_start3A_2381 = tpu.memref_slice %arg4[%dma_start3A_2379, %dma_start3A_2380, %multiple_of3A_2367] : memref<4x8x1000000xf32, #tpu.memory_space<hbm>> -> memref<4x8x128xf32, #tpu.memory_space<hbm>>
        %dma_start3A_2382 = arith.constant 0 : i32
        %dma_start3A_2383 = arith.constant 0 : i32
        %dma_start3A_2384 = arith.constant 0 : i32
        %dma_start3A_2385 = tpu.memref_slice %arg9[%dma_start3A_2373, %dma_start3A_2382, %dma_start3A_2383, %dma_start3A_2384] : memref<8x4x8x128xf32, #tpu.memory_space<vmem>> -> memref<1x4x8x128xf32, #tpu.memory_space<vmem>>
        %dma_start3A_2386 = tpu.memref_squeeze %dma_start3A_2385 : memref<1x4x8x128xf32, #tpu.memory_space<vmem>> -> memref<4x8x128xf32, #tpu.memory_space<vmem>>
        %dma_start3A_2387 = arith.constant 0 : i32
        %dma_start3A_2388 = arith.constant 0 : i32
        %dma_start3A_2389 = tpu.memref_slice %arg4[%dma_start3A_2387, %dma_start3A_2388, %multiple_of3A_2367] : memref<4x8x1000000xf32, #tpu.memory_space<hbm>> -> memref<4x8x128xf32, #tpu.memory_space<hbm>>
        tpu.enqueue_dma source(%dma_start3A_2389 : memref<4x8x128xf32, #tpu.memory_space<hbm>>) target(%dma_start3A_2386 : memref<4x8x128xf32, #tpu.memory_space<vmem>>) target_semaphore(%arg12 : memref<!tpu.dma_semaphore, #tpu.memory_space<semaphore_mem>>)
        %dma_start3A_2390 = arith.constant 1 : i32
        %dma_start3A_2391 = arith.constant 0 : i32
        %dma_start3A_2392 = arith.constant 0 : i32
        %dma_start3A_2393 = arith.constant 0 : i32
        %dma_start3A_2394 = tpu.memref_slice %arg10[%dma_start3A_2390, %dma_start3A_2391, %dma_start3A_2392, %dma_start3A_2393] : memref<8x4x8x128xf32, #tpu.memory_space<vmem>> -> memref<1x4x8x128xf32, #tpu.memory_space<vmem>>
        %dma_start3A_2395 = tpu.memref_squeeze %dma_start3A_2394 : memref<1x4x8x128xf32, #tpu.memory_space<vmem>> -> memref<4x8x128xf32, #tpu.memory_space<vmem>>
        %dma_start3A_2396 = arith.constant 0 : i32
        %dma_start3A_2397 = arith.constant 0 : i32
        %dma_start3A_2398 = tpu.memref_slice %arg5[%dma_start3A_2396, %dma_start3A_2397, %multiple_of3A_2372] : memref<4x8x1000000xf32, #tpu.memory_space<hbm>> -> memref<4x8x128xf32, #tpu.memory_space<hbm>>
        %dma_start3A_2399 = arith.constant 0 : i32
        %dma_start3A_2400 = arith.constant 0 : i32
        %dma_start3A_2401 = arith.constant 0 : i32
        %dma_start3A_2402 = tpu.memref_slice %arg10[%dma_start3A_2390, %dma_start3A_2399, %dma_start3A_2400, %dma_start3A_2401] : memref<8x4x8x128xf32, #tpu.memory_space<vmem>> -> memref<1x4x8x128xf32, #tpu.memory_space<vmem>>
        %dma_start3A_2403 = tpu.memref_squeeze %dma_start3A_2402 : memref<1x4x8x128xf32, #tpu.memory_space<vmem>> -> memref<4x8x128xf32, #tpu.memory_space<vmem>>
        %dma_start3A_2404 = arith.constant 0 : i32
        %dma_start3A_2405 = arith.constant 0 : i32
        %dma_start3A_2406 = tpu.memref_slice %arg5[%dma_start3A_2404, %dma_start3A_2405, %multiple_of3A_2372] : memref<4x8x1000000xf32, #tpu.memory_space<hbm>> -> memref<4x8x128xf32, #tpu.memory_space<hbm>>
        tpu.enqueue_dma source(%dma_start3A_2406 : memref<4x8x128xf32, #tpu.memory_space<hbm>>) target(%dma_start3A_2403 : memref<4x8x128xf32, #tpu.memory_space<vmem>>) target_semaphore(%arg13 : memref<!tpu.dma_semaphore, #tpu.memory_space<semaphore_mem>>)
      } else {
      }
      %dma_wait3A_652 = arith.constant 2 : i32
      %dma_wait3A_653 = arith.constant 0 : i32
      %dma_wait3A_654 = arith.constant 0 : i32
      %dma_wait3A_655 = arith.constant 0 : i32
      %dma_wait3A_656 = tpu.memref_slice %arg9[%dma_wait3A_652, %dma_wait3A_653, %dma_wait3A_654, %dma_wait3A_655] : memref<8x4x8x128xf32, #tpu.memory_space<vmem>> -> memref<1x4x8x128xf32, #tpu.memory_space<vmem>>
      %dma_wait3A_657 = tpu.memref_squeeze %dma_wait3A_656 : memref<1x4x8x128xf32, #tpu.memory_space<vmem>> -> memref<4x8x128xf32, #tpu.memory_space<vmem>>
      %dma_wait3A_658 = arith.constant 0 : i32
      %dma_wait3A_659 = arith.constant 0 : i32
      %dma_wait3A_660 = arith.constant 0 : i32
      %dma_wait3A_661 = tpu.memref_slice %arg4[%dma_wait3A_658, %dma_wait3A_659, %dma_wait3A_660] : memref<4x8x1000000xf32, #tpu.memory_space<hbm>> -> memref<4x8x128xf32, #tpu.memory_space<hbm>>
      %dma_wait3A_662 = arith.constant 0 : i32
      %dma_wait3A_663 = arith.constant 0 : i32
      %dma_wait3A_664 = arith.constant 0 : i32
      %dma_wait3A_665 = tpu.memref_slice %arg9[%dma_wait3A_652, %dma_wait3A_662, %dma_wait3A_663, %dma_wait3A_664] : memref<8x4x8x128xf32, #tpu.memory_space<vmem>> -> memref<1x4x8x128xf32, #tpu.memory_space<vmem>>
      %dma_wait3A_666 = tpu.memref_squeeze %dma_wait3A_665 : memref<1x4x8x128xf32, #tpu.memory_space<vmem>> -> memref<4x8x128xf32, #tpu.memory_space<vmem>>
      %dma_wait3A_667 = arith.constant 0 : i32
      %dma_wait3A_668 = arith.constant 0 : i32
      %dma_wait3A_669 = arith.constant 0 : i32
      %dma_wait3A_670 = tpu.memref_slice %arg4[%dma_wait3A_667, %dma_wait3A_668, %dma_wait3A_669] : memref<4x8x1000000xf32, #tpu.memory_space<hbm>> -> memref<4x8x128xf32, #tpu.memory_space<hbm>>
      tpu.wait_dma2 semaphore(%arg12 : memref<!tpu.dma_semaphore, #tpu.memory_space<semaphore_mem>>) src(%dma_wait3A_670 : memref<4x8x128xf32, #tpu.memory_space<hbm>>) dst(%dma_wait3A_666 : memref<4x8x128xf32, #tpu.memory_space<vmem>>)
      %dma_wait3A_671 = arith.constant 2 : i32
      %dma_wait3A_672 = arith.constant 0 : i32
      %dma_wait3A_673 = arith.constant 0 : i32
      %dma_wait3A_674 = arith.constant 0 : i32
      %dma_wait3A_675 = tpu.memref_slice %arg10[%dma_wait3A_671, %dma_wait3A_672, %dma_wait3A_673, %dma_wait3A_674] : memref<8x4x8x128xf32, #tpu.memory_space<vmem>> -> memref<1x4x8x128xf32, #tpu.memory_space<vmem>>
      %dma_wait3A_676 = tpu.memref_squeeze %dma_wait3A_675 : memref<1x4x8x128xf32, #tpu.memory_space<vmem>> -> memref<4x8x128xf32, #tpu.memory_space<vmem>>
      %dma_wait3A_677 = arith.constant 0 : i32
      %dma_wait3A_678 = arith.constant 0 : i32
      %dma_wait3A_679 = arith.constant 0 : i32
      %dma_wait3A_680 = tpu.memref_slice %arg5[%dma_wait3A_677, %dma_wait3A_678, %dma_wait3A_679] : memref<4x8x1000000xf32, #tpu.memory_space<hbm>> -> memref<4x8x128xf32, #tpu.memory_space<hbm>>
      %dma_wait3A_681 = arith.constant 0 : i32
      %dma_wait3A_682 = arith.constant 0 : i32
      %dma_wait3A_683 = arith.constant 0 : i32
      %dma_wait3A_684 = tpu.memref_slice %arg10[%dma_wait3A_671, %dma_wait3A_681, %dma_wait3A_682, %dma_wait3A_683] : memref<8x4x8x128xf32, #tpu.memory_space<vmem>> -> memref<1x4x8x128xf32, #tpu.memory_space<vmem>>
      %dma_wait3A_685 = tpu.memref_squeeze %dma_wait3A_684 : memref<1x4x8x128xf32, #tpu.memory_space<vmem>> -> memref<4x8x128xf32, #tpu.memory_space<vmem>>
      %dma_wait3A_686 = arith.constant 0 : i32
      %dma_wait3A_687 = arith.constant 0 : i32
      %dma_wait3A_688 = arith.constant 0 : i32
      %dma_wait3A_689 = tpu.memref_slice %arg5[%dma_wait3A_686, %dma_wait3A_687, %dma_wait3A_688] : memref<4x8x1000000xf32, #tpu.memory_space<hbm>> -> memref<4x8x128xf32, #tpu.memory_space<hbm>>
      tpu.wait_dma2 semaphore(%arg13 : memref<!tpu.dma_semaphore, #tpu.memory_space<semaphore_mem>>) src(%dma_wait3A_689 : memref<4x8x128xf32, #tpu.memory_space<hbm>>) dst(%dma_wait3A_685 : memref<4x8x128xf32, #tpu.memory_space<vmem>>)
      %mul3A_690 = arith.constant 16 : i32
      %mul3A_691 = arith.muli %scan3A_418, %mul3A_690 : i32
      %get3A_692 = arith.index_cast %mul3A_691 : i32 to index
      %get3A_693 = tpu.vector_load %arg7[%get3A_692] {strides = array<i32>} : memref<512xi32, #tpu.memory_space<vmem>>, vector<16xi32>,
      %mul3A_694 = arith.constant 16 : i32
      %mul3A_695 = arith.muli %scan3A_418, %mul3A_694 : i32
      %get3A_696 = arith.index_cast %mul3A_695 : i32 to index
      %get3A_697 = tpu.vector_load %arg8[%get3A_696] {strides = array<i32>} : memref<512xi32, #tpu.memory_space<vmem>>, vector<16xi32>,
      %slice3A_698 = vector.extract_strided_slice %get3A_693 {offsets = [2], sizes = [1], strides = [1]} : vector<16xi32> to vector<1xi32>
      %squeeze3A_699 = vector.extract %slice3A_698[0] : i32 from vector<1xi32>
      %and3A_700 = arith.constant 127 : i32
      %and3A_701 = arith.andi %squeeze3A_699, %and3A_700 : i32
      %broadcast_in_dim3A_702 = vector.broadcast %and3A_701 : i32 to vector<16xi32>
      %slice3A_703 = vector.extract_strided_slice %get3A_697 {offsets = [2], sizes = [1], strides = [1]} : vector<16xi32> to vector<1xi32>
      %squeeze3A_704 = vector.extract %slice3A_703[0] : i32 from vector<1xi32>
      %and3A_705 = arith.constant 127 : i32
      %and3A_706 = arith.andi %squeeze3A_704, %and3A_705 : i32
      %broadcast_in_dim3A_707 = vector.broadcast %and3A_706 : i32 to vector<16xi32>
      %broadcast_in_dim3A_708 = arith.constant 2 : i32
      %broadcast_in_dim3A_709 = vector.broadcast %broadcast_in_dim3A_708 : i32 to vector<16xi32>
      %broadcast_in_dim3A_710 = arith.constant 0.000000e+00 : f32
      %broadcast_in_dim3A_711 = vector.broadcast %broadcast_in_dim3A_710 : f32 to vector<16xf32>
      %add3A_712 = arith.constant 0 : i32
      %add3A_713 = vector.broadcast %add3A_712 : i32 to vector<16xi32>
      %add3A_714 = arith.addi %add3A_713, %iota3A : vector<16xi32>
      %shift_right_arithmetic3A_715 = arith.constant 3 : i32
      %shift_right_arithmetic3A_716 = vector.broadcast %shift_right_arithmetic3A_715 : i32 to vector<16xi32>
      %shift_right_arithmetic3A_717 = arith.shrsi %add3A_714, %shift_right_arithmetic3A_716 : vector<16xi32>
      %and3A_718 = arith.constant 7 : i32
      %and3A_719 = vector.broadcast %and3A_718 : i32 to vector<16xi32>
      %and3A_720 = arith.andi %add3A_714, %and3A_719 : vector<16xi32>
      %gather3A_721 = tpu.vector_load_idx %arg9[%broadcast_in_dim3A_709, %shift_right_arithmetic3A_717, %and3A_720, %broadcast_in_dim3A_702] : memref<8x4x8x128xf32, #tpu.memory_space<vmem>>[vector<16xi32>, vector<16xi32>, vector<16xi32>, vector<16xi32>], vector<16xf32>,
      %shift_right_arithmetic3A_722 = arith.constant 3 : i32
      %shift_right_arithmetic3A_723 = vector.broadcast %shift_right_arithmetic3A_722 : i32 to vector<16xi32>
      %shift_right_arithmetic3A_724 = arith.shrsi %add3A_714, %shift_right_arithmetic3A_723 : vector<16xi32>
      %and3A_725 = arith.constant 7 : i32
      %and3A_726 = vector.broadcast %and3A_725 : i32 to vector<16xi32>
      %and3A_727 = arith.andi %add3A_714, %and3A_726 : vector<16xi32>
      %gather3A_728 = tpu.vector_load_idx %arg10[%broadcast_in_dim3A_709, %shift_right_arithmetic3A_724, %and3A_727, %broadcast_in_dim3A_707] : memref<8x4x8x128xf32, #tpu.memory_space<vmem>>[vector<16xi32>, vector<16xi32>, vector<16xi32>, vector<16xi32>], vector<16xf32>,
      %mul3A_729 = arith.mulf %gather3A_721, %gather3A_728 : vector<16xf32>
      %add3A_730 = arith.addf %broadcast_in_dim3A_711, %mul3A_729 : vector<16xf32>
      %add3A_731 = arith.constant 16 : i32
      %add3A_732 = vector.broadcast %add3A_731 : i32 to vector<16xi32>
      %add3A_733 = arith.addi %add3A_732, %iota3A : vector<16xi32>
      %shift_right_arithmetic3A_734 = arith.constant 3 : i32
      %shift_right_arithmetic3A_735 = vector.broadcast %shift_right_arithmetic3A_734 : i32 to vector<16xi32>
      %shift_right_arithmetic3A_736 = arith.shrsi %add3A_733, %shift_right_arithmetic3A_735 : vector<16xi32>
      %and3A_737 = arith.constant 7 : i32
      %and3A_738 = vector.broadcast %and3A_737 : i32 to vector<16xi32>
      %and3A_739 = arith.andi %add3A_733, %and3A_738 : vector<16xi32>
      %gather3A_740 = tpu.vector_load_idx %arg9[%broadcast_in_dim3A_709, %shift_right_arithmetic3A_736, %and3A_739, %broadcast_in_dim3A_702] : memref<8x4x8x128xf32, #tpu.memory_space<vmem>>[vector<16xi32>, vector<16xi32>, vector<16xi32>, vector<16xi32>], vector<16xf32>,
      %shift_right_arithmetic3A_741 = arith.constant 3 : i32
      %shift_right_arithmetic3A_742 = vector.broadcast %shift_right_arithmetic3A_741 : i32 to vector<16xi32>
      %shift_right_arithmetic3A_743 = arith.shrsi %add3A_733, %shift_right_arithmetic3A_742 : vector<16xi32>
      %and3A_744 = arith.constant 7 : i32
      %and3A_745 = vector.broadcast %and3A_744 : i32 to vector<16xi32>
      %and3A_746 = arith.andi %add3A_733, %and3A_745 : vector<16xi32>
      %gather3A_747 = tpu.vector_load_idx %arg10[%broadcast_in_dim3A_709, %shift_right_arithmetic3A_743, %and3A_746, %broadcast_in_dim3A_707] : memref<8x4x8x128xf32, #tpu.memory_space<vmem>>[vector<16xi32>, vector<16xi32>, vector<16xi32>, vector<16xi32>], vector<16xf32>,
      %mul3A_748 = arith.mulf %gather3A_740, %gather3A_747 : vector<16xf32>
      %add3A_749 = arith.addf %add3A_730, %mul3A_748 : vector<16xf32>
      %broadcast_in_dim3A_750 = arith.constant true
      %broadcast_in_dim3A_751 = vector.broadcast %broadcast_in_dim3A_750 : i1 to vector<16xi1>
      %masked_cumsum3A_752 = tpu.scan <sum>, %add3A_749 masked %broadcast_in_dim3A_751 : vector<16xf32>, vector<16xi1> -> vector<16xf32>
      %lt3A_753 = arith.constant 0 : i32
      %lt3A_754 = vector.broadcast %lt3A_753 : i32 to vector<16xi32>
      %lt3A_755 = arith.cmpi slt, %broadcast_in_dim3A_3, %lt3A_754 : vector<16xi32>
      %add3A_756 = arith.constant 16 : i32
      %add3A_757 = vector.broadcast %add3A_756 : i32 to vector<16xi32>
      %add3A_758 = arith.addi %broadcast_in_dim3A_3, %add3A_757 : vector<16xi32>
      %select_n3A_759 = arith.select %lt3A_755, %add3A_758, %broadcast_in_dim3A_3 : vector<16xi1>, vector<16xi32>
      %broadcast_in_dim3A_760 = vector.shape_cast %select_n3A_759 : vector<16xi32> to vector<16x1xi32>
      %gather3A_761 = vector.shape_cast %broadcast_in_dim3A_760 : vector<16x1xi32> to vector<16xi32>
      %gather3A_762 = tpu.dynamic_gather %masked_cumsum3A_752[%gather3A_761] in [0] : vector<16xf32>, vector<16xi32> -> vector<16xf32>
      %eq3A_763 = arith.constant 2 : i32
      %eq3A_764 = vector.broadcast %eq3A_763 : i32 to vector<16xi32>
      %eq3A_765 = arith.cmpi eq, %iota3A, %eq3A_764 : vector<16xi32>
      %select_n3A_766 = arith.select %eq3A_765, %gather3A_762, %select_n3A_646 : vector<16xi1>, vector<16xf32>
      %lt3A_767 = arith.constant 32 : i32
      %lt3A_768 = arith.cmpi slt, %scan3A_418, %lt3A_767 : i32
      %convert_element_type3A_769 = arith.extui %lt3A_768 : i1 to i32
      %cond3A_770 = arith.constant 0 : i32
      %cond3A_771 = arith.cmpi ne, %convert_element_type3A_769, %cond3A_770 : i32
      scf.if %cond3A_771 {
        %mul3A_2351 = arith.constant 16 : i32
        %mul3A_2352 = arith.muli %scan3A_418, %mul3A_2351 : i32
        %get3A_2353 = arith.index_cast %mul3A_2352 : i32 to index
        %get3A_2354 = tpu.vector_load %arg7[%get3A_2353] {strides = array<i32>} : memref<512xi32, #tpu.memory_space<vmem>>, vector<16xi32>,
        %mul3A_2355 = arith.constant 16 : i32
        %mul3A_2356 = arith.muli %scan3A_418, %mul3A_2355 : i32
        %get3A_2357 = arith.index_cast %mul3A_2356 : i32 to index
        %get3A_2358 = tpu.vector_load %arg8[%get3A_2357] {strides = array<i32>} : memref<512xi32, #tpu.memory_space<vmem>>, vector<16xi32>,
        %slice3A_2359 = vector.extract_strided_slice %get3A_2354 {offsets = [10], sizes = [1], strides = [1]} : vector<16xi32> to vector<1xi32>
        %squeeze3A_2360 = vector.extract %slice3A_2359[0] : i32 from vector<1xi32>
        %slice3A_2361 = vector.extract_strided_slice %get3A_2358 {offsets = [10], sizes = [1], strides = [1]} : vector<16xi32> to vector<1xi32>
        %squeeze3A_2362 = vector.extract %slice3A_2361[0] : i32 from vector<1xi32>
        %shift_right_arithmetic3A_2363 = arith.constant 7 : i32
        %shift_right_arithmetic3A_2364 = arith.shrsi %squeeze3A_2360, %shift_right_arithmetic3A_2363 : i32
        %shift_left3A_2365 = arith.constant 7 : i32
        %shift_left3A_2366 = arith.shli %shift_right_arithmetic3A_2364, %shift_left3A_2365 : i32
        %multiple_of3A_2367 = tpu.assume_multiple %shift_left3A_2366, 128 : i32
        %shift_right_arithmetic3A_2368 = arith.constant 7 : i32
        %shift_right_arithmetic3A_2369 = arith.shrsi %squeeze3A_2362, %shift_right_arithmetic3A_2368 : i32
        %shift_left3A_2370 = arith.constant 7 : i32
        %shift_left3A_2371 = arith.shli %shift_right_arithmetic3A_2369, %shift_left3A_2370 : i32
        %multiple_of3A_2372 = tpu.assume_multiple %shift_left3A_2371, 128 : i32
        %dma_start3A_2373 = arith.constant 2 : i32
        %dma_start3A_2374 = arith.constant 0 : i32
        %dma_start3A_2375 = arith.constant 0 : i32
        %dma_start3A_2376 = arith.constant 0 : i32
        %dma_start3A_2377 = tpu.memref_slice %arg9[%dma_start3A_2373, %dma_start3A_2374, %dma_start3A_2375, %dma_start3A_2376] : memref<8x4x8x128xf32, #tpu.memory_space<vmem>> -> memref<1x4x8x128xf32, #tpu.memory_space<vmem>>
        %dma_start3A_2378 = tpu.memref_squeeze %dma_start3A_2377 : memref<1x4x8x128xf32, #tpu.memory_space<vmem>> -> memref<4x8x128xf32, #tpu.memory_space<vmem>>
        %dma_start3A_2379 = arith.constant 0 : i32
        %dma_start3A_2380 = arith.constant 0 : i32
        %dma_start3A_2381 = tpu.memref_slice %arg4[%dma_start3A_2379, %dma_start3A_2380, %multiple_of3A_2367] : memref<4x8x1000000xf32, #tpu.memory_space<hbm>> -> memref<4x8x128xf32, #tpu.memory_space<hbm>>
        %dma_start3A_2382 = arith.constant 0 : i32
        %dma_start3A_2383 = arith.constant 0 : i32
        %dma_start3A_2384 = arith.constant 0 : i32
        %dma_start3A_2385 = tpu.memref_slice %arg9[%dma_start3A_2373, %dma_start3A_2382, %dma_start3A_2383, %dma_start3A_2384] : memref<8x4x8x128xf32, #tpu.memory_space<vmem>> -> memref<1x4x8x128xf32, #tpu.memory_space<vmem>>
        %dma_start3A_2386 = tpu.memref_squeeze %dma_start3A_2385 : memref<1x4x8x128xf32, #tpu.memory_space<vmem>> -> memref<4x8x128xf32, #tpu.memory_space<vmem>>
        %dma_start3A_2387 = arith.constant 0 : i32
        %dma_start3A_2388 = arith.constant 0 : i32
        %dma_start3A_2389 = tpu.memref_slice %arg4[%dma_start3A_2387, %dma_start3A_2388, %multiple_of3A_2367] : memref<4x8x1000000xf32, #tpu.memory_space<hbm>> -> memref<4x8x128xf32, #tpu.memory_space<hbm>>
        tpu.enqueue_dma source(%dma_start3A_2389 : memref<4x8x128xf32, #tpu.memory_space<hbm>>) target(%dma_start3A_2386 : memref<4x8x128xf32, #tpu.memory_space<vmem>>) target_semaphore(%arg12 : memref<!tpu.dma_semaphore, #tpu.memory_space<semaphore_mem>>)
        %dma_start3A_2390 = arith.constant 2 : i32
        %dma_start3A_2391 = arith.constant 0 : i32
        %dma_start3A_2392 = arith.constant 0 : i32
        %dma_start3A_2393 = arith.constant 0 : i32
        %dma_start3A_2394 = tpu.memref_slice %arg10[%dma_start3A_2390, %dma_start3A_2391, %dma_start3A_2392, %dma_start3A_2393] : memref<8x4x8x128xf32, #tpu.memory_space<vmem>> -> memref<1x4x8x128xf32, #tpu.memory_space<vmem>>
        %dma_start3A_2395 = tpu.memref_squeeze %dma_start3A_2394 : memref<1x4x8x128xf32, #tpu.memory_space<vmem>> -> memref<4x8x128xf32, #tpu.memory_space<vmem>>
        %dma_start3A_2396 = arith.constant 0 : i32
        %dma_start3A_2397 = arith.constant 0 : i32
        %dma_start3A_2398 = tpu.memref_slice %arg5[%dma_start3A_2396, %dma_start3A_2397, %multiple_of3A_2372] : memref<4x8x1000000xf32, #tpu.memory_space<hbm>> -> memref<4x8x128xf32, #tpu.memory_space<hbm>>
        %dma_start3A_2399 = arith.constant 0 : i32
        %dma_start3A_2400 = arith.constant 0 : i32
        %dma_start3A_2401 = arith.constant 0 : i32
        %dma_start3A_2402 = tpu.memref_slice %arg10[%dma_start3A_2390, %dma_start3A_2399, %dma_start3A_2400, %dma_start3A_2401] : memref<8x4x8x128xf32, #tpu.memory_space<vmem>> -> memref<1x4x8x128xf32, #tpu.memory_space<vmem>>
        %dma_start3A_2403 = tpu.memref_squeeze %dma_start3A_2402 : memref<1x4x8x128xf32, #tpu.memory_space<vmem>> -> memref<4x8x128xf32, #tpu.memory_space<vmem>>
        %dma_start3A_2404 = arith.constant 0 : i32
        %dma_start3A_2405 = arith.constant 0 : i32
        %dma_start3A_2406 = tpu.memref_slice %arg5[%dma_start3A_2404, %dma_start3A_2405, %multiple_of3A_2372] : memref<4x8x1000000xf32, #tpu.memory_space<hbm>> -> memref<4x8x128xf32, #tpu.memory_space<hbm>>
        tpu.enqueue_dma source(%dma_start3A_2406 : memref<4x8x128xf32, #tpu.memory_space<hbm>>) target(%dma_start3A_2403 : memref<4x8x128xf32, #tpu.memory_space<vmem>>) target_semaphore(%arg13 : memref<!tpu.dma_semaphore, #tpu.memory_space<semaphore_mem>>)
      } else {
      }
      %dma_wait3A_772 = arith.constant 3 : i32
      %dma_wait3A_773 = arith.constant 0 : i32
      %dma_wait3A_774 = arith.constant 0 : i32
      %dma_wait3A_775 = arith.constant 0 : i32
      %dma_wait3A_776 = tpu.memref_slice %arg9[%dma_wait3A_772, %dma_wait3A_773, %dma_wait3A_774, %dma_wait3A_775] : memref<8x4x8x128xf32, #tpu.memory_space<vmem>> -> memref<1x4x8x128xf32, #tpu.memory_space<vmem>>
      %dma_wait3A_777 = tpu.memref_squeeze %dma_wait3A_776 : memref<1x4x8x128xf32, #tpu.memory_space<vmem>> -> memref<4x8x128xf32, #tpu.memory_space<vmem>>
      %dma_wait3A_778 = arith.constant 0 : i32
      %dma_wait3A_779 = arith.constant 0 : i32
      %dma_wait3A_780 = arith.constant 0 : i32
      %dma_wait3A_781 = tpu.memref_slice %arg4[%dma_wait3A_778, %dma_wait3A_779, %dma_wait3A_780] : memref<4x8x1000000xf32, #tpu.memory_space<hbm>> -> memref<4x8x128xf32, #tpu.memory_space<hbm>>
      %dma_wait3A_782 = arith.constant 0 : i32
      %dma_wait3A_783 = arith.constant 0 : i32
      %dma_wait3A_784 = arith.constant 0 : i32
      %dma_wait3A_785 = tpu.memref_slice %arg9[%dma_wait3A_772, %dma_wait3A_782, %dma_wait3A_783, %dma_wait3A_784] : memref<8x4x8x128xf32, #tpu.memory_space<vmem>> -> memref<1x4x8x128xf32, #tpu.memory_space<vmem>>
      %dma_wait3A_786 = tpu.memref_squeeze %dma_wait3A_785 : memref<1x4x8x128xf32, #tpu.memory_space<vmem>> -> memref<4x8x128xf32, #tpu.memory_space<vmem>>
      %dma_wait3A_787 = arith.constant 0 : i32
      %dma_wait3A_788 = arith.constant 0 : i32
      %dma_wait3A_789 = arith.constant 0 : i32
      %dma_wait3A_790 = tpu.memref_slice %arg4[%dma_wait3A_787, %dma_wait3A_788, %dma_wait3A_789] : memref<4x8x1000000xf32, #tpu.memory_space<hbm>> -> memref<4x8x128xf32, #tpu.memory_space<hbm>>
      tpu.wait_dma2 semaphore(%arg12 : memref<!tpu.dma_semaphore, #tpu.memory_space<semaphore_mem>>) src(%dma_wait3A_790 : memref<4x8x128xf32, #tpu.memory_space<hbm>>) dst(%dma_wait3A_786 : memref<4x8x128xf32, #tpu.memory_space<vmem>>)
      %dma_wait3A_791 = arith.constant 3 : i32
      %dma_wait3A_792 = arith.constant 0 : i32
      %dma_wait3A_793 = arith.constant 0 : i32
      %dma_wait3A_794 = arith.constant 0 : i32
      %dma_wait3A_795 = tpu.memref_slice %arg10[%dma_wait3A_791, %dma_wait3A_792, %dma_wait3A_793, %dma_wait3A_794] : memref<8x4x8x128xf32, #tpu.memory_space<vmem>> -> memref<1x4x8x128xf32, #tpu.memory_space<vmem>>
      %dma_wait3A_796 = tpu.memref_squeeze %dma_wait3A_795 : memref<1x4x8x128xf32, #tpu.memory_space<vmem>> -> memref<4x8x128xf32, #tpu.memory_space<vmem>>
      %dma_wait3A_797 = arith.constant 0 : i32
      %dma_wait3A_798 = arith.constant 0 : i32
      %dma_wait3A_799 = arith.constant 0 : i32
      %dma_wait3A_800 = tpu.memref_slice %arg5[%dma_wait3A_797, %dma_wait3A_798, %dma_wait3A_799] : memref<4x8x1000000xf32, #tpu.memory_space<hbm>> -> memref<4x8x128xf32, #tpu.memory_space<hbm>>
      %dma_wait3A_801 = arith.constant 0 : i32
      %dma_wait3A_802 = arith.constant 0 : i32
      %dma_wait3A_803 = arith.constant 0 : i32
      %dma_wait3A_804 = tpu.memref_slice %arg10[%dma_wait3A_791, %dma_wait3A_801, %dma_wait3A_802, %dma_wait3A_803] : memref<8x4x8x128xf32, #tpu.memory_space<vmem>> -> memref<1x4x8x128xf32, #tpu.memory_space<vmem>>
      %dma_wait3A_805 = tpu.memref_squeeze %dma_wait3A_804 : memref<1x4x8x128xf32, #tpu.memory_space<vmem>> -> memref<4x8x128xf32, #tpu.memory_space<vmem>>
      %dma_wait3A_806 = arith.constant 0 : i32
      %dma_wait3A_807 = arith.constant 0 : i32
      %dma_wait3A_808 = arith.constant 0 : i32
      %dma_wait3A_809 = tpu.memref_slice %arg5[%dma_wait3A_806, %dma_wait3A_807, %dma_wait3A_808] : memref<4x8x1000000xf32, #tpu.memory_space<hbm>> -> memref<4x8x128xf32, #tpu.memory_space<hbm>>
      tpu.wait_dma2 semaphore(%arg13 : memref<!tpu.dma_semaphore, #tpu.memory_space<semaphore_mem>>) src(%dma_wait3A_809 : memref<4x8x128xf32, #tpu.memory_space<hbm>>) dst(%dma_wait3A_805 : memref<4x8x128xf32, #tpu.memory_space<vmem>>)
      %mul3A_810 = arith.constant 16 : i32
      %mul3A_811 = arith.muli %scan3A_418, %mul3A_810 : i32
      %get3A_812 = arith.index_cast %mul3A_811 : i32 to index
      %get3A_813 = tpu.vector_load %arg7[%get3A_812] {strides = array<i32>} : memref<512xi32, #tpu.memory_space<vmem>>, vector<16xi32>,
      %mul3A_814 = arith.constant 16 : i32
      %mul3A_815 = arith.muli %scan3A_418, %mul3A_814 : i32
      %get3A_816 = arith.index_cast %mul3A_815 : i32 to index
      %get3A_817 = tpu.vector_load %arg8[%get3A_816] {strides = array<i32>} : memref<512xi32, #tpu.memory_space<vmem>>, vector<16xi32>,
      %slice3A_818 = vector.extract_strided_slice %get3A_813 {offsets = [3], sizes = [1], strides = [1]} : vector<16xi32> to vector<1xi32>
      %squeeze3A_819 = vector.extract %slice3A_818[0] : i32 from vector<1xi32>
      %and3A_820 = arith.constant 127 : i32
      %and3A_821 = arith.andi %squeeze3A_819, %and3A_820 : i32
      %broadcast_in_dim3A_822 = vector.broadcast %and3A_821 : i32 to vector<16xi32>
      %slice3A_823 = vector.extract_strided_slice %get3A_817 {offsets = [3], sizes = [1], strides = [1]} : vector<16xi32> to vector<1xi32>
      %squeeze3A_824 = vector.extract %slice3A_823[0] : i32 from vector<1xi32>
      %and3A_825 = arith.constant 127 : i32
      %and3A_826 = arith.andi %squeeze3A_824, %and3A_825 : i32
      %broadcast_in_dim3A_827 = vector.broadcast %and3A_826 : i32 to vector<16xi32>
      %broadcast_in_dim3A_828 = arith.constant 3 : i32
      %broadcast_in_dim3A_829 = vector.broadcast %broadcast_in_dim3A_828 : i32 to vector<16xi32>
      %broadcast_in_dim3A_830 = arith.constant 0.000000e+00 : f32
      %broadcast_in_dim3A_831 = vector.broadcast %broadcast_in_dim3A_830 : f32 to vector<16xf32>
      %add3A_832 = arith.constant 0 : i32
      %add3A_833 = vector.broadcast %add3A_832 : i32 to vector<16xi32>
      %add3A_834 = arith.addi %add3A_833, %iota3A : vector<16xi32>
      %shift_right_arithmetic3A_835 = arith.constant 3 : i32
      %shift_right_arithmetic3A_836 = vector.broadcast %shift_right_arithmetic3A_835 : i32 to vector<16xi32>
      %shift_right_arithmetic3A_837 = arith.shrsi %add3A_834, %shift_right_arithmetic3A_836 : vector<16xi32>
      %and3A_838 = arith.constant 7 : i32
      %and3A_839 = vector.broadcast %and3A_838 : i32 to vector<16xi32>
      %and3A_840 = arith.andi %add3A_834, %and3A_839 : vector<16xi32>
      %gather3A_841 = tpu.vector_load_idx %arg9[%broadcast_in_dim3A_829, %shift_right_arithmetic3A_837, %and3A_840, %broadcast_in_dim3A_822] : memref<8x4x8x128xf32, #tpu.memory_space<vmem>>[vector<16xi32>, vector<16xi32>, vector<16xi32>, vector<16xi32>], vector<16xf32>,
      %shift_right_arithmetic3A_842 = arith.constant 3 : i32
      %shift_right_arithmetic3A_843 = vector.broadcast %shift_right_arithmetic3A_842 : i32 to vector<16xi32>
      %shift_right_arithmetic3A_844 = arith.shrsi %add3A_834, %shift_right_arithmetic3A_843 : vector<16xi32>
      %and3A_845 = arith.constant 7 : i32
      %and3A_846 = vector.broadcast %and3A_845 : i32 to vector<16xi32>
      %and3A_847 = arith.andi %add3A_834, %and3A_846 : vector<16xi32>
      %gather3A_848 = tpu.vector_load_idx %arg10[%broadcast_in_dim3A_829, %shift_right_arithmetic3A_844, %and3A_847, %broadcast_in_dim3A_827] : memref<8x4x8x128xf32, #tpu.memory_space<vmem>>[vector<16xi32>, vector<16xi32>, vector<16xi32>, vector<16xi32>], vector<16xf32>,
      %mul3A_849 = arith.mulf %gather3A_841, %gather3A_848 : vector<16xf32>
      %add3A_850 = arith.addf %broadcast_in_dim3A_831, %mul3A_849 : vector<16xf32>
      %add3A_851 = arith.constant 16 : i32
      %add3A_852 = vector.broadcast %add3A_851 : i32 to vector<16xi32>
      %add3A_853 = arith.addi %add3A_852, %iota3A : vector<16xi32>
      %shift_right_arithmetic3A_854 = arith.constant 3 : i32
      %shift_right_arithmetic3A_855 = vector.broadcast %shift_right_arithmetic3A_854 : i32 to vector<16xi32>
      %shift_right_arithmetic3A_856 = arith.shrsi %add3A_853, %shift_right_arithmetic3A_855 : vector<16xi32>
      %and3A_857 = arith.constant 7 : i32
      %and3A_858 = vector.broadcast %and3A_857 : i32 to vector<16xi32>
      %and3A_859 = arith.andi %add3A_853, %and3A_858 : vector<16xi32>
      %gather3A_860 = tpu.vector_load_idx %arg9[%broadcast_in_dim3A_829, %shift_right_arithmetic3A_856, %and3A_859, %broadcast_in_dim3A_822] : memref<8x4x8x128xf32, #tpu.memory_space<vmem>>[vector<16xi32>, vector<16xi32>, vector<16xi32>, vector<16xi32>], vector<16xf32>,
      %shift_right_arithmetic3A_861 = arith.constant 3 : i32
      %shift_right_arithmetic3A_862 = vector.broadcast %shift_right_arithmetic3A_861 : i32 to vector<16xi32>
      %shift_right_arithmetic3A_863 = arith.shrsi %add3A_853, %shift_right_arithmetic3A_862 : vector<16xi32>
      %and3A_864 = arith.constant 7 : i32
      %and3A_865 = vector.broadcast %and3A_864 : i32 to vector<16xi32>
      %and3A_866 = arith.andi %add3A_853, %and3A_865 : vector<16xi32>
      %gather3A_867 = tpu.vector_load_idx %arg10[%broadcast_in_dim3A_829, %shift_right_arithmetic3A_863, %and3A_866, %broadcast_in_dim3A_827] : memref<8x4x8x128xf32, #tpu.memory_space<vmem>>[vector<16xi32>, vector<16xi32>, vector<16xi32>, vector<16xi32>], vector<16xf32>,
      %mul3A_868 = arith.mulf %gather3A_860, %gather3A_867 : vector<16xf32>
      %add3A_869 = arith.addf %add3A_850, %mul3A_868 : vector<16xf32>
      %broadcast_in_dim3A_870 = arith.constant true
      %broadcast_in_dim3A_871 = vector.broadcast %broadcast_in_dim3A_870 : i1 to vector<16xi1>
      %masked_cumsum3A_872 = tpu.scan <sum>, %add3A_869 masked %broadcast_in_dim3A_871 : vector<16xf32>, vector<16xi1> -> vector<16xf32>
      %lt3A_873 = arith.constant 0 : i32
      %lt3A_874 = vector.broadcast %lt3A_873 : i32 to vector<16xi32>
      %lt3A_875 = arith.cmpi slt, %broadcast_in_dim3A_3, %lt3A_874 : vector<16xi32>
      %add3A_876 = arith.constant 16 : i32
      %add3A_877 = vector.broadcast %add3A_876 : i32 to vector<16xi32>
      %add3A_878 = arith.addi %broadcast_in_dim3A_3, %add3A_877 : vector<16xi32>
      %select_n3A_879 = arith.select %lt3A_875, %add3A_878, %broadcast_in_dim3A_3 : vector<16xi1>, vector<16xi32>
      %broadcast_in_dim3A_880 = vector.shape_cast %select_n3A_879 : vector<16xi32> to vector<16x1xi32>
      %gather3A_881 = vector.shape_cast %broadcast_in_dim3A_880 : vector<16x1xi32> to vector<16xi32>
      %gather3A_882 = tpu.dynamic_gather %masked_cumsum3A_872[%gather3A_881] in [0] : vector<16xf32>, vector<16xi32> -> vector<16xf32>
      %eq3A_883 = arith.constant 3 : i32
      %eq3A_884 = vector.broadcast %eq3A_883 : i32 to vector<16xi32>
      %eq3A_885 = arith.cmpi eq, %iota3A, %eq3A_884 : vector<16xi32>
      %select_n3A_886 = arith.select %eq3A_885, %gather3A_882, %select_n3A_766 : vector<16xi1>, vector<16xf32>
      %lt3A_887 = arith.constant 32 : i32
      %lt3A_888 = arith.cmpi slt, %scan3A_418, %lt3A_887 : i32
      %convert_element_type3A_889 = arith.extui %lt3A_888 : i1 to i32
      %cond3A_890 = arith.constant 0 : i32
      %cond3A_891 = arith.cmpi ne, %convert_element_type3A_889, %cond3A_890 : i32
      scf.if %cond3A_891 {
        %mul3A_2351 = arith.constant 16 : i32
        %mul3A_2352 = arith.muli %scan3A_418, %mul3A_2351 : i32
        %get3A_2353 = arith.index_cast %mul3A_2352 : i32 to index
        %get3A_2354 = tpu.vector_load %arg7[%get3A_2353] {strides = array<i32>} : memref<512xi32, #tpu.memory_space<vmem>>, vector<16xi32>,
        %mul3A_2355 = arith.constant 16 : i32
        %mul3A_2356 = arith.muli %scan3A_418, %mul3A_2355 : i32
        %get3A_2357 = arith.index_cast %mul3A_2356 : i32 to index
        %get3A_2358 = tpu.vector_load %arg8[%get3A_2357] {strides = array<i32>} : memref<512xi32, #tpu.memory_space<vmem>>, vector<16xi32>,
        %slice3A_2359 = vector.extract_strided_slice %get3A_2354 {offsets = [11], sizes = [1], strides = [1]} : vector<16xi32> to vector<1xi32>
        %squeeze3A_2360 = vector.extract %slice3A_2359[0] : i32 from vector<1xi32>
        %slice3A_2361 = vector.extract_strided_slice %get3A_2358 {offsets = [11], sizes = [1], strides = [1]} : vector<16xi32> to vector<1xi32>
        %squeeze3A_2362 = vector.extract %slice3A_2361[0] : i32 from vector<1xi32>
        %shift_right_arithmetic3A_2363 = arith.constant 7 : i32
        %shift_right_arithmetic3A_2364 = arith.shrsi %squeeze3A_2360, %shift_right_arithmetic3A_2363 : i32
        %shift_left3A_2365 = arith.constant 7 : i32
        %shift_left3A_2366 = arith.shli %shift_right_arithmetic3A_2364, %shift_left3A_2365 : i32
        %multiple_of3A_2367 = tpu.assume_multiple %shift_left3A_2366, 128 : i32
        %shift_right_arithmetic3A_2368 = arith.constant 7 : i32
        %shift_right_arithmetic3A_2369 = arith.shrsi %squeeze3A_2362, %shift_right_arithmetic3A_2368 : i32
        %shift_left3A_2370 = arith.constant 7 : i32
        %shift_left3A_2371 = arith.shli %shift_right_arithmetic3A_2369, %shift_left3A_2370 : i32
        %multiple_of3A_2372 = tpu.assume_multiple %shift_left3A_2371, 128 : i32
        %dma_start3A_2373 = arith.constant 3 : i32
        %dma_start3A_2374 = arith.constant 0 : i32
        %dma_start3A_2375 = arith.constant 0 : i32
        %dma_start3A_2376 = arith.constant 0 : i32
        %dma_start3A_2377 = tpu.memref_slice %arg9[%dma_start3A_2373, %dma_start3A_2374, %dma_start3A_2375, %dma_start3A_2376] : memref<8x4x8x128xf32, #tpu.memory_space<vmem>> -> memref<1x4x8x128xf32, #tpu.memory_space<vmem>>
        %dma_start3A_2378 = tpu.memref_squeeze %dma_start3A_2377 : memref<1x4x8x128xf32, #tpu.memory_space<vmem>> -> memref<4x8x128xf32, #tpu.memory_space<vmem>>
        %dma_start3A_2379 = arith.constant 0 : i32
        %dma_start3A_2380 = arith.constant 0 : i32
        %dma_start3A_2381 = tpu.memref_slice %arg4[%dma_start3A_2379, %dma_start3A_2380, %multiple_of3A_2367] : memref<4x8x1000000xf32, #tpu.memory_space<hbm>> -> memref<4x8x128xf32, #tpu.memory_space<hbm>>
        %dma_start3A_2382 = arith.constant 0 : i32
        %dma_start3A_2383 = arith.constant 0 : i32
        %dma_start3A_2384 = arith.constant 0 : i32
        %dma_start3A_2385 = tpu.memref_slice %arg9[%dma_start3A_2373, %dma_start3A_2382, %dma_start3A_2383, %dma_start3A_2384] : memref<8x4x8x128xf32, #tpu.memory_space<vmem>> -> memref<1x4x8x128xf32, #tpu.memory_space<vmem>>
        %dma_start3A_2386 = tpu.memref_squeeze %dma_start3A_2385 : memref<1x4x8x128xf32, #tpu.memory_space<vmem>> -> memref<4x8x128xf32, #tpu.memory_space<vmem>>
        %dma_start3A_2387 = arith.constant 0 : i32
        %dma_start3A_2388 = arith.constant 0 : i32
        %dma_start3A_2389 = tpu.memref_slice %arg4[%dma_start3A_2387, %dma_start3A_2388, %multiple_of3A_2367] : memref<4x8x1000000xf32, #tpu.memory_space<hbm>> -> memref<4x8x128xf32, #tpu.memory_space<hbm>>
        tpu.enqueue_dma source(%dma_start3A_2389 : memref<4x8x128xf32, #tpu.memory_space<hbm>>) target(%dma_start3A_2386 : memref<4x8x128xf32, #tpu.memory_space<vmem>>) target_semaphore(%arg12 : memref<!tpu.dma_semaphore, #tpu.memory_space<semaphore_mem>>)
        %dma_start3A_2390 = arith.constant 3 : i32
        %dma_start3A_2391 = arith.constant 0 : i32
        %dma_start3A_2392 = arith.constant 0 : i32
        %dma_start3A_2393 = arith.constant 0 : i32
        %dma_start3A_2394 = tpu.memref_slice %arg10[%dma_start3A_2390, %dma_start3A_2391, %dma_start3A_2392, %dma_start3A_2393] : memref<8x4x8x128xf32, #tpu.memory_space<vmem>> -> memref<1x4x8x128xf32, #tpu.memory_space<vmem>>
        %dma_start3A_2395 = tpu.memref_squeeze %dma_start3A_2394 : memref<1x4x8x128xf32, #tpu.memory_space<vmem>> -> memref<4x8x128xf32, #tpu.memory_space<vmem>>
        %dma_start3A_2396 = arith.constant 0 : i32
        %dma_start3A_2397 = arith.constant 0 : i32
        %dma_start3A_2398 = tpu.memref_slice %arg5[%dma_start3A_2396, %dma_start3A_2397, %multiple_of3A_2372] : memref<4x8x1000000xf32, #tpu.memory_space<hbm>> -> memref<4x8x128xf32, #tpu.memory_space<hbm>>
        %dma_start3A_2399 = arith.constant 0 : i32
        %dma_start3A_2400 = arith.constant 0 : i32
        %dma_start3A_2401 = arith.constant 0 : i32
        %dma_start3A_2402 = tpu.memref_slice %arg10[%dma_start3A_2390, %dma_start3A_2399, %dma_start3A_2400, %dma_start3A_2401] : memref<8x4x8x128xf32, #tpu.memory_space<vmem>> -> memref<1x4x8x128xf32, #tpu.memory_space<vmem>>
        %dma_start3A_2403 = tpu.memref_squeeze %dma_start3A_2402 : memref<1x4x8x128xf32, #tpu.memory_space<vmem>> -> memref<4x8x128xf32, #tpu.memory_space<vmem>>
        %dma_start3A_2404 = arith.constant 0 : i32
        %dma_start3A_2405 = arith.constant 0 : i32
        %dma_start3A_2406 = tpu.memref_slice %arg5[%dma_start3A_2404, %dma_start3A_2405, %multiple_of3A_2372] : memref<4x8x1000000xf32, #tpu.memory_space<hbm>> -> memref<4x8x128xf32, #tpu.memory_space<hbm>>
        tpu.enqueue_dma source(%dma_start3A_2406 : memref<4x8x128xf32, #tpu.memory_space<hbm>>) target(%dma_start3A_2403 : memref<4x8x128xf32, #tpu.memory_space<vmem>>) target_semaphore(%arg13 : memref<!tpu.dma_semaphore, #tpu.memory_space<semaphore_mem>>)
      } else {
      }
      %dma_wait3A_892 = arith.constant 4 : i32
      %dma_wait3A_893 = arith.constant 0 : i32
      %dma_wait3A_894 = arith.constant 0 : i32
      %dma_wait3A_895 = arith.constant 0 : i32
      %dma_wait3A_896 = tpu.memref_slice %arg9[%dma_wait3A_892, %dma_wait3A_893, %dma_wait3A_894, %dma_wait3A_895] : memref<8x4x8x128xf32, #tpu.memory_space<vmem>> -> memref<1x4x8x128xf32, #tpu.memory_space<vmem>>
      %dma_wait3A_897 = tpu.memref_squeeze %dma_wait3A_896 : memref<1x4x8x128xf32, #tpu.memory_space<vmem>> -> memref<4x8x128xf32, #tpu.memory_space<vmem>>
      %dma_wait3A_898 = arith.constant 0 : i32
      %dma_wait3A_899 = arith.constant 0 : i32
      %dma_wait3A_900 = arith.constant 0 : i32
      %dma_wait3A_901 = tpu.memref_slice %arg4[%dma_wait3A_898, %dma_wait3A_899, %dma_wait3A_900] : memref<4x8x1000000xf32, #tpu.memory_space<hbm>> -> memref<4x8x128xf32, #tpu.memory_space<hbm>>
      %dma_wait3A_902 = arith.constant 0 : i32
      %dma_wait3A_903 = arith.constant 0 : i32
      %dma_wait3A_904 = arith.constant 0 : i32
      %dma_wait3A_905 = tpu.memref_slice %arg9[%dma_wait3A_892, %dma_wait3A_902, %dma_wait3A_903, %dma_wait3A_904] : memref<8x4x8x128xf32, #tpu.memory_space<vmem>> -> memref<1x4x8x128xf32, #tpu.memory_space<vmem>>
      %dma_wait3A_906 = tpu.memref_squeeze %dma_wait3A_905 : memref<1x4x8x128xf32, #tpu.memory_space<vmem>> -> memref<4x8x128xf32, #tpu.memory_space<vmem>>
      %dma_wait3A_907 = arith.constant 0 : i32
      %dma_wait3A_908 = arith.constant 0 : i32
      %dma_wait3A_909 = arith.constant 0 : i32
      %dma_wait3A_910 = tpu.memref_slice %arg4[%dma_wait3A_907, %dma_wait3A_908, %dma_wait3A_909] : memref<4x8x1000000xf32, #tpu.memory_space<hbm>> -> memref<4x8x128xf32, #tpu.memory_space<hbm>>
      tpu.wait_dma2 semaphore(%arg12 : memref<!tpu.dma_semaphore, #tpu.memory_space<semaphore_mem>>) src(%dma_wait3A_910 : memref<4x8x128xf32, #tpu.memory_space<hbm>>) dst(%dma_wait3A_906 : memref<4x8x128xf32, #tpu.memory_space<vmem>>)
      %dma_wait3A_911 = arith.constant 4 : i32
      %dma_wait3A_912 = arith.constant 0 : i32
      %dma_wait3A_913 = arith.constant 0 : i32
      %dma_wait3A_914 = arith.constant 0 : i32
      %dma_wait3A_915 = tpu.memref_slice %arg10[%dma_wait3A_911, %dma_wait3A_912, %dma_wait3A_913, %dma_wait3A_914] : memref<8x4x8x128xf32, #tpu.memory_space<vmem>> -> memref<1x4x8x128xf32, #tpu.memory_space<vmem>>
      %dma_wait3A_916 = tpu.memref_squeeze %dma_wait3A_915 : memref<1x4x8x128xf32, #tpu.memory_space<vmem>> -> memref<4x8x128xf32, #tpu.memory_space<vmem>>
      %dma_wait3A_917 = arith.constant 0 : i32
      %dma_wait3A_918 = arith.constant 0 : i32
      %dma_wait3A_919 = arith.constant 0 : i32
      %dma_wait3A_920 = tpu.memref_slice %arg5[%dma_wait3A_917, %dma_wait3A_918, %dma_wait3A_919] : memref<4x8x1000000xf32, #tpu.memory_space<hbm>> -> memref<4x8x128xf32, #tpu.memory_space<hbm>>
      %dma_wait3A_921 = arith.constant 0 : i32
      %dma_wait3A_922 = arith.constant 0 : i32
      %dma_wait3A_923 = arith.constant 0 : i32
      %dma_wait3A_924 = tpu.memref_slice %arg10[%dma_wait3A_911, %dma_wait3A_921, %dma_wait3A_922, %dma_wait3A_923] : memref<8x4x8x128xf32, #tpu.memory_space<vmem>> -> memref<1x4x8x128xf32, #tpu.memory_space<vmem>>
      %dma_wait3A_925 = tpu.memref_squeeze %dma_wait3A_924 : memref<1x4x8x128xf32, #tpu.memory_space<vmem>> -> memref<4x8x128xf32, #tpu.memory_space<vmem>>
      %dma_wait3A_926 = arith.constant 0 : i32
      %dma_wait3A_927 = arith.constant 0 : i32
      %dma_wait3A_928 = arith.constant 0 : i32
      %dma_wait3A_929 = tpu.memref_slice %arg5[%dma_wait3A_926, %dma_wait3A_927, %dma_wait3A_928] : memref<4x8x1000000xf32, #tpu.memory_space<hbm>> -> memref<4x8x128xf32, #tpu.memory_space<hbm>>
      tpu.wait_dma2 semaphore(%arg13 : memref<!tpu.dma_semaphore, #tpu.memory_space<semaphore_mem>>) src(%dma_wait3A_929 : memref<4x8x128xf32, #tpu.memory_space<hbm>>) dst(%dma_wait3A_925 : memref<4x8x128xf32, #tpu.memory_space<vmem>>)
      %mul3A_930 = arith.constant 16 : i32
      %mul3A_931 = arith.muli %scan3A_418, %mul3A_930 : i32
      %get3A_932 = arith.index_cast %mul3A_931 : i32 to index
      %get3A_933 = tpu.vector_load %arg7[%get3A_932] {strides = array<i32>} : memref<512xi32, #tpu.memory_space<vmem>>, vector<16xi32>,
      %mul3A_934 = arith.constant 16 : i32
      %mul3A_935 = arith.muli %scan3A_418, %mul3A_934 : i32
      %get3A_936 = arith.index_cast %mul3A_935 : i32 to index
      %get3A_937 = tpu.vector_load %arg8[%get3A_936] {strides = array<i32>} : memref<512xi32, #tpu.memory_space<vmem>>, vector<16xi32>,
      %slice3A_938 = vector.extract_strided_slice %get3A_933 {offsets = [4], sizes = [1], strides = [1]} : vector<16xi32> to vector<1xi32>
      %squeeze3A_939 = vector.extract %slice3A_938[0] : i32 from vector<1xi32>
      %and3A_940 = arith.constant 127 : i32
      %and3A_941 = arith.andi %squeeze3A_939, %and3A_940 : i32
      %broadcast_in_dim3A_942 = vector.broadcast %and3A_941 : i32 to vector<16xi32>
      %slice3A_943 = vector.extract_strided_slice %get3A_937 {offsets = [4], sizes = [1], strides = [1]} : vector<16xi32> to vector<1xi32>
      %squeeze3A_944 = vector.extract %slice3A_943[0] : i32 from vector<1xi32>
      %and3A_945 = arith.constant 127 : i32
      %and3A_946 = arith.andi %squeeze3A_944, %and3A_945 : i32
      %broadcast_in_dim3A_947 = vector.broadcast %and3A_946 : i32 to vector<16xi32>
      %broadcast_in_dim3A_948 = arith.constant 4 : i32
      %broadcast_in_dim3A_949 = vector.broadcast %broadcast_in_dim3A_948 : i32 to vector<16xi32>
      %broadcast_in_dim3A_950 = arith.constant 0.000000e+00 : f32
      %broadcast_in_dim3A_951 = vector.broadcast %broadcast_in_dim3A_950 : f32 to vector<16xf32>
      %add3A_952 = arith.constant 0 : i32
      %add3A_953 = vector.broadcast %add3A_952 : i32 to vector<16xi32>
      %add3A_954 = arith.addi %add3A_953, %iota3A : vector<16xi32>
      %shift_right_arithmetic3A_955 = arith.constant 3 : i32
      %shift_right_arithmetic3A_956 = vector.broadcast %shift_right_arithmetic3A_955 : i32 to vector<16xi32>
      %shift_right_arithmetic3A_957 = arith.shrsi %add3A_954, %shift_right_arithmetic3A_956 : vector<16xi32>
      %and3A_958 = arith.constant 7 : i32
      %and3A_959 = vector.broadcast %and3A_958 : i32 to vector<16xi32>
      %and3A_960 = arith.andi %add3A_954, %and3A_959 : vector<16xi32>
      %gather3A_961 = tpu.vector_load_idx %arg9[%broadcast_in_dim3A_949, %shift_right_arithmetic3A_957, %and3A_960, %broadcast_in_dim3A_942] : memref<8x4x8x128xf32, #tpu.memory_space<vmem>>[vector<16xi32>, vector<16xi32>, vector<16xi32>, vector<16xi32>], vector<16xf32>,
      %shift_right_arithmetic3A_962 = arith.constant 3 : i32
      %shift_right_arithmetic3A_963 = vector.broadcast %shift_right_arithmetic3A_962 : i32 to vector<16xi32>
      %shift_right_arithmetic3A_964 = arith.shrsi %add3A_954, %shift_right_arithmetic3A_963 : vector<16xi32>
      %and3A_965 = arith.constant 7 : i32
      %and3A_966 = vector.broadcast %and3A_965 : i32 to vector<16xi32>
      %and3A_967 = arith.andi %add3A_954, %and3A_966 : vector<16xi32>
      %gather3A_968 = tpu.vector_load_idx %arg10[%broadcast_in_dim3A_949, %shift_right_arithmetic3A_964, %and3A_967, %broadcast_in_dim3A_947] : memref<8x4x8x128xf32, #tpu.memory_space<vmem>>[vector<16xi32>, vector<16xi32>, vector<16xi32>, vector<16xi32>], vector<16xf32>,
      %mul3A_969 = arith.mulf %gather3A_961, %gather3A_968 : vector<16xf32>
      %add3A_970 = arith.addf %broadcast_in_dim3A_951, %mul3A_969 : vector<16xf32>
      %add3A_971 = arith.constant 16 : i32
      %add3A_972 = vector.broadcast %add3A_971 : i32 to vector<16xi32>
      %add3A_973 = arith.addi %add3A_972, %iota3A : vector<16xi32>
      %shift_right_arithmetic3A_974 = arith.constant 3 : i32
      %shift_right_arithmetic3A_975 = vector.broadcast %shift_right_arithmetic3A_974 : i32 to vector<16xi32>
      %shift_right_arithmetic3A_976 = arith.shrsi %add3A_973, %shift_right_arithmetic3A_975 : vector<16xi32>
      %and3A_977 = arith.constant 7 : i32
      %and3A_978 = vector.broadcast %and3A_977 : i32 to vector<16xi32>
      %and3A_979 = arith.andi %add3A_973, %and3A_978 : vector<16xi32>
      %gather3A_980 = tpu.vector_load_idx %arg9[%broadcast_in_dim3A_949, %shift_right_arithmetic3A_976, %and3A_979, %broadcast_in_dim3A_942] : memref<8x4x8x128xf32, #tpu.memory_space<vmem>>[vector<16xi32>, vector<16xi32>, vector<16xi32>, vector<16xi32>], vector<16xf32>,
      %shift_right_arithmetic3A_981 = arith.constant 3 : i32
      %shift_right_arithmetic3A_982 = vector.broadcast %shift_right_arithmetic3A_981 : i32 to vector<16xi32>
      %shift_right_arithmetic3A_983 = arith.shrsi %add3A_973, %shift_right_arithmetic3A_982 : vector<16xi32>
      %and3A_984 = arith.constant 7 : i32
      %and3A_985 = vector.broadcast %and3A_984 : i32 to vector<16xi32>
      %and3A_986 = arith.andi %add3A_973, %and3A_985 : vector<16xi32>
      %gather3A_987 = tpu.vector_load_idx %arg10[%broadcast_in_dim3A_949, %shift_right_arithmetic3A_983, %and3A_986, %broadcast_in_dim3A_947] : memref<8x4x8x128xf32, #tpu.memory_space<vmem>>[vector<16xi32>, vector<16xi32>, vector<16xi32>, vector<16xi32>], vector<16xf32>,
      %mul3A_988 = arith.mulf %gather3A_980, %gather3A_987 : vector<16xf32>
      %add3A_989 = arith.addf %add3A_970, %mul3A_988 : vector<16xf32>
      %broadcast_in_dim3A_990 = arith.constant true
      %broadcast_in_dim3A_991 = vector.broadcast %broadcast_in_dim3A_990 : i1 to vector<16xi1>
      %masked_cumsum3A_992 = tpu.scan <sum>, %add3A_989 masked %broadcast_in_dim3A_991 : vector<16xf32>, vector<16xi1> -> vector<16xf32>
      %lt3A_993 = arith.constant 0 : i32
      %lt3A_994 = vector.broadcast %lt3A_993 : i32 to vector<16xi32>
      %lt3A_995 = arith.cmpi slt, %broadcast_in_dim3A_3, %lt3A_994 : vector<16xi32>
      %add3A_996 = arith.constant 16 : i32
      %add3A_997 = vector.broadcast %add3A_996 : i32 to vector<16xi32>
      %add3A_998 = arith.addi %broadcast_in_dim3A_3, %add3A_997 : vector<16xi32>
      %select_n3A_999 = arith.select %lt3A_995, %add3A_998, %broadcast_in_dim3A_3 : vector<16xi1>, vector<16xi32>
      %broadcast_in_dim3A_1000 = vector.shape_cast %select_n3A_999 : vector<16xi32> to vector<16x1xi32>
      %gather3A_1001 = vector.shape_cast %broadcast_in_dim3A_1000 : vector<16x1xi32> to vector<16xi32>
      %gather3A_1002 = tpu.dynamic_gather %masked_cumsum3A_992[%gather3A_1001] in [0] : vector<16xf32>, vector<16xi32> -> vector<16xf32>
      %eq3A_1003 = arith.constant 4 : i32
      %eq3A_1004 = vector.broadcast %eq3A_1003 : i32 to vector<16xi32>
      %eq3A_1005 = arith.cmpi eq, %iota3A, %eq3A_1004 : vector<16xi32>
      %select_n3A_1006 = arith.select %eq3A_1005, %gather3A_1002, %select_n3A_886 : vector<16xi1>, vector<16xf32>
      %lt3A_1007 = arith.constant 32 : i32
      %lt3A_1008 = arith.cmpi slt, %scan3A_418, %lt3A_1007 : i32
      %convert_element_type3A_1009 = arith.extui %lt3A_1008 : i1 to i32
      %cond3A_1010 = arith.constant 0 : i32
      %cond3A_1011 = arith.cmpi ne, %convert_element_type3A_1009, %cond3A_1010 : i32
      scf.if %cond3A_1011 {
        %mul3A_2351 = arith.constant 16 : i32
        %mul3A_2352 = arith.muli %scan3A_418, %mul3A_2351 : i32
        %get3A_2353 = arith.index_cast %mul3A_2352 : i32 to index
        %get3A_2354 = tpu.vector_load %arg7[%get3A_2353] {strides = array<i32>} : memref<512xi32, #tpu.memory_space<vmem>>, vector<16xi32>,
        %mul3A_2355 = arith.constant 16 : i32
        %mul3A_2356 = arith.muli %scan3A_418, %mul3A_2355 : i32
        %get3A_2357 = arith.index_cast %mul3A_2356 : i32 to index
        %get3A_2358 = tpu.vector_load %arg8[%get3A_2357] {strides = array<i32>} : memref<512xi32, #tpu.memory_space<vmem>>, vector<16xi32>,
        %slice3A_2359 = vector.extract_strided_slice %get3A_2354 {offsets = [12], sizes = [1], strides = [1]} : vector<16xi32> to vector<1xi32>
        %squeeze3A_2360 = vector.extract %slice3A_2359[0] : i32 from vector<1xi32>
        %slice3A_2361 = vector.extract_strided_slice %get3A_2358 {offsets = [12], sizes = [1], strides = [1]} : vector<16xi32> to vector<1xi32>
        %squeeze3A_2362 = vector.extract %slice3A_2361[0] : i32 from vector<1xi32>
        %shift_right_arithmetic3A_2363 = arith.constant 7 : i32
        %shift_right_arithmetic3A_2364 = arith.shrsi %squeeze3A_2360, %shift_right_arithmetic3A_2363 : i32
        %shift_left3A_2365 = arith.constant 7 : i32
        %shift_left3A_2366 = arith.shli %shift_right_arithmetic3A_2364, %shift_left3A_2365 : i32
        %multiple_of3A_2367 = tpu.assume_multiple %shift_left3A_2366, 128 : i32
        %shift_right_arithmetic3A_2368 = arith.constant 7 : i32
        %shift_right_arithmetic3A_2369 = arith.shrsi %squeeze3A_2362, %shift_right_arithmetic3A_2368 : i32
        %shift_left3A_2370 = arith.constant 7 : i32
        %shift_left3A_2371 = arith.shli %shift_right_arithmetic3A_2369, %shift_left3A_2370 : i32
        %multiple_of3A_2372 = tpu.assume_multiple %shift_left3A_2371, 128 : i32
        %dma_start3A_2373 = arith.constant 4 : i32
        %dma_start3A_2374 = arith.constant 0 : i32
        %dma_start3A_2375 = arith.constant 0 : i32
        %dma_start3A_2376 = arith.constant 0 : i32
        %dma_start3A_2377 = tpu.memref_slice %arg9[%dma_start3A_2373, %dma_start3A_2374, %dma_start3A_2375, %dma_start3A_2376] : memref<8x4x8x128xf32, #tpu.memory_space<vmem>> -> memref<1x4x8x128xf32, #tpu.memory_space<vmem>>
        %dma_start3A_2378 = tpu.memref_squeeze %dma_start3A_2377 : memref<1x4x8x128xf32, #tpu.memory_space<vmem>> -> memref<4x8x128xf32, #tpu.memory_space<vmem>>
        %dma_start3A_2379 = arith.constant 0 : i32
        %dma_start3A_2380 = arith.constant 0 : i32
        %dma_start3A_2381 = tpu.memref_slice %arg4[%dma_start3A_2379, %dma_start3A_2380, %multiple_of3A_2367] : memref<4x8x1000000xf32, #tpu.memory_space<hbm>> -> memref<4x8x128xf32, #tpu.memory_space<hbm>>
        %dma_start3A_2382 = arith.constant 0 : i32
        %dma_start3A_2383 = arith.constant 0 : i32
        %dma_start3A_2384 = arith.constant 0 : i32
        %dma_start3A_2385 = tpu.memref_slice %arg9[%dma_start3A_2373, %dma_start3A_2382, %dma_start3A_2383, %dma_start3A_2384] : memref<8x4x8x128xf32, #tpu.memory_space<vmem>> -> memref<1x4x8x128xf32, #tpu.memory_space<vmem>>
        %dma_start3A_2386 = tpu.memref_squeeze %dma_start3A_2385 : memref<1x4x8x128xf32, #tpu.memory_space<vmem>> -> memref<4x8x128xf32, #tpu.memory_space<vmem>>
        %dma_start3A_2387 = arith.constant 0 : i32
        %dma_start3A_2388 = arith.constant 0 : i32
        %dma_start3A_2389 = tpu.memref_slice %arg4[%dma_start3A_2387, %dma_start3A_2388, %multiple_of3A_2367] : memref<4x8x1000000xf32, #tpu.memory_space<hbm>> -> memref<4x8x128xf32, #tpu.memory_space<hbm>>
        tpu.enqueue_dma source(%dma_start3A_2389 : memref<4x8x128xf32, #tpu.memory_space<hbm>>) target(%dma_start3A_2386 : memref<4x8x128xf32, #tpu.memory_space<vmem>>) target_semaphore(%arg12 : memref<!tpu.dma_semaphore, #tpu.memory_space<semaphore_mem>>)
        %dma_start3A_2390 = arith.constant 4 : i32
        %dma_start3A_2391 = arith.constant 0 : i32
        %dma_start3A_2392 = arith.constant 0 : i32
        %dma_start3A_2393 = arith.constant 0 : i32
        %dma_start3A_2394 = tpu.memref_slice %arg10[%dma_start3A_2390, %dma_start3A_2391, %dma_start3A_2392, %dma_start3A_2393] : memref<8x4x8x128xf32, #tpu.memory_space<vmem>> -> memref<1x4x8x128xf32, #tpu.memory_space<vmem>>
        %dma_start3A_2395 = tpu.memref_squeeze %dma_start3A_2394 : memref<1x4x8x128xf32, #tpu.memory_space<vmem>> -> memref<4x8x128xf32, #tpu.memory_space<vmem>>
        %dma_start3A_2396 = arith.constant 0 : i32
        %dma_start3A_2397 = arith.constant 0 : i32
        %dma_start3A_2398 = tpu.memref_slice %arg5[%dma_start3A_2396, %dma_start3A_2397, %multiple_of3A_2372] : memref<4x8x1000000xf32, #tpu.memory_space<hbm>> -> memref<4x8x128xf32, #tpu.memory_space<hbm>>
        %dma_start3A_2399 = arith.constant 0 : i32
        %dma_start3A_2400 = arith.constant 0 : i32
        %dma_start3A_2401 = arith.constant 0 : i32
        %dma_start3A_2402 = tpu.memref_slice %arg10[%dma_start3A_2390, %dma_start3A_2399, %dma_start3A_2400, %dma_start3A_2401] : memref<8x4x8x128xf32, #tpu.memory_space<vmem>> -> memref<1x4x8x128xf32, #tpu.memory_space<vmem>>
        %dma_start3A_2403 = tpu.memref_squeeze %dma_start3A_2402 : memref<1x4x8x128xf32, #tpu.memory_space<vmem>> -> memref<4x8x128xf32, #tpu.memory_space<vmem>>
        %dma_start3A_2404 = arith.constant 0 : i32
        %dma_start3A_2405 = arith.constant 0 : i32
        %dma_start3A_2406 = tpu.memref_slice %arg5[%dma_start3A_2404, %dma_start3A_2405, %multiple_of3A_2372] : memref<4x8x1000000xf32, #tpu.memory_space<hbm>> -> memref<4x8x128xf32, #tpu.memory_space<hbm>>
        tpu.enqueue_dma source(%dma_start3A_2406 : memref<4x8x128xf32, #tpu.memory_space<hbm>>) target(%dma_start3A_2403 : memref<4x8x128xf32, #tpu.memory_space<vmem>>) target_semaphore(%arg13 : memref<!tpu.dma_semaphore, #tpu.memory_space<semaphore_mem>>)
      } else {
      }
      %dma_wait3A_1012 = arith.constant 5 : i32
      %dma_wait3A_1013 = arith.constant 0 : i32
      %dma_wait3A_1014 = arith.constant 0 : i32
      %dma_wait3A_1015 = arith.constant 0 : i32
      %dma_wait3A_1016 = tpu.memref_slice %arg9[%dma_wait3A_1012, %dma_wait3A_1013, %dma_wait3A_1014, %dma_wait3A_1015] : memref<8x4x8x128xf32, #tpu.memory_space<vmem>> -> memref<1x4x8x128xf32, #tpu.memory_space<vmem>>
      %dma_wait3A_1017 = tpu.memref_squeeze %dma_wait3A_1016 : memref<1x4x8x128xf32, #tpu.memory_space<vmem>> -> memref<4x8x128xf32, #tpu.memory_space<vmem>>
      %dma_wait3A_1018 = arith.constant 0 : i32
      %dma_wait3A_1019 = arith.constant 0 : i32
      %dma_wait3A_1020 = arith.constant 0 : i32
      %dma_wait3A_1021 = tpu.memref_slice %arg4[%dma_wait3A_1018, %dma_wait3A_1019, %dma_wait3A_1020] : memref<4x8x1000000xf32, #tpu.memory_space<hbm>> -> memref<4x8x128xf32, #tpu.memory_space<hbm>>
      %dma_wait3A_1022 = arith.constant 0 : i32
      %dma_wait3A_1023 = arith.constant 0 : i32
      %dma_wait3A_1024 = arith.constant 0 : i32
      %dma_wait3A_1025 = tpu.memref_slice %arg9[%dma_wait3A_1012, %dma_wait3A_1022, %dma_wait3A_1023, %dma_wait3A_1024] : memref<8x4x8x128xf32, #tpu.memory_space<vmem>> -> memref<1x4x8x128xf32, #tpu.memory_space<vmem>>
      %dma_wait3A_1026 = tpu.memref_squeeze %dma_wait3A_1025 : memref<1x4x8x128xf32, #tpu.memory_space<vmem>> -> memref<4x8x128xf32, #tpu.memory_space<vmem>>
      %dma_wait3A_1027 = arith.constant 0 : i32
      %dma_wait3A_1028 = arith.constant 0 : i32
      %dma_wait3A_1029 = arith.constant 0 : i32
      %dma_wait3A_1030 = tpu.memref_slice %arg4[%dma_wait3A_1027, %dma_wait3A_1028, %dma_wait3A_1029] : memref<4x8x1000000xf32, #tpu.memory_space<hbm>> -> memref<4x8x128xf32, #tpu.memory_space<hbm>>
      tpu.wait_dma2 semaphore(%arg12 : memref<!tpu.dma_semaphore, #tpu.memory_space<semaphore_mem>>) src(%dma_wait3A_1030 : memref<4x8x128xf32, #tpu.memory_space<hbm>>) dst(%dma_wait3A_1026 : memref<4x8x128xf32, #tpu.memory_space<vmem>>)
      %dma_wait3A_1031 = arith.constant 5 : i32
      %dma_wait3A_1032 = arith.constant 0 : i32
      %dma_wait3A_1033 = arith.constant 0 : i32
      %dma_wait3A_1034 = arith.constant 0 : i32
      %dma_wait3A_1035 = tpu.memref_slice %arg10[%dma_wait3A_1031, %dma_wait3A_1032, %dma_wait3A_1033, %dma_wait3A_1034] : memref<8x4x8x128xf32, #tpu.memory_space<vmem>> -> memref<1x4x8x128xf32, #tpu.memory_space<vmem>>
      %dma_wait3A_1036 = tpu.memref_squeeze %dma_wait3A_1035 : memref<1x4x8x128xf32, #tpu.memory_space<vmem>> -> memref<4x8x128xf32, #tpu.memory_space<vmem>>
      %dma_wait3A_1037 = arith.constant 0 : i32
      %dma_wait3A_1038 = arith.constant 0 : i32
      %dma_wait3A_1039 = arith.constant 0 : i32
      %dma_wait3A_1040 = tpu.memref_slice %arg5[%dma_wait3A_1037, %dma_wait3A_1038, %dma_wait3A_1039] : memref<4x8x1000000xf32, #tpu.memory_space<hbm>> -> memref<4x8x128xf32, #tpu.memory_space<hbm>>
      %dma_wait3A_1041 = arith.constant 0 : i32
      %dma_wait3A_1042 = arith.constant 0 : i32
      %dma_wait3A_1043 = arith.constant 0 : i32
      %dma_wait3A_1044 = tpu.memref_slice %arg10[%dma_wait3A_1031, %dma_wait3A_1041, %dma_wait3A_1042, %dma_wait3A_1043] : memref<8x4x8x128xf32, #tpu.memory_space<vmem>> -> memref<1x4x8x128xf32, #tpu.memory_space<vmem>>
      %dma_wait3A_1045 = tpu.memref_squeeze %dma_wait3A_1044 : memref<1x4x8x128xf32, #tpu.memory_space<vmem>> -> memref<4x8x128xf32, #tpu.memory_space<vmem>>
      %dma_wait3A_1046 = arith.constant 0 : i32
      %dma_wait3A_1047 = arith.constant 0 : i32
      %dma_wait3A_1048 = arith.constant 0 : i32
      %dma_wait3A_1049 = tpu.memref_slice %arg5[%dma_wait3A_1046, %dma_wait3A_1047, %dma_wait3A_1048] : memref<4x8x1000000xf32, #tpu.memory_space<hbm>> -> memref<4x8x128xf32, #tpu.memory_space<hbm>>
      tpu.wait_dma2 semaphore(%arg13 : memref<!tpu.dma_semaphore, #tpu.memory_space<semaphore_mem>>) src(%dma_wait3A_1049 : memref<4x8x128xf32, #tpu.memory_space<hbm>>) dst(%dma_wait3A_1045 : memref<4x8x128xf32, #tpu.memory_space<vmem>>)
      %mul3A_1050 = arith.constant 16 : i32
      %mul3A_1051 = arith.muli %scan3A_418, %mul3A_1050 : i32
      %get3A_1052 = arith.index_cast %mul3A_1051 : i32 to index
      %get3A_1053 = tpu.vector_load %arg7[%get3A_1052] {strides = array<i32>} : memref<512xi32, #tpu.memory_space<vmem>>, vector<16xi32>,
      %mul3A_1054 = arith.constant 16 : i32
      %mul3A_1055 = arith.muli %scan3A_418, %mul3A_1054 : i32
      %get3A_1056 = arith.index_cast %mul3A_1055 : i32 to index
      %get3A_1057 = tpu.vector_load %arg8[%get3A_1056] {strides = array<i32>} : memref<512xi32, #tpu.memory_space<vmem>>, vector<16xi32>,
      %slice3A_1058 = vector.extract_strided_slice %get3A_1053 {offsets = [5], sizes = [1], strides = [1]} : vector<16xi32> to vector<1xi32>
      %squeeze3A_1059 = vector.extract %slice3A_1058[0] : i32 from vector<1xi32>
      %and3A_1060 = arith.constant 127 : i32
      %and3A_1061 = arith.andi %squeeze3A_1059, %and3A_1060 : i32
      %broadcast_in_dim3A_1062 = vector.broadcast %and3A_1061 : i32 to vector<16xi32>
      %slice3A_1063 = vector.extract_strided_slice %get3A_1057 {offsets = [5], sizes = [1], strides = [1]} : vector<16xi32> to vector<1xi32>
      %squeeze3A_1064 = vector.extract %slice3A_1063[0] : i32 from vector<1xi32>
      %and3A_1065 = arith.constant 127 : i32
      %and3A_1066 = arith.andi %squeeze3A_1064, %and3A_1065 : i32
      %broadcast_in_dim3A_1067 = vector.broadcast %and3A_1066 : i32 to vector<16xi32>
      %broadcast_in_dim3A_1068 = arith.constant 5 : i32
      %broadcast_in_dim3A_1069 = vector.broadcast %broadcast_in_dim3A_1068 : i32 to vector<16xi32>
      %broadcast_in_dim3A_1070 = arith.constant 0.000000e+00 : f32
      %broadcast_in_dim3A_1071 = vector.broadcast %broadcast_in_dim3A_1070 : f32 to vector<16xf32>
      %add3A_1072 = arith.constant 0 : i32
      %add3A_1073 = vector.broadcast %add3A_1072 : i32 to vector<16xi32>
      %add3A_1074 = arith.addi %add3A_1073, %iota3A : vector<16xi32>
      %shift_right_arithmetic3A_1075 = arith.constant 3 : i32
      %shift_right_arithmetic3A_1076 = vector.broadcast %shift_right_arithmetic3A_1075 : i32 to vector<16xi32>
      %shift_right_arithmetic3A_1077 = arith.shrsi %add3A_1074, %shift_right_arithmetic3A_1076 : vector<16xi32>
      %and3A_1078 = arith.constant 7 : i32
      %and3A_1079 = vector.broadcast %and3A_1078 : i32 to vector<16xi32>
      %and3A_1080 = arith.andi %add3A_1074, %and3A_1079 : vector<16xi32>
      %gather3A_1081 = tpu.vector_load_idx %arg9[%broadcast_in_dim3A_1069, %shift_right_arithmetic3A_1077, %and3A_1080, %broadcast_in_dim3A_1062] : memref<8x4x8x128xf32, #tpu.memory_space<vmem>>[vector<16xi32>, vector<16xi32>, vector<16xi32>, vector<16xi32>], vector<16xf32>,
      %shift_right_arithmetic3A_1082 = arith.constant 3 : i32
      %shift_right_arithmetic3A_1083 = vector.broadcast %shift_right_arithmetic3A_1082 : i32 to vector<16xi32>
      %shift_right_arithmetic3A_1084 = arith.shrsi %add3A_1074, %shift_right_arithmetic3A_1083 : vector<16xi32>
      %and3A_1085 = arith.constant 7 : i32
      %and3A_1086 = vector.broadcast %and3A_1085 : i32 to vector<16xi32>
      %and3A_1087 = arith.andi %add3A_1074, %and3A_1086 : vector<16xi32>
      %gather3A_1088 = tpu.vector_load_idx %arg10[%broadcast_in_dim3A_1069, %shift_right_arithmetic3A_1084, %and3A_1087, %broadcast_in_dim3A_1067] : memref<8x4x8x128xf32, #tpu.memory_space<vmem>>[vector<16xi32>, vector<16xi32>, vector<16xi32>, vector<16xi32>], vector<16xf32>,
      %mul3A_1089 = arith.mulf %gather3A_1081, %gather3A_1088 : vector<16xf32>
      %add3A_1090 = arith.addf %broadcast_in_dim3A_1071, %mul3A_1089 : vector<16xf32>
      %add3A_1091 = arith.constant 16 : i32
      %add3A_1092 = vector.broadcast %add3A_1091 : i32 to vector<16xi32>
      %add3A_1093 = arith.addi %add3A_1092, %iota3A : vector<16xi32>
      %shift_right_arithmetic3A_1094 = arith.constant 3 : i32
      %shift_right_arithmetic3A_1095 = vector.broadcast %shift_right_arithmetic3A_1094 : i32 to vector<16xi32>
      %shift_right_arithmetic3A_1096 = arith.shrsi %add3A_1093, %shift_right_arithmetic3A_1095 : vector<16xi32>
      %and3A_1097 = arith.constant 7 : i32
      %and3A_1098 = vector.broadcast %and3A_1097 : i32 to vector<16xi32>
      %and3A_1099 = arith.andi %add3A_1093, %and3A_1098 : vector<16xi32>
      %gather3A_1100 = tpu.vector_load_idx %arg9[%broadcast_in_dim3A_1069, %shift_right_arithmetic3A_1096, %and3A_1099, %broadcast_in_dim3A_1062] : memref<8x4x8x128xf32, #tpu.memory_space<vmem>>[vector<16xi32>, vector<16xi32>, vector<16xi32>, vector<16xi32>], vector<16xf32>,
      %shift_right_arithmetic3A_1101 = arith.constant 3 : i32
      %shift_right_arithmetic3A_1102 = vector.broadcast %shift_right_arithmetic3A_1101 : i32 to vector<16xi32>
      %shift_right_arithmetic3A_1103 = arith.shrsi %add3A_1093, %shift_right_arithmetic3A_1102 : vector<16xi32>
      %and3A_1104 = arith.constant 7 : i32
      %and3A_1105 = vector.broadcast %and3A_1104 : i32 to vector<16xi32>
      %and3A_1106 = arith.andi %add3A_1093, %and3A_1105 : vector<16xi32>
      %gather3A_1107 = tpu.vector_load_idx %arg10[%broadcast_in_dim3A_1069, %shift_right_arithmetic3A_1103, %and3A_1106, %broadcast_in_dim3A_1067] : memref<8x4x8x128xf32, #tpu.memory_space<vmem>>[vector<16xi32>, vector<16xi32>, vector<16xi32>, vector<16xi32>], vector<16xf32>,
      %mul3A_1108 = arith.mulf %gather3A_1100, %gather3A_1107 : vector<16xf32>
      %add3A_1109 = arith.addf %add3A_1090, %mul3A_1108 : vector<16xf32>
      %broadcast_in_dim3A_1110 = arith.constant true
      %broadcast_in_dim3A_1111 = vector.broadcast %broadcast_in_dim3A_1110 : i1 to vector<16xi1>
      %masked_cumsum3A_1112 = tpu.scan <sum>, %add3A_1109 masked %broadcast_in_dim3A_1111 : vector<16xf32>, vector<16xi1> -> vector<16xf32>
      %lt3A_1113 = arith.constant 0 : i32
      %lt3A_1114 = vector.broadcast %lt3A_1113 : i32 to vector<16xi32>
      %lt3A_1115 = arith.cmpi slt, %broadcast_in_dim3A_3, %lt3A_1114 : vector<16xi32>
      %add3A_1116 = arith.constant 16 : i32
      %add3A_1117 = vector.broadcast %add3A_1116 : i32 to vector<16xi32>
      %add3A_1118 = arith.addi %broadcast_in_dim3A_3, %add3A_1117 : vector<16xi32>
      %select_n3A_1119 = arith.select %lt3A_1115, %add3A_1118, %broadcast_in_dim3A_3 : vector<16xi1>, vector<16xi32>
      %broadcast_in_dim3A_1120 = vector.shape_cast %select_n3A_1119 : vector<16xi32> to vector<16x1xi32>
      %gather3A_1121 = vector.shape_cast %broadcast_in_dim3A_1120 : vector<16x1xi32> to vector<16xi32>
      %gather3A_1122 = tpu.dynamic_gather %masked_cumsum3A_1112[%gather3A_1121] in [0] : vector<16xf32>, vector<16xi32> -> vector<16xf32>
      %eq3A_1123 = arith.constant 5 : i32
      %eq3A_1124 = vector.broadcast %eq3A_1123 : i32 to vector<16xi32>
      %eq3A_1125 = arith.cmpi eq, %iota3A, %eq3A_1124 : vector<16xi32>
      %select_n3A_1126 = arith.select %eq3A_1125, %gather3A_1122, %select_n3A_1006 : vector<16xi1>, vector<16xf32>
      %lt3A_1127 = arith.constant 32 : i32
      %lt3A_1128 = arith.cmpi slt, %scan3A_418, %lt3A_1127 : i32
      %convert_element_type3A_1129 = arith.extui %lt3A_1128 : i1 to i32
      %cond3A_1130 = arith.constant 0 : i32
      %cond3A_1131 = arith.cmpi ne, %convert_element_type3A_1129, %cond3A_1130 : i32
      scf.if %cond3A_1131 {
        %mul3A_2351 = arith.constant 16 : i32
        %mul3A_2352 = arith.muli %scan3A_418, %mul3A_2351 : i32
        %get3A_2353 = arith.index_cast %mul3A_2352 : i32 to index
        %get3A_2354 = tpu.vector_load %arg7[%get3A_2353] {strides = array<i32>} : memref<512xi32, #tpu.memory_space<vmem>>, vector<16xi32>,
        %mul3A_2355 = arith.constant 16 : i32
        %mul3A_2356 = arith.muli %scan3A_418, %mul3A_2355 : i32
        %get3A_2357 = arith.index_cast %mul3A_2356 : i32 to index
        %get3A_2358 = tpu.vector_load %arg8[%get3A_2357] {strides = array<i32>} : memref<512xi32, #tpu.memory_space<vmem>>, vector<16xi32>,
        %slice3A_2359 = vector.extract_strided_slice %get3A_2354 {offsets = [13], sizes = [1], strides = [1]} : vector<16xi32> to vector<1xi32>
        %squeeze3A_2360 = vector.extract %slice3A_2359[0] : i32 from vector<1xi32>
        %slice3A_2361 = vector.extract_strided_slice %get3A_2358 {offsets = [13], sizes = [1], strides = [1]} : vector<16xi32> to vector<1xi32>
        %squeeze3A_2362 = vector.extract %slice3A_2361[0] : i32 from vector<1xi32>
        %shift_right_arithmetic3A_2363 = arith.constant 7 : i32
        %shift_right_arithmetic3A_2364 = arith.shrsi %squeeze3A_2360, %shift_right_arithmetic3A_2363 : i32
        %shift_left3A_2365 = arith.constant 7 : i32
        %shift_left3A_2366 = arith.shli %shift_right_arithmetic3A_2364, %shift_left3A_2365 : i32
        %multiple_of3A_2367 = tpu.assume_multiple %shift_left3A_2366, 128 : i32
        %shift_right_arithmetic3A_2368 = arith.constant 7 : i32
        %shift_right_arithmetic3A_2369 = arith.shrsi %squeeze3A_2362, %shift_right_arithmetic3A_2368 : i32
        %shift_left3A_2370 = arith.constant 7 : i32
        %shift_left3A_2371 = arith.shli %shift_right_arithmetic3A_2369, %shift_left3A_2370 : i32
        %multiple_of3A_2372 = tpu.assume_multiple %shift_left3A_2371, 128 : i32
        %dma_start3A_2373 = arith.constant 5 : i32
        %dma_start3A_2374 = arith.constant 0 : i32
        %dma_start3A_2375 = arith.constant 0 : i32
        %dma_start3A_2376 = arith.constant 0 : i32
        %dma_start3A_2377 = tpu.memref_slice %arg9[%dma_start3A_2373, %dma_start3A_2374, %dma_start3A_2375, %dma_start3A_2376] : memref<8x4x8x128xf32, #tpu.memory_space<vmem>> -> memref<1x4x8x128xf32, #tpu.memory_space<vmem>>
        %dma_start3A_2378 = tpu.memref_squeeze %dma_start3A_2377 : memref<1x4x8x128xf32, #tpu.memory_space<vmem>> -> memref<4x8x128xf32, #tpu.memory_space<vmem>>
        %dma_start3A_2379 = arith.constant 0 : i32
        %dma_start3A_2380 = arith.constant 0 : i32
        %dma_start3A_2381 = tpu.memref_slice %arg4[%dma_start3A_2379, %dma_start3A_2380, %multiple_of3A_2367] : memref<4x8x1000000xf32, #tpu.memory_space<hbm>> -> memref<4x8x128xf32, #tpu.memory_space<hbm>>
        %dma_start3A_2382 = arith.constant 0 : i32
        %dma_start3A_2383 = arith.constant 0 : i32
        %dma_start3A_2384 = arith.constant 0 : i32
        %dma_start3A_2385 = tpu.memref_slice %arg9[%dma_start3A_2373, %dma_start3A_2382, %dma_start3A_2383, %dma_start3A_2384] : memref<8x4x8x128xf32, #tpu.memory_space<vmem>> -> memref<1x4x8x128xf32, #tpu.memory_space<vmem>>
        %dma_start3A_2386 = tpu.memref_squeeze %dma_start3A_2385 : memref<1x4x8x128xf32, #tpu.memory_space<vmem>> -> memref<4x8x128xf32, #tpu.memory_space<vmem>>
        %dma_start3A_2387 = arith.constant 0 : i32
        %dma_start3A_2388 = arith.constant 0 : i32
        %dma_start3A_2389 = tpu.memref_slice %arg4[%dma_start3A_2387, %dma_start3A_2388, %multiple_of3A_2367] : memref<4x8x1000000xf32, #tpu.memory_space<hbm>> -> memref<4x8x128xf32, #tpu.memory_space<hbm>>
        tpu.enqueue_dma source(%dma_start3A_2389 : memref<4x8x128xf32, #tpu.memory_space<hbm>>) target(%dma_start3A_2386 : memref<4x8x128xf32, #tpu.memory_space<vmem>>) target_semaphore(%arg12 : memref<!tpu.dma_semaphore, #tpu.memory_space<semaphore_mem>>)
        %dma_start3A_2390 = arith.constant 5 : i32
        %dma_start3A_2391 = arith.constant 0 : i32
        %dma_start3A_2392 = arith.constant 0 : i32
        %dma_start3A_2393 = arith.constant 0 : i32
        %dma_start3A_2394 = tpu.memref_slice %arg10[%dma_start3A_2390, %dma_start3A_2391, %dma_start3A_2392, %dma_start3A_2393] : memref<8x4x8x128xf32, #tpu.memory_space<vmem>> -> memref<1x4x8x128xf32, #tpu.memory_space<vmem>>
        %dma_start3A_2395 = tpu.memref_squeeze %dma_start3A_2394 : memref<1x4x8x128xf32, #tpu.memory_space<vmem>> -> memref<4x8x128xf32, #tpu.memory_space<vmem>>
        %dma_start3A_2396 = arith.constant 0 : i32
        %dma_start3A_2397 = arith.constant 0 : i32
        %dma_start3A_2398 = tpu.memref_slice %arg5[%dma_start3A_2396, %dma_start3A_2397, %multiple_of3A_2372] : memref<4x8x1000000xf32, #tpu.memory_space<hbm>> -> memref<4x8x128xf32, #tpu.memory_space<hbm>>
        %dma_start3A_2399 = arith.constant 0 : i32
        %dma_start3A_2400 = arith.constant 0 : i32
        %dma_start3A_2401 = arith.constant 0 : i32
        %dma_start3A_2402 = tpu.memref_slice %arg10[%dma_start3A_2390, %dma_start3A_2399, %dma_start3A_2400, %dma_start3A_2401] : memref<8x4x8x128xf32, #tpu.memory_space<vmem>> -> memref<1x4x8x128xf32, #tpu.memory_space<vmem>>
        %dma_start3A_2403 = tpu.memref_squeeze %dma_start3A_2402 : memref<1x4x8x128xf32, #tpu.memory_space<vmem>> -> memref<4x8x128xf32, #tpu.memory_space<vmem>>
        %dma_start3A_2404 = arith.constant 0 : i32
        %dma_start3A_2405 = arith.constant 0 : i32
        %dma_start3A_2406 = tpu.memref_slice %arg5[%dma_start3A_2404, %dma_start3A_2405, %multiple_of3A_2372] : memref<4x8x1000000xf32, #tpu.memory_space<hbm>> -> memref<4x8x128xf32, #tpu.memory_space<hbm>>
        tpu.enqueue_dma source(%dma_start3A_2406 : memref<4x8x128xf32, #tpu.memory_space<hbm>>) target(%dma_start3A_2403 : memref<4x8x128xf32, #tpu.memory_space<vmem>>) target_semaphore(%arg13 : memref<!tpu.dma_semaphore, #tpu.memory_space<semaphore_mem>>)
      } else {
      }
      %dma_wait3A_1132 = arith.constant 6 : i32
      %dma_wait3A_1133 = arith.constant 0 : i32
      %dma_wait3A_1134 = arith.constant 0 : i32
      %dma_wait3A_1135 = arith.constant 0 : i32
      %dma_wait3A_1136 = tpu.memref_slice %arg9[%dma_wait3A_1132, %dma_wait3A_1133, %dma_wait3A_1134, %dma_wait3A_1135] : memref<8x4x8x128xf32, #tpu.memory_space<vmem>> -> memref<1x4x8x128xf32, #tpu.memory_space<vmem>>
      %dma_wait3A_1137 = tpu.memref_squeeze %dma_wait3A_1136 : memref<1x4x8x128xf32, #tpu.memory_space<vmem>> -> memref<4x8x128xf32, #tpu.memory_space<vmem>>
      %dma_wait3A_1138 = arith.constant 0 : i32
      %dma_wait3A_1139 = arith.constant 0 : i32
      %dma_wait3A_1140 = arith.constant 0 : i32
      %dma_wait3A_1141 = tpu.memref_slice %arg4[%dma_wait3A_1138, %dma_wait3A_1139, %dma_wait3A_1140] : memref<4x8x1000000xf32, #tpu.memory_space<hbm>> -> memref<4x8x128xf32, #tpu.memory_space<hbm>>
      %dma_wait3A_1142 = arith.constant 0 : i32
      %dma_wait3A_1143 = arith.constant 0 : i32
      %dma_wait3A_1144 = arith.constant 0 : i32
      %dma_wait3A_1145 = tpu.memref_slice %arg9[%dma_wait3A_1132, %dma_wait3A_1142, %dma_wait3A_1143, %dma_wait3A_1144] : memref<8x4x8x128xf32, #tpu.memory_space<vmem>> -> memref<1x4x8x128xf32, #tpu.memory_space<vmem>>
      %dma_wait3A_1146 = tpu.memref_squeeze %dma_wait3A_1145 : memref<1x4x8x128xf32, #tpu.memory_space<vmem>> -> memref<4x8x128xf32, #tpu.memory_space<vmem>>
      %dma_wait3A_1147 = arith.constant 0 : i32
      %dma_wait3A_1148 = arith.constant 0 : i32
      %dma_wait3A_1149 = arith.constant 0 : i32
      %dma_wait3A_1150 = tpu.memref_slice %arg4[%dma_wait3A_1147, %dma_wait3A_1148, %dma_wait3A_1149] : memref<4x8x1000000xf32, #tpu.memory_space<hbm>> -> memref<4x8x128xf32, #tpu.memory_space<hbm>>
      tpu.wait_dma2 semaphore(%arg12 : memref<!tpu.dma_semaphore, #tpu.memory_space<semaphore_mem>>) src(%dma_wait3A_1150 : memref<4x8x128xf32, #tpu.memory_space<hbm>>) dst(%dma_wait3A_1146 : memref<4x8x128xf32, #tpu.memory_space<vmem>>)
      %dma_wait3A_1151 = arith.constant 6 : i32
      %dma_wait3A_1152 = arith.constant 0 : i32
      %dma_wait3A_1153 = arith.constant 0 : i32
      %dma_wait3A_1154 = arith.constant 0 : i32
      %dma_wait3A_1155 = tpu.memref_slice %arg10[%dma_wait3A_1151, %dma_wait3A_1152, %dma_wait3A_1153, %dma_wait3A_1154] : memref<8x4x8x128xf32, #tpu.memory_space<vmem>> -> memref<1x4x8x128xf32, #tpu.memory_space<vmem>>
      %dma_wait3A_1156 = tpu.memref_squeeze %dma_wait3A_1155 : memref<1x4x8x128xf32, #tpu.memory_space<vmem>> -> memref<4x8x128xf32, #tpu.memory_space<vmem>>
      %dma_wait3A_1157 = arith.constant 0 : i32
      %dma_wait3A_1158 = arith.constant 0 : i32
      %dma_wait3A_1159 = arith.constant 0 : i32
      %dma_wait3A_1160 = tpu.memref_slice %arg5[%dma_wait3A_1157, %dma_wait3A_1158, %dma_wait3A_1159] : memref<4x8x1000000xf32, #tpu.memory_space<hbm>> -> memref<4x8x128xf32, #tpu.memory_space<hbm>>
      %dma_wait3A_1161 = arith.constant 0 : i32
      %dma_wait3A_1162 = arith.constant 0 : i32
      %dma_wait3A_1163 = arith.constant 0 : i32
      %dma_wait3A_1164 = tpu.memref_slice %arg10[%dma_wait3A_1151, %dma_wait3A_1161, %dma_wait3A_1162, %dma_wait3A_1163] : memref<8x4x8x128xf32, #tpu.memory_space<vmem>> -> memref<1x4x8x128xf32, #tpu.memory_space<vmem>>
      %dma_wait3A_1165 = tpu.memref_squeeze %dma_wait3A_1164 : memref<1x4x8x128xf32, #tpu.memory_space<vmem>> -> memref<4x8x128xf32, #tpu.memory_space<vmem>>
      %dma_wait3A_1166 = arith.constant 0 : i32
      %dma_wait3A_1167 = arith.constant 0 : i32
      %dma_wait3A_1168 = arith.constant 0 : i32
      %dma_wait3A_1169 = tpu.memref_slice %arg5[%dma_wait3A_1166, %dma_wait3A_1167, %dma_wait3A_1168] : memref<4x8x1000000xf32, #tpu.memory_space<hbm>> -> memref<4x8x128xf32, #tpu.memory_space<hbm>>
      tpu.wait_dma2 semaphore(%arg13 : memref<!tpu.dma_semaphore, #tpu.memory_space<semaphore_mem>>) src(%dma_wait3A_1169 : memref<4x8x128xf32, #tpu.memory_space<hbm>>) dst(%dma_wait3A_1165 : memref<4x8x128xf32, #tpu.memory_space<vmem>>)
      %mul3A_1170 = arith.constant 16 : i32
      %mul3A_1171 = arith.muli %scan3A_418, %mul3A_1170 : i32
      %get3A_1172 = arith.index_cast %mul3A_1171 : i32 to index
      %get3A_1173 = tpu.vector_load %arg7[%get3A_1172] {strides = array<i32>} : memref<512xi32, #tpu.memory_space<vmem>>, vector<16xi32>,
      %mul3A_1174 = arith.constant 16 : i32
      %mul3A_1175 = arith.muli %scan3A_418, %mul3A_1174 : i32
      %get3A_1176 = arith.index_cast %mul3A_1175 : i32 to index
      %get3A_1177 = tpu.vector_load %arg8[%get3A_1176] {strides = array<i32>} : memref<512xi32, #tpu.memory_space<vmem>>, vector<16xi32>,
      %slice3A_1178 = vector.extract_strided_slice %get3A_1173 {offsets = [6], sizes = [1], strides = [1]} : vector<16xi32> to vector<1xi32>
      %squeeze3A_1179 = vector.extract %slice3A_1178[0] : i32 from vector<1xi32>
      %and3A_1180 = arith.constant 127 : i32
      %and3A_1181 = arith.andi %squeeze3A_1179, %and3A_1180 : i32
      %broadcast_in_dim3A_1182 = vector.broadcast %and3A_1181 : i32 to vector<16xi32>
      %slice3A_1183 = vector.extract_strided_slice %get3A_1177 {offsets = [6], sizes = [1], strides = [1]} : vector<16xi32> to vector<1xi32>
      %squeeze3A_1184 = vector.extract %slice3A_1183[0] : i32 from vector<1xi32>
      %and3A_1185 = arith.constant 127 : i32
      %and3A_1186 = arith.andi %squeeze3A_1184, %and3A_1185 : i32
      %broadcast_in_dim3A_1187 = vector.broadcast %and3A_1186 : i32 to vector<16xi32>
      %broadcast_in_dim3A_1188 = arith.constant 6 : i32
      %broadcast_in_dim3A_1189 = vector.broadcast %broadcast_in_dim3A_1188 : i32 to vector<16xi32>
      %broadcast_in_dim3A_1190 = arith.constant 0.000000e+00 : f32
      %broadcast_in_dim3A_1191 = vector.broadcast %broadcast_in_dim3A_1190 : f32 to vector<16xf32>
      %add3A_1192 = arith.constant 0 : i32
      %add3A_1193 = vector.broadcast %add3A_1192 : i32 to vector<16xi32>
      %add3A_1194 = arith.addi %add3A_1193, %iota3A : vector<16xi32>
      %shift_right_arithmetic3A_1195 = arith.constant 3 : i32
      %shift_right_arithmetic3A_1196 = vector.broadcast %shift_right_arithmetic3A_1195 : i32 to vector<16xi32>
      %shift_right_arithmetic3A_1197 = arith.shrsi %add3A_1194, %shift_right_arithmetic3A_1196 : vector<16xi32>
      %and3A_1198 = arith.constant 7 : i32
      %and3A_1199 = vector.broadcast %and3A_1198 : i32 to vector<16xi32>
      %and3A_1200 = arith.andi %add3A_1194, %and3A_1199 : vector<16xi32>
      %gather3A_1201 = tpu.vector_load_idx %arg9[%broadcast_in_dim3A_1189, %shift_right_arithmetic3A_1197, %and3A_1200, %broadcast_in_dim3A_1182] : memref<8x4x8x128xf32, #tpu.memory_space<vmem>>[vector<16xi32>, vector<16xi32>, vector<16xi32>, vector<16xi32>], vector<16xf32>,
      %shift_right_arithmetic3A_1202 = arith.constant 3 : i32
      %shift_right_arithmetic3A_1203 = vector.broadcast %shift_right_arithmetic3A_1202 : i32 to vector<16xi32>
      %shift_right_arithmetic3A_1204 = arith.shrsi %add3A_1194, %shift_right_arithmetic3A_1203 : vector<16xi32>
      %and3A_1205 = arith.constant 7 : i32
      %and3A_1206 = vector.broadcast %and3A_1205 : i32 to vector<16xi32>
      %and3A_1207 = arith.andi %add3A_1194, %and3A_1206 : vector<16xi32>
      %gather3A_1208 = tpu.vector_load_idx %arg10[%broadcast_in_dim3A_1189, %shift_right_arithmetic3A_1204, %and3A_1207, %broadcast_in_dim3A_1187] : memref<8x4x8x128xf32, #tpu.memory_space<vmem>>[vector<16xi32>, vector<16xi32>, vector<16xi32>, vector<16xi32>], vector<16xf32>,
      %mul3A_1209 = arith.mulf %gather3A_1201, %gather3A_1208 : vector<16xf32>
      %add3A_1210 = arith.addf %broadcast_in_dim3A_1191, %mul3A_1209 : vector<16xf32>
      %add3A_1211 = arith.constant 16 : i32
      %add3A_1212 = vector.broadcast %add3A_1211 : i32 to vector<16xi32>
      %add3A_1213 = arith.addi %add3A_1212, %iota3A : vector<16xi32>
      %shift_right_arithmetic3A_1214 = arith.constant 3 : i32
      %shift_right_arithmetic3A_1215 = vector.broadcast %shift_right_arithmetic3A_1214 : i32 to vector<16xi32>
      %shift_right_arithmetic3A_1216 = arith.shrsi %add3A_1213, %shift_right_arithmetic3A_1215 : vector<16xi32>
      %and3A_1217 = arith.constant 7 : i32
      %and3A_1218 = vector.broadcast %and3A_1217 : i32 to vector<16xi32>
      %and3A_1219 = arith.andi %add3A_1213, %and3A_1218 : vector<16xi32>
      %gather3A_1220 = tpu.vector_load_idx %arg9[%broadcast_in_dim3A_1189, %shift_right_arithmetic3A_1216, %and3A_1219, %broadcast_in_dim3A_1182] : memref<8x4x8x128xf32, #tpu.memory_space<vmem>>[vector<16xi32>, vector<16xi32>, vector<16xi32>, vector<16xi32>], vector<16xf32>,
      %shift_right_arithmetic3A_1221 = arith.constant 3 : i32
      %shift_right_arithmetic3A_1222 = vector.broadcast %shift_right_arithmetic3A_1221 : i32 to vector<16xi32>
      %shift_right_arithmetic3A_1223 = arith.shrsi %add3A_1213, %shift_right_arithmetic3A_1222 : vector<16xi32>
      %and3A_1224 = arith.constant 7 : i32
      %and3A_1225 = vector.broadcast %and3A_1224 : i32 to vector<16xi32>
      %and3A_1226 = arith.andi %add3A_1213, %and3A_1225 : vector<16xi32>
      %gather3A_1227 = tpu.vector_load_idx %arg10[%broadcast_in_dim3A_1189, %shift_right_arithmetic3A_1223, %and3A_1226, %broadcast_in_dim3A_1187] : memref<8x4x8x128xf32, #tpu.memory_space<vmem>>[vector<16xi32>, vector<16xi32>, vector<16xi32>, vector<16xi32>], vector<16xf32>,
      %mul3A_1228 = arith.mulf %gather3A_1220, %gather3A_1227 : vector<16xf32>
      %add3A_1229 = arith.addf %add3A_1210, %mul3A_1228 : vector<16xf32>
      %broadcast_in_dim3A_1230 = arith.constant true
      %broadcast_in_dim3A_1231 = vector.broadcast %broadcast_in_dim3A_1230 : i1 to vector<16xi1>
      %masked_cumsum3A_1232 = tpu.scan <sum>, %add3A_1229 masked %broadcast_in_dim3A_1231 : vector<16xf32>, vector<16xi1> -> vector<16xf32>
      %lt3A_1233 = arith.constant 0 : i32
      %lt3A_1234 = vector.broadcast %lt3A_1233 : i32 to vector<16xi32>
      %lt3A_1235 = arith.cmpi slt, %broadcast_in_dim3A_3, %lt3A_1234 : vector<16xi32>
      %add3A_1236 = arith.constant 16 : i32
      %add3A_1237 = vector.broadcast %add3A_1236 : i32 to vector<16xi32>
      %add3A_1238 = arith.addi %broadcast_in_dim3A_3, %add3A_1237 : vector<16xi32>
      %select_n3A_1239 = arith.select %lt3A_1235, %add3A_1238, %broadcast_in_dim3A_3 : vector<16xi1>, vector<16xi32>
      %broadcast_in_dim3A_1240 = vector.shape_cast %select_n3A_1239 : vector<16xi32> to vector<16x1xi32>
      %gather3A_1241 = vector.shape_cast %broadcast_in_dim3A_1240 : vector<16x1xi32> to vector<16xi32>
      %gather3A_1242 = tpu.dynamic_gather %masked_cumsum3A_1232[%gather3A_1241] in [0] : vector<16xf32>, vector<16xi32> -> vector<16xf32>
      %eq3A_1243 = arith.constant 6 : i32
      %eq3A_1244 = vector.broadcast %eq3A_1243 : i32 to vector<16xi32>
      %eq3A_1245 = arith.cmpi eq, %iota3A, %eq3A_1244 : vector<16xi32>
      %select_n3A_1246 = arith.select %eq3A_1245, %gather3A_1242, %select_n3A_1126 : vector<16xi1>, vector<16xf32>
      %lt3A_1247 = arith.constant 32 : i32
      %lt3A_1248 = arith.cmpi slt, %scan3A_418, %lt3A_1247 : i32
      %convert_element_type3A_1249 = arith.extui %lt3A_1248 : i1 to i32
      %cond3A_1250 = arith.constant 0 : i32
      %cond3A_1251 = arith.cmpi ne, %convert_element_type3A_1249, %cond3A_1250 : i32
      scf.if %cond3A_1251 {
        %mul3A_2351 = arith.constant 16 : i32
        %mul3A_2352 = arith.muli %scan3A_418, %mul3A_2351 : i32
        %get3A_2353 = arith.index_cast %mul3A_2352 : i32 to index
        %get3A_2354 = tpu.vector_load %arg7[%get3A_2353] {strides = array<i32>} : memref<512xi32, #tpu.memory_space<vmem>>, vector<16xi32>,
        %mul3A_2355 = arith.constant 16 : i32
        %mul3A_2356 = arith.muli %scan3A_418, %mul3A_2355 : i32
        %get3A_2357 = arith.index_cast %mul3A_2356 : i32 to index
        %get3A_2358 = tpu.vector_load %arg8[%get3A_2357] {strides = array<i32>} : memref<512xi32, #tpu.memory_space<vmem>>, vector<16xi32>,
        %slice3A_2359 = vector.extract_strided_slice %get3A_2354 {offsets = [14], sizes = [1], strides = [1]} : vector<16xi32> to vector<1xi32>
        %squeeze3A_2360 = vector.extract %slice3A_2359[0] : i32 from vector<1xi32>
        %slice3A_2361 = vector.extract_strided_slice %get3A_2358 {offsets = [14], sizes = [1], strides = [1]} : vector<16xi32> to vector<1xi32>
        %squeeze3A_2362 = vector.extract %slice3A_2361[0] : i32 from vector<1xi32>
        %shift_right_arithmetic3A_2363 = arith.constant 7 : i32
        %shift_right_arithmetic3A_2364 = arith.shrsi %squeeze3A_2360, %shift_right_arithmetic3A_2363 : i32
        %shift_left3A_2365 = arith.constant 7 : i32
        %shift_left3A_2366 = arith.shli %shift_right_arithmetic3A_2364, %shift_left3A_2365 : i32
        %multiple_of3A_2367 = tpu.assume_multiple %shift_left3A_2366, 128 : i32
        %shift_right_arithmetic3A_2368 = arith.constant 7 : i32
        %shift_right_arithmetic3A_2369 = arith.shrsi %squeeze3A_2362, %shift_right_arithmetic3A_2368 : i32
        %shift_left3A_2370 = arith.constant 7 : i32
        %shift_left3A_2371 = arith.shli %shift_right_arithmetic3A_2369, %shift_left3A_2370 : i32
        %multiple_of3A_2372 = tpu.assume_multiple %shift_left3A_2371, 128 : i32
        %dma_start3A_2373 = arith.constant 6 : i32
        %dma_start3A_2374 = arith.constant 0 : i32
        %dma_start3A_2375 = arith.constant 0 : i32
        %dma_start3A_2376 = arith.constant 0 : i32
        %dma_start3A_2377 = tpu.memref_slice %arg9[%dma_start3A_2373, %dma_start3A_2374, %dma_start3A_2375, %dma_start3A_2376] : memref<8x4x8x128xf32, #tpu.memory_space<vmem>> -> memref<1x4x8x128xf32, #tpu.memory_space<vmem>>
        %dma_start3A_2378 = tpu.memref_squeeze %dma_start3A_2377 : memref<1x4x8x128xf32, #tpu.memory_space<vmem>> -> memref<4x8x128xf32, #tpu.memory_space<vmem>>
        %dma_start3A_2379 = arith.constant 0 : i32
        %dma_start3A_2380 = arith.constant 0 : i32
        %dma_start3A_2381 = tpu.memref_slice %arg4[%dma_start3A_2379, %dma_start3A_2380, %multiple_of3A_2367] : memref<4x8x1000000xf32, #tpu.memory_space<hbm>> -> memref<4x8x128xf32, #tpu.memory_space<hbm>>
        %dma_start3A_2382 = arith.constant 0 : i32
        %dma_start3A_2383 = arith.constant 0 : i32
        %dma_start3A_2384 = arith.constant 0 : i32
        %dma_start3A_2385 = tpu.memref_slice %arg9[%dma_start3A_2373, %dma_start3A_2382, %dma_start3A_2383, %dma_start3A_2384] : memref<8x4x8x128xf32, #tpu.memory_space<vmem>> -> memref<1x4x8x128xf32, #tpu.memory_space<vmem>>
        %dma_start3A_2386 = tpu.memref_squeeze %dma_start3A_2385 : memref<1x4x8x128xf32, #tpu.memory_space<vmem>> -> memref<4x8x128xf32, #tpu.memory_space<vmem>>
        %dma_start3A_2387 = arith.constant 0 : i32
        %dma_start3A_2388 = arith.constant 0 : i32
        %dma_start3A_2389 = tpu.memref_slice %arg4[%dma_start3A_2387, %dma_start3A_2388, %multiple_of3A_2367] : memref<4x8x1000000xf32, #tpu.memory_space<hbm>> -> memref<4x8x128xf32, #tpu.memory_space<hbm>>
        tpu.enqueue_dma source(%dma_start3A_2389 : memref<4x8x128xf32, #tpu.memory_space<hbm>>) target(%dma_start3A_2386 : memref<4x8x128xf32, #tpu.memory_space<vmem>>) target_semaphore(%arg12 : memref<!tpu.dma_semaphore, #tpu.memory_space<semaphore_mem>>)
        %dma_start3A_2390 = arith.constant 6 : i32
        %dma_start3A_2391 = arith.constant 0 : i32
        %dma_start3A_2392 = arith.constant 0 : i32
        %dma_start3A_2393 = arith.constant 0 : i32
        %dma_start3A_2394 = tpu.memref_slice %arg10[%dma_start3A_2390, %dma_start3A_2391, %dma_start3A_2392, %dma_start3A_2393] : memref<8x4x8x128xf32, #tpu.memory_space<vmem>> -> memref<1x4x8x128xf32, #tpu.memory_space<vmem>>
        %dma_start3A_2395 = tpu.memref_squeeze %dma_start3A_2394 : memref<1x4x8x128xf32, #tpu.memory_space<vmem>> -> memref<4x8x128xf32, #tpu.memory_space<vmem>>
        %dma_start3A_2396 = arith.constant 0 : i32
        %dma_start3A_2397 = arith.constant 0 : i32
        %dma_start3A_2398 = tpu.memref_slice %arg5[%dma_start3A_2396, %dma_start3A_2397, %multiple_of3A_2372] : memref<4x8x1000000xf32, #tpu.memory_space<hbm>> -> memref<4x8x128xf32, #tpu.memory_space<hbm>>
        %dma_start3A_2399 = arith.constant 0 : i32
        %dma_start3A_2400 = arith.constant 0 : i32
        %dma_start3A_2401 = arith.constant 0 : i32
        %dma_start3A_2402 = tpu.memref_slice %arg10[%dma_start3A_2390, %dma_start3A_2399, %dma_start3A_2400, %dma_start3A_2401] : memref<8x4x8x128xf32, #tpu.memory_space<vmem>> -> memref<1x4x8x128xf32, #tpu.memory_space<vmem>>
        %dma_start3A_2403 = tpu.memref_squeeze %dma_start3A_2402 : memref<1x4x8x128xf32, #tpu.memory_space<vmem>> -> memref<4x8x128xf32, #tpu.memory_space<vmem>>
        %dma_start3A_2404 = arith.constant 0 : i32
        %dma_start3A_2405 = arith.constant 0 : i32
        %dma_start3A_2406 = tpu.memref_slice %arg5[%dma_start3A_2404, %dma_start3A_2405, %multiple_of3A_2372] : memref<4x8x1000000xf32, #tpu.memory_space<hbm>> -> memref<4x8x128xf32, #tpu.memory_space<hbm>>
        tpu.enqueue_dma source(%dma_start3A_2406 : memref<4x8x128xf32, #tpu.memory_space<hbm>>) target(%dma_start3A_2403 : memref<4x8x128xf32, #tpu.memory_space<vmem>>) target_semaphore(%arg13 : memref<!tpu.dma_semaphore, #tpu.memory_space<semaphore_mem>>)
      } else {
      }
      %dma_wait3A_1252 = arith.constant 7 : i32
      %dma_wait3A_1253 = arith.constant 0 : i32
      %dma_wait3A_1254 = arith.constant 0 : i32
      %dma_wait3A_1255 = arith.constant 0 : i32
      %dma_wait3A_1256 = tpu.memref_slice %arg9[%dma_wait3A_1252, %dma_wait3A_1253, %dma_wait3A_1254, %dma_wait3A_1255] : memref<8x4x8x128xf32, #tpu.memory_space<vmem>> -> memref<1x4x8x128xf32, #tpu.memory_space<vmem>>
      %dma_wait3A_1257 = tpu.memref_squeeze %dma_wait3A_1256 : memref<1x4x8x128xf32, #tpu.memory_space<vmem>> -> memref<4x8x128xf32, #tpu.memory_space<vmem>>
      %dma_wait3A_1258 = arith.constant 0 : i32
      %dma_wait3A_1259 = arith.constant 0 : i32
      %dma_wait3A_1260 = arith.constant 0 : i32
      %dma_wait3A_1261 = tpu.memref_slice %arg4[%dma_wait3A_1258, %dma_wait3A_1259, %dma_wait3A_1260] : memref<4x8x1000000xf32, #tpu.memory_space<hbm>> -> memref<4x8x128xf32, #tpu.memory_space<hbm>>
      %dma_wait3A_1262 = arith.constant 0 : i32
      %dma_wait3A_1263 = arith.constant 0 : i32
      %dma_wait3A_1264 = arith.constant 0 : i32
      %dma_wait3A_1265 = tpu.memref_slice %arg9[%dma_wait3A_1252, %dma_wait3A_1262, %dma_wait3A_1263, %dma_wait3A_1264] : memref<8x4x8x128xf32, #tpu.memory_space<vmem>> -> memref<1x4x8x128xf32, #tpu.memory_space<vmem>>
      %dma_wait3A_1266 = tpu.memref_squeeze %dma_wait3A_1265 : memref<1x4x8x128xf32, #tpu.memory_space<vmem>> -> memref<4x8x128xf32, #tpu.memory_space<vmem>>
      %dma_wait3A_1267 = arith.constant 0 : i32
      %dma_wait3A_1268 = arith.constant 0 : i32
      %dma_wait3A_1269 = arith.constant 0 : i32
      %dma_wait3A_1270 = tpu.memref_slice %arg4[%dma_wait3A_1267, %dma_wait3A_1268, %dma_wait3A_1269] : memref<4x8x1000000xf32, #tpu.memory_space<hbm>> -> memref<4x8x128xf32, #tpu.memory_space<hbm>>
      tpu.wait_dma2 semaphore(%arg12 : memref<!tpu.dma_semaphore, #tpu.memory_space<semaphore_mem>>) src(%dma_wait3A_1270 : memref<4x8x128xf32, #tpu.memory_space<hbm>>) dst(%dma_wait3A_1266 : memref<4x8x128xf32, #tpu.memory_space<vmem>>)
      %dma_wait3A_1271 = arith.constant 7 : i32
      %dma_wait3A_1272 = arith.constant 0 : i32
      %dma_wait3A_1273 = arith.constant 0 : i32
      %dma_wait3A_1274 = arith.constant 0 : i32
      %dma_wait3A_1275 = tpu.memref_slice %arg10[%dma_wait3A_1271, %dma_wait3A_1272, %dma_wait3A_1273, %dma_wait3A_1274] : memref<8x4x8x128xf32, #tpu.memory_space<vmem>> -> memref<1x4x8x128xf32, #tpu.memory_space<vmem>>
      %dma_wait3A_1276 = tpu.memref_squeeze %dma_wait3A_1275 : memref<1x4x8x128xf32, #tpu.memory_space<vmem>> -> memref<4x8x128xf32, #tpu.memory_space<vmem>>
      %dma_wait3A_1277 = arith.constant 0 : i32
      %dma_wait3A_1278 = arith.constant 0 : i32
      %dma_wait3A_1279 = arith.constant 0 : i32
      %dma_wait3A_1280 = tpu.memref_slice %arg5[%dma_wait3A_1277, %dma_wait3A_1278, %dma_wait3A_1279] : memref<4x8x1000000xf32, #tpu.memory_space<hbm>> -> memref<4x8x128xf32, #tpu.memory_space<hbm>>
      %dma_wait3A_1281 = arith.constant 0 : i32
      %dma_wait3A_1282 = arith.constant 0 : i32
      %dma_wait3A_1283 = arith.constant 0 : i32
      %dma_wait3A_1284 = tpu.memref_slice %arg10[%dma_wait3A_1271, %dma_wait3A_1281, %dma_wait3A_1282, %dma_wait3A_1283] : memref<8x4x8x128xf32, #tpu.memory_space<vmem>> -> memref<1x4x8x128xf32, #tpu.memory_space<vmem>>
      %dma_wait3A_1285 = tpu.memref_squeeze %dma_wait3A_1284 : memref<1x4x8x128xf32, #tpu.memory_space<vmem>> -> memref<4x8x128xf32, #tpu.memory_space<vmem>>
      %dma_wait3A_1286 = arith.constant 0 : i32
      %dma_wait3A_1287 = arith.constant 0 : i32
      %dma_wait3A_1288 = arith.constant 0 : i32
      %dma_wait3A_1289 = tpu.memref_slice %arg5[%dma_wait3A_1286, %dma_wait3A_1287, %dma_wait3A_1288] : memref<4x8x1000000xf32, #tpu.memory_space<hbm>> -> memref<4x8x128xf32, #tpu.memory_space<hbm>>
      tpu.wait_dma2 semaphore(%arg13 : memref<!tpu.dma_semaphore, #tpu.memory_space<semaphore_mem>>) src(%dma_wait3A_1289 : memref<4x8x128xf32, #tpu.memory_space<hbm>>) dst(%dma_wait3A_1285 : memref<4x8x128xf32, #tpu.memory_space<vmem>>)
      %mul3A_1290 = arith.constant 16 : i32
      %mul3A_1291 = arith.muli %scan3A_418, %mul3A_1290 : i32
      %get3A_1292 = arith.index_cast %mul3A_1291 : i32 to index
      %get3A_1293 = tpu.vector_load %arg7[%get3A_1292] {strides = array<i32>} : memref<512xi32, #tpu.memory_space<vmem>>, vector<16xi32>,
      %mul3A_1294 = arith.constant 16 : i32
      %mul3A_1295 = arith.muli %scan3A_418, %mul3A_1294 : i32
      %get3A_1296 = arith.index_cast %mul3A_1295 : i32 to index
      %get3A_1297 = tpu.vector_load %arg8[%get3A_1296] {strides = array<i32>} : memref<512xi32, #tpu.memory_space<vmem>>, vector<16xi32>,
      %slice3A_1298 = vector.extract_strided_slice %get3A_1293 {offsets = [7], sizes = [1], strides = [1]} : vector<16xi32> to vector<1xi32>
      %squeeze3A_1299 = vector.extract %slice3A_1298[0] : i32 from vector<1xi32>
      %and3A_1300 = arith.constant 127 : i32
      %and3A_1301 = arith.andi %squeeze3A_1299, %and3A_1300 : i32
      %broadcast_in_dim3A_1302 = vector.broadcast %and3A_1301 : i32 to vector<16xi32>
      %slice3A_1303 = vector.extract_strided_slice %get3A_1297 {offsets = [7], sizes = [1], strides = [1]} : vector<16xi32> to vector<1xi32>
      %squeeze3A_1304 = vector.extract %slice3A_1303[0] : i32 from vector<1xi32>
      %and3A_1305 = arith.constant 127 : i32
      %and3A_1306 = arith.andi %squeeze3A_1304, %and3A_1305 : i32
      %broadcast_in_dim3A_1307 = vector.broadcast %and3A_1306 : i32 to vector<16xi32>
      %broadcast_in_dim3A_1308 = arith.constant 7 : i32
      %broadcast_in_dim3A_1309 = vector.broadcast %broadcast_in_dim3A_1308 : i32 to vector<16xi32>
      %broadcast_in_dim3A_1310 = arith.constant 0.000000e+00 : f32
      %broadcast_in_dim3A_1311 = vector.broadcast %broadcast_in_dim3A_1310 : f32 to vector<16xf32>
      %add3A_1312 = arith.constant 0 : i32
      %add3A_1313 = vector.broadcast %add3A_1312 : i32 to vector<16xi32>
      %add3A_1314 = arith.addi %add3A_1313, %iota3A : vector<16xi32>
      %shift_right_arithmetic3A_1315 = arith.constant 3 : i32
      %shift_right_arithmetic3A_1316 = vector.broadcast %shift_right_arithmetic3A_1315 : i32 to vector<16xi32>
      %shift_right_arithmetic3A_1317 = arith.shrsi %add3A_1314, %shift_right_arithmetic3A_1316 : vector<16xi32>
      %and3A_1318 = arith.constant 7 : i32
      %and3A_1319 = vector.broadcast %and3A_1318 : i32 to vector<16xi32>
      %and3A_1320 = arith.andi %add3A_1314, %and3A_1319 : vector<16xi32>
      %gather3A_1321 = tpu.vector_load_idx %arg9[%broadcast_in_dim3A_1309, %shift_right_arithmetic3A_1317, %and3A_1320, %broadcast_in_dim3A_1302] : memref<8x4x8x128xf32, #tpu.memory_space<vmem>>[vector<16xi32>, vector<16xi32>, vector<16xi32>, vector<16xi32>], vector<16xf32>,
      %shift_right_arithmetic3A_1322 = arith.constant 3 : i32
      %shift_right_arithmetic3A_1323 = vector.broadcast %shift_right_arithmetic3A_1322 : i32 to vector<16xi32>
      %shift_right_arithmetic3A_1324 = arith.shrsi %add3A_1314, %shift_right_arithmetic3A_1323 : vector<16xi32>
      %and3A_1325 = arith.constant 7 : i32
      %and3A_1326 = vector.broadcast %and3A_1325 : i32 to vector<16xi32>
      %and3A_1327 = arith.andi %add3A_1314, %and3A_1326 : vector<16xi32>
      %gather3A_1328 = tpu.vector_load_idx %arg10[%broadcast_in_dim3A_1309, %shift_right_arithmetic3A_1324, %and3A_1327, %broadcast_in_dim3A_1307] : memref<8x4x8x128xf32, #tpu.memory_space<vmem>>[vector<16xi32>, vector<16xi32>, vector<16xi32>, vector<16xi32>], vector<16xf32>,
      %mul3A_1329 = arith.mulf %gather3A_1321, %gather3A_1328 : vector<16xf32>
      %add3A_1330 = arith.addf %broadcast_in_dim3A_1311, %mul3A_1329 : vector<16xf32>
      %add3A_1331 = arith.constant 16 : i32
      %add3A_1332 = vector.broadcast %add3A_1331 : i32 to vector<16xi32>
      %add3A_1333 = arith.addi %add3A_1332, %iota3A : vector<16xi32>
      %shift_right_arithmetic3A_1334 = arith.constant 3 : i32
      %shift_right_arithmetic3A_1335 = vector.broadcast %shift_right_arithmetic3A_1334 : i32 to vector<16xi32>
      %shift_right_arithmetic3A_1336 = arith.shrsi %add3A_1333, %shift_right_arithmetic3A_1335 : vector<16xi32>
      %and3A_1337 = arith.constant 7 : i32
      %and3A_1338 = vector.broadcast %and3A_1337 : i32 to vector<16xi32>
      %and3A_1339 = arith.andi %add3A_1333, %and3A_1338 : vector<16xi32>
      %gather3A_1340 = tpu.vector_load_idx %arg9[%broadcast_in_dim3A_1309, %shift_right_arithmetic3A_1336, %and3A_1339, %broadcast_in_dim3A_1302] : memref<8x4x8x128xf32, #tpu.memory_space<vmem>>[vector<16xi32>, vector<16xi32>, vector<16xi32>, vector<16xi32>], vector<16xf32>,
      %shift_right_arithmetic3A_1341 = arith.constant 3 : i32
      %shift_right_arithmetic3A_1342 = vector.broadcast %shift_right_arithmetic3A_1341 : i32 to vector<16xi32>
      %shift_right_arithmetic3A_1343 = arith.shrsi %add3A_1333, %shift_right_arithmetic3A_1342 : vector<16xi32>
      %and3A_1344 = arith.constant 7 : i32
      %and3A_1345 = vector.broadcast %and3A_1344 : i32 to vector<16xi32>
      %and3A_1346 = arith.andi %add3A_1333, %and3A_1345 : vector<16xi32>
      %gather3A_1347 = tpu.vector_load_idx %arg10[%broadcast_in_dim3A_1309, %shift_right_arithmetic3A_1343, %and3A_1346, %broadcast_in_dim3A_1307] : memref<8x4x8x128xf32, #tpu.memory_space<vmem>>[vector<16xi32>, vector<16xi32>, vector<16xi32>, vector<16xi32>], vector<16xf32>,
      %mul3A_1348 = arith.mulf %gather3A_1340, %gather3A_1347 : vector<16xf32>
      %add3A_1349 = arith.addf %add3A_1330, %mul3A_1348 : vector<16xf32>
      %broadcast_in_dim3A_1350 = arith.constant true
      %broadcast_in_dim3A_1351 = vector.broadcast %broadcast_in_dim3A_1350 : i1 to vector<16xi1>
      %masked_cumsum3A_1352 = tpu.scan <sum>, %add3A_1349 masked %broadcast_in_dim3A_1351 : vector<16xf32>, vector<16xi1> -> vector<16xf32>
      %lt3A_1353 = arith.constant 0 : i32
      %lt3A_1354 = vector.broadcast %lt3A_1353 : i32 to vector<16xi32>
      %lt3A_1355 = arith.cmpi slt, %broadcast_in_dim3A_3, %lt3A_1354 : vector<16xi32>
      %add3A_1356 = arith.constant 16 : i32
      %add3A_1357 = vector.broadcast %add3A_1356 : i32 to vector<16xi32>
      %add3A_1358 = arith.addi %broadcast_in_dim3A_3, %add3A_1357 : vector<16xi32>
      %select_n3A_1359 = arith.select %lt3A_1355, %add3A_1358, %broadcast_in_dim3A_3 : vector<16xi1>, vector<16xi32>
      %broadcast_in_dim3A_1360 = vector.shape_cast %select_n3A_1359 : vector<16xi32> to vector<16x1xi32>
      %gather3A_1361 = vector.shape_cast %broadcast_in_dim3A_1360 : vector<16x1xi32> to vector<16xi32>
      %gather3A_1362 = tpu.dynamic_gather %masked_cumsum3A_1352[%gather3A_1361] in [0] : vector<16xf32>, vector<16xi32> -> vector<16xf32>
      %eq3A_1363 = arith.constant 7 : i32
      %eq3A_1364 = vector.broadcast %eq3A_1363 : i32 to vector<16xi32>
      %eq3A_1365 = arith.cmpi eq, %iota3A, %eq3A_1364 : vector<16xi32>
      %select_n3A_1366 = arith.select %eq3A_1365, %gather3A_1362, %select_n3A_1246 : vector<16xi1>, vector<16xf32>
      %lt3A_1367 = arith.constant 32 : i32
      %lt3A_1368 = arith.cmpi slt, %scan3A_418, %lt3A_1367 : i32
      %convert_element_type3A_1369 = arith.extui %lt3A_1368 : i1 to i32
      %cond3A_1370 = arith.constant 0 : i32
      %cond3A_1371 = arith.cmpi ne, %convert_element_type3A_1369, %cond3A_1370 : i32
      scf.if %cond3A_1371 {
        %mul3A_2351 = arith.constant 16 : i32
        %mul3A_2352 = arith.muli %scan3A_418, %mul3A_2351 : i32
        %get3A_2353 = arith.index_cast %mul3A_2352 : i32 to index
        %get3A_2354 = tpu.vector_load %arg7[%get3A_2353] {strides = array<i32>} : memref<512xi32, #tpu.memory_space<vmem>>, vector<16xi32>,
        %mul3A_2355 = arith.constant 16 : i32
        %mul3A_2356 = arith.muli %scan3A_418, %mul3A_2355 : i32
        %get3A_2357 = arith.index_cast %mul3A_2356 : i32 to index
        %get3A_2358 = tpu.vector_load %arg8[%get3A_2357] {strides = array<i32>} : memref<512xi32, #tpu.memory_space<vmem>>, vector<16xi32>,
        %slice3A_2359 = vector.extract_strided_slice %get3A_2354 {offsets = [15], sizes = [1], strides = [1]} : vector<16xi32> to vector<1xi32>
        %squeeze3A_2360 = vector.extract %slice3A_2359[0] : i32 from vector<1xi32>
        %slice3A_2361 = vector.extract_strided_slice %get3A_2358 {offsets = [15], sizes = [1], strides = [1]} : vector<16xi32> to vector<1xi32>
        %squeeze3A_2362 = vector.extract %slice3A_2361[0] : i32 from vector<1xi32>
        %shift_right_arithmetic3A_2363 = arith.constant 7 : i32
        %shift_right_arithmetic3A_2364 = arith.shrsi %squeeze3A_2360, %shift_right_arithmetic3A_2363 : i32
        %shift_left3A_2365 = arith.constant 7 : i32
        %shift_left3A_2366 = arith.shli %shift_right_arithmetic3A_2364, %shift_left3A_2365 : i32
        %multiple_of3A_2367 = tpu.assume_multiple %shift_left3A_2366, 128 : i32
        %shift_right_arithmetic3A_2368 = arith.constant 7 : i32
        %shift_right_arithmetic3A_2369 = arith.shrsi %squeeze3A_2362, %shift_right_arithmetic3A_2368 : i32
        %shift_left3A_2370 = arith.constant 7 : i32
        %shift_left3A_2371 = arith.shli %shift_right_arithmetic3A_2369, %shift_left3A_2370 : i32
        %multiple_of3A_2372 = tpu.assume_multiple %shift_left3A_2371, 128 : i32
        %dma_start3A_2373 = arith.constant 7 : i32
        %dma_start3A_2374 = arith.constant 0 : i32
        %dma_start3A_2375 = arith.constant 0 : i32
        %dma_start3A_2376 = arith.constant 0 : i32
        %dma_start3A_2377 = tpu.memref_slice %arg9[%dma_start3A_2373, %dma_start3A_2374, %dma_start3A_2375, %dma_start3A_2376] : memref<8x4x8x128xf32, #tpu.memory_space<vmem>> -> memref<1x4x8x128xf32, #tpu.memory_space<vmem>>
        %dma_start3A_2378 = tpu.memref_squeeze %dma_start3A_2377 : memref<1x4x8x128xf32, #tpu.memory_space<vmem>> -> memref<4x8x128xf32, #tpu.memory_space<vmem>>
        %dma_start3A_2379 = arith.constant 0 : i32
        %dma_start3A_2380 = arith.constant 0 : i32
        %dma_start3A_2381 = tpu.memref_slice %arg4[%dma_start3A_2379, %dma_start3A_2380, %multiple_of3A_2367] : memref<4x8x1000000xf32, #tpu.memory_space<hbm>> -> memref<4x8x128xf32, #tpu.memory_space<hbm>>
        %dma_start3A_2382 = arith.constant 0 : i32
        %dma_start3A_2383 = arith.constant 0 : i32
        %dma_start3A_2384 = arith.constant 0 : i32
        %dma_start3A_2385 = tpu.memref_slice %arg9[%dma_start3A_2373, %dma_start3A_2382, %dma_start3A_2383, %dma_start3A_2384] : memref<8x4x8x128xf32, #tpu.memory_space<vmem>> -> memref<1x4x8x128xf32, #tpu.memory_space<vmem>>
        %dma_start3A_2386 = tpu.memref_squeeze %dma_start3A_2385 : memref<1x4x8x128xf32, #tpu.memory_space<vmem>> -> memref<4x8x128xf32, #tpu.memory_space<vmem>>
        %dma_start3A_2387 = arith.constant 0 : i32
        %dma_start3A_2388 = arith.constant 0 : i32
        %dma_start3A_2389 = tpu.memref_slice %arg4[%dma_start3A_2387, %dma_start3A_2388, %multiple_of3A_2367] : memref<4x8x1000000xf32, #tpu.memory_space<hbm>> -> memref<4x8x128xf32, #tpu.memory_space<hbm>>
        tpu.enqueue_dma source(%dma_start3A_2389 : memref<4x8x128xf32, #tpu.memory_space<hbm>>) target(%dma_start3A_2386 : memref<4x8x128xf32, #tpu.memory_space<vmem>>) target_semaphore(%arg12 : memref<!tpu.dma_semaphore, #tpu.memory_space<semaphore_mem>>)
        %dma_start3A_2390 = arith.constant 7 : i32
        %dma_start3A_2391 = arith.constant 0 : i32
        %dma_start3A_2392 = arith.constant 0 : i32
        %dma_start3A_2393 = arith.constant 0 : i32
        %dma_start3A_2394 = tpu.memref_slice %arg10[%dma_start3A_2390, %dma_start3A_2391, %dma_start3A_2392, %dma_start3A_2393] : memref<8x4x8x128xf32, #tpu.memory_space<vmem>> -> memref<1x4x8x128xf32, #tpu.memory_space<vmem>>
        %dma_start3A_2395 = tpu.memref_squeeze %dma_start3A_2394 : memref<1x4x8x128xf32, #tpu.memory_space<vmem>> -> memref<4x8x128xf32, #tpu.memory_space<vmem>>
        %dma_start3A_2396 = arith.constant 0 : i32
        %dma_start3A_2397 = arith.constant 0 : i32
        %dma_start3A_2398 = tpu.memref_slice %arg5[%dma_start3A_2396, %dma_start3A_2397, %multiple_of3A_2372] : memref<4x8x1000000xf32, #tpu.memory_space<hbm>> -> memref<4x8x128xf32, #tpu.memory_space<hbm>>
        %dma_start3A_2399 = arith.constant 0 : i32
        %dma_start3A_2400 = arith.constant 0 : i32
        %dma_start3A_2401 = arith.constant 0 : i32
        %dma_start3A_2402 = tpu.memref_slice %arg10[%dma_start3A_2390, %dma_start3A_2399, %dma_start3A_2400, %dma_start3A_2401] : memref<8x4x8x128xf32, #tpu.memory_space<vmem>> -> memref<1x4x8x128xf32, #tpu.memory_space<vmem>>
        %dma_start3A_2403 = tpu.memref_squeeze %dma_start3A_2402 : memref<1x4x8x128xf32, #tpu.memory_space<vmem>> -> memref<4x8x128xf32, #tpu.memory_space<vmem>>
        %dma_start3A_2404 = arith.constant 0 : i32
        %dma_start3A_2405 = arith.constant 0 : i32
        %dma_start3A_2406 = tpu.memref_slice %arg5[%dma_start3A_2404, %dma_start3A_2405, %multiple_of3A_2372] : memref<4x8x1000000xf32, #tpu.memory_space<hbm>> -> memref<4x8x128xf32, #tpu.memory_space<hbm>>
        tpu.enqueue_dma source(%dma_start3A_2406 : memref<4x8x128xf32, #tpu.memory_space<hbm>>) target(%dma_start3A_2403 : memref<4x8x128xf32, #tpu.memory_space<vmem>>) target_semaphore(%arg13 : memref<!tpu.dma_semaphore, #tpu.memory_space<semaphore_mem>>)
      } else {
      }
      %dma_wait3A_1372 = arith.constant 0 : i32
      %dma_wait3A_1373 = arith.constant 0 : i32
      %dma_wait3A_1374 = arith.constant 0 : i32
      %dma_wait3A_1375 = arith.constant 0 : i32
      %dma_wait3A_1376 = tpu.memref_slice %arg9[%dma_wait3A_1372, %dma_wait3A_1373, %dma_wait3A_1374, %dma_wait3A_1375] : memref<8x4x8x128xf32, #tpu.memory_space<vmem>> -> memref<1x4x8x128xf32, #tpu.memory_space<vmem>>
      %dma_wait3A_1377 = tpu.memref_squeeze %dma_wait3A_1376 : memref<1x4x8x128xf32, #tpu.memory_space<vmem>> -> memref<4x8x128xf32, #tpu.memory_space<vmem>>
      %dma_wait3A_1378 = arith.constant 0 : i32
      %dma_wait3A_1379 = arith.constant 0 : i32
      %dma_wait3A_1380 = arith.constant 0 : i32
      %dma_wait3A_1381 = tpu.memref_slice %arg4[%dma_wait3A_1378, %dma_wait3A_1379, %dma_wait3A_1380] : memref<4x8x1000000xf32, #tpu.memory_space<hbm>> -> memref<4x8x128xf32, #tpu.memory_space<hbm>>
      %dma_wait3A_1382 = arith.constant 0 : i32
      %dma_wait3A_1383 = arith.constant 0 : i32
      %dma_wait3A_1384 = arith.constant 0 : i32
      %dma_wait3A_1385 = tpu.memref_slice %arg9[%dma_wait3A_1372, %dma_wait3A_1382, %dma_wait3A_1383, %dma_wait3A_1384] : memref<8x4x8x128xf32, #tpu.memory_space<vmem>> -> memref<1x4x8x128xf32, #tpu.memory_space<vmem>>
      %dma_wait3A_1386 = tpu.memref_squeeze %dma_wait3A_1385 : memref<1x4x8x128xf32, #tpu.memory_space<vmem>> -> memref<4x8x128xf32, #tpu.memory_space<vmem>>
      %dma_wait3A_1387 = arith.constant 0 : i32
      %dma_wait3A_1388 = arith.constant 0 : i32
      %dma_wait3A_1389 = arith.constant 0 : i32
      %dma_wait3A_1390 = tpu.memref_slice %arg4[%dma_wait3A_1387, %dma_wait3A_1388, %dma_wait3A_1389] : memref<4x8x1000000xf32, #tpu.memory_space<hbm>> -> memref<4x8x128xf32, #tpu.memory_space<hbm>>
      tpu.wait_dma2 semaphore(%arg12 : memref<!tpu.dma_semaphore, #tpu.memory_space<semaphore_mem>>) src(%dma_wait3A_1390 : memref<4x8x128xf32, #tpu.memory_space<hbm>>) dst(%dma_wait3A_1386 : memref<4x8x128xf32, #tpu.memory_space<vmem>>)
      %dma_wait3A_1391 = arith.constant 0 : i32
      %dma_wait3A_1392 = arith.constant 0 : i32
      %dma_wait3A_1393 = arith.constant 0 : i32
      %dma_wait3A_1394 = arith.constant 0 : i32
      %dma_wait3A_1395 = tpu.memref_slice %arg10[%dma_wait3A_1391, %dma_wait3A_1392, %dma_wait3A_1393, %dma_wait3A_1394] : memref<8x4x8x128xf32, #tpu.memory_space<vmem>> -> memref<1x4x8x128xf32, #tpu.memory_space<vmem>>
      %dma_wait3A_1396 = tpu.memref_squeeze %dma_wait3A_1395 : memref<1x4x8x128xf32, #tpu.memory_space<vmem>> -> memref<4x8x128xf32, #tpu.memory_space<vmem>>
      %dma_wait3A_1397 = arith.constant 0 : i32
      %dma_wait3A_1398 = arith.constant 0 : i32
      %dma_wait3A_1399 = arith.constant 0 : i32
      %dma_wait3A_1400 = tpu.memref_slice %arg5[%dma_wait3A_1397, %dma_wait3A_1398, %dma_wait3A_1399] : memref<4x8x1000000xf32, #tpu.memory_space<hbm>> -> memref<4x8x128xf32, #tpu.memory_space<hbm>>
      %dma_wait3A_1401 = arith.constant 0 : i32
      %dma_wait3A_1402 = arith.constant 0 : i32
      %dma_wait3A_1403 = arith.constant 0 : i32
      %dma_wait3A_1404 = tpu.memref_slice %arg10[%dma_wait3A_1391, %dma_wait3A_1401, %dma_wait3A_1402, %dma_wait3A_1403] : memref<8x4x8x128xf32, #tpu.memory_space<vmem>> -> memref<1x4x8x128xf32, #tpu.memory_space<vmem>>
      %dma_wait3A_1405 = tpu.memref_squeeze %dma_wait3A_1404 : memref<1x4x8x128xf32, #tpu.memory_space<vmem>> -> memref<4x8x128xf32, #tpu.memory_space<vmem>>
      %dma_wait3A_1406 = arith.constant 0 : i32
      %dma_wait3A_1407 = arith.constant 0 : i32
      %dma_wait3A_1408 = arith.constant 0 : i32
      %dma_wait3A_1409 = tpu.memref_slice %arg5[%dma_wait3A_1406, %dma_wait3A_1407, %dma_wait3A_1408] : memref<4x8x1000000xf32, #tpu.memory_space<hbm>> -> memref<4x8x128xf32, #tpu.memory_space<hbm>>
      tpu.wait_dma2 semaphore(%arg13 : memref<!tpu.dma_semaphore, #tpu.memory_space<semaphore_mem>>) src(%dma_wait3A_1409 : memref<4x8x128xf32, #tpu.memory_space<hbm>>) dst(%dma_wait3A_1405 : memref<4x8x128xf32, #tpu.memory_space<vmem>>)
      %mul3A_1410 = arith.constant 16 : i32
      %mul3A_1411 = arith.muli %scan3A_418, %mul3A_1410 : i32
      %get3A_1412 = arith.index_cast %mul3A_1411 : i32 to index
      %get3A_1413 = tpu.vector_load %arg7[%get3A_1412] {strides = array<i32>} : memref<512xi32, #tpu.memory_space<vmem>>, vector<16xi32>,
      %mul3A_1414 = arith.constant 16 : i32
      %mul3A_1415 = arith.muli %scan3A_418, %mul3A_1414 : i32
      %get3A_1416 = arith.index_cast %mul3A_1415 : i32 to index
      %get3A_1417 = tpu.vector_load %arg8[%get3A_1416] {strides = array<i32>} : memref<512xi32, #tpu.memory_space<vmem>>, vector<16xi32>,
      %slice3A_1418 = vector.extract_strided_slice %get3A_1413 {offsets = [8], sizes = [1], strides = [1]} : vector<16xi32> to vector<1xi32>
      %squeeze3A_1419 = vector.extract %slice3A_1418[0] : i32 from vector<1xi32>
      %and3A_1420 = arith.constant 127 : i32
      %and3A_1421 = arith.andi %squeeze3A_1419, %and3A_1420 : i32
      %broadcast_in_dim3A_1422 = vector.broadcast %and3A_1421 : i32 to vector<16xi32>
      %slice3A_1423 = vector.extract_strided_slice %get3A_1417 {offsets = [8], sizes = [1], strides = [1]} : vector<16xi32> to vector<1xi32>
      %squeeze3A_1424 = vector.extract %slice3A_1423[0] : i32 from vector<1xi32>
      %and3A_1425 = arith.constant 127 : i32
      %and3A_1426 = arith.andi %squeeze3A_1424, %and3A_1425 : i32
      %broadcast_in_dim3A_1427 = vector.broadcast %and3A_1426 : i32 to vector<16xi32>
      %broadcast_in_dim3A_1428 = arith.constant 0 : i32
      %broadcast_in_dim3A_1429 = vector.broadcast %broadcast_in_dim3A_1428 : i32 to vector<16xi32>
      %broadcast_in_dim3A_1430 = arith.constant 0.000000e+00 : f32
      %broadcast_in_dim3A_1431 = vector.broadcast %broadcast_in_dim3A_1430 : f32 to vector<16xf32>
      %add3A_1432 = arith.constant 0 : i32
      %add3A_1433 = vector.broadcast %add3A_1432 : i32 to vector<16xi32>
      %add3A_1434 = arith.addi %add3A_1433, %iota3A : vector<16xi32>
      %shift_right_arithmetic3A_1435 = arith.constant 3 : i32
      %shift_right_arithmetic3A_1436 = vector.broadcast %shift_right_arithmetic3A_1435 : i32 to vector<16xi32>
      %shift_right_arithmetic3A_1437 = arith.shrsi %add3A_1434, %shift_right_arithmetic3A_1436 : vector<16xi32>
      %and3A_1438 = arith.constant 7 : i32
      %and3A_1439 = vector.broadcast %and3A_1438 : i32 to vector<16xi32>
      %and3A_1440 = arith.andi %add3A_1434, %and3A_1439 : vector<16xi32>
      %gather3A_1441 = tpu.vector_load_idx %arg9[%broadcast_in_dim3A_1429, %shift_right_arithmetic3A_1437, %and3A_1440, %broadcast_in_dim3A_1422] : memref<8x4x8x128xf32, #tpu.memory_space<vmem>>[vector<16xi32>, vector<16xi32>, vector<16xi32>, vector<16xi32>], vector<16xf32>,
      %shift_right_arithmetic3A_1442 = arith.constant 3 : i32
      %shift_right_arithmetic3A_1443 = vector.broadcast %shift_right_arithmetic3A_1442 : i32 to vector<16xi32>
      %shift_right_arithmetic3A_1444 = arith.shrsi %add3A_1434, %shift_right_arithmetic3A_1443 : vector<16xi32>
      %and3A_1445 = arith.constant 7 : i32
      %and3A_1446 = vector.broadcast %and3A_1445 : i32 to vector<16xi32>
      %and3A_1447 = arith.andi %add3A_1434, %and3A_1446 : vector<16xi32>
      %gather3A_1448 = tpu.vector_load_idx %arg10[%broadcast_in_dim3A_1429, %shift_right_arithmetic3A_1444, %and3A_1447, %broadcast_in_dim3A_1427] : memref<8x4x8x128xf32, #tpu.memory_space<vmem>>[vector<16xi32>, vector<16xi32>, vector<16xi32>, vector<16xi32>], vector<16xf32>,
      %mul3A_1449 = arith.mulf %gather3A_1441, %gather3A_1448 : vector<16xf32>
      %add3A_1450 = arith.addf %broadcast_in_dim3A_1431, %mul3A_1449 : vector<16xf32>
      %add3A_1451 = arith.constant 16 : i32
      %add3A_1452 = vector.broadcast %add3A_1451 : i32 to vector<16xi32>
      %add3A_1453 = arith.addi %add3A_1452, %iota3A : vector<16xi32>
      %shift_right_arithmetic3A_1454 = arith.constant 3 : i32
      %shift_right_arithmetic3A_1455 = vector.broadcast %shift_right_arithmetic3A_1454 : i32 to vector<16xi32>
      %shift_right_arithmetic3A_1456 = arith.shrsi %add3A_1453, %shift_right_arithmetic3A_1455 : vector<16xi32>
      %and3A_1457 = arith.constant 7 : i32
      %and3A_1458 = vector.broadcast %and3A_1457 : i32 to vector<16xi32>
      %and3A_1459 = arith.andi %add3A_1453, %and3A_1458 : vector<16xi32>
      %gather3A_1460 = tpu.vector_load_idx %arg9[%broadcast_in_dim3A_1429, %shift_right_arithmetic3A_1456, %and3A_1459, %broadcast_in_dim3A_1422] : memref<8x4x8x128xf32, #tpu.memory_space<vmem>>[vector<16xi32>, vector<16xi32>, vector<16xi32>, vector<16xi32>], vector<16xf32>,
      %shift_right_arithmetic3A_1461 = arith.constant 3 : i32
      %shift_right_arithmetic3A_1462 = vector.broadcast %shift_right_arithmetic3A_1461 : i32 to vector<16xi32>
      %shift_right_arithmetic3A_1463 = arith.shrsi %add3A_1453, %shift_right_arithmetic3A_1462 : vector<16xi32>
      %and3A_1464 = arith.constant 7 : i32
      %and3A_1465 = vector.broadcast %and3A_1464 : i32 to vector<16xi32>
      %and3A_1466 = arith.andi %add3A_1453, %and3A_1465 : vector<16xi32>
      %gather3A_1467 = tpu.vector_load_idx %arg10[%broadcast_in_dim3A_1429, %shift_right_arithmetic3A_1463, %and3A_1466, %broadcast_in_dim3A_1427] : memref<8x4x8x128xf32, #tpu.memory_space<vmem>>[vector<16xi32>, vector<16xi32>, vector<16xi32>, vector<16xi32>], vector<16xf32>,
      %mul3A_1468 = arith.mulf %gather3A_1460, %gather3A_1467 : vector<16xf32>
      %add3A_1469 = arith.addf %add3A_1450, %mul3A_1468 : vector<16xf32>
      %broadcast_in_dim3A_1470 = arith.constant true
      %broadcast_in_dim3A_1471 = vector.broadcast %broadcast_in_dim3A_1470 : i1 to vector<16xi1>
      %masked_cumsum3A_1472 = tpu.scan <sum>, %add3A_1469 masked %broadcast_in_dim3A_1471 : vector<16xf32>, vector<16xi1> -> vector<16xf32>
      %lt3A_1473 = arith.constant 0 : i32
      %lt3A_1474 = vector.broadcast %lt3A_1473 : i32 to vector<16xi32>
      %lt3A_1475 = arith.cmpi slt, %broadcast_in_dim3A_3, %lt3A_1474 : vector<16xi32>
      %add3A_1476 = arith.constant 16 : i32
      %add3A_1477 = vector.broadcast %add3A_1476 : i32 to vector<16xi32>
      %add3A_1478 = arith.addi %broadcast_in_dim3A_3, %add3A_1477 : vector<16xi32>
      %select_n3A_1479 = arith.select %lt3A_1475, %add3A_1478, %broadcast_in_dim3A_3 : vector<16xi1>, vector<16xi32>
      %broadcast_in_dim3A_1480 = vector.shape_cast %select_n3A_1479 : vector<16xi32> to vector<16x1xi32>
      %gather3A_1481 = vector.shape_cast %broadcast_in_dim3A_1480 : vector<16x1xi32> to vector<16xi32>
      %gather3A_1482 = tpu.dynamic_gather %masked_cumsum3A_1472[%gather3A_1481] in [0] : vector<16xf32>, vector<16xi32> -> vector<16xf32>
      %eq3A_1483 = arith.constant 8 : i32
      %eq3A_1484 = vector.broadcast %eq3A_1483 : i32 to vector<16xi32>
      %eq3A_1485 = arith.cmpi eq, %iota3A, %eq3A_1484 : vector<16xi32>
      %select_n3A_1486 = arith.select %eq3A_1485, %gather3A_1482, %select_n3A_1366 : vector<16xi1>, vector<16xf32>
      %add3A_1487 = arith.constant 1 : i32
      %add3A_1488 = arith.addi %scan3A_418, %add3A_1487 : i32
      %lt3A_1489 = arith.constant 32 : i32
      %lt3A_1490 = arith.cmpi slt, %add3A_1488, %lt3A_1489 : i32
      %convert_element_type3A_1491 = arith.extui %lt3A_1490 : i1 to i32
      %cond3A_1492 = arith.constant 0 : i32
      %cond3A_1493 = arith.cmpi ne, %convert_element_type3A_1491, %cond3A_1492 : i32
      scf.if %cond3A_1493 {
        %mul3A_2351 = arith.constant 16 : i32
        %mul3A_2352 = arith.muli %add3A_1488, %mul3A_2351 : i32
        %get3A_2353 = arith.index_cast %mul3A_2352 : i32 to index
        %get3A_2354 = tpu.vector_load %arg7[%get3A_2353] {strides = array<i32>} : memref<512xi32, #tpu.memory_space<vmem>>, vector<16xi32>,
        %mul3A_2355 = arith.constant 16 : i32
        %mul3A_2356 = arith.muli %add3A_1488, %mul3A_2355 : i32
        %get3A_2357 = arith.index_cast %mul3A_2356 : i32 to index
        %get3A_2358 = tpu.vector_load %arg8[%get3A_2357] {strides = array<i32>} : memref<512xi32, #tpu.memory_space<vmem>>, vector<16xi32>,
        %slice3A_2359 = vector.extract_strided_slice %get3A_2354 {offsets = [0], sizes = [1], strides = [1]} : vector<16xi32> to vector<1xi32>
        %squeeze3A_2360 = vector.extract %slice3A_2359[0] : i32 from vector<1xi32>
        %slice3A_2361 = vector.extract_strided_slice %get3A_2358 {offsets = [0], sizes = [1], strides = [1]} : vector<16xi32> to vector<1xi32>
        %squeeze3A_2362 = vector.extract %slice3A_2361[0] : i32 from vector<1xi32>
        %shift_right_arithmetic3A_2363 = arith.constant 7 : i32
        %shift_right_arithmetic3A_2364 = arith.shrsi %squeeze3A_2360, %shift_right_arithmetic3A_2363 : i32
        %shift_left3A_2365 = arith.constant 7 : i32
        %shift_left3A_2366 = arith.shli %shift_right_arithmetic3A_2364, %shift_left3A_2365 : i32
        %multiple_of3A_2367 = tpu.assume_multiple %shift_left3A_2366, 128 : i32
        %shift_right_arithmetic3A_2368 = arith.constant 7 : i32
        %shift_right_arithmetic3A_2369 = arith.shrsi %squeeze3A_2362, %shift_right_arithmetic3A_2368 : i32
        %shift_left3A_2370 = arith.constant 7 : i32
        %shift_left3A_2371 = arith.shli %shift_right_arithmetic3A_2369, %shift_left3A_2370 : i32
        %multiple_of3A_2372 = tpu.assume_multiple %shift_left3A_2371, 128 : i32
        %dma_start3A_2373 = arith.constant 0 : i32
        %dma_start3A_2374 = arith.constant 0 : i32
        %dma_start3A_2375 = arith.constant 0 : i32
        %dma_start3A_2376 = arith.constant 0 : i32
        %dma_start3A_2377 = tpu.memref_slice %arg9[%dma_start3A_2373, %dma_start3A_2374, %dma_start3A_2375, %dma_start3A_2376] : memref<8x4x8x128xf32, #tpu.memory_space<vmem>> -> memref<1x4x8x128xf32, #tpu.memory_space<vmem>>
        %dma_start3A_2378 = tpu.memref_squeeze %dma_start3A_2377 : memref<1x4x8x128xf32, #tpu.memory_space<vmem>> -> memref<4x8x128xf32, #tpu.memory_space<vmem>>
        %dma_start3A_2379 = arith.constant 0 : i32
        %dma_start3A_2380 = arith.constant 0 : i32
        %dma_start3A_2381 = tpu.memref_slice %arg4[%dma_start3A_2379, %dma_start3A_2380, %multiple_of3A_2367] : memref<4x8x1000000xf32, #tpu.memory_space<hbm>> -> memref<4x8x128xf32, #tpu.memory_space<hbm>>
        %dma_start3A_2382 = arith.constant 0 : i32
        %dma_start3A_2383 = arith.constant 0 : i32
        %dma_start3A_2384 = arith.constant 0 : i32
        %dma_start3A_2385 = tpu.memref_slice %arg9[%dma_start3A_2373, %dma_start3A_2382, %dma_start3A_2383, %dma_start3A_2384] : memref<8x4x8x128xf32, #tpu.memory_space<vmem>> -> memref<1x4x8x128xf32, #tpu.memory_space<vmem>>
        %dma_start3A_2386 = tpu.memref_squeeze %dma_start3A_2385 : memref<1x4x8x128xf32, #tpu.memory_space<vmem>> -> memref<4x8x128xf32, #tpu.memory_space<vmem>>
        %dma_start3A_2387 = arith.constant 0 : i32
        %dma_start3A_2388 = arith.constant 0 : i32
        %dma_start3A_2389 = tpu.memref_slice %arg4[%dma_start3A_2387, %dma_start3A_2388, %multiple_of3A_2367] : memref<4x8x1000000xf32, #tpu.memory_space<hbm>> -> memref<4x8x128xf32, #tpu.memory_space<hbm>>
        tpu.enqueue_dma source(%dma_start3A_2389 : memref<4x8x128xf32, #tpu.memory_space<hbm>>) target(%dma_start3A_2386 : memref<4x8x128xf32, #tpu.memory_space<vmem>>) target_semaphore(%arg12 : memref<!tpu.dma_semaphore, #tpu.memory_space<semaphore_mem>>)
        %dma_start3A_2390 = arith.constant 0 : i32
        %dma_start3A_2391 = arith.constant 0 : i32
        %dma_start3A_2392 = arith.constant 0 : i32
        %dma_start3A_2393 = arith.constant 0 : i32
        %dma_start3A_2394 = tpu.memref_slice %arg10[%dma_start3A_2390, %dma_start3A_2391, %dma_start3A_2392, %dma_start3A_2393] : memref<8x4x8x128xf32, #tpu.memory_space<vmem>> -> memref<1x4x8x128xf32, #tpu.memory_space<vmem>>
        %dma_start3A_2395 = tpu.memref_squeeze %dma_start3A_2394 : memref<1x4x8x128xf32, #tpu.memory_space<vmem>> -> memref<4x8x128xf32, #tpu.memory_space<vmem>>
        %dma_start3A_2396 = arith.constant 0 : i32
        %dma_start3A_2397 = arith.constant 0 : i32
        %dma_start3A_2398 = tpu.memref_slice %arg5[%dma_start3A_2396, %dma_start3A_2397, %multiple_of3A_2372] : memref<4x8x1000000xf32, #tpu.memory_space<hbm>> -> memref<4x8x128xf32, #tpu.memory_space<hbm>>
        %dma_start3A_2399 = arith.constant 0 : i32
        %dma_start3A_2400 = arith.constant 0 : i32
        %dma_start3A_2401 = arith.constant 0 : i32
        %dma_start3A_2402 = tpu.memref_slice %arg10[%dma_start3A_2390, %dma_start3A_2399, %dma_start3A_2400, %dma_start3A_2401] : memref<8x4x8x128xf32, #tpu.memory_space<vmem>> -> memref<1x4x8x128xf32, #tpu.memory_space<vmem>>
        %dma_start3A_2403 = tpu.memref_squeeze %dma_start3A_2402 : memref<1x4x8x128xf32, #tpu.memory_space<vmem>> -> memref<4x8x128xf32, #tpu.memory_space<vmem>>
        %dma_start3A_2404 = arith.constant 0 : i32
        %dma_start3A_2405 = arith.constant 0 : i32
        %dma_start3A_2406 = tpu.memref_slice %arg5[%dma_start3A_2404, %dma_start3A_2405, %multiple_of3A_2372] : memref<4x8x1000000xf32, #tpu.memory_space<hbm>> -> memref<4x8x128xf32, #tpu.memory_space<hbm>>
        tpu.enqueue_dma source(%dma_start3A_2406 : memref<4x8x128xf32, #tpu.memory_space<hbm>>) target(%dma_start3A_2403 : memref<4x8x128xf32, #tpu.memory_space<vmem>>) target_semaphore(%arg13 : memref<!tpu.dma_semaphore, #tpu.memory_space<semaphore_mem>>)
      } else {
      }
      %dma_wait3A_1494 = arith.constant 1 : i32
      %dma_wait3A_1495 = arith.constant 0 : i32
      %dma_wait3A_1496 = arith.constant 0 : i32
      %dma_wait3A_1497 = arith.constant 0 : i32
      %dma_wait3A_1498 = tpu.memref_slice %arg9[%dma_wait3A_1494, %dma_wait3A_1495, %dma_wait3A_1496, %dma_wait3A_1497] : memref<8x4x8x128xf32, #tpu.memory_space<vmem>> -> memref<1x4x8x128xf32, #tpu.memory_space<vmem>>
      %dma_wait3A_1499 = tpu.memref_squeeze %dma_wait3A_1498 : memref<1x4x8x128xf32, #tpu.memory_space<vmem>> -> memref<4x8x128xf32, #tpu.memory_space<vmem>>
      %dma_wait3A_1500 = arith.constant 0 : i32
      %dma_wait3A_1501 = arith.constant 0 : i32
      %dma_wait3A_1502 = arith.constant 0 : i32
      %dma_wait3A_1503 = tpu.memref_slice %arg4[%dma_wait3A_1500, %dma_wait3A_1501, %dma_wait3A_1502] : memref<4x8x1000000xf32, #tpu.memory_space<hbm>> -> memref<4x8x128xf32, #tpu.memory_space<hbm>>
      %dma_wait3A_1504 = arith.constant 0 : i32
      %dma_wait3A_1505 = arith.constant 0 : i32
      %dma_wait3A_1506 = arith.constant 0 : i32
      %dma_wait3A_1507 = tpu.memref_slice %arg9[%dma_wait3A_1494, %dma_wait3A_1504, %dma_wait3A_1505, %dma_wait3A_1506] : memref<8x4x8x128xf32, #tpu.memory_space<vmem>> -> memref<1x4x8x128xf32, #tpu.memory_space<vmem>>
      %dma_wait3A_1508 = tpu.memref_squeeze %dma_wait3A_1507 : memref<1x4x8x128xf32, #tpu.memory_space<vmem>> -> memref<4x8x128xf32, #tpu.memory_space<vmem>>
      %dma_wait3A_1509 = arith.constant 0 : i32
      %dma_wait3A_1510 = arith.constant 0 : i32
      %dma_wait3A_1511 = arith.constant 0 : i32
      %dma_wait3A_1512 = tpu.memref_slice %arg4[%dma_wait3A_1509, %dma_wait3A_1510, %dma_wait3A_1511] : memref<4x8x1000000xf32, #tpu.memory_space<hbm>> -> memref<4x8x128xf32, #tpu.memory_space<hbm>>
      tpu.wait_dma2 semaphore(%arg12 : memref<!tpu.dma_semaphore, #tpu.memory_space<semaphore_mem>>) src(%dma_wait3A_1512 : memref<4x8x128xf32, #tpu.memory_space<hbm>>) dst(%dma_wait3A_1508 : memref<4x8x128xf32, #tpu.memory_space<vmem>>)
      %dma_wait3A_1513 = arith.constant 1 : i32
      %dma_wait3A_1514 = arith.constant 0 : i32
      %dma_wait3A_1515 = arith.constant 0 : i32
      %dma_wait3A_1516 = arith.constant 0 : i32
      %dma_wait3A_1517 = tpu.memref_slice %arg10[%dma_wait3A_1513, %dma_wait3A_1514, %dma_wait3A_1515, %dma_wait3A_1516] : memref<8x4x8x128xf32, #tpu.memory_space<vmem>> -> memref<1x4x8x128xf32, #tpu.memory_space<vmem>>
      %dma_wait3A_1518 = tpu.memref_squeeze %dma_wait3A_1517 : memref<1x4x8x128xf32, #tpu.memory_space<vmem>> -> memref<4x8x128xf32, #tpu.memory_space<vmem>>
      %dma_wait3A_1519 = arith.constant 0 : i32
      %dma_wait3A_1520 = arith.constant 0 : i32
      %dma_wait3A_1521 = arith.constant 0 : i32
      %dma_wait3A_1522 = tpu.memref_slice %arg5[%dma_wait3A_1519, %dma_wait3A_1520, %dma_wait3A_1521] : memref<4x8x1000000xf32, #tpu.memory_space<hbm>> -> memref<4x8x128xf32, #tpu.memory_space<hbm>>
      %dma_wait3A_1523 = arith.constant 0 : i32
      %dma_wait3A_1524 = arith.constant 0 : i32
      %dma_wait3A_1525 = arith.constant 0 : i32
      %dma_wait3A_1526 = tpu.memref_slice %arg10[%dma_wait3A_1513, %dma_wait3A_1523, %dma_wait3A_1524, %dma_wait3A_1525] : memref<8x4x8x128xf32, #tpu.memory_space<vmem>> -> memref<1x4x8x128xf32, #tpu.memory_space<vmem>>
      %dma_wait3A_1527 = tpu.memref_squeeze %dma_wait3A_1526 : memref<1x4x8x128xf32, #tpu.memory_space<vmem>> -> memref<4x8x128xf32, #tpu.memory_space<vmem>>
      %dma_wait3A_1528 = arith.constant 0 : i32
      %dma_wait3A_1529 = arith.constant 0 : i32
      %dma_wait3A_1530 = arith.constant 0 : i32
      %dma_wait3A_1531 = tpu.memref_slice %arg5[%dma_wait3A_1528, %dma_wait3A_1529, %dma_wait3A_1530] : memref<4x8x1000000xf32, #tpu.memory_space<hbm>> -> memref<4x8x128xf32, #tpu.memory_space<hbm>>
      tpu.wait_dma2 semaphore(%arg13 : memref<!tpu.dma_semaphore, #tpu.memory_space<semaphore_mem>>) src(%dma_wait3A_1531 : memref<4x8x128xf32, #tpu.memory_space<hbm>>) dst(%dma_wait3A_1527 : memref<4x8x128xf32, #tpu.memory_space<vmem>>)
      %mul3A_1532 = arith.constant 16 : i32
      %mul3A_1533 = arith.muli %scan3A_418, %mul3A_1532 : i32
      %get3A_1534 = arith.index_cast %mul3A_1533 : i32 to index
      %get3A_1535 = tpu.vector_load %arg7[%get3A_1534] {strides = array<i32>} : memref<512xi32, #tpu.memory_space<vmem>>, vector<16xi32>,
      %mul3A_1536 = arith.constant 16 : i32
      %mul3A_1537 = arith.muli %scan3A_418, %mul3A_1536 : i32
      %get3A_1538 = arith.index_cast %mul3A_1537 : i32 to index
      %get3A_1539 = tpu.vector_load %arg8[%get3A_1538] {strides = array<i32>} : memref<512xi32, #tpu.memory_space<vmem>>, vector<16xi32>,
      %slice3A_1540 = vector.extract_strided_slice %get3A_1535 {offsets = [9], sizes = [1], strides = [1]} : vector<16xi32> to vector<1xi32>
      %squeeze3A_1541 = vector.extract %slice3A_1540[0] : i32 from vector<1xi32>
      %and3A_1542 = arith.constant 127 : i32
      %and3A_1543 = arith.andi %squeeze3A_1541, %and3A_1542 : i32
      %broadcast_in_dim3A_1544 = vector.broadcast %and3A_1543 : i32 to vector<16xi32>
      %slice3A_1545 = vector.extract_strided_slice %get3A_1539 {offsets = [9], sizes = [1], strides = [1]} : vector<16xi32> to vector<1xi32>
      %squeeze3A_1546 = vector.extract %slice3A_1545[0] : i32 from vector<1xi32>
      %and3A_1547 = arith.constant 127 : i32
      %and3A_1548 = arith.andi %squeeze3A_1546, %and3A_1547 : i32
      %broadcast_in_dim3A_1549 = vector.broadcast %and3A_1548 : i32 to vector<16xi32>
      %broadcast_in_dim3A_1550 = arith.constant 1 : i32
      %broadcast_in_dim3A_1551 = vector.broadcast %broadcast_in_dim3A_1550 : i32 to vector<16xi32>
      %broadcast_in_dim3A_1552 = arith.constant 0.000000e+00 : f32
      %broadcast_in_dim3A_1553 = vector.broadcast %broadcast_in_dim3A_1552 : f32 to vector<16xf32>
      %add3A_1554 = arith.constant 0 : i32
      %add3A_1555 = vector.broadcast %add3A_1554 : i32 to vector<16xi32>
      %add3A_1556 = arith.addi %add3A_1555, %iota3A : vector<16xi32>
      %shift_right_arithmetic3A_1557 = arith.constant 3 : i32
      %shift_right_arithmetic3A_1558 = vector.broadcast %shift_right_arithmetic3A_1557 : i32 to vector<16xi32>
      %shift_right_arithmetic3A_1559 = arith.shrsi %add3A_1556, %shift_right_arithmetic3A_1558 : vector<16xi32>
      %and3A_1560 = arith.constant 7 : i32
      %and3A_1561 = vector.broadcast %and3A_1560 : i32 to vector<16xi32>
      %and3A_1562 = arith.andi %add3A_1556, %and3A_1561 : vector<16xi32>
      %gather3A_1563 = tpu.vector_load_idx %arg9[%broadcast_in_dim3A_1551, %shift_right_arithmetic3A_1559, %and3A_1562, %broadcast_in_dim3A_1544] : memref<8x4x8x128xf32, #tpu.memory_space<vmem>>[vector<16xi32>, vector<16xi32>, vector<16xi32>, vector<16xi32>], vector<16xf32>,
      %shift_right_arithmetic3A_1564 = arith.constant 3 : i32
      %shift_right_arithmetic3A_1565 = vector.broadcast %shift_right_arithmetic3A_1564 : i32 to vector<16xi32>
      %shift_right_arithmetic3A_1566 = arith.shrsi %add3A_1556, %shift_right_arithmetic3A_1565 : vector<16xi32>
      %and3A_1567 = arith.constant 7 : i32
      %and3A_1568 = vector.broadcast %and3A_1567 : i32 to vector<16xi32>
      %and3A_1569 = arith.andi %add3A_1556, %and3A_1568 : vector<16xi32>
      %gather3A_1570 = tpu.vector_load_idx %arg10[%broadcast_in_dim3A_1551, %shift_right_arithmetic3A_1566, %and3A_1569, %broadcast_in_dim3A_1549] : memref<8x4x8x128xf32, #tpu.memory_space<vmem>>[vector<16xi32>, vector<16xi32>, vector<16xi32>, vector<16xi32>], vector<16xf32>,
      %mul3A_1571 = arith.mulf %gather3A_1563, %gather3A_1570 : vector<16xf32>
      %add3A_1572 = arith.addf %broadcast_in_dim3A_1553, %mul3A_1571 : vector<16xf32>
      %add3A_1573 = arith.constant 16 : i32
      %add3A_1574 = vector.broadcast %add3A_1573 : i32 to vector<16xi32>
      %add3A_1575 = arith.addi %add3A_1574, %iota3A : vector<16xi32>
      %shift_right_arithmetic3A_1576 = arith.constant 3 : i32
      %shift_right_arithmetic3A_1577 = vector.broadcast %shift_right_arithmetic3A_1576 : i32 to vector<16xi32>
      %shift_right_arithmetic3A_1578 = arith.shrsi %add3A_1575, %shift_right_arithmetic3A_1577 : vector<16xi32>
      %and3A_1579 = arith.constant 7 : i32
      %and3A_1580 = vector.broadcast %and3A_1579 : i32 to vector<16xi32>
      %and3A_1581 = arith.andi %add3A_1575, %and3A_1580 : vector<16xi32>
      %gather3A_1582 = tpu.vector_load_idx %arg9[%broadcast_in_dim3A_1551, %shift_right_arithmetic3A_1578, %and3A_1581, %broadcast_in_dim3A_1544] : memref<8x4x8x128xf32, #tpu.memory_space<vmem>>[vector<16xi32>, vector<16xi32>, vector<16xi32>, vector<16xi32>], vector<16xf32>,
      %shift_right_arithmetic3A_1583 = arith.constant 3 : i32
      %shift_right_arithmetic3A_1584 = vector.broadcast %shift_right_arithmetic3A_1583 : i32 to vector<16xi32>
      %shift_right_arithmetic3A_1585 = arith.shrsi %add3A_1575, %shift_right_arithmetic3A_1584 : vector<16xi32>
      %and3A_1586 = arith.constant 7 : i32
      %and3A_1587 = vector.broadcast %and3A_1586 : i32 to vector<16xi32>
      %and3A_1588 = arith.andi %add3A_1575, %and3A_1587 : vector<16xi32>
      %gather3A_1589 = tpu.vector_load_idx %arg10[%broadcast_in_dim3A_1551, %shift_right_arithmetic3A_1585, %and3A_1588, %broadcast_in_dim3A_1549] : memref<8x4x8x128xf32, #tpu.memory_space<vmem>>[vector<16xi32>, vector<16xi32>, vector<16xi32>, vector<16xi32>], vector<16xf32>,
      %mul3A_1590 = arith.mulf %gather3A_1582, %gather3A_1589 : vector<16xf32>
      %add3A_1591 = arith.addf %add3A_1572, %mul3A_1590 : vector<16xf32>
      %broadcast_in_dim3A_1592 = arith.constant true
      %broadcast_in_dim3A_1593 = vector.broadcast %broadcast_in_dim3A_1592 : i1 to vector<16xi1>
      %masked_cumsum3A_1594 = tpu.scan <sum>, %add3A_1591 masked %broadcast_in_dim3A_1593 : vector<16xf32>, vector<16xi1> -> vector<16xf32>
      %lt3A_1595 = arith.constant 0 : i32
      %lt3A_1596 = vector.broadcast %lt3A_1595 : i32 to vector<16xi32>
      %lt3A_1597 = arith.cmpi slt, %broadcast_in_dim3A_3, %lt3A_1596 : vector<16xi32>
      %add3A_1598 = arith.constant 16 : i32
      %add3A_1599 = vector.broadcast %add3A_1598 : i32 to vector<16xi32>
      %add3A_1600 = arith.addi %broadcast_in_dim3A_3, %add3A_1599 : vector<16xi32>
      %select_n3A_1601 = arith.select %lt3A_1597, %add3A_1600, %broadcast_in_dim3A_3 : vector<16xi1>, vector<16xi32>
      %broadcast_in_dim3A_1602 = vector.shape_cast %select_n3A_1601 : vector<16xi32> to vector<16x1xi32>
      %gather3A_1603 = vector.shape_cast %broadcast_in_dim3A_1602 : vector<16x1xi32> to vector<16xi32>
      %gather3A_1604 = tpu.dynamic_gather %masked_cumsum3A_1594[%gather3A_1603] in [0] : vector<16xf32>, vector<16xi32> -> vector<16xf32>
      %eq3A_1605 = arith.constant 9 : i32
      %eq3A_1606 = vector.broadcast %eq3A_1605 : i32 to vector<16xi32>
      %eq3A_1607 = arith.cmpi eq, %iota3A, %eq3A_1606 : vector<16xi32>
      %select_n3A_1608 = arith.select %eq3A_1607, %gather3A_1604, %select_n3A_1486 : vector<16xi1>, vector<16xf32>
      %add3A_1609 = arith.constant 1 : i32
      %add3A_1610 = arith.addi %scan3A_418, %add3A_1609 : i32
      %lt3A_1611 = arith.constant 32 : i32
      %lt3A_1612 = arith.cmpi slt, %add3A_1610, %lt3A_1611 : i32
      %convert_element_type3A_1613 = arith.extui %lt3A_1612 : i1 to i32
      %cond3A_1614 = arith.constant 0 : i32
      %cond3A_1615 = arith.cmpi ne, %convert_element_type3A_1613, %cond3A_1614 : i32
      scf.if %cond3A_1615 {
        %mul3A_2351 = arith.constant 16 : i32
        %mul3A_2352 = arith.muli %add3A_1610, %mul3A_2351 : i32
        %get3A_2353 = arith.index_cast %mul3A_2352 : i32 to index
        %get3A_2354 = tpu.vector_load %arg7[%get3A_2353] {strides = array<i32>} : memref<512xi32, #tpu.memory_space<vmem>>, vector<16xi32>,
        %mul3A_2355 = arith.constant 16 : i32
        %mul3A_2356 = arith.muli %add3A_1610, %mul3A_2355 : i32
        %get3A_2357 = arith.index_cast %mul3A_2356 : i32 to index
        %get3A_2358 = tpu.vector_load %arg8[%get3A_2357] {strides = array<i32>} : memref<512xi32, #tpu.memory_space<vmem>>, vector<16xi32>,
        %slice3A_2359 = vector.extract_strided_slice %get3A_2354 {offsets = [1], sizes = [1], strides = [1]} : vector<16xi32> to vector<1xi32>
        %squeeze3A_2360 = vector.extract %slice3A_2359[0] : i32 from vector<1xi32>
        %slice3A_2361 = vector.extract_strided_slice %get3A_2358 {offsets = [1], sizes = [1], strides = [1]} : vector<16xi32> to vector<1xi32>
        %squeeze3A_2362 = vector.extract %slice3A_2361[0] : i32 from vector<1xi32>
        %shift_right_arithmetic3A_2363 = arith.constant 7 : i32
        %shift_right_arithmetic3A_2364 = arith.shrsi %squeeze3A_2360, %shift_right_arithmetic3A_2363 : i32
        %shift_left3A_2365 = arith.constant 7 : i32
        %shift_left3A_2366 = arith.shli %shift_right_arithmetic3A_2364, %shift_left3A_2365 : i32
        %multiple_of3A_2367 = tpu.assume_multiple %shift_left3A_2366, 128 : i32
        %shift_right_arithmetic3A_2368 = arith.constant 7 : i32
        %shift_right_arithmetic3A_2369 = arith.shrsi %squeeze3A_2362, %shift_right_arithmetic3A_2368 : i32
        %shift_left3A_2370 = arith.constant 7 : i32
        %shift_left3A_2371 = arith.shli %shift_right_arithmetic3A_2369, %shift_left3A_2370 : i32
        %multiple_of3A_2372 = tpu.assume_multiple %shift_left3A_2371, 128 : i32
        %dma_start3A_2373 = arith.constant 1 : i32
        %dma_start3A_2374 = arith.constant 0 : i32
        %dma_start3A_2375 = arith.constant 0 : i32
        %dma_start3A_2376 = arith.constant 0 : i32
        %dma_start3A_2377 = tpu.memref_slice %arg9[%dma_start3A_2373, %dma_start3A_2374, %dma_start3A_2375, %dma_start3A_2376] : memref<8x4x8x128xf32, #tpu.memory_space<vmem>> -> memref<1x4x8x128xf32, #tpu.memory_space<vmem>>
        %dma_start3A_2378 = tpu.memref_squeeze %dma_start3A_2377 : memref<1x4x8x128xf32, #tpu.memory_space<vmem>> -> memref<4x8x128xf32, #tpu.memory_space<vmem>>
        %dma_start3A_2379 = arith.constant 0 : i32
        %dma_start3A_2380 = arith.constant 0 : i32
        %dma_start3A_2381 = tpu.memref_slice %arg4[%dma_start3A_2379, %dma_start3A_2380, %multiple_of3A_2367] : memref<4x8x1000000xf32, #tpu.memory_space<hbm>> -> memref<4x8x128xf32, #tpu.memory_space<hbm>>
        %dma_start3A_2382 = arith.constant 0 : i32
        %dma_start3A_2383 = arith.constant 0 : i32
        %dma_start3A_2384 = arith.constant 0 : i32
        %dma_start3A_2385 = tpu.memref_slice %arg9[%dma_start3A_2373, %dma_start3A_2382, %dma_start3A_2383, %dma_start3A_2384] : memref<8x4x8x128xf32, #tpu.memory_space<vmem>> -> memref<1x4x8x128xf32, #tpu.memory_space<vmem>>
        %dma_start3A_2386 = tpu.memref_squeeze %dma_start3A_2385 : memref<1x4x8x128xf32, #tpu.memory_space<vmem>> -> memref<4x8x128xf32, #tpu.memory_space<vmem>>
        %dma_start3A_2387 = arith.constant 0 : i32
        %dma_start3A_2388 = arith.constant 0 : i32
        %dma_start3A_2389 = tpu.memref_slice %arg4[%dma_start3A_2387, %dma_start3A_2388, %multiple_of3A_2367] : memref<4x8x1000000xf32, #tpu.memory_space<hbm>> -> memref<4x8x128xf32, #tpu.memory_space<hbm>>
        tpu.enqueue_dma source(%dma_start3A_2389 : memref<4x8x128xf32, #tpu.memory_space<hbm>>) target(%dma_start3A_2386 : memref<4x8x128xf32, #tpu.memory_space<vmem>>) target_semaphore(%arg12 : memref<!tpu.dma_semaphore, #tpu.memory_space<semaphore_mem>>)
        %dma_start3A_2390 = arith.constant 1 : i32
        %dma_start3A_2391 = arith.constant 0 : i32
        %dma_start3A_2392 = arith.constant 0 : i32
        %dma_start3A_2393 = arith.constant 0 : i32
        %dma_start3A_2394 = tpu.memref_slice %arg10[%dma_start3A_2390, %dma_start3A_2391, %dma_start3A_2392, %dma_start3A_2393] : memref<8x4x8x128xf32, #tpu.memory_space<vmem>> -> memref<1x4x8x128xf32, #tpu.memory_space<vmem>>
        %dma_start3A_2395 = tpu.memref_squeeze %dma_start3A_2394 : memref<1x4x8x128xf32, #tpu.memory_space<vmem>> -> memref<4x8x128xf32, #tpu.memory_space<vmem>>
        %dma_start3A_2396 = arith.constant 0 : i32
        %dma_start3A_2397 = arith.constant 0 : i32
        %dma_start3A_2398 = tpu.memref_slice %arg5[%dma_start3A_2396, %dma_start3A_2397, %multiple_of3A_2372] : memref<4x8x1000000xf32, #tpu.memory_space<hbm>> -> memref<4x8x128xf32, #tpu.memory_space<hbm>>
        %dma_start3A_2399 = arith.constant 0 : i32
        %dma_start3A_2400 = arith.constant 0 : i32
        %dma_start3A_2401 = arith.constant 0 : i32
        %dma_start3A_2402 = tpu.memref_slice %arg10[%dma_start3A_2390, %dma_start3A_2399, %dma_start3A_2400, %dma_start3A_2401] : memref<8x4x8x128xf32, #tpu.memory_space<vmem>> -> memref<1x4x8x128xf32, #tpu.memory_space<vmem>>
        %dma_start3A_2403 = tpu.memref_squeeze %dma_start3A_2402 : memref<1x4x8x128xf32, #tpu.memory_space<vmem>> -> memref<4x8x128xf32, #tpu.memory_space<vmem>>
        %dma_start3A_2404 = arith.constant 0 : i32
        %dma_start3A_2405 = arith.constant 0 : i32
        %dma_start3A_2406 = tpu.memref_slice %arg5[%dma_start3A_2404, %dma_start3A_2405, %multiple_of3A_2372] : memref<4x8x1000000xf32, #tpu.memory_space<hbm>> -> memref<4x8x128xf32, #tpu.memory_space<hbm>>
        tpu.enqueue_dma source(%dma_start3A_2406 : memref<4x8x128xf32, #tpu.memory_space<hbm>>) target(%dma_start3A_2403 : memref<4x8x128xf32, #tpu.memory_space<vmem>>) target_semaphore(%arg13 : memref<!tpu.dma_semaphore, #tpu.memory_space<semaphore_mem>>)
      } else {
      }
      %dma_wait3A_1616 = arith.constant 2 : i32
      %dma_wait3A_1617 = arith.constant 0 : i32
      %dma_wait3A_1618 = arith.constant 0 : i32
      %dma_wait3A_1619 = arith.constant 0 : i32
      %dma_wait3A_1620 = tpu.memref_slice %arg9[%dma_wait3A_1616, %dma_wait3A_1617, %dma_wait3A_1618, %dma_wait3A_1619] : memref<8x4x8x128xf32, #tpu.memory_space<vmem>> -> memref<1x4x8x128xf32, #tpu.memory_space<vmem>>
      %dma_wait3A_1621 = tpu.memref_squeeze %dma_wait3A_1620 : memref<1x4x8x128xf32, #tpu.memory_space<vmem>> -> memref<4x8x128xf32, #tpu.memory_space<vmem>>
      %dma_wait3A_1622 = arith.constant 0 : i32
      %dma_wait3A_1623 = arith.constant 0 : i32
      %dma_wait3A_1624 = arith.constant 0 : i32
      %dma_wait3A_1625 = tpu.memref_slice %arg4[%dma_wait3A_1622, %dma_wait3A_1623, %dma_wait3A_1624] : memref<4x8x1000000xf32, #tpu.memory_space<hbm>> -> memref<4x8x128xf32, #tpu.memory_space<hbm>>
      %dma_wait3A_1626 = arith.constant 0 : i32
      %dma_wait3A_1627 = arith.constant 0 : i32
      %dma_wait3A_1628 = arith.constant 0 : i32
      %dma_wait3A_1629 = tpu.memref_slice %arg9[%dma_wait3A_1616, %dma_wait3A_1626, %dma_wait3A_1627, %dma_wait3A_1628] : memref<8x4x8x128xf32, #tpu.memory_space<vmem>> -> memref<1x4x8x128xf32, #tpu.memory_space<vmem>>
      %dma_wait3A_1630 = tpu.memref_squeeze %dma_wait3A_1629 : memref<1x4x8x128xf32, #tpu.memory_space<vmem>> -> memref<4x8x128xf32, #tpu.memory_space<vmem>>
      %dma_wait3A_1631 = arith.constant 0 : i32
      %dma_wait3A_1632 = arith.constant 0 : i32
      %dma_wait3A_1633 = arith.constant 0 : i32
      %dma_wait3A_1634 = tpu.memref_slice %arg4[%dma_wait3A_1631, %dma_wait3A_1632, %dma_wait3A_1633] : memref<4x8x1000000xf32, #tpu.memory_space<hbm>> -> memref<4x8x128xf32, #tpu.memory_space<hbm>>
      tpu.wait_dma2 semaphore(%arg12 : memref<!tpu.dma_semaphore, #tpu.memory_space<semaphore_mem>>) src(%dma_wait3A_1634 : memref<4x8x128xf32, #tpu.memory_space<hbm>>) dst(%dma_wait3A_1630 : memref<4x8x128xf32, #tpu.memory_space<vmem>>)
      %dma_wait3A_1635 = arith.constant 2 : i32
      %dma_wait3A_1636 = arith.constant 0 : i32
      %dma_wait3A_1637 = arith.constant 0 : i32
      %dma_wait3A_1638 = arith.constant 0 : i32
      %dma_wait3A_1639 = tpu.memref_slice %arg10[%dma_wait3A_1635, %dma_wait3A_1636, %dma_wait3A_1637, %dma_wait3A_1638] : memref<8x4x8x128xf32, #tpu.memory_space<vmem>> -> memref<1x4x8x128xf32, #tpu.memory_space<vmem>>
      %dma_wait3A_1640 = tpu.memref_squeeze %dma_wait3A_1639 : memref<1x4x8x128xf32, #tpu.memory_space<vmem>> -> memref<4x8x128xf32, #tpu.memory_space<vmem>>
      %dma_wait3A_1641 = arith.constant 0 : i32
      %dma_wait3A_1642 = arith.constant 0 : i32
      %dma_wait3A_1643 = arith.constant 0 : i32
      %dma_wait3A_1644 = tpu.memref_slice %arg5[%dma_wait3A_1641, %dma_wait3A_1642, %dma_wait3A_1643] : memref<4x8x1000000xf32, #tpu.memory_space<hbm>> -> memref<4x8x128xf32, #tpu.memory_space<hbm>>
      %dma_wait3A_1645 = arith.constant 0 : i32
      %dma_wait3A_1646 = arith.constant 0 : i32
      %dma_wait3A_1647 = arith.constant 0 : i32
      %dma_wait3A_1648 = tpu.memref_slice %arg10[%dma_wait3A_1635, %dma_wait3A_1645, %dma_wait3A_1646, %dma_wait3A_1647] : memref<8x4x8x128xf32, #tpu.memory_space<vmem>> -> memref<1x4x8x128xf32, #tpu.memory_space<vmem>>
      %dma_wait3A_1649 = tpu.memref_squeeze %dma_wait3A_1648 : memref<1x4x8x128xf32, #tpu.memory_space<vmem>> -> memref<4x8x128xf32, #tpu.memory_space<vmem>>
      %dma_wait3A_1650 = arith.constant 0 : i32
      %dma_wait3A_1651 = arith.constant 0 : i32
      %dma_wait3A_1652 = arith.constant 0 : i32
      %dma_wait3A_1653 = tpu.memref_slice %arg5[%dma_wait3A_1650, %dma_wait3A_1651, %dma_wait3A_1652] : memref<4x8x1000000xf32, #tpu.memory_space<hbm>> -> memref<4x8x128xf32, #tpu.memory_space<hbm>>
      tpu.wait_dma2 semaphore(%arg13 : memref<!tpu.dma_semaphore, #tpu.memory_space<semaphore_mem>>) src(%dma_wait3A_1653 : memref<4x8x128xf32, #tpu.memory_space<hbm>>) dst(%dma_wait3A_1649 : memref<4x8x128xf32, #tpu.memory_space<vmem>>)
      %mul3A_1654 = arith.constant 16 : i32
      %mul3A_1655 = arith.muli %scan3A_418, %mul3A_1654 : i32
      %get3A_1656 = arith.index_cast %mul3A_1655 : i32 to index
      %get3A_1657 = tpu.vector_load %arg7[%get3A_1656] {strides = array<i32>} : memref<512xi32, #tpu.memory_space<vmem>>, vector<16xi32>,
      %mul3A_1658 = arith.constant 16 : i32
      %mul3A_1659 = arith.muli %scan3A_418, %mul3A_1658 : i32
      %get3A_1660 = arith.index_cast %mul3A_1659 : i32 to index
      %get3A_1661 = tpu.vector_load %arg8[%get3A_1660] {strides = array<i32>} : memref<512xi32, #tpu.memory_space<vmem>>, vector<16xi32>,
      %slice3A_1662 = vector.extract_strided_slice %get3A_1657 {offsets = [10], sizes = [1], strides = [1]} : vector<16xi32> to vector<1xi32>
      %squeeze3A_1663 = vector.extract %slice3A_1662[0] : i32 from vector<1xi32>
      %and3A_1664 = arith.constant 127 : i32
      %and3A_1665 = arith.andi %squeeze3A_1663, %and3A_1664 : i32
      %broadcast_in_dim3A_1666 = vector.broadcast %and3A_1665 : i32 to vector<16xi32>
      %slice3A_1667 = vector.extract_strided_slice %get3A_1661 {offsets = [10], sizes = [1], strides = [1]} : vector<16xi32> to vector<1xi32>
      %squeeze3A_1668 = vector.extract %slice3A_1667[0] : i32 from vector<1xi32>
      %and3A_1669 = arith.constant 127 : i32
      %and3A_1670 = arith.andi %squeeze3A_1668, %and3A_1669 : i32
      %broadcast_in_dim3A_1671 = vector.broadcast %and3A_1670 : i32 to vector<16xi32>
      %broadcast_in_dim3A_1672 = arith.constant 2 : i32
      %broadcast_in_dim3A_1673 = vector.broadcast %broadcast_in_dim3A_1672 : i32 to vector<16xi32>
      %broadcast_in_dim3A_1674 = arith.constant 0.000000e+00 : f32
      %broadcast_in_dim3A_1675 = vector.broadcast %broadcast_in_dim3A_1674 : f32 to vector<16xf32>
      %add3A_1676 = arith.constant 0 : i32
      %add3A_1677 = vector.broadcast %add3A_1676 : i32 to vector<16xi32>
      %add3A_1678 = arith.addi %add3A_1677, %iota3A : vector<16xi32>
      %shift_right_arithmetic3A_1679 = arith.constant 3 : i32
      %shift_right_arithmetic3A_1680 = vector.broadcast %shift_right_arithmetic3A_1679 : i32 to vector<16xi32>
      %shift_right_arithmetic3A_1681 = arith.shrsi %add3A_1678, %shift_right_arithmetic3A_1680 : vector<16xi32>
      %and3A_1682 = arith.constant 7 : i32
      %and3A_1683 = vector.broadcast %and3A_1682 : i32 to vector<16xi32>
      %and3A_1684 = arith.andi %add3A_1678, %and3A_1683 : vector<16xi32>
      %gather3A_1685 = tpu.vector_load_idx %arg9[%broadcast_in_dim3A_1673, %shift_right_arithmetic3A_1681, %and3A_1684, %broadcast_in_dim3A_1666] : memref<8x4x8x128xf32, #tpu.memory_space<vmem>>[vector<16xi32>, vector<16xi32>, vector<16xi32>, vector<16xi32>], vector<16xf32>,
      %shift_right_arithmetic3A_1686 = arith.constant 3 : i32
      %shift_right_arithmetic3A_1687 = vector.broadcast %shift_right_arithmetic3A_1686 : i32 to vector<16xi32>
      %shift_right_arithmetic3A_1688 = arith.shrsi %add3A_1678, %shift_right_arithmetic3A_1687 : vector<16xi32>
      %and3A_1689 = arith.constant 7 : i32
      %and3A_1690 = vector.broadcast %and3A_1689 : i32 to vector<16xi32>
      %and3A_1691 = arith.andi %add3A_1678, %and3A_1690 : vector<16xi32>
      %gather3A_1692 = tpu.vector_load_idx %arg10[%broadcast_in_dim3A_1673, %shift_right_arithmetic3A_1688, %and3A_1691, %broadcast_in_dim3A_1671] : memref<8x4x8x128xf32, #tpu.memory_space<vmem>>[vector<16xi32>, vector<16xi32>, vector<16xi32>, vector<16xi32>], vector<16xf32>,
      %mul3A_1693 = arith.mulf %gather3A_1685, %gather3A_1692 : vector<16xf32>
      %add3A_1694 = arith.addf %broadcast_in_dim3A_1675, %mul3A_1693 : vector<16xf32>
      %add3A_1695 = arith.constant 16 : i32
      %add3A_1696 = vector.broadcast %add3A_1695 : i32 to vector<16xi32>
      %add3A_1697 = arith.addi %add3A_1696, %iota3A : vector<16xi32>
      %shift_right_arithmetic3A_1698 = arith.constant 3 : i32
      %shift_right_arithmetic3A_1699 = vector.broadcast %shift_right_arithmetic3A_1698 : i32 to vector<16xi32>
      %shift_right_arithmetic3A_1700 = arith.shrsi %add3A_1697, %shift_right_arithmetic3A_1699 : vector<16xi32>
      %and3A_1701 = arith.constant 7 : i32
      %and3A_1702 = vector.broadcast %and3A_1701 : i32 to vector<16xi32>
      %and3A_1703 = arith.andi %add3A_1697, %and3A_1702 : vector<16xi32>
      %gather3A_1704 = tpu.vector_load_idx %arg9[%broadcast_in_dim3A_1673, %shift_right_arithmetic3A_1700, %and3A_1703, %broadcast_in_dim3A_1666] : memref<8x4x8x128xf32, #tpu.memory_space<vmem>>[vector<16xi32>, vector<16xi32>, vector<16xi32>, vector<16xi32>], vector<16xf32>,
      %shift_right_arithmetic3A_1705 = arith.constant 3 : i32
      %shift_right_arithmetic3A_1706 = vector.broadcast %shift_right_arithmetic3A_1705 : i32 to vector<16xi32>
      %shift_right_arithmetic3A_1707 = arith.shrsi %add3A_1697, %shift_right_arithmetic3A_1706 : vector<16xi32>
      %and3A_1708 = arith.constant 7 : i32
      %and3A_1709 = vector.broadcast %and3A_1708 : i32 to vector<16xi32>
      %and3A_1710 = arith.andi %add3A_1697, %and3A_1709 : vector<16xi32>
      %gather3A_1711 = tpu.vector_load_idx %arg10[%broadcast_in_dim3A_1673, %shift_right_arithmetic3A_1707, %and3A_1710, %broadcast_in_dim3A_1671] : memref<8x4x8x128xf32, #tpu.memory_space<vmem>>[vector<16xi32>, vector<16xi32>, vector<16xi32>, vector<16xi32>], vector<16xf32>,
      %mul3A_1712 = arith.mulf %gather3A_1704, %gather3A_1711 : vector<16xf32>
      %add3A_1713 = arith.addf %add3A_1694, %mul3A_1712 : vector<16xf32>
      %broadcast_in_dim3A_1714 = arith.constant true
      %broadcast_in_dim3A_1715 = vector.broadcast %broadcast_in_dim3A_1714 : i1 to vector<16xi1>
      %masked_cumsum3A_1716 = tpu.scan <sum>, %add3A_1713 masked %broadcast_in_dim3A_1715 : vector<16xf32>, vector<16xi1> -> vector<16xf32>
      %lt3A_1717 = arith.constant 0 : i32
      %lt3A_1718 = vector.broadcast %lt3A_1717 : i32 to vector<16xi32>
      %lt3A_1719 = arith.cmpi slt, %broadcast_in_dim3A_3, %lt3A_1718 : vector<16xi32>
      %add3A_1720 = arith.constant 16 : i32
      %add3A_1721 = vector.broadcast %add3A_1720 : i32 to vector<16xi32>
      %add3A_1722 = arith.addi %broadcast_in_dim3A_3, %add3A_1721 : vector<16xi32>
      %select_n3A_1723 = arith.select %lt3A_1719, %add3A_1722, %broadcast_in_dim3A_3 : vector<16xi1>, vector<16xi32>
      %broadcast_in_dim3A_1724 = vector.shape_cast %select_n3A_1723 : vector<16xi32> to vector<16x1xi32>
      %gather3A_1725 = vector.shape_cast %broadcast_in_dim3A_1724 : vector<16x1xi32> to vector<16xi32>
      %gather3A_1726 = tpu.dynamic_gather %masked_cumsum3A_1716[%gather3A_1725] in [0] : vector<16xf32>, vector<16xi32> -> vector<16xf32>
      %eq3A_1727 = arith.constant 10 : i32
      %eq3A_1728 = vector.broadcast %eq3A_1727 : i32 to vector<16xi32>
      %eq3A_1729 = arith.cmpi eq, %iota3A, %eq3A_1728 : vector<16xi32>
      %select_n3A_1730 = arith.select %eq3A_1729, %gather3A_1726, %select_n3A_1608 : vector<16xi1>, vector<16xf32>
      %add3A_1731 = arith.constant 1 : i32
      %add3A_1732 = arith.addi %scan3A_418, %add3A_1731 : i32
      %lt3A_1733 = arith.constant 32 : i32
      %lt3A_1734 = arith.cmpi slt, %add3A_1732, %lt3A_1733 : i32
      %convert_element_type3A_1735 = arith.extui %lt3A_1734 : i1 to i32
      %cond3A_1736 = arith.constant 0 : i32
      %cond3A_1737 = arith.cmpi ne, %convert_element_type3A_1735, %cond3A_1736 : i32
      scf.if %cond3A_1737 {
        %mul3A_2351 = arith.constant 16 : i32
        %mul3A_2352 = arith.muli %add3A_1732, %mul3A_2351 : i32
        %get3A_2353 = arith.index_cast %mul3A_2352 : i32 to index
        %get3A_2354 = tpu.vector_load %arg7[%get3A_2353] {strides = array<i32>} : memref<512xi32, #tpu.memory_space<vmem>>, vector<16xi32>,
        %mul3A_2355 = arith.constant 16 : i32
        %mul3A_2356 = arith.muli %add3A_1732, %mul3A_2355 : i32
        %get3A_2357 = arith.index_cast %mul3A_2356 : i32 to index
        %get3A_2358 = tpu.vector_load %arg8[%get3A_2357] {strides = array<i32>} : memref<512xi32, #tpu.memory_space<vmem>>, vector<16xi32>,
        %slice3A_2359 = vector.extract_strided_slice %get3A_2354 {offsets = [2], sizes = [1], strides = [1]} : vector<16xi32> to vector<1xi32>
        %squeeze3A_2360 = vector.extract %slice3A_2359[0] : i32 from vector<1xi32>
        %slice3A_2361 = vector.extract_strided_slice %get3A_2358 {offsets = [2], sizes = [1], strides = [1]} : vector<16xi32> to vector<1xi32>
        %squeeze3A_2362 = vector.extract %slice3A_2361[0] : i32 from vector<1xi32>
        %shift_right_arithmetic3A_2363 = arith.constant 7 : i32
        %shift_right_arithmetic3A_2364 = arith.shrsi %squeeze3A_2360, %shift_right_arithmetic3A_2363 : i32
        %shift_left3A_2365 = arith.constant 7 : i32
        %shift_left3A_2366 = arith.shli %shift_right_arithmetic3A_2364, %shift_left3A_2365 : i32
        %multiple_of3A_2367 = tpu.assume_multiple %shift_left3A_2366, 128 : i32
        %shift_right_arithmetic3A_2368 = arith.constant 7 : i32
        %shift_right_arithmetic3A_2369 = arith.shrsi %squeeze3A_2362, %shift_right_arithmetic3A_2368 : i32
        %shift_left3A_2370 = arith.constant 7 : i32
        %shift_left3A_2371 = arith.shli %shift_right_arithmetic3A_2369, %shift_left3A_2370 : i32
        %multiple_of3A_2372 = tpu.assume_multiple %shift_left3A_2371, 128 : i32
        %dma_start3A_2373 = arith.constant 2 : i32
        %dma_start3A_2374 = arith.constant 0 : i32
        %dma_start3A_2375 = arith.constant 0 : i32
        %dma_start3A_2376 = arith.constant 0 : i32
        %dma_start3A_2377 = tpu.memref_slice %arg9[%dma_start3A_2373, %dma_start3A_2374, %dma_start3A_2375, %dma_start3A_2376] : memref<8x4x8x128xf32, #tpu.memory_space<vmem>> -> memref<1x4x8x128xf32, #tpu.memory_space<vmem>>
        %dma_start3A_2378 = tpu.memref_squeeze %dma_start3A_2377 : memref<1x4x8x128xf32, #tpu.memory_space<vmem>> -> memref<4x8x128xf32, #tpu.memory_space<vmem>>
        %dma_start3A_2379 = arith.constant 0 : i32
        %dma_start3A_2380 = arith.constant 0 : i32
        %dma_start3A_2381 = tpu.memref_slice %arg4[%dma_start3A_2379, %dma_start3A_2380, %multiple_of3A_2367] : memref<4x8x1000000xf32, #tpu.memory_space<hbm>> -> memref<4x8x128xf32, #tpu.memory_space<hbm>>
        %dma_start3A_2382 = arith.constant 0 : i32
        %dma_start3A_2383 = arith.constant 0 : i32
        %dma_start3A_2384 = arith.constant 0 : i32
        %dma_start3A_2385 = tpu.memref_slice %arg9[%dma_start3A_2373, %dma_start3A_2382, %dma_start3A_2383, %dma_start3A_2384] : memref<8x4x8x128xf32, #tpu.memory_space<vmem>> -> memref<1x4x8x128xf32, #tpu.memory_space<vmem>>
        %dma_start3A_2386 = tpu.memref_squeeze %dma_start3A_2385 : memref<1x4x8x128xf32, #tpu.memory_space<vmem>> -> memref<4x8x128xf32, #tpu.memory_space<vmem>>
        %dma_start3A_2387 = arith.constant 0 : i32
        %dma_start3A_2388 = arith.constant 0 : i32
        %dma_start3A_2389 = tpu.memref_slice %arg4[%dma_start3A_2387, %dma_start3A_2388, %multiple_of3A_2367] : memref<4x8x1000000xf32, #tpu.memory_space<hbm>> -> memref<4x8x128xf32, #tpu.memory_space<hbm>>
        tpu.enqueue_dma source(%dma_start3A_2389 : memref<4x8x128xf32, #tpu.memory_space<hbm>>) target(%dma_start3A_2386 : memref<4x8x128xf32, #tpu.memory_space<vmem>>) target_semaphore(%arg12 : memref<!tpu.dma_semaphore, #tpu.memory_space<semaphore_mem>>)
        %dma_start3A_2390 = arith.constant 2 : i32
        %dma_start3A_2391 = arith.constant 0 : i32
        %dma_start3A_2392 = arith.constant 0 : i32
        %dma_start3A_2393 = arith.constant 0 : i32
        %dma_start3A_2394 = tpu.memref_slice %arg10[%dma_start3A_2390, %dma_start3A_2391, %dma_start3A_2392, %dma_start3A_2393] : memref<8x4x8x128xf32, #tpu.memory_space<vmem>> -> memref<1x4x8x128xf32, #tpu.memory_space<vmem>>
        %dma_start3A_2395 = tpu.memref_squeeze %dma_start3A_2394 : memref<1x4x8x128xf32, #tpu.memory_space<vmem>> -> memref<4x8x128xf32, #tpu.memory_space<vmem>>
        %dma_start3A_2396 = arith.constant 0 : i32
        %dma_start3A_2397 = arith.constant 0 : i32
        %dma_start3A_2398 = tpu.memref_slice %arg5[%dma_start3A_2396, %dma_start3A_2397, %multiple_of3A_2372] : memref<4x8x1000000xf32, #tpu.memory_space<hbm>> -> memref<4x8x128xf32, #tpu.memory_space<hbm>>
        %dma_start3A_2399 = arith.constant 0 : i32
        %dma_start3A_2400 = arith.constant 0 : i32
        %dma_start3A_2401 = arith.constant 0 : i32
        %dma_start3A_2402 = tpu.memref_slice %arg10[%dma_start3A_2390, %dma_start3A_2399, %dma_start3A_2400, %dma_start3A_2401] : memref<8x4x8x128xf32, #tpu.memory_space<vmem>> -> memref<1x4x8x128xf32, #tpu.memory_space<vmem>>
        %dma_start3A_2403 = tpu.memref_squeeze %dma_start3A_2402 : memref<1x4x8x128xf32, #tpu.memory_space<vmem>> -> memref<4x8x128xf32, #tpu.memory_space<vmem>>
        %dma_start3A_2404 = arith.constant 0 : i32
        %dma_start3A_2405 = arith.constant 0 : i32
        %dma_start3A_2406 = tpu.memref_slice %arg5[%dma_start3A_2404, %dma_start3A_2405, %multiple_of3A_2372] : memref<4x8x1000000xf32, #tpu.memory_space<hbm>> -> memref<4x8x128xf32, #tpu.memory_space<hbm>>
        tpu.enqueue_dma source(%dma_start3A_2406 : memref<4x8x128xf32, #tpu.memory_space<hbm>>) target(%dma_start3A_2403 : memref<4x8x128xf32, #tpu.memory_space<vmem>>) target_semaphore(%arg13 : memref<!tpu.dma_semaphore, #tpu.memory_space<semaphore_mem>>)
      } else {
      }
      %dma_wait3A_1738 = arith.constant 3 : i32
      %dma_wait3A_1739 = arith.constant 0 : i32
      %dma_wait3A_1740 = arith.constant 0 : i32
      %dma_wait3A_1741 = arith.constant 0 : i32
      %dma_wait3A_1742 = tpu.memref_slice %arg9[%dma_wait3A_1738, %dma_wait3A_1739, %dma_wait3A_1740, %dma_wait3A_1741] : memref<8x4x8x128xf32, #tpu.memory_space<vmem>> -> memref<1x4x8x128xf32, #tpu.memory_space<vmem>>
      %dma_wait3A_1743 = tpu.memref_squeeze %dma_wait3A_1742 : memref<1x4x8x128xf32, #tpu.memory_space<vmem>> -> memref<4x8x128xf32, #tpu.memory_space<vmem>>
      %dma_wait3A_1744 = arith.constant 0 : i32
      %dma_wait3A_1745 = arith.constant 0 : i32
      %dma_wait3A_1746 = arith.constant 0 : i32
      %dma_wait3A_1747 = tpu.memref_slice %arg4[%dma_wait3A_1744, %dma_wait3A_1745, %dma_wait3A_1746] : memref<4x8x1000000xf32, #tpu.memory_space<hbm>> -> memref<4x8x128xf32, #tpu.memory_space<hbm>>
      %dma_wait3A_1748 = arith.constant 0 : i32
      %dma_wait3A_1749 = arith.constant 0 : i32
      %dma_wait3A_1750 = arith.constant 0 : i32
      %dma_wait3A_1751 = tpu.memref_slice %arg9[%dma_wait3A_1738, %dma_wait3A_1748, %dma_wait3A_1749, %dma_wait3A_1750] : memref<8x4x8x128xf32, #tpu.memory_space<vmem>> -> memref<1x4x8x128xf32, #tpu.memory_space<vmem>>
      %dma_wait3A_1752 = tpu.memref_squeeze %dma_wait3A_1751 : memref<1x4x8x128xf32, #tpu.memory_space<vmem>> -> memref<4x8x128xf32, #tpu.memory_space<vmem>>
      %dma_wait3A_1753 = arith.constant 0 : i32
      %dma_wait3A_1754 = arith.constant 0 : i32
      %dma_wait3A_1755 = arith.constant 0 : i32
      %dma_wait3A_1756 = tpu.memref_slice %arg4[%dma_wait3A_1753, %dma_wait3A_1754, %dma_wait3A_1755] : memref<4x8x1000000xf32, #tpu.memory_space<hbm>> -> memref<4x8x128xf32, #tpu.memory_space<hbm>>
      tpu.wait_dma2 semaphore(%arg12 : memref<!tpu.dma_semaphore, #tpu.memory_space<semaphore_mem>>) src(%dma_wait3A_1756 : memref<4x8x128xf32, #tpu.memory_space<hbm>>) dst(%dma_wait3A_1752 : memref<4x8x128xf32, #tpu.memory_space<vmem>>)
      %dma_wait3A_1757 = arith.constant 3 : i32
      %dma_wait3A_1758 = arith.constant 0 : i32
      %dma_wait3A_1759 = arith.constant 0 : i32
      %dma_wait3A_1760 = arith.constant 0 : i32
      %dma_wait3A_1761 = tpu.memref_slice %arg10[%dma_wait3A_1757, %dma_wait3A_1758, %dma_wait3A_1759, %dma_wait3A_1760] : memref<8x4x8x128xf32, #tpu.memory_space<vmem>> -> memref<1x4x8x128xf32, #tpu.memory_space<vmem>>
      %dma_wait3A_1762 = tpu.memref_squeeze %dma_wait3A_1761 : memref<1x4x8x128xf32, #tpu.memory_space<vmem>> -> memref<4x8x128xf32, #tpu.memory_space<vmem>>
      %dma_wait3A_1763 = arith.constant 0 : i32
      %dma_wait3A_1764 = arith.constant 0 : i32
      %dma_wait3A_1765 = arith.constant 0 : i32
      %dma_wait3A_1766 = tpu.memref_slice %arg5[%dma_wait3A_1763, %dma_wait3A_1764, %dma_wait3A_1765] : memref<4x8x1000000xf32, #tpu.memory_space<hbm>> -> memref<4x8x128xf32, #tpu.memory_space<hbm>>
      %dma_wait3A_1767 = arith.constant 0 : i32
      %dma_wait3A_1768 = arith.constant 0 : i32
      %dma_wait3A_1769 = arith.constant 0 : i32
      %dma_wait3A_1770 = tpu.memref_slice %arg10[%dma_wait3A_1757, %dma_wait3A_1767, %dma_wait3A_1768, %dma_wait3A_1769] : memref<8x4x8x128xf32, #tpu.memory_space<vmem>> -> memref<1x4x8x128xf32, #tpu.memory_space<vmem>>
      %dma_wait3A_1771 = tpu.memref_squeeze %dma_wait3A_1770 : memref<1x4x8x128xf32, #tpu.memory_space<vmem>> -> memref<4x8x128xf32, #tpu.memory_space<vmem>>
      %dma_wait3A_1772 = arith.constant 0 : i32
      %dma_wait3A_1773 = arith.constant 0 : i32
      %dma_wait3A_1774 = arith.constant 0 : i32
      %dma_wait3A_1775 = tpu.memref_slice %arg5[%dma_wait3A_1772, %dma_wait3A_1773, %dma_wait3A_1774] : memref<4x8x1000000xf32, #tpu.memory_space<hbm>> -> memref<4x8x128xf32, #tpu.memory_space<hbm>>
      tpu.wait_dma2 semaphore(%arg13 : memref<!tpu.dma_semaphore, #tpu.memory_space<semaphore_mem>>) src(%dma_wait3A_1775 : memref<4x8x128xf32, #tpu.memory_space<hbm>>) dst(%dma_wait3A_1771 : memref<4x8x128xf32, #tpu.memory_space<vmem>>)
      %mul3A_1776 = arith.constant 16 : i32
      %mul3A_1777 = arith.muli %scan3A_418, %mul3A_1776 : i32
      %get3A_1778 = arith.index_cast %mul3A_1777 : i32 to index
      %get3A_1779 = tpu.vector_load %arg7[%get3A_1778] {strides = array<i32>} : memref<512xi32, #tpu.memory_space<vmem>>, vector<16xi32>,
      %mul3A_1780 = arith.constant 16 : i32
      %mul3A_1781 = arith.muli %scan3A_418, %mul3A_1780 : i32
      %get3A_1782 = arith.index_cast %mul3A_1781 : i32 to index
      %get3A_1783 = tpu.vector_load %arg8[%get3A_1782] {strides = array<i32>} : memref<512xi32, #tpu.memory_space<vmem>>, vector<16xi32>,
      %slice3A_1784 = vector.extract_strided_slice %get3A_1779 {offsets = [11], sizes = [1], strides = [1]} : vector<16xi32> to vector<1xi32>
      %squeeze3A_1785 = vector.extract %slice3A_1784[0] : i32 from vector<1xi32>
      %and3A_1786 = arith.constant 127 : i32
      %and3A_1787 = arith.andi %squeeze3A_1785, %and3A_1786 : i32
      %broadcast_in_dim3A_1788 = vector.broadcast %and3A_1787 : i32 to vector<16xi32>
      %slice3A_1789 = vector.extract_strided_slice %get3A_1783 {offsets = [11], sizes = [1], strides = [1]} : vector<16xi32> to vector<1xi32>
      %squeeze3A_1790 = vector.extract %slice3A_1789[0] : i32 from vector<1xi32>
      %and3A_1791 = arith.constant 127 : i32
      %and3A_1792 = arith.andi %squeeze3A_1790, %and3A_1791 : i32
      %broadcast_in_dim3A_1793 = vector.broadcast %and3A_1792 : i32 to vector<16xi32>
      %broadcast_in_dim3A_1794 = arith.constant 3 : i32
      %broadcast_in_dim3A_1795 = vector.broadcast %broadcast_in_dim3A_1794 : i32 to vector<16xi32>
      %broadcast_in_dim3A_1796 = arith.constant 0.000000e+00 : f32
      %broadcast_in_dim3A_1797 = vector.broadcast %broadcast_in_dim3A_1796 : f32 to vector<16xf32>
      %add3A_1798 = arith.constant 0 : i32
      %add3A_1799 = vector.broadcast %add3A_1798 : i32 to vector<16xi32>
      %add3A_1800 = arith.addi %add3A_1799, %iota3A : vector<16xi32>
      %shift_right_arithmetic3A_1801 = arith.constant 3 : i32
      %shift_right_arithmetic3A_1802 = vector.broadcast %shift_right_arithmetic3A_1801 : i32 to vector<16xi32>
      %shift_right_arithmetic3A_1803 = arith.shrsi %add3A_1800, %shift_right_arithmetic3A_1802 : vector<16xi32>
      %and3A_1804 = arith.constant 7 : i32
      %and3A_1805 = vector.broadcast %and3A_1804 : i32 to vector<16xi32>
      %and3A_1806 = arith.andi %add3A_1800, %and3A_1805 : vector<16xi32>
      %gather3A_1807 = tpu.vector_load_idx %arg9[%broadcast_in_dim3A_1795, %shift_right_arithmetic3A_1803, %and3A_1806, %broadcast_in_dim3A_1788] : memref<8x4x8x128xf32, #tpu.memory_space<vmem>>[vector<16xi32>, vector<16xi32>, vector<16xi32>, vector<16xi32>], vector<16xf32>,
      %shift_right_arithmetic3A_1808 = arith.constant 3 : i32
      %shift_right_arithmetic3A_1809 = vector.broadcast %shift_right_arithmetic3A_1808 : i32 to vector<16xi32>
      %shift_right_arithmetic3A_1810 = arith.shrsi %add3A_1800, %shift_right_arithmetic3A_1809 : vector<16xi32>
      %and3A_1811 = arith.constant 7 : i32
      %and3A_1812 = vector.broadcast %and3A_1811 : i32 to vector<16xi32>
      %and3A_1813 = arith.andi %add3A_1800, %and3A_1812 : vector<16xi32>
      %gather3A_1814 = tpu.vector_load_idx %arg10[%broadcast_in_dim3A_1795, %shift_right_arithmetic3A_1810, %and3A_1813, %broadcast_in_dim3A_1793] : memref<8x4x8x128xf32, #tpu.memory_space<vmem>>[vector<16xi32>, vector<16xi32>, vector<16xi32>, vector<16xi32>], vector<16xf32>,
      %mul3A_1815 = arith.mulf %gather3A_1807, %gather3A_1814 : vector<16xf32>
      %add3A_1816 = arith.addf %broadcast_in_dim3A_1797, %mul3A_1815 : vector<16xf32>
      %add3A_1817 = arith.constant 16 : i32
      %add3A_1818 = vector.broadcast %add3A_1817 : i32 to vector<16xi32>
      %add3A_1819 = arith.addi %add3A_1818, %iota3A : vector<16xi32>
      %shift_right_arithmetic3A_1820 = arith.constant 3 : i32
      %shift_right_arithmetic3A_1821 = vector.broadcast %shift_right_arithmetic3A_1820 : i32 to vector<16xi32>
      %shift_right_arithmetic3A_1822 = arith.shrsi %add3A_1819, %shift_right_arithmetic3A_1821 : vector<16xi32>
      %and3A_1823 = arith.constant 7 : i32
      %and3A_1824 = vector.broadcast %and3A_1823 : i32 to vector<16xi32>
      %and3A_1825 = arith.andi %add3A_1819, %and3A_1824 : vector<16xi32>
      %gather3A_1826 = tpu.vector_load_idx %arg9[%broadcast_in_dim3A_1795, %shift_right_arithmetic3A_1822, %and3A_1825, %broadcast_in_dim3A_1788] : memref<8x4x8x128xf32, #tpu.memory_space<vmem>>[vector<16xi32>, vector<16xi32>, vector<16xi32>, vector<16xi32>], vector<16xf32>,
      %shift_right_arithmetic3A_1827 = arith.constant 3 : i32
      %shift_right_arithmetic3A_1828 = vector.broadcast %shift_right_arithmetic3A_1827 : i32 to vector<16xi32>
      %shift_right_arithmetic3A_1829 = arith.shrsi %add3A_1819, %shift_right_arithmetic3A_1828 : vector<16xi32>
      %and3A_1830 = arith.constant 7 : i32
      %and3A_1831 = vector.broadcast %and3A_1830 : i32 to vector<16xi32>
      %and3A_1832 = arith.andi %add3A_1819, %and3A_1831 : vector<16xi32>
      %gather3A_1833 = tpu.vector_load_idx %arg10[%broadcast_in_dim3A_1795, %shift_right_arithmetic3A_1829, %and3A_1832, %broadcast_in_dim3A_1793] : memref<8x4x8x128xf32, #tpu.memory_space<vmem>>[vector<16xi32>, vector<16xi32>, vector<16xi32>, vector<16xi32>], vector<16xf32>,
      %mul3A_1834 = arith.mulf %gather3A_1826, %gather3A_1833 : vector<16xf32>
      %add3A_1835 = arith.addf %add3A_1816, %mul3A_1834 : vector<16xf32>
      %broadcast_in_dim3A_1836 = arith.constant true
      %broadcast_in_dim3A_1837 = vector.broadcast %broadcast_in_dim3A_1836 : i1 to vector<16xi1>
      %masked_cumsum3A_1838 = tpu.scan <sum>, %add3A_1835 masked %broadcast_in_dim3A_1837 : vector<16xf32>, vector<16xi1> -> vector<16xf32>
      %lt3A_1839 = arith.constant 0 : i32
      %lt3A_1840 = vector.broadcast %lt3A_1839 : i32 to vector<16xi32>
      %lt3A_1841 = arith.cmpi slt, %broadcast_in_dim3A_3, %lt3A_1840 : vector<16xi32>
      %add3A_1842 = arith.constant 16 : i32
      %add3A_1843 = vector.broadcast %add3A_1842 : i32 to vector<16xi32>
      %add3A_1844 = arith.addi %broadcast_in_dim3A_3, %add3A_1843 : vector<16xi32>
      %select_n3A_1845 = arith.select %lt3A_1841, %add3A_1844, %broadcast_in_dim3A_3 : vector<16xi1>, vector<16xi32>
      %broadcast_in_dim3A_1846 = vector.shape_cast %select_n3A_1845 : vector<16xi32> to vector<16x1xi32>
      %gather3A_1847 = vector.shape_cast %broadcast_in_dim3A_1846 : vector<16x1xi32> to vector<16xi32>
      %gather3A_1848 = tpu.dynamic_gather %masked_cumsum3A_1838[%gather3A_1847] in [0] : vector<16xf32>, vector<16xi32> -> vector<16xf32>
      %eq3A_1849 = arith.constant 11 : i32
      %eq3A_1850 = vector.broadcast %eq3A_1849 : i32 to vector<16xi32>
      %eq3A_1851 = arith.cmpi eq, %iota3A, %eq3A_1850 : vector<16xi32>
      %select_n3A_1852 = arith.select %eq3A_1851, %gather3A_1848, %select_n3A_1730 : vector<16xi1>, vector<16xf32>
      %add3A_1853 = arith.constant 1 : i32
      %add3A_1854 = arith.addi %scan3A_418, %add3A_1853 : i32
      %lt3A_1855 = arith.constant 32 : i32
      %lt3A_1856 = arith.cmpi slt, %add3A_1854, %lt3A_1855 : i32
      %convert_element_type3A_1857 = arith.extui %lt3A_1856 : i1 to i32
      %cond3A_1858 = arith.constant 0 : i32
      %cond3A_1859 = arith.cmpi ne, %convert_element_type3A_1857, %cond3A_1858 : i32
      scf.if %cond3A_1859 {
        %mul3A_2351 = arith.constant 16 : i32
        %mul3A_2352 = arith.muli %add3A_1854, %mul3A_2351 : i32
        %get3A_2353 = arith.index_cast %mul3A_2352 : i32 to index
        %get3A_2354 = tpu.vector_load %arg7[%get3A_2353] {strides = array<i32>} : memref<512xi32, #tpu.memory_space<vmem>>, vector<16xi32>,
        %mul3A_2355 = arith.constant 16 : i32
        %mul3A_2356 = arith.muli %add3A_1854, %mul3A_2355 : i32
        %get3A_2357 = arith.index_cast %mul3A_2356 : i32 to index
        %get3A_2358 = tpu.vector_load %arg8[%get3A_2357] {strides = array<i32>} : memref<512xi32, #tpu.memory_space<vmem>>, vector<16xi32>,
        %slice3A_2359 = vector.extract_strided_slice %get3A_2354 {offsets = [3], sizes = [1], strides = [1]} : vector<16xi32> to vector<1xi32>
        %squeeze3A_2360 = vector.extract %slice3A_2359[0] : i32 from vector<1xi32>
        %slice3A_2361 = vector.extract_strided_slice %get3A_2358 {offsets = [3], sizes = [1], strides = [1]} : vector<16xi32> to vector<1xi32>
        %squeeze3A_2362 = vector.extract %slice3A_2361[0] : i32 from vector<1xi32>
        %shift_right_arithmetic3A_2363 = arith.constant 7 : i32
        %shift_right_arithmetic3A_2364 = arith.shrsi %squeeze3A_2360, %shift_right_arithmetic3A_2363 : i32
        %shift_left3A_2365 = arith.constant 7 : i32
        %shift_left3A_2366 = arith.shli %shift_right_arithmetic3A_2364, %shift_left3A_2365 : i32
        %multiple_of3A_2367 = tpu.assume_multiple %shift_left3A_2366, 128 : i32
        %shift_right_arithmetic3A_2368 = arith.constant 7 : i32
        %shift_right_arithmetic3A_2369 = arith.shrsi %squeeze3A_2362, %shift_right_arithmetic3A_2368 : i32
        %shift_left3A_2370 = arith.constant 7 : i32
        %shift_left3A_2371 = arith.shli %shift_right_arithmetic3A_2369, %shift_left3A_2370 : i32
        %multiple_of3A_2372 = tpu.assume_multiple %shift_left3A_2371, 128 : i32
        %dma_start3A_2373 = arith.constant 3 : i32
        %dma_start3A_2374 = arith.constant 0 : i32
        %dma_start3A_2375 = arith.constant 0 : i32
        %dma_start3A_2376 = arith.constant 0 : i32
        %dma_start3A_2377 = tpu.memref_slice %arg9[%dma_start3A_2373, %dma_start3A_2374, %dma_start3A_2375, %dma_start3A_2376] : memref<8x4x8x128xf32, #tpu.memory_space<vmem>> -> memref<1x4x8x128xf32, #tpu.memory_space<vmem>>
        %dma_start3A_2378 = tpu.memref_squeeze %dma_start3A_2377 : memref<1x4x8x128xf32, #tpu.memory_space<vmem>> -> memref<4x8x128xf32, #tpu.memory_space<vmem>>
        %dma_start3A_2379 = arith.constant 0 : i32
        %dma_start3A_2380 = arith.constant 0 : i32
        %dma_start3A_2381 = tpu.memref_slice %arg4[%dma_start3A_2379, %dma_start3A_2380, %multiple_of3A_2367] : memref<4x8x1000000xf32, #tpu.memory_space<hbm>> -> memref<4x8x128xf32, #tpu.memory_space<hbm>>
        %dma_start3A_2382 = arith.constant 0 : i32
        %dma_start3A_2383 = arith.constant 0 : i32
        %dma_start3A_2384 = arith.constant 0 : i32
        %dma_start3A_2385 = tpu.memref_slice %arg9[%dma_start3A_2373, %dma_start3A_2382, %dma_start3A_2383, %dma_start3A_2384] : memref<8x4x8x128xf32, #tpu.memory_space<vmem>> -> memref<1x4x8x128xf32, #tpu.memory_space<vmem>>
        %dma_start3A_2386 = tpu.memref_squeeze %dma_start3A_2385 : memref<1x4x8x128xf32, #tpu.memory_space<vmem>> -> memref<4x8x128xf32, #tpu.memory_space<vmem>>
        %dma_start3A_2387 = arith.constant 0 : i32
        %dma_start3A_2388 = arith.constant 0 : i32
        %dma_start3A_2389 = tpu.memref_slice %arg4[%dma_start3A_2387, %dma_start3A_2388, %multiple_of3A_2367] : memref<4x8x1000000xf32, #tpu.memory_space<hbm>> -> memref<4x8x128xf32, #tpu.memory_space<hbm>>
        tpu.enqueue_dma source(%dma_start3A_2389 : memref<4x8x128xf32, #tpu.memory_space<hbm>>) target(%dma_start3A_2386 : memref<4x8x128xf32, #tpu.memory_space<vmem>>) target_semaphore(%arg12 : memref<!tpu.dma_semaphore, #tpu.memory_space<semaphore_mem>>)
        %dma_start3A_2390 = arith.constant 3 : i32
        %dma_start3A_2391 = arith.constant 0 : i32
        %dma_start3A_2392 = arith.constant 0 : i32
        %dma_start3A_2393 = arith.constant 0 : i32
        %dma_start3A_2394 = tpu.memref_slice %arg10[%dma_start3A_2390, %dma_start3A_2391, %dma_start3A_2392, %dma_start3A_2393] : memref<8x4x8x128xf32, #tpu.memory_space<vmem>> -> memref<1x4x8x128xf32, #tpu.memory_space<vmem>>
        %dma_start3A_2395 = tpu.memref_squeeze %dma_start3A_2394 : memref<1x4x8x128xf32, #tpu.memory_space<vmem>> -> memref<4x8x128xf32, #tpu.memory_space<vmem>>
        %dma_start3A_2396 = arith.constant 0 : i32
        %dma_start3A_2397 = arith.constant 0 : i32
        %dma_start3A_2398 = tpu.memref_slice %arg5[%dma_start3A_2396, %dma_start3A_2397, %multiple_of3A_2372] : memref<4x8x1000000xf32, #tpu.memory_space<hbm>> -> memref<4x8x128xf32, #tpu.memory_space<hbm>>
        %dma_start3A_2399 = arith.constant 0 : i32
        %dma_start3A_2400 = arith.constant 0 : i32
        %dma_start3A_2401 = arith.constant 0 : i32
        %dma_start3A_2402 = tpu.memref_slice %arg10[%dma_start3A_2390, %dma_start3A_2399, %dma_start3A_2400, %dma_start3A_2401] : memref<8x4x8x128xf32, #tpu.memory_space<vmem>> -> memref<1x4x8x128xf32, #tpu.memory_space<vmem>>
        %dma_start3A_2403 = tpu.memref_squeeze %dma_start3A_2402 : memref<1x4x8x128xf32, #tpu.memory_space<vmem>> -> memref<4x8x128xf32, #tpu.memory_space<vmem>>
        %dma_start3A_2404 = arith.constant 0 : i32
        %dma_start3A_2405 = arith.constant 0 : i32
        %dma_start3A_2406 = tpu.memref_slice %arg5[%dma_start3A_2404, %dma_start3A_2405, %multiple_of3A_2372] : memref<4x8x1000000xf32, #tpu.memory_space<hbm>> -> memref<4x8x128xf32, #tpu.memory_space<hbm>>
        tpu.enqueue_dma source(%dma_start3A_2406 : memref<4x8x128xf32, #tpu.memory_space<hbm>>) target(%dma_start3A_2403 : memref<4x8x128xf32, #tpu.memory_space<vmem>>) target_semaphore(%arg13 : memref<!tpu.dma_semaphore, #tpu.memory_space<semaphore_mem>>)
      } else {
      }
      %dma_wait3A_1860 = arith.constant 4 : i32
      %dma_wait3A_1861 = arith.constant 0 : i32
      %dma_wait3A_1862 = arith.constant 0 : i32
      %dma_wait3A_1863 = arith.constant 0 : i32
      %dma_wait3A_1864 = tpu.memref_slice %arg9[%dma_wait3A_1860, %dma_wait3A_1861, %dma_wait3A_1862, %dma_wait3A_1863] : memref<8x4x8x128xf32, #tpu.memory_space<vmem>> -> memref<1x4x8x128xf32, #tpu.memory_space<vmem>>
      %dma_wait3A_1865 = tpu.memref_squeeze %dma_wait3A_1864 : memref<1x4x8x128xf32, #tpu.memory_space<vmem>> -> memref<4x8x128xf32, #tpu.memory_space<vmem>>
      %dma_wait3A_1866 = arith.constant 0 : i32
      %dma_wait3A_1867 = arith.constant 0 : i32
      %dma_wait3A_1868 = arith.constant 0 : i32
      %dma_wait3A_1869 = tpu.memref_slice %arg4[%dma_wait3A_1866, %dma_wait3A_1867, %dma_wait3A_1868] : memref<4x8x1000000xf32, #tpu.memory_space<hbm>> -> memref<4x8x128xf32, #tpu.memory_space<hbm>>
      %dma_wait3A_1870 = arith.constant 0 : i32
      %dma_wait3A_1871 = arith.constant 0 : i32
      %dma_wait3A_1872 = arith.constant 0 : i32
      %dma_wait3A_1873 = tpu.memref_slice %arg9[%dma_wait3A_1860, %dma_wait3A_1870, %dma_wait3A_1871, %dma_wait3A_1872] : memref<8x4x8x128xf32, #tpu.memory_space<vmem>> -> memref<1x4x8x128xf32, #tpu.memory_space<vmem>>
      %dma_wait3A_1874 = tpu.memref_squeeze %dma_wait3A_1873 : memref<1x4x8x128xf32, #tpu.memory_space<vmem>> -> memref<4x8x128xf32, #tpu.memory_space<vmem>>
      %dma_wait3A_1875 = arith.constant 0 : i32
      %dma_wait3A_1876 = arith.constant 0 : i32
      %dma_wait3A_1877 = arith.constant 0 : i32
      %dma_wait3A_1878 = tpu.memref_slice %arg4[%dma_wait3A_1875, %dma_wait3A_1876, %dma_wait3A_1877] : memref<4x8x1000000xf32, #tpu.memory_space<hbm>> -> memref<4x8x128xf32, #tpu.memory_space<hbm>>
      tpu.wait_dma2 semaphore(%arg12 : memref<!tpu.dma_semaphore, #tpu.memory_space<semaphore_mem>>) src(%dma_wait3A_1878 : memref<4x8x128xf32, #tpu.memory_space<hbm>>) dst(%dma_wait3A_1874 : memref<4x8x128xf32, #tpu.memory_space<vmem>>)
      %dma_wait3A_1879 = arith.constant 4 : i32
      %dma_wait3A_1880 = arith.constant 0 : i32
      %dma_wait3A_1881 = arith.constant 0 : i32
      %dma_wait3A_1882 = arith.constant 0 : i32
      %dma_wait3A_1883 = tpu.memref_slice %arg10[%dma_wait3A_1879, %dma_wait3A_1880, %dma_wait3A_1881, %dma_wait3A_1882] : memref<8x4x8x128xf32, #tpu.memory_space<vmem>> -> memref<1x4x8x128xf32, #tpu.memory_space<vmem>>
      %dma_wait3A_1884 = tpu.memref_squeeze %dma_wait3A_1883 : memref<1x4x8x128xf32, #tpu.memory_space<vmem>> -> memref<4x8x128xf32, #tpu.memory_space<vmem>>
      %dma_wait3A_1885 = arith.constant 0 : i32
      %dma_wait3A_1886 = arith.constant 0 : i32
      %dma_wait3A_1887 = arith.constant 0 : i32
      %dma_wait3A_1888 = tpu.memref_slice %arg5[%dma_wait3A_1885, %dma_wait3A_1886, %dma_wait3A_1887] : memref<4x8x1000000xf32, #tpu.memory_space<hbm>> -> memref<4x8x128xf32, #tpu.memory_space<hbm>>
      %dma_wait3A_1889 = arith.constant 0 : i32
      %dma_wait3A_1890 = arith.constant 0 : i32
      %dma_wait3A_1891 = arith.constant 0 : i32
      %dma_wait3A_1892 = tpu.memref_slice %arg10[%dma_wait3A_1879, %dma_wait3A_1889, %dma_wait3A_1890, %dma_wait3A_1891] : memref<8x4x8x128xf32, #tpu.memory_space<vmem>> -> memref<1x4x8x128xf32, #tpu.memory_space<vmem>>
      %dma_wait3A_1893 = tpu.memref_squeeze %dma_wait3A_1892 : memref<1x4x8x128xf32, #tpu.memory_space<vmem>> -> memref<4x8x128xf32, #tpu.memory_space<vmem>>
      %dma_wait3A_1894 = arith.constant 0 : i32
      %dma_wait3A_1895 = arith.constant 0 : i32
      %dma_wait3A_1896 = arith.constant 0 : i32
      %dma_wait3A_1897 = tpu.memref_slice %arg5[%dma_wait3A_1894, %dma_wait3A_1895, %dma_wait3A_1896] : memref<4x8x1000000xf32, #tpu.memory_space<hbm>> -> memref<4x8x128xf32, #tpu.memory_space<hbm>>
      tpu.wait_dma2 semaphore(%arg13 : memref<!tpu.dma_semaphore, #tpu.memory_space<semaphore_mem>>) src(%dma_wait3A_1897 : memref<4x8x128xf32, #tpu.memory_space<hbm>>) dst(%dma_wait3A_1893 : memref<4x8x128xf32, #tpu.memory_space<vmem>>)
      %mul3A_1898 = arith.constant 16 : i32
      %mul3A_1899 = arith.muli %scan3A_418, %mul3A_1898 : i32
      %get3A_1900 = arith.index_cast %mul3A_1899 : i32 to index
      %get3A_1901 = tpu.vector_load %arg7[%get3A_1900] {strides = array<i32>} : memref<512xi32, #tpu.memory_space<vmem>>, vector<16xi32>,
      %mul3A_1902 = arith.constant 16 : i32
      %mul3A_1903 = arith.muli %scan3A_418, %mul3A_1902 : i32
      %get3A_1904 = arith.index_cast %mul3A_1903 : i32 to index
      %get3A_1905 = tpu.vector_load %arg8[%get3A_1904] {strides = array<i32>} : memref<512xi32, #tpu.memory_space<vmem>>, vector<16xi32>,
      %slice3A_1906 = vector.extract_strided_slice %get3A_1901 {offsets = [12], sizes = [1], strides = [1]} : vector<16xi32> to vector<1xi32>
      %squeeze3A_1907 = vector.extract %slice3A_1906[0] : i32 from vector<1xi32>
      %and3A_1908 = arith.constant 127 : i32
      %and3A_1909 = arith.andi %squeeze3A_1907, %and3A_1908 : i32
      %broadcast_in_dim3A_1910 = vector.broadcast %and3A_1909 : i32 to vector<16xi32>
      %slice3A_1911 = vector.extract_strided_slice %get3A_1905 {offsets = [12], sizes = [1], strides = [1]} : vector<16xi32> to vector<1xi32>
      %squeeze3A_1912 = vector.extract %slice3A_1911[0] : i32 from vector<1xi32>
      %and3A_1913 = arith.constant 127 : i32
      %and3A_1914 = arith.andi %squeeze3A_1912, %and3A_1913 : i32
      %broadcast_in_dim3A_1915 = vector.broadcast %and3A_1914 : i32 to vector<16xi32>
      %broadcast_in_dim3A_1916 = arith.constant 4 : i32
      %broadcast_in_dim3A_1917 = vector.broadcast %broadcast_in_dim3A_1916 : i32 to vector<16xi32>
      %broadcast_in_dim3A_1918 = arith.constant 0.000000e+00 : f32
      %broadcast_in_dim3A_1919 = vector.broadcast %broadcast_in_dim3A_1918 : f32 to vector<16xf32>
      %add3A_1920 = arith.constant 0 : i32
      %add3A_1921 = vector.broadcast %add3A_1920 : i32 to vector<16xi32>
      %add3A_1922 = arith.addi %add3A_1921, %iota3A : vector<16xi32>
      %shift_right_arithmetic3A_1923 = arith.constant 3 : i32
      %shift_right_arithmetic3A_1924 = vector.broadcast %shift_right_arithmetic3A_1923 : i32 to vector<16xi32>
      %shift_right_arithmetic3A_1925 = arith.shrsi %add3A_1922, %shift_right_arithmetic3A_1924 : vector<16xi32>
      %and3A_1926 = arith.constant 7 : i32
      %and3A_1927 = vector.broadcast %and3A_1926 : i32 to vector<16xi32>
      %and3A_1928 = arith.andi %add3A_1922, %and3A_1927 : vector<16xi32>
      %gather3A_1929 = tpu.vector_load_idx %arg9[%broadcast_in_dim3A_1917, %shift_right_arithmetic3A_1925, %and3A_1928, %broadcast_in_dim3A_1910] : memref<8x4x8x128xf32, #tpu.memory_space<vmem>>[vector<16xi32>, vector<16xi32>, vector<16xi32>, vector<16xi32>], vector<16xf32>,
      %shift_right_arithmetic3A_1930 = arith.constant 3 : i32
      %shift_right_arithmetic3A_1931 = vector.broadcast %shift_right_arithmetic3A_1930 : i32 to vector<16xi32>
      %shift_right_arithmetic3A_1932 = arith.shrsi %add3A_1922, %shift_right_arithmetic3A_1931 : vector<16xi32>
      %and3A_1933 = arith.constant 7 : i32
      %and3A_1934 = vector.broadcast %and3A_1933 : i32 to vector<16xi32>
      %and3A_1935 = arith.andi %add3A_1922, %and3A_1934 : vector<16xi32>
      %gather3A_1936 = tpu.vector_load_idx %arg10[%broadcast_in_dim3A_1917, %shift_right_arithmetic3A_1932, %and3A_1935, %broadcast_in_dim3A_1915] : memref<8x4x8x128xf32, #tpu.memory_space<vmem>>[vector<16xi32>, vector<16xi32>, vector<16xi32>, vector<16xi32>], vector<16xf32>,
      %mul3A_1937 = arith.mulf %gather3A_1929, %gather3A_1936 : vector<16xf32>
      %add3A_1938 = arith.addf %broadcast_in_dim3A_1919, %mul3A_1937 : vector<16xf32>
      %add3A_1939 = arith.constant 16 : i32
      %add3A_1940 = vector.broadcast %add3A_1939 : i32 to vector<16xi32>
      %add3A_1941 = arith.addi %add3A_1940, %iota3A : vector<16xi32>
      %shift_right_arithmetic3A_1942 = arith.constant 3 : i32
      %shift_right_arithmetic3A_1943 = vector.broadcast %shift_right_arithmetic3A_1942 : i32 to vector<16xi32>
      %shift_right_arithmetic3A_1944 = arith.shrsi %add3A_1941, %shift_right_arithmetic3A_1943 : vector<16xi32>
      %and3A_1945 = arith.constant 7 : i32
      %and3A_1946 = vector.broadcast %and3A_1945 : i32 to vector<16xi32>
      %and3A_1947 = arith.andi %add3A_1941, %and3A_1946 : vector<16xi32>
      %gather3A_1948 = tpu.vector_load_idx %arg9[%broadcast_in_dim3A_1917, %shift_right_arithmetic3A_1944, %and3A_1947, %broadcast_in_dim3A_1910] : memref<8x4x8x128xf32, #tpu.memory_space<vmem>>[vector<16xi32>, vector<16xi32>, vector<16xi32>, vector<16xi32>], vector<16xf32>,
      %shift_right_arithmetic3A_1949 = arith.constant 3 : i32
      %shift_right_arithmetic3A_1950 = vector.broadcast %shift_right_arithmetic3A_1949 : i32 to vector<16xi32>
      %shift_right_arithmetic3A_1951 = arith.shrsi %add3A_1941, %shift_right_arithmetic3A_1950 : vector<16xi32>
      %and3A_1952 = arith.constant 7 : i32
      %and3A_1953 = vector.broadcast %and3A_1952 : i32 to vector<16xi32>
      %and3A_1954 = arith.andi %add3A_1941, %and3A_1953 : vector<16xi32>
      %gather3A_1955 = tpu.vector_load_idx %arg10[%broadcast_in_dim3A_1917, %shift_right_arithmetic3A_1951, %and3A_1954, %broadcast_in_dim3A_1915] : memref<8x4x8x128xf32, #tpu.memory_space<vmem>>[vector<16xi32>, vector<16xi32>, vector<16xi32>, vector<16xi32>], vector<16xf32>,
      %mul3A_1956 = arith.mulf %gather3A_1948, %gather3A_1955 : vector<16xf32>
      %add3A_1957 = arith.addf %add3A_1938, %mul3A_1956 : vector<16xf32>
      %broadcast_in_dim3A_1958 = arith.constant true
      %broadcast_in_dim3A_1959 = vector.broadcast %broadcast_in_dim3A_1958 : i1 to vector<16xi1>
      %masked_cumsum3A_1960 = tpu.scan <sum>, %add3A_1957 masked %broadcast_in_dim3A_1959 : vector<16xf32>, vector<16xi1> -> vector<16xf32>
      %lt3A_1961 = arith.constant 0 : i32
      %lt3A_1962 = vector.broadcast %lt3A_1961 : i32 to vector<16xi32>
      %lt3A_1963 = arith.cmpi slt, %broadcast_in_dim3A_3, %lt3A_1962 : vector<16xi32>
      %add3A_1964 = arith.constant 16 : i32
      %add3A_1965 = vector.broadcast %add3A_1964 : i32 to vector<16xi32>
      %add3A_1966 = arith.addi %broadcast_in_dim3A_3, %add3A_1965 : vector<16xi32>
      %select_n3A_1967 = arith.select %lt3A_1963, %add3A_1966, %broadcast_in_dim3A_3 : vector<16xi1>, vector<16xi32>
      %broadcast_in_dim3A_1968 = vector.shape_cast %select_n3A_1967 : vector<16xi32> to vector<16x1xi32>
      %gather3A_1969 = vector.shape_cast %broadcast_in_dim3A_1968 : vector<16x1xi32> to vector<16xi32>
      %gather3A_1970 = tpu.dynamic_gather %masked_cumsum3A_1960[%gather3A_1969] in [0] : vector<16xf32>, vector<16xi32> -> vector<16xf32>
      %eq3A_1971 = arith.constant 12 : i32
      %eq3A_1972 = vector.broadcast %eq3A_1971 : i32 to vector<16xi32>
      %eq3A_1973 = arith.cmpi eq, %iota3A, %eq3A_1972 : vector<16xi32>
      %select_n3A_1974 = arith.select %eq3A_1973, %gather3A_1970, %select_n3A_1852 : vector<16xi1>, vector<16xf32>
      %add3A_1975 = arith.constant 1 : i32
      %add3A_1976 = arith.addi %scan3A_418, %add3A_1975 : i32
      %lt3A_1977 = arith.constant 32 : i32
      %lt3A_1978 = arith.cmpi slt, %add3A_1976, %lt3A_1977 : i32
      %convert_element_type3A_1979 = arith.extui %lt3A_1978 : i1 to i32
      %cond3A_1980 = arith.constant 0 : i32
      %cond3A_1981 = arith.cmpi ne, %convert_element_type3A_1979, %cond3A_1980 : i32
      scf.if %cond3A_1981 {
        %mul3A_2351 = arith.constant 16 : i32
        %mul3A_2352 = arith.muli %add3A_1976, %mul3A_2351 : i32
        %get3A_2353 = arith.index_cast %mul3A_2352 : i32 to index
        %get3A_2354 = tpu.vector_load %arg7[%get3A_2353] {strides = array<i32>} : memref<512xi32, #tpu.memory_space<vmem>>, vector<16xi32>,
        %mul3A_2355 = arith.constant 16 : i32
        %mul3A_2356 = arith.muli %add3A_1976, %mul3A_2355 : i32
        %get3A_2357 = arith.index_cast %mul3A_2356 : i32 to index
        %get3A_2358 = tpu.vector_load %arg8[%get3A_2357] {strides = array<i32>} : memref<512xi32, #tpu.memory_space<vmem>>, vector<16xi32>,
        %slice3A_2359 = vector.extract_strided_slice %get3A_2354 {offsets = [4], sizes = [1], strides = [1]} : vector<16xi32> to vector<1xi32>
        %squeeze3A_2360 = vector.extract %slice3A_2359[0] : i32 from vector<1xi32>
        %slice3A_2361 = vector.extract_strided_slice %get3A_2358 {offsets = [4], sizes = [1], strides = [1]} : vector<16xi32> to vector<1xi32>
        %squeeze3A_2362 = vector.extract %slice3A_2361[0] : i32 from vector<1xi32>
        %shift_right_arithmetic3A_2363 = arith.constant 7 : i32
        %shift_right_arithmetic3A_2364 = arith.shrsi %squeeze3A_2360, %shift_right_arithmetic3A_2363 : i32
        %shift_left3A_2365 = arith.constant 7 : i32
        %shift_left3A_2366 = arith.shli %shift_right_arithmetic3A_2364, %shift_left3A_2365 : i32
        %multiple_of3A_2367 = tpu.assume_multiple %shift_left3A_2366, 128 : i32
        %shift_right_arithmetic3A_2368 = arith.constant 7 : i32
        %shift_right_arithmetic3A_2369 = arith.shrsi %squeeze3A_2362, %shift_right_arithmetic3A_2368 : i32
        %shift_left3A_2370 = arith.constant 7 : i32
        %shift_left3A_2371 = arith.shli %shift_right_arithmetic3A_2369, %shift_left3A_2370 : i32
        %multiple_of3A_2372 = tpu.assume_multiple %shift_left3A_2371, 128 : i32
        %dma_start3A_2373 = arith.constant 4 : i32
        %dma_start3A_2374 = arith.constant 0 : i32
        %dma_start3A_2375 = arith.constant 0 : i32
        %dma_start3A_2376 = arith.constant 0 : i32
        %dma_start3A_2377 = tpu.memref_slice %arg9[%dma_start3A_2373, %dma_start3A_2374, %dma_start3A_2375, %dma_start3A_2376] : memref<8x4x8x128xf32, #tpu.memory_space<vmem>> -> memref<1x4x8x128xf32, #tpu.memory_space<vmem>>
        %dma_start3A_2378 = tpu.memref_squeeze %dma_start3A_2377 : memref<1x4x8x128xf32, #tpu.memory_space<vmem>> -> memref<4x8x128xf32, #tpu.memory_space<vmem>>
        %dma_start3A_2379 = arith.constant 0 : i32
        %dma_start3A_2380 = arith.constant 0 : i32
        %dma_start3A_2381 = tpu.memref_slice %arg4[%dma_start3A_2379, %dma_start3A_2380, %multiple_of3A_2367] : memref<4x8x1000000xf32, #tpu.memory_space<hbm>> -> memref<4x8x128xf32, #tpu.memory_space<hbm>>
        %dma_start3A_2382 = arith.constant 0 : i32
        %dma_start3A_2383 = arith.constant 0 : i32
        %dma_start3A_2384 = arith.constant 0 : i32
        %dma_start3A_2385 = tpu.memref_slice %arg9[%dma_start3A_2373, %dma_start3A_2382, %dma_start3A_2383, %dma_start3A_2384] : memref<8x4x8x128xf32, #tpu.memory_space<vmem>> -> memref<1x4x8x128xf32, #tpu.memory_space<vmem>>
        %dma_start3A_2386 = tpu.memref_squeeze %dma_start3A_2385 : memref<1x4x8x128xf32, #tpu.memory_space<vmem>> -> memref<4x8x128xf32, #tpu.memory_space<vmem>>
        %dma_start3A_2387 = arith.constant 0 : i32
        %dma_start3A_2388 = arith.constant 0 : i32
        %dma_start3A_2389 = tpu.memref_slice %arg4[%dma_start3A_2387, %dma_start3A_2388, %multiple_of3A_2367] : memref<4x8x1000000xf32, #tpu.memory_space<hbm>> -> memref<4x8x128xf32, #tpu.memory_space<hbm>>
        tpu.enqueue_dma source(%dma_start3A_2389 : memref<4x8x128xf32, #tpu.memory_space<hbm>>) target(%dma_start3A_2386 : memref<4x8x128xf32, #tpu.memory_space<vmem>>) target_semaphore(%arg12 : memref<!tpu.dma_semaphore, #tpu.memory_space<semaphore_mem>>)
        %dma_start3A_2390 = arith.constant 4 : i32
        %dma_start3A_2391 = arith.constant 0 : i32
        %dma_start3A_2392 = arith.constant 0 : i32
        %dma_start3A_2393 = arith.constant 0 : i32
        %dma_start3A_2394 = tpu.memref_slice %arg10[%dma_start3A_2390, %dma_start3A_2391, %dma_start3A_2392, %dma_start3A_2393] : memref<8x4x8x128xf32, #tpu.memory_space<vmem>> -> memref<1x4x8x128xf32, #tpu.memory_space<vmem>>
        %dma_start3A_2395 = tpu.memref_squeeze %dma_start3A_2394 : memref<1x4x8x128xf32, #tpu.memory_space<vmem>> -> memref<4x8x128xf32, #tpu.memory_space<vmem>>
        %dma_start3A_2396 = arith.constant 0 : i32
        %dma_start3A_2397 = arith.constant 0 : i32
        %dma_start3A_2398 = tpu.memref_slice %arg5[%dma_start3A_2396, %dma_start3A_2397, %multiple_of3A_2372] : memref<4x8x1000000xf32, #tpu.memory_space<hbm>> -> memref<4x8x128xf32, #tpu.memory_space<hbm>>
        %dma_start3A_2399 = arith.constant 0 : i32
        %dma_start3A_2400 = arith.constant 0 : i32
        %dma_start3A_2401 = arith.constant 0 : i32
        %dma_start3A_2402 = tpu.memref_slice %arg10[%dma_start3A_2390, %dma_start3A_2399, %dma_start3A_2400, %dma_start3A_2401] : memref<8x4x8x128xf32, #tpu.memory_space<vmem>> -> memref<1x4x8x128xf32, #tpu.memory_space<vmem>>
        %dma_start3A_2403 = tpu.memref_squeeze %dma_start3A_2402 : memref<1x4x8x128xf32, #tpu.memory_space<vmem>> -> memref<4x8x128xf32, #tpu.memory_space<vmem>>
        %dma_start3A_2404 = arith.constant 0 : i32
        %dma_start3A_2405 = arith.constant 0 : i32
        %dma_start3A_2406 = tpu.memref_slice %arg5[%dma_start3A_2404, %dma_start3A_2405, %multiple_of3A_2372] : memref<4x8x1000000xf32, #tpu.memory_space<hbm>> -> memref<4x8x128xf32, #tpu.memory_space<hbm>>
        tpu.enqueue_dma source(%dma_start3A_2406 : memref<4x8x128xf32, #tpu.memory_space<hbm>>) target(%dma_start3A_2403 : memref<4x8x128xf32, #tpu.memory_space<vmem>>) target_semaphore(%arg13 : memref<!tpu.dma_semaphore, #tpu.memory_space<semaphore_mem>>)
      } else {
      }
      %dma_wait3A_1982 = arith.constant 5 : i32
      %dma_wait3A_1983 = arith.constant 0 : i32
      %dma_wait3A_1984 = arith.constant 0 : i32
      %dma_wait3A_1985 = arith.constant 0 : i32
      %dma_wait3A_1986 = tpu.memref_slice %arg9[%dma_wait3A_1982, %dma_wait3A_1983, %dma_wait3A_1984, %dma_wait3A_1985] : memref<8x4x8x128xf32, #tpu.memory_space<vmem>> -> memref<1x4x8x128xf32, #tpu.memory_space<vmem>>
      %dma_wait3A_1987 = tpu.memref_squeeze %dma_wait3A_1986 : memref<1x4x8x128xf32, #tpu.memory_space<vmem>> -> memref<4x8x128xf32, #tpu.memory_space<vmem>>
      %dma_wait3A_1988 = arith.constant 0 : i32
      %dma_wait3A_1989 = arith.constant 0 : i32
      %dma_wait3A_1990 = arith.constant 0 : i32
      %dma_wait3A_1991 = tpu.memref_slice %arg4[%dma_wait3A_1988, %dma_wait3A_1989, %dma_wait3A_1990] : memref<4x8x1000000xf32, #tpu.memory_space<hbm>> -> memref<4x8x128xf32, #tpu.memory_space<hbm>>
      %dma_wait3A_1992 = arith.constant 0 : i32
      %dma_wait3A_1993 = arith.constant 0 : i32
      %dma_wait3A_1994 = arith.constant 0 : i32
      %dma_wait3A_1995 = tpu.memref_slice %arg9[%dma_wait3A_1982, %dma_wait3A_1992, %dma_wait3A_1993, %dma_wait3A_1994] : memref<8x4x8x128xf32, #tpu.memory_space<vmem>> -> memref<1x4x8x128xf32, #tpu.memory_space<vmem>>
      %dma_wait3A_1996 = tpu.memref_squeeze %dma_wait3A_1995 : memref<1x4x8x128xf32, #tpu.memory_space<vmem>> -> memref<4x8x128xf32, #tpu.memory_space<vmem>>
      %dma_wait3A_1997 = arith.constant 0 : i32
      %dma_wait3A_1998 = arith.constant 0 : i32
      %dma_wait3A_1999 = arith.constant 0 : i32
      %dma_wait3A_2000 = tpu.memref_slice %arg4[%dma_wait3A_1997, %dma_wait3A_1998, %dma_wait3A_1999] : memref<4x8x1000000xf32, #tpu.memory_space<hbm>> -> memref<4x8x128xf32, #tpu.memory_space<hbm>>
      tpu.wait_dma2 semaphore(%arg12 : memref<!tpu.dma_semaphore, #tpu.memory_space<semaphore_mem>>) src(%dma_wait3A_2000 : memref<4x8x128xf32, #tpu.memory_space<hbm>>) dst(%dma_wait3A_1996 : memref<4x8x128xf32, #tpu.memory_space<vmem>>)
      %dma_wait3A_2001 = arith.constant 5 : i32
      %dma_wait3A_2002 = arith.constant 0 : i32
      %dma_wait3A_2003 = arith.constant 0 : i32
      %dma_wait3A_2004 = arith.constant 0 : i32
      %dma_wait3A_2005 = tpu.memref_slice %arg10[%dma_wait3A_2001, %dma_wait3A_2002, %dma_wait3A_2003, %dma_wait3A_2004] : memref<8x4x8x128xf32, #tpu.memory_space<vmem>> -> memref<1x4x8x128xf32, #tpu.memory_space<vmem>>
      %dma_wait3A_2006 = tpu.memref_squeeze %dma_wait3A_2005 : memref<1x4x8x128xf32, #tpu.memory_space<vmem>> -> memref<4x8x128xf32, #tpu.memory_space<vmem>>
      %dma_wait3A_2007 = arith.constant 0 : i32
      %dma_wait3A_2008 = arith.constant 0 : i32
      %dma_wait3A_2009 = arith.constant 0 : i32
      %dma_wait3A_2010 = tpu.memref_slice %arg5[%dma_wait3A_2007, %dma_wait3A_2008, %dma_wait3A_2009] : memref<4x8x1000000xf32, #tpu.memory_space<hbm>> -> memref<4x8x128xf32, #tpu.memory_space<hbm>>
      %dma_wait3A_2011 = arith.constant 0 : i32
      %dma_wait3A_2012 = arith.constant 0 : i32
      %dma_wait3A_2013 = arith.constant 0 : i32
      %dma_wait3A_2014 = tpu.memref_slice %arg10[%dma_wait3A_2001, %dma_wait3A_2011, %dma_wait3A_2012, %dma_wait3A_2013] : memref<8x4x8x128xf32, #tpu.memory_space<vmem>> -> memref<1x4x8x128xf32, #tpu.memory_space<vmem>>
      %dma_wait3A_2015 = tpu.memref_squeeze %dma_wait3A_2014 : memref<1x4x8x128xf32, #tpu.memory_space<vmem>> -> memref<4x8x128xf32, #tpu.memory_space<vmem>>
      %dma_wait3A_2016 = arith.constant 0 : i32
      %dma_wait3A_2017 = arith.constant 0 : i32
      %dma_wait3A_2018 = arith.constant 0 : i32
      %dma_wait3A_2019 = tpu.memref_slice %arg5[%dma_wait3A_2016, %dma_wait3A_2017, %dma_wait3A_2018] : memref<4x8x1000000xf32, #tpu.memory_space<hbm>> -> memref<4x8x128xf32, #tpu.memory_space<hbm>>
      tpu.wait_dma2 semaphore(%arg13 : memref<!tpu.dma_semaphore, #tpu.memory_space<semaphore_mem>>) src(%dma_wait3A_2019 : memref<4x8x128xf32, #tpu.memory_space<hbm>>) dst(%dma_wait3A_2015 : memref<4x8x128xf32, #tpu.memory_space<vmem>>)
      %mul3A_2020 = arith.constant 16 : i32
      %mul3A_2021 = arith.muli %scan3A_418, %mul3A_2020 : i32
      %get3A_2022 = arith.index_cast %mul3A_2021 : i32 to index
      %get3A_2023 = tpu.vector_load %arg7[%get3A_2022] {strides = array<i32>} : memref<512xi32, #tpu.memory_space<vmem>>, vector<16xi32>,
      %mul3A_2024 = arith.constant 16 : i32
      %mul3A_2025 = arith.muli %scan3A_418, %mul3A_2024 : i32
      %get3A_2026 = arith.index_cast %mul3A_2025 : i32 to index
      %get3A_2027 = tpu.vector_load %arg8[%get3A_2026] {strides = array<i32>} : memref<512xi32, #tpu.memory_space<vmem>>, vector<16xi32>,
      %slice3A_2028 = vector.extract_strided_slice %get3A_2023 {offsets = [13], sizes = [1], strides = [1]} : vector<16xi32> to vector<1xi32>
      %squeeze3A_2029 = vector.extract %slice3A_2028[0] : i32 from vector<1xi32>
      %and3A_2030 = arith.constant 127 : i32
      %and3A_2031 = arith.andi %squeeze3A_2029, %and3A_2030 : i32
      %broadcast_in_dim3A_2032 = vector.broadcast %and3A_2031 : i32 to vector<16xi32>
      %slice3A_2033 = vector.extract_strided_slice %get3A_2027 {offsets = [13], sizes = [1], strides = [1]} : vector<16xi32> to vector<1xi32>
      %squeeze3A_2034 = vector.extract %slice3A_2033[0] : i32 from vector<1xi32>
      %and3A_2035 = arith.constant 127 : i32
      %and3A_2036 = arith.andi %squeeze3A_2034, %and3A_2035 : i32
      %broadcast_in_dim3A_2037 = vector.broadcast %and3A_2036 : i32 to vector<16xi32>
      %broadcast_in_dim3A_2038 = arith.constant 5 : i32
      %broadcast_in_dim3A_2039 = vector.broadcast %broadcast_in_dim3A_2038 : i32 to vector<16xi32>
      %broadcast_in_dim3A_2040 = arith.constant 0.000000e+00 : f32
      %broadcast_in_dim3A_2041 = vector.broadcast %broadcast_in_dim3A_2040 : f32 to vector<16xf32>
      %add3A_2042 = arith.constant 0 : i32
      %add3A_2043 = vector.broadcast %add3A_2042 : i32 to vector<16xi32>
      %add3A_2044 = arith.addi %add3A_2043, %iota3A : vector<16xi32>
      %shift_right_arithmetic3A_2045 = arith.constant 3 : i32
      %shift_right_arithmetic3A_2046 = vector.broadcast %shift_right_arithmetic3A_2045 : i32 to vector<16xi32>
      %shift_right_arithmetic3A_2047 = arith.shrsi %add3A_2044, %shift_right_arithmetic3A_2046 : vector<16xi32>
      %and3A_2048 = arith.constant 7 : i32
      %and3A_2049 = vector.broadcast %and3A_2048 : i32 to vector<16xi32>
      %and3A_2050 = arith.andi %add3A_2044, %and3A_2049 : vector<16xi32>
      %gather3A_2051 = tpu.vector_load_idx %arg9[%broadcast_in_dim3A_2039, %shift_right_arithmetic3A_2047, %and3A_2050, %broadcast_in_dim3A_2032] : memref<8x4x8x128xf32, #tpu.memory_space<vmem>>[vector<16xi32>, vector<16xi32>, vector<16xi32>, vector<16xi32>], vector<16xf32>,
      %shift_right_arithmetic3A_2052 = arith.constant 3 : i32
      %shift_right_arithmetic3A_2053 = vector.broadcast %shift_right_arithmetic3A_2052 : i32 to vector<16xi32>
      %shift_right_arithmetic3A_2054 = arith.shrsi %add3A_2044, %shift_right_arithmetic3A_2053 : vector<16xi32>
      %and3A_2055 = arith.constant 7 : i32
      %and3A_2056 = vector.broadcast %and3A_2055 : i32 to vector<16xi32>
      %and3A_2057 = arith.andi %add3A_2044, %and3A_2056 : vector<16xi32>
      %gather3A_2058 = tpu.vector_load_idx %arg10[%broadcast_in_dim3A_2039, %shift_right_arithmetic3A_2054, %and3A_2057, %broadcast_in_dim3A_2037] : memref<8x4x8x128xf32, #tpu.memory_space<vmem>>[vector<16xi32>, vector<16xi32>, vector<16xi32>, vector<16xi32>], vector<16xf32>,
      %mul3A_2059 = arith.mulf %gather3A_2051, %gather3A_2058 : vector<16xf32>
      %add3A_2060 = arith.addf %broadcast_in_dim3A_2041, %mul3A_2059 : vector<16xf32>
      %add3A_2061 = arith.constant 16 : i32
      %add3A_2062 = vector.broadcast %add3A_2061 : i32 to vector<16xi32>
      %add3A_2063 = arith.addi %add3A_2062, %iota3A : vector<16xi32>
      %shift_right_arithmetic3A_2064 = arith.constant 3 : i32
      %shift_right_arithmetic3A_2065 = vector.broadcast %shift_right_arithmetic3A_2064 : i32 to vector<16xi32>
      %shift_right_arithmetic3A_2066 = arith.shrsi %add3A_2063, %shift_right_arithmetic3A_2065 : vector<16xi32>
      %and3A_2067 = arith.constant 7 : i32
      %and3A_2068 = vector.broadcast %and3A_2067 : i32 to vector<16xi32>
      %and3A_2069 = arith.andi %add3A_2063, %and3A_2068 : vector<16xi32>
      %gather3A_2070 = tpu.vector_load_idx %arg9[%broadcast_in_dim3A_2039, %shift_right_arithmetic3A_2066, %and3A_2069, %broadcast_in_dim3A_2032] : memref<8x4x8x128xf32, #tpu.memory_space<vmem>>[vector<16xi32>, vector<16xi32>, vector<16xi32>, vector<16xi32>], vector<16xf32>,
      %shift_right_arithmetic3A_2071 = arith.constant 3 : i32
      %shift_right_arithmetic3A_2072 = vector.broadcast %shift_right_arithmetic3A_2071 : i32 to vector<16xi32>
      %shift_right_arithmetic3A_2073 = arith.shrsi %add3A_2063, %shift_right_arithmetic3A_2072 : vector<16xi32>
      %and3A_2074 = arith.constant 7 : i32
      %and3A_2075 = vector.broadcast %and3A_2074 : i32 to vector<16xi32>
      %and3A_2076 = arith.andi %add3A_2063, %and3A_2075 : vector<16xi32>
      %gather3A_2077 = tpu.vector_load_idx %arg10[%broadcast_in_dim3A_2039, %shift_right_arithmetic3A_2073, %and3A_2076, %broadcast_in_dim3A_2037] : memref<8x4x8x128xf32, #tpu.memory_space<vmem>>[vector<16xi32>, vector<16xi32>, vector<16xi32>, vector<16xi32>], vector<16xf32>,
      %mul3A_2078 = arith.mulf %gather3A_2070, %gather3A_2077 : vector<16xf32>
      %add3A_2079 = arith.addf %add3A_2060, %mul3A_2078 : vector<16xf32>
      %broadcast_in_dim3A_2080 = arith.constant true
      %broadcast_in_dim3A_2081 = vector.broadcast %broadcast_in_dim3A_2080 : i1 to vector<16xi1>
      %masked_cumsum3A_2082 = tpu.scan <sum>, %add3A_2079 masked %broadcast_in_dim3A_2081 : vector<16xf32>, vector<16xi1> -> vector<16xf32>
      %lt3A_2083 = arith.constant 0 : i32
      %lt3A_2084 = vector.broadcast %lt3A_2083 : i32 to vector<16xi32>
      %lt3A_2085 = arith.cmpi slt, %broadcast_in_dim3A_3, %lt3A_2084 : vector<16xi32>
      %add3A_2086 = arith.constant 16 : i32
      %add3A_2087 = vector.broadcast %add3A_2086 : i32 to vector<16xi32>
      %add3A_2088 = arith.addi %broadcast_in_dim3A_3, %add3A_2087 : vector<16xi32>
      %select_n3A_2089 = arith.select %lt3A_2085, %add3A_2088, %broadcast_in_dim3A_3 : vector<16xi1>, vector<16xi32>
      %broadcast_in_dim3A_2090 = vector.shape_cast %select_n3A_2089 : vector<16xi32> to vector<16x1xi32>
      %gather3A_2091 = vector.shape_cast %broadcast_in_dim3A_2090 : vector<16x1xi32> to vector<16xi32>
      %gather3A_2092 = tpu.dynamic_gather %masked_cumsum3A_2082[%gather3A_2091] in [0] : vector<16xf32>, vector<16xi32> -> vector<16xf32>
      %eq3A_2093 = arith.constant 13 : i32
      %eq3A_2094 = vector.broadcast %eq3A_2093 : i32 to vector<16xi32>
      %eq3A_2095 = arith.cmpi eq, %iota3A, %eq3A_2094 : vector<16xi32>
      %select_n3A_2096 = arith.select %eq3A_2095, %gather3A_2092, %select_n3A_1974 : vector<16xi1>, vector<16xf32>
      %add3A_2097 = arith.constant 1 : i32
      %add3A_2098 = arith.addi %scan3A_418, %add3A_2097 : i32
      %lt3A_2099 = arith.constant 32 : i32
      %lt3A_2100 = arith.cmpi slt, %add3A_2098, %lt3A_2099 : i32
      %convert_element_type3A_2101 = arith.extui %lt3A_2100 : i1 to i32
      %cond3A_2102 = arith.constant 0 : i32
      %cond3A_2103 = arith.cmpi ne, %convert_element_type3A_2101, %cond3A_2102 : i32
      scf.if %cond3A_2103 {
        %mul3A_2351 = arith.constant 16 : i32
        %mul3A_2352 = arith.muli %add3A_2098, %mul3A_2351 : i32
        %get3A_2353 = arith.index_cast %mul3A_2352 : i32 to index
        %get3A_2354 = tpu.vector_load %arg7[%get3A_2353] {strides = array<i32>} : memref<512xi32, #tpu.memory_space<vmem>>, vector<16xi32>,
        %mul3A_2355 = arith.constant 16 : i32
        %mul3A_2356 = arith.muli %add3A_2098, %mul3A_2355 : i32
        %get3A_2357 = arith.index_cast %mul3A_2356 : i32 to index
        %get3A_2358 = tpu.vector_load %arg8[%get3A_2357] {strides = array<i32>} : memref<512xi32, #tpu.memory_space<vmem>>, vector<16xi32>,
        %slice3A_2359 = vector.extract_strided_slice %get3A_2354 {offsets = [5], sizes = [1], strides = [1]} : vector<16xi32> to vector<1xi32>
        %squeeze3A_2360 = vector.extract %slice3A_2359[0] : i32 from vector<1xi32>
        %slice3A_2361 = vector.extract_strided_slice %get3A_2358 {offsets = [5], sizes = [1], strides = [1]} : vector<16xi32> to vector<1xi32>
        %squeeze3A_2362 = vector.extract %slice3A_2361[0] : i32 from vector<1xi32>
        %shift_right_arithmetic3A_2363 = arith.constant 7 : i32
        %shift_right_arithmetic3A_2364 = arith.shrsi %squeeze3A_2360, %shift_right_arithmetic3A_2363 : i32
        %shift_left3A_2365 = arith.constant 7 : i32
        %shift_left3A_2366 = arith.shli %shift_right_arithmetic3A_2364, %shift_left3A_2365 : i32
        %multiple_of3A_2367 = tpu.assume_multiple %shift_left3A_2366, 128 : i32
        %shift_right_arithmetic3A_2368 = arith.constant 7 : i32
        %shift_right_arithmetic3A_2369 = arith.shrsi %squeeze3A_2362, %shift_right_arithmetic3A_2368 : i32
        %shift_left3A_2370 = arith.constant 7 : i32
        %shift_left3A_2371 = arith.shli %shift_right_arithmetic3A_2369, %shift_left3A_2370 : i32
        %multiple_of3A_2372 = tpu.assume_multiple %shift_left3A_2371, 128 : i32
        %dma_start3A_2373 = arith.constant 5 : i32
        %dma_start3A_2374 = arith.constant 0 : i32
        %dma_start3A_2375 = arith.constant 0 : i32
        %dma_start3A_2376 = arith.constant 0 : i32
        %dma_start3A_2377 = tpu.memref_slice %arg9[%dma_start3A_2373, %dma_start3A_2374, %dma_start3A_2375, %dma_start3A_2376] : memref<8x4x8x128xf32, #tpu.memory_space<vmem>> -> memref<1x4x8x128xf32, #tpu.memory_space<vmem>>
        %dma_start3A_2378 = tpu.memref_squeeze %dma_start3A_2377 : memref<1x4x8x128xf32, #tpu.memory_space<vmem>> -> memref<4x8x128xf32, #tpu.memory_space<vmem>>
        %dma_start3A_2379 = arith.constant 0 : i32
        %dma_start3A_2380 = arith.constant 0 : i32
        %dma_start3A_2381 = tpu.memref_slice %arg4[%dma_start3A_2379, %dma_start3A_2380, %multiple_of3A_2367] : memref<4x8x1000000xf32, #tpu.memory_space<hbm>> -> memref<4x8x128xf32, #tpu.memory_space<hbm>>
        %dma_start3A_2382 = arith.constant 0 : i32
        %dma_start3A_2383 = arith.constant 0 : i32
        %dma_start3A_2384 = arith.constant 0 : i32
        %dma_start3A_2385 = tpu.memref_slice %arg9[%dma_start3A_2373, %dma_start3A_2382, %dma_start3A_2383, %dma_start3A_2384] : memref<8x4x8x128xf32, #tpu.memory_space<vmem>> -> memref<1x4x8x128xf32, #tpu.memory_space<vmem>>
        %dma_start3A_2386 = tpu.memref_squeeze %dma_start3A_2385 : memref<1x4x8x128xf32, #tpu.memory_space<vmem>> -> memref<4x8x128xf32, #tpu.memory_space<vmem>>
        %dma_start3A_2387 = arith.constant 0 : i32
        %dma_start3A_2388 = arith.constant 0 : i32
        %dma_start3A_2389 = tpu.memref_slice %arg4[%dma_start3A_2387, %dma_start3A_2388, %multiple_of3A_2367] : memref<4x8x1000000xf32, #tpu.memory_space<hbm>> -> memref<4x8x128xf32, #tpu.memory_space<hbm>>
        tpu.enqueue_dma source(%dma_start3A_2389 : memref<4x8x128xf32, #tpu.memory_space<hbm>>) target(%dma_start3A_2386 : memref<4x8x128xf32, #tpu.memory_space<vmem>>) target_semaphore(%arg12 : memref<!tpu.dma_semaphore, #tpu.memory_space<semaphore_mem>>)
        %dma_start3A_2390 = arith.constant 5 : i32
        %dma_start3A_2391 = arith.constant 0 : i32
        %dma_start3A_2392 = arith.constant 0 : i32
        %dma_start3A_2393 = arith.constant 0 : i32
        %dma_start3A_2394 = tpu.memref_slice %arg10[%dma_start3A_2390, %dma_start3A_2391, %dma_start3A_2392, %dma_start3A_2393] : memref<8x4x8x128xf32, #tpu.memory_space<vmem>> -> memref<1x4x8x128xf32, #tpu.memory_space<vmem>>
        %dma_start3A_2395 = tpu.memref_squeeze %dma_start3A_2394 : memref<1x4x8x128xf32, #tpu.memory_space<vmem>> -> memref<4x8x128xf32, #tpu.memory_space<vmem>>
        %dma_start3A_2396 = arith.constant 0 : i32
        %dma_start3A_2397 = arith.constant 0 : i32
        %dma_start3A_2398 = tpu.memref_slice %arg5[%dma_start3A_2396, %dma_start3A_2397, %multiple_of3A_2372] : memref<4x8x1000000xf32, #tpu.memory_space<hbm>> -> memref<4x8x128xf32, #tpu.memory_space<hbm>>
        %dma_start3A_2399 = arith.constant 0 : i32
        %dma_start3A_2400 = arith.constant 0 : i32
        %dma_start3A_2401 = arith.constant 0 : i32
        %dma_start3A_2402 = tpu.memref_slice %arg10[%dma_start3A_2390, %dma_start3A_2399, %dma_start3A_2400, %dma_start3A_2401] : memref<8x4x8x128xf32, #tpu.memory_space<vmem>> -> memref<1x4x8x128xf32, #tpu.memory_space<vmem>>
        %dma_start3A_2403 = tpu.memref_squeeze %dma_start3A_2402 : memref<1x4x8x128xf32, #tpu.memory_space<vmem>> -> memref<4x8x128xf32, #tpu.memory_space<vmem>>
        %dma_start3A_2404 = arith.constant 0 : i32
        %dma_start3A_2405 = arith.constant 0 : i32
        %dma_start3A_2406 = tpu.memref_slice %arg5[%dma_start3A_2404, %dma_start3A_2405, %multiple_of3A_2372] : memref<4x8x1000000xf32, #tpu.memory_space<hbm>> -> memref<4x8x128xf32, #tpu.memory_space<hbm>>
        tpu.enqueue_dma source(%dma_start3A_2406 : memref<4x8x128xf32, #tpu.memory_space<hbm>>) target(%dma_start3A_2403 : memref<4x8x128xf32, #tpu.memory_space<vmem>>) target_semaphore(%arg13 : memref<!tpu.dma_semaphore, #tpu.memory_space<semaphore_mem>>)
      } else {
      }
      %dma_wait3A_2104 = arith.constant 6 : i32
      %dma_wait3A_2105 = arith.constant 0 : i32
      %dma_wait3A_2106 = arith.constant 0 : i32
      %dma_wait3A_2107 = arith.constant 0 : i32
      %dma_wait3A_2108 = tpu.memref_slice %arg9[%dma_wait3A_2104, %dma_wait3A_2105, %dma_wait3A_2106, %dma_wait3A_2107] : memref<8x4x8x128xf32, #tpu.memory_space<vmem>> -> memref<1x4x8x128xf32, #tpu.memory_space<vmem>>
      %dma_wait3A_2109 = tpu.memref_squeeze %dma_wait3A_2108 : memref<1x4x8x128xf32, #tpu.memory_space<vmem>> -> memref<4x8x128xf32, #tpu.memory_space<vmem>>
      %dma_wait3A_2110 = arith.constant 0 : i32
      %dma_wait3A_2111 = arith.constant 0 : i32
      %dma_wait3A_2112 = arith.constant 0 : i32
      %dma_wait3A_2113 = tpu.memref_slice %arg4[%dma_wait3A_2110, %dma_wait3A_2111, %dma_wait3A_2112] : memref<4x8x1000000xf32, #tpu.memory_space<hbm>> -> memref<4x8x128xf32, #tpu.memory_space<hbm>>
      %dma_wait3A_2114 = arith.constant 0 : i32
      %dma_wait3A_2115 = arith.constant 0 : i32
      %dma_wait3A_2116 = arith.constant 0 : i32
      %dma_wait3A_2117 = tpu.memref_slice %arg9[%dma_wait3A_2104, %dma_wait3A_2114, %dma_wait3A_2115, %dma_wait3A_2116] : memref<8x4x8x128xf32, #tpu.memory_space<vmem>> -> memref<1x4x8x128xf32, #tpu.memory_space<vmem>>
      %dma_wait3A_2118 = tpu.memref_squeeze %dma_wait3A_2117 : memref<1x4x8x128xf32, #tpu.memory_space<vmem>> -> memref<4x8x128xf32, #tpu.memory_space<vmem>>
      %dma_wait3A_2119 = arith.constant 0 : i32
      %dma_wait3A_2120 = arith.constant 0 : i32
      %dma_wait3A_2121 = arith.constant 0 : i32
      %dma_wait3A_2122 = tpu.memref_slice %arg4[%dma_wait3A_2119, %dma_wait3A_2120, %dma_wait3A_2121] : memref<4x8x1000000xf32, #tpu.memory_space<hbm>> -> memref<4x8x128xf32, #tpu.memory_space<hbm>>
      tpu.wait_dma2 semaphore(%arg12 : memref<!tpu.dma_semaphore, #tpu.memory_space<semaphore_mem>>) src(%dma_wait3A_2122 : memref<4x8x128xf32, #tpu.memory_space<hbm>>) dst(%dma_wait3A_2118 : memref<4x8x128xf32, #tpu.memory_space<vmem>>)
      %dma_wait3A_2123 = arith.constant 6 : i32
      %dma_wait3A_2124 = arith.constant 0 : i32
      %dma_wait3A_2125 = arith.constant 0 : i32
      %dma_wait3A_2126 = arith.constant 0 : i32
      %dma_wait3A_2127 = tpu.memref_slice %arg10[%dma_wait3A_2123, %dma_wait3A_2124, %dma_wait3A_2125, %dma_wait3A_2126] : memref<8x4x8x128xf32, #tpu.memory_space<vmem>> -> memref<1x4x8x128xf32, #tpu.memory_space<vmem>>
      %dma_wait3A_2128 = tpu.memref_squeeze %dma_wait3A_2127 : memref<1x4x8x128xf32, #tpu.memory_space<vmem>> -> memref<4x8x128xf32, #tpu.memory_space<vmem>>
      %dma_wait3A_2129 = arith.constant 0 : i32
      %dma_wait3A_2130 = arith.constant 0 : i32
      %dma_wait3A_2131 = arith.constant 0 : i32
      %dma_wait3A_2132 = tpu.memref_slice %arg5[%dma_wait3A_2129, %dma_wait3A_2130, %dma_wait3A_2131] : memref<4x8x1000000xf32, #tpu.memory_space<hbm>> -> memref<4x8x128xf32, #tpu.memory_space<hbm>>
      %dma_wait3A_2133 = arith.constant 0 : i32
      %dma_wait3A_2134 = arith.constant 0 : i32
      %dma_wait3A_2135 = arith.constant 0 : i32
      %dma_wait3A_2136 = tpu.memref_slice %arg10[%dma_wait3A_2123, %dma_wait3A_2133, %dma_wait3A_2134, %dma_wait3A_2135] : memref<8x4x8x128xf32, #tpu.memory_space<vmem>> -> memref<1x4x8x128xf32, #tpu.memory_space<vmem>>
      %dma_wait3A_2137 = tpu.memref_squeeze %dma_wait3A_2136 : memref<1x4x8x128xf32, #tpu.memory_space<vmem>> -> memref<4x8x128xf32, #tpu.memory_space<vmem>>
      %dma_wait3A_2138 = arith.constant 0 : i32
      %dma_wait3A_2139 = arith.constant 0 : i32
      %dma_wait3A_2140 = arith.constant 0 : i32
      %dma_wait3A_2141 = tpu.memref_slice %arg5[%dma_wait3A_2138, %dma_wait3A_2139, %dma_wait3A_2140] : memref<4x8x1000000xf32, #tpu.memory_space<hbm>> -> memref<4x8x128xf32, #tpu.memory_space<hbm>>
      tpu.wait_dma2 semaphore(%arg13 : memref<!tpu.dma_semaphore, #tpu.memory_space<semaphore_mem>>) src(%dma_wait3A_2141 : memref<4x8x128xf32, #tpu.memory_space<hbm>>) dst(%dma_wait3A_2137 : memref<4x8x128xf32, #tpu.memory_space<vmem>>)
      %mul3A_2142 = arith.constant 16 : i32
      %mul3A_2143 = arith.muli %scan3A_418, %mul3A_2142 : i32
      %get3A_2144 = arith.index_cast %mul3A_2143 : i32 to index
      %get3A_2145 = tpu.vector_load %arg7[%get3A_2144] {strides = array<i32>} : memref<512xi32, #tpu.memory_space<vmem>>, vector<16xi32>,
      %mul3A_2146 = arith.constant 16 : i32
      %mul3A_2147 = arith.muli %scan3A_418, %mul3A_2146 : i32
      %get3A_2148 = arith.index_cast %mul3A_2147 : i32 to index
      %get3A_2149 = tpu.vector_load %arg8[%get3A_2148] {strides = array<i32>} : memref<512xi32, #tpu.memory_space<vmem>>, vector<16xi32>,
      %slice3A_2150 = vector.extract_strided_slice %get3A_2145 {offsets = [14], sizes = [1], strides = [1]} : vector<16xi32> to vector<1xi32>
      %squeeze3A_2151 = vector.extract %slice3A_2150[0] : i32 from vector<1xi32>
      %and3A_2152 = arith.constant 127 : i32
      %and3A_2153 = arith.andi %squeeze3A_2151, %and3A_2152 : i32
      %broadcast_in_dim3A_2154 = vector.broadcast %and3A_2153 : i32 to vector<16xi32>
      %slice3A_2155 = vector.extract_strided_slice %get3A_2149 {offsets = [14], sizes = [1], strides = [1]} : vector<16xi32> to vector<1xi32>
      %squeeze3A_2156 = vector.extract %slice3A_2155[0] : i32 from vector<1xi32>
      %and3A_2157 = arith.constant 127 : i32
      %and3A_2158 = arith.andi %squeeze3A_2156, %and3A_2157 : i32
      %broadcast_in_dim3A_2159 = vector.broadcast %and3A_2158 : i32 to vector<16xi32>
      %broadcast_in_dim3A_2160 = arith.constant 6 : i32
      %broadcast_in_dim3A_2161 = vector.broadcast %broadcast_in_dim3A_2160 : i32 to vector<16xi32>
      %broadcast_in_dim3A_2162 = arith.constant 0.000000e+00 : f32
      %broadcast_in_dim3A_2163 = vector.broadcast %broadcast_in_dim3A_2162 : f32 to vector<16xf32>
      %add3A_2164 = arith.constant 0 : i32
      %add3A_2165 = vector.broadcast %add3A_2164 : i32 to vector<16xi32>
      %add3A_2166 = arith.addi %add3A_2165, %iota3A : vector<16xi32>
      %shift_right_arithmetic3A_2167 = arith.constant 3 : i32
      %shift_right_arithmetic3A_2168 = vector.broadcast %shift_right_arithmetic3A_2167 : i32 to vector<16xi32>
      %shift_right_arithmetic3A_2169 = arith.shrsi %add3A_2166, %shift_right_arithmetic3A_2168 : vector<16xi32>
      %and3A_2170 = arith.constant 7 : i32
      %and3A_2171 = vector.broadcast %and3A_2170 : i32 to vector<16xi32>
      %and3A_2172 = arith.andi %add3A_2166, %and3A_2171 : vector<16xi32>
      %gather3A_2173 = tpu.vector_load_idx %arg9[%broadcast_in_dim3A_2161, %shift_right_arithmetic3A_2169, %and3A_2172, %broadcast_in_dim3A_2154] : memref<8x4x8x128xf32, #tpu.memory_space<vmem>>[vector<16xi32>, vector<16xi32>, vector<16xi32>, vector<16xi32>], vector<16xf32>,
      %shift_right_arithmetic3A_2174 = arith.constant 3 : i32
      %shift_right_arithmetic3A_2175 = vector.broadcast %shift_right_arithmetic3A_2174 : i32 to vector<16xi32>
      %shift_right_arithmetic3A_2176 = arith.shrsi %add3A_2166, %shift_right_arithmetic3A_2175 : vector<16xi32>
      %and3A_2177 = arith.constant 7 : i32
      %and3A_2178 = vector.broadcast %and3A_2177 : i32 to vector<16xi32>
      %and3A_2179 = arith.andi %add3A_2166, %and3A_2178 : vector<16xi32>
      %gather3A_2180 = tpu.vector_load_idx %arg10[%broadcast_in_dim3A_2161, %shift_right_arithmetic3A_2176, %and3A_2179, %broadcast_in_dim3A_2159] : memref<8x4x8x128xf32, #tpu.memory_space<vmem>>[vector<16xi32>, vector<16xi32>, vector<16xi32>, vector<16xi32>], vector<16xf32>,
      %mul3A_2181 = arith.mulf %gather3A_2173, %gather3A_2180 : vector<16xf32>
      %add3A_2182 = arith.addf %broadcast_in_dim3A_2163, %mul3A_2181 : vector<16xf32>
      %add3A_2183 = arith.constant 16 : i32
      %add3A_2184 = vector.broadcast %add3A_2183 : i32 to vector<16xi32>
      %add3A_2185 = arith.addi %add3A_2184, %iota3A : vector<16xi32>
      %shift_right_arithmetic3A_2186 = arith.constant 3 : i32
      %shift_right_arithmetic3A_2187 = vector.broadcast %shift_right_arithmetic3A_2186 : i32 to vector<16xi32>
      %shift_right_arithmetic3A_2188 = arith.shrsi %add3A_2185, %shift_right_arithmetic3A_2187 : vector<16xi32>
      %and3A_2189 = arith.constant 7 : i32
      %and3A_2190 = vector.broadcast %and3A_2189 : i32 to vector<16xi32>
      %and3A_2191 = arith.andi %add3A_2185, %and3A_2190 : vector<16xi32>
      %gather3A_2192 = tpu.vector_load_idx %arg9[%broadcast_in_dim3A_2161, %shift_right_arithmetic3A_2188, %and3A_2191, %broadcast_in_dim3A_2154] : memref<8x4x8x128xf32, #tpu.memory_space<vmem>>[vector<16xi32>, vector<16xi32>, vector<16xi32>, vector<16xi32>], vector<16xf32>,
      %shift_right_arithmetic3A_2193 = arith.constant 3 : i32
      %shift_right_arithmetic3A_2194 = vector.broadcast %shift_right_arithmetic3A_2193 : i32 to vector<16xi32>
      %shift_right_arithmetic3A_2195 = arith.shrsi %add3A_2185, %shift_right_arithmetic3A_2194 : vector<16xi32>
      %and3A_2196 = arith.constant 7 : i32
      %and3A_2197 = vector.broadcast %and3A_2196 : i32 to vector<16xi32>
      %and3A_2198 = arith.andi %add3A_2185, %and3A_2197 : vector<16xi32>
      %gather3A_2199 = tpu.vector_load_idx %arg10[%broadcast_in_dim3A_2161, %shift_right_arithmetic3A_2195, %and3A_2198, %broadcast_in_dim3A_2159] : memref<8x4x8x128xf32, #tpu.memory_space<vmem>>[vector<16xi32>, vector<16xi32>, vector<16xi32>, vector<16xi32>], vector<16xf32>,
      %mul3A_2200 = arith.mulf %gather3A_2192, %gather3A_2199 : vector<16xf32>
      %add3A_2201 = arith.addf %add3A_2182, %mul3A_2200 : vector<16xf32>
      %broadcast_in_dim3A_2202 = arith.constant true
      %broadcast_in_dim3A_2203 = vector.broadcast %broadcast_in_dim3A_2202 : i1 to vector<16xi1>
      %masked_cumsum3A_2204 = tpu.scan <sum>, %add3A_2201 masked %broadcast_in_dim3A_2203 : vector<16xf32>, vector<16xi1> -> vector<16xf32>
      %lt3A_2205 = arith.constant 0 : i32
      %lt3A_2206 = vector.broadcast %lt3A_2205 : i32 to vector<16xi32>
      %lt3A_2207 = arith.cmpi slt, %broadcast_in_dim3A_3, %lt3A_2206 : vector<16xi32>
      %add3A_2208 = arith.constant 16 : i32
      %add3A_2209 = vector.broadcast %add3A_2208 : i32 to vector<16xi32>
      %add3A_2210 = arith.addi %broadcast_in_dim3A_3, %add3A_2209 : vector<16xi32>
      %select_n3A_2211 = arith.select %lt3A_2207, %add3A_2210, %broadcast_in_dim3A_3 : vector<16xi1>, vector<16xi32>
      %broadcast_in_dim3A_2212 = vector.shape_cast %select_n3A_2211 : vector<16xi32> to vector<16x1xi32>
      %gather3A_2213 = vector.shape_cast %broadcast_in_dim3A_2212 : vector<16x1xi32> to vector<16xi32>
      %gather3A_2214 = tpu.dynamic_gather %masked_cumsum3A_2204[%gather3A_2213] in [0] : vector<16xf32>, vector<16xi32> -> vector<16xf32>
      %eq3A_2215 = arith.constant 14 : i32
      %eq3A_2216 = vector.broadcast %eq3A_2215 : i32 to vector<16xi32>
      %eq3A_2217 = arith.cmpi eq, %iota3A, %eq3A_2216 : vector<16xi32>
      %select_n3A_2218 = arith.select %eq3A_2217, %gather3A_2214, %select_n3A_2096 : vector<16xi1>, vector<16xf32>
      %add3A_2219 = arith.constant 1 : i32
      %add3A_2220 = arith.addi %scan3A_418, %add3A_2219 : i32
      %lt3A_2221 = arith.constant 32 : i32
      %lt3A_2222 = arith.cmpi slt, %add3A_2220, %lt3A_2221 : i32
      %convert_element_type3A_2223 = arith.extui %lt3A_2222 : i1 to i32
      %cond3A_2224 = arith.constant 0 : i32
      %cond3A_2225 = arith.cmpi ne, %convert_element_type3A_2223, %cond3A_2224 : i32
      scf.if %cond3A_2225 {
        %mul3A_2351 = arith.constant 16 : i32
        %mul3A_2352 = arith.muli %add3A_2220, %mul3A_2351 : i32
        %get3A_2353 = arith.index_cast %mul3A_2352 : i32 to index
        %get3A_2354 = tpu.vector_load %arg7[%get3A_2353] {strides = array<i32>} : memref<512xi32, #tpu.memory_space<vmem>>, vector<16xi32>,
        %mul3A_2355 = arith.constant 16 : i32
        %mul3A_2356 = arith.muli %add3A_2220, %mul3A_2355 : i32
        %get3A_2357 = arith.index_cast %mul3A_2356 : i32 to index
        %get3A_2358 = tpu.vector_load %arg8[%get3A_2357] {strides = array<i32>} : memref<512xi32, #tpu.memory_space<vmem>>, vector<16xi32>,
        %slice3A_2359 = vector.extract_strided_slice %get3A_2354 {offsets = [6], sizes = [1], strides = [1]} : vector<16xi32> to vector<1xi32>
        %squeeze3A_2360 = vector.extract %slice3A_2359[0] : i32 from vector<1xi32>
        %slice3A_2361 = vector.extract_strided_slice %get3A_2358 {offsets = [6], sizes = [1], strides = [1]} : vector<16xi32> to vector<1xi32>
        %squeeze3A_2362 = vector.extract %slice3A_2361[0] : i32 from vector<1xi32>
        %shift_right_arithmetic3A_2363 = arith.constant 7 : i32
        %shift_right_arithmetic3A_2364 = arith.shrsi %squeeze3A_2360, %shift_right_arithmetic3A_2363 : i32
        %shift_left3A_2365 = arith.constant 7 : i32
        %shift_left3A_2366 = arith.shli %shift_right_arithmetic3A_2364, %shift_left3A_2365 : i32
        %multiple_of3A_2367 = tpu.assume_multiple %shift_left3A_2366, 128 : i32
        %shift_right_arithmetic3A_2368 = arith.constant 7 : i32
        %shift_right_arithmetic3A_2369 = arith.shrsi %squeeze3A_2362, %shift_right_arithmetic3A_2368 : i32
        %shift_left3A_2370 = arith.constant 7 : i32
        %shift_left3A_2371 = arith.shli %shift_right_arithmetic3A_2369, %shift_left3A_2370 : i32
        %multiple_of3A_2372 = tpu.assume_multiple %shift_left3A_2371, 128 : i32
        %dma_start3A_2373 = arith.constant 6 : i32
        %dma_start3A_2374 = arith.constant 0 : i32
        %dma_start3A_2375 = arith.constant 0 : i32
        %dma_start3A_2376 = arith.constant 0 : i32
        %dma_start3A_2377 = tpu.memref_slice %arg9[%dma_start3A_2373, %dma_start3A_2374, %dma_start3A_2375, %dma_start3A_2376] : memref<8x4x8x128xf32, #tpu.memory_space<vmem>> -> memref<1x4x8x128xf32, #tpu.memory_space<vmem>>
        %dma_start3A_2378 = tpu.memref_squeeze %dma_start3A_2377 : memref<1x4x8x128xf32, #tpu.memory_space<vmem>> -> memref<4x8x128xf32, #tpu.memory_space<vmem>>
        %dma_start3A_2379 = arith.constant 0 : i32
        %dma_start3A_2380 = arith.constant 0 : i32
        %dma_start3A_2381 = tpu.memref_slice %arg4[%dma_start3A_2379, %dma_start3A_2380, %multiple_of3A_2367] : memref<4x8x1000000xf32, #tpu.memory_space<hbm>> -> memref<4x8x128xf32, #tpu.memory_space<hbm>>
        %dma_start3A_2382 = arith.constant 0 : i32
        %dma_start3A_2383 = arith.constant 0 : i32
        %dma_start3A_2384 = arith.constant 0 : i32
        %dma_start3A_2385 = tpu.memref_slice %arg9[%dma_start3A_2373, %dma_start3A_2382, %dma_start3A_2383, %dma_start3A_2384] : memref<8x4x8x128xf32, #tpu.memory_space<vmem>> -> memref<1x4x8x128xf32, #tpu.memory_space<vmem>>
        %dma_start3A_2386 = tpu.memref_squeeze %dma_start3A_2385 : memref<1x4x8x128xf32, #tpu.memory_space<vmem>> -> memref<4x8x128xf32, #tpu.memory_space<vmem>>
        %dma_start3A_2387 = arith.constant 0 : i32
        %dma_start3A_2388 = arith.constant 0 : i32
        %dma_start3A_2389 = tpu.memref_slice %arg4[%dma_start3A_2387, %dma_start3A_2388, %multiple_of3A_2367] : memref<4x8x1000000xf32, #tpu.memory_space<hbm>> -> memref<4x8x128xf32, #tpu.memory_space<hbm>>
        tpu.enqueue_dma source(%dma_start3A_2389 : memref<4x8x128xf32, #tpu.memory_space<hbm>>) target(%dma_start3A_2386 : memref<4x8x128xf32, #tpu.memory_space<vmem>>) target_semaphore(%arg12 : memref<!tpu.dma_semaphore, #tpu.memory_space<semaphore_mem>>)
        %dma_start3A_2390 = arith.constant 6 : i32
        %dma_start3A_2391 = arith.constant 0 : i32
        %dma_start3A_2392 = arith.constant 0 : i32
        %dma_start3A_2393 = arith.constant 0 : i32
        %dma_start3A_2394 = tpu.memref_slice %arg10[%dma_start3A_2390, %dma_start3A_2391, %dma_start3A_2392, %dma_start3A_2393] : memref<8x4x8x128xf32, #tpu.memory_space<vmem>> -> memref<1x4x8x128xf32, #tpu.memory_space<vmem>>
        %dma_start3A_2395 = tpu.memref_squeeze %dma_start3A_2394 : memref<1x4x8x128xf32, #tpu.memory_space<vmem>> -> memref<4x8x128xf32, #tpu.memory_space<vmem>>
        %dma_start3A_2396 = arith.constant 0 : i32
        %dma_start3A_2397 = arith.constant 0 : i32
        %dma_start3A_2398 = tpu.memref_slice %arg5[%dma_start3A_2396, %dma_start3A_2397, %multiple_of3A_2372] : memref<4x8x1000000xf32, #tpu.memory_space<hbm>> -> memref<4x8x128xf32, #tpu.memory_space<hbm>>
        %dma_start3A_2399 = arith.constant 0 : i32
        %dma_start3A_2400 = arith.constant 0 : i32
        %dma_start3A_2401 = arith.constant 0 : i32
        %dma_start3A_2402 = tpu.memref_slice %arg10[%dma_start3A_2390, %dma_start3A_2399, %dma_start3A_2400, %dma_start3A_2401] : memref<8x4x8x128xf32, #tpu.memory_space<vmem>> -> memref<1x4x8x128xf32, #tpu.memory_space<vmem>>
        %dma_start3A_2403 = tpu.memref_squeeze %dma_start3A_2402 : memref<1x4x8x128xf32, #tpu.memory_space<vmem>> -> memref<4x8x128xf32, #tpu.memory_space<vmem>>
        %dma_start3A_2404 = arith.constant 0 : i32
        %dma_start3A_2405 = arith.constant 0 : i32
        %dma_start3A_2406 = tpu.memref_slice %arg5[%dma_start3A_2404, %dma_start3A_2405, %multiple_of3A_2372] : memref<4x8x1000000xf32, #tpu.memory_space<hbm>> -> memref<4x8x128xf32, #tpu.memory_space<hbm>>
        tpu.enqueue_dma source(%dma_start3A_2406 : memref<4x8x128xf32, #tpu.memory_space<hbm>>) target(%dma_start3A_2403 : memref<4x8x128xf32, #tpu.memory_space<vmem>>) target_semaphore(%arg13 : memref<!tpu.dma_semaphore, #tpu.memory_space<semaphore_mem>>)
      } else {
      }
      %dma_wait3A_2226 = arith.constant 7 : i32
      %dma_wait3A_2227 = arith.constant 0 : i32
      %dma_wait3A_2228 = arith.constant 0 : i32
      %dma_wait3A_2229 = arith.constant 0 : i32
      %dma_wait3A_2230 = tpu.memref_slice %arg9[%dma_wait3A_2226, %dma_wait3A_2227, %dma_wait3A_2228, %dma_wait3A_2229] : memref<8x4x8x128xf32, #tpu.memory_space<vmem>> -> memref<1x4x8x128xf32, #tpu.memory_space<vmem>>
      %dma_wait3A_2231 = tpu.memref_squeeze %dma_wait3A_2230 : memref<1x4x8x128xf32, #tpu.memory_space<vmem>> -> memref<4x8x128xf32, #tpu.memory_space<vmem>>
      %dma_wait3A_2232 = arith.constant 0 : i32
      %dma_wait3A_2233 = arith.constant 0 : i32
      %dma_wait3A_2234 = arith.constant 0 : i32
      %dma_wait3A_2235 = tpu.memref_slice %arg4[%dma_wait3A_2232, %dma_wait3A_2233, %dma_wait3A_2234] : memref<4x8x1000000xf32, #tpu.memory_space<hbm>> -> memref<4x8x128xf32, #tpu.memory_space<hbm>>
      %dma_wait3A_2236 = arith.constant 0 : i32
      %dma_wait3A_2237 = arith.constant 0 : i32
      %dma_wait3A_2238 = arith.constant 0 : i32
      %dma_wait3A_2239 = tpu.memref_slice %arg9[%dma_wait3A_2226, %dma_wait3A_2236, %dma_wait3A_2237, %dma_wait3A_2238] : memref<8x4x8x128xf32, #tpu.memory_space<vmem>> -> memref<1x4x8x128xf32, #tpu.memory_space<vmem>>
      %dma_wait3A_2240 = tpu.memref_squeeze %dma_wait3A_2239 : memref<1x4x8x128xf32, #tpu.memory_space<vmem>> -> memref<4x8x128xf32, #tpu.memory_space<vmem>>
      %dma_wait3A_2241 = arith.constant 0 : i32
      %dma_wait3A_2242 = arith.constant 0 : i32
      %dma_wait3A_2243 = arith.constant 0 : i32
      %dma_wait3A_2244 = tpu.memref_slice %arg4[%dma_wait3A_2241, %dma_wait3A_2242, %dma_wait3A_2243] : memref<4x8x1000000xf32, #tpu.memory_space<hbm>> -> memref<4x8x128xf32, #tpu.memory_space<hbm>>
      tpu.wait_dma2 semaphore(%arg12 : memref<!tpu.dma_semaphore, #tpu.memory_space<semaphore_mem>>) src(%dma_wait3A_2244 : memref<4x8x128xf32, #tpu.memory_space<hbm>>) dst(%dma_wait3A_2240 : memref<4x8x128xf32, #tpu.memory_space<vmem>>)
      %dma_wait3A_2245 = arith.constant 7 : i32
      %dma_wait3A_2246 = arith.constant 0 : i32
      %dma_wait3A_2247 = arith.constant 0 : i32
      %dma_wait3A_2248 = arith.constant 0 : i32
      %dma_wait3A_2249 = tpu.memref_slice %arg10[%dma_wait3A_2245, %dma_wait3A_2246, %dma_wait3A_2247, %dma_wait3A_2248] : memref<8x4x8x128xf32, #tpu.memory_space<vmem>> -> memref<1x4x8x128xf32, #tpu.memory_space<vmem>>
      %dma_wait3A_2250 = tpu.memref_squeeze %dma_wait3A_2249 : memref<1x4x8x128xf32, #tpu.memory_space<vmem>> -> memref<4x8x128xf32, #tpu.memory_space<vmem>>
      %dma_wait3A_2251 = arith.constant 0 : i32
      %dma_wait3A_2252 = arith.constant 0 : i32
      %dma_wait3A_2253 = arith.constant 0 : i32
      %dma_wait3A_2254 = tpu.memref_slice %arg5[%dma_wait3A_2251, %dma_wait3A_2252, %dma_wait3A_2253] : memref<4x8x1000000xf32, #tpu.memory_space<hbm>> -> memref<4x8x128xf32, #tpu.memory_space<hbm>>
      %dma_wait3A_2255 = arith.constant 0 : i32
      %dma_wait3A_2256 = arith.constant 0 : i32
      %dma_wait3A_2257 = arith.constant 0 : i32
      %dma_wait3A_2258 = tpu.memref_slice %arg10[%dma_wait3A_2245, %dma_wait3A_2255, %dma_wait3A_2256, %dma_wait3A_2257] : memref<8x4x8x128xf32, #tpu.memory_space<vmem>> -> memref<1x4x8x128xf32, #tpu.memory_space<vmem>>
      %dma_wait3A_2259 = tpu.memref_squeeze %dma_wait3A_2258 : memref<1x4x8x128xf32, #tpu.memory_space<vmem>> -> memref<4x8x128xf32, #tpu.memory_space<vmem>>
      %dma_wait3A_2260 = arith.constant 0 : i32
      %dma_wait3A_2261 = arith.constant 0 : i32
      %dma_wait3A_2262 = arith.constant 0 : i32
      %dma_wait3A_2263 = tpu.memref_slice %arg5[%dma_wait3A_2260, %dma_wait3A_2261, %dma_wait3A_2262] : memref<4x8x1000000xf32, #tpu.memory_space<hbm>> -> memref<4x8x128xf32, #tpu.memory_space<hbm>>
      tpu.wait_dma2 semaphore(%arg13 : memref<!tpu.dma_semaphore, #tpu.memory_space<semaphore_mem>>) src(%dma_wait3A_2263 : memref<4x8x128xf32, #tpu.memory_space<hbm>>) dst(%dma_wait3A_2259 : memref<4x8x128xf32, #tpu.memory_space<vmem>>)
      %mul3A_2264 = arith.constant 16 : i32
      %mul3A_2265 = arith.muli %scan3A_418, %mul3A_2264 : i32
      %get3A_2266 = arith.index_cast %mul3A_2265 : i32 to index
      %get3A_2267 = tpu.vector_load %arg7[%get3A_2266] {strides = array<i32>} : memref<512xi32, #tpu.memory_space<vmem>>, vector<16xi32>,
      %mul3A_2268 = arith.constant 16 : i32
      %mul3A_2269 = arith.muli %scan3A_418, %mul3A_2268 : i32
      %get3A_2270 = arith.index_cast %mul3A_2269 : i32 to index
      %get3A_2271 = tpu.vector_load %arg8[%get3A_2270] {strides = array<i32>} : memref<512xi32, #tpu.memory_space<vmem>>, vector<16xi32>,
      %slice3A_2272 = vector.extract_strided_slice %get3A_2267 {offsets = [15], sizes = [1], strides = [1]} : vector<16xi32> to vector<1xi32>
      %squeeze3A_2273 = vector.extract %slice3A_2272[0] : i32 from vector<1xi32>
      %and3A_2274 = arith.constant 127 : i32
      %and3A_2275 = arith.andi %squeeze3A_2273, %and3A_2274 : i32
      %broadcast_in_dim3A_2276 = vector.broadcast %and3A_2275 : i32 to vector<16xi32>
      %slice3A_2277 = vector.extract_strided_slice %get3A_2271 {offsets = [15], sizes = [1], strides = [1]} : vector<16xi32> to vector<1xi32>
      %squeeze3A_2278 = vector.extract %slice3A_2277[0] : i32 from vector<1xi32>
      %and3A_2279 = arith.constant 127 : i32
      %and3A_2280 = arith.andi %squeeze3A_2278, %and3A_2279 : i32
      %broadcast_in_dim3A_2281 = vector.broadcast %and3A_2280 : i32 to vector<16xi32>
      %broadcast_in_dim3A_2282 = arith.constant 7 : i32
      %broadcast_in_dim3A_2283 = vector.broadcast %broadcast_in_dim3A_2282 : i32 to vector<16xi32>
      %broadcast_in_dim3A_2284 = arith.constant 0.000000e+00 : f32
      %broadcast_in_dim3A_2285 = vector.broadcast %broadcast_in_dim3A_2284 : f32 to vector<16xf32>
      %add3A_2286 = arith.constant 0 : i32
      %add3A_2287 = vector.broadcast %add3A_2286 : i32 to vector<16xi32>
      %add3A_2288 = arith.addi %add3A_2287, %iota3A : vector<16xi32>
      %shift_right_arithmetic3A_2289 = arith.constant 3 : i32
      %shift_right_arithmetic3A_2290 = vector.broadcast %shift_right_arithmetic3A_2289 : i32 to vector<16xi32>
      %shift_right_arithmetic3A_2291 = arith.shrsi %add3A_2288, %shift_right_arithmetic3A_2290 : vector<16xi32>
      %and3A_2292 = arith.constant 7 : i32
      %and3A_2293 = vector.broadcast %and3A_2292 : i32 to vector<16xi32>
      %and3A_2294 = arith.andi %add3A_2288, %and3A_2293 : vector<16xi32>
      %gather3A_2295 = tpu.vector_load_idx %arg9[%broadcast_in_dim3A_2283, %shift_right_arithmetic3A_2291, %and3A_2294, %broadcast_in_dim3A_2276] : memref<8x4x8x128xf32, #tpu.memory_space<vmem>>[vector<16xi32>, vector<16xi32>, vector<16xi32>, vector<16xi32>], vector<16xf32>,
      %shift_right_arithmetic3A_2296 = arith.constant 3 : i32
      %shift_right_arithmetic3A_2297 = vector.broadcast %shift_right_arithmetic3A_2296 : i32 to vector<16xi32>
      %shift_right_arithmetic3A_2298 = arith.shrsi %add3A_2288, %shift_right_arithmetic3A_2297 : vector<16xi32>
      %and3A_2299 = arith.constant 7 : i32
      %and3A_2300 = vector.broadcast %and3A_2299 : i32 to vector<16xi32>
      %and3A_2301 = arith.andi %add3A_2288, %and3A_2300 : vector<16xi32>
      %gather3A_2302 = tpu.vector_load_idx %arg10[%broadcast_in_dim3A_2283, %shift_right_arithmetic3A_2298, %and3A_2301, %broadcast_in_dim3A_2281] : memref<8x4x8x128xf32, #tpu.memory_space<vmem>>[vector<16xi32>, vector<16xi32>, vector<16xi32>, vector<16xi32>], vector<16xf32>,
      %mul3A_2303 = arith.mulf %gather3A_2295, %gather3A_2302 : vector<16xf32>
      %add3A_2304 = arith.addf %broadcast_in_dim3A_2285, %mul3A_2303 : vector<16xf32>
      %add3A_2305 = arith.constant 16 : i32
      %add3A_2306 = vector.broadcast %add3A_2305 : i32 to vector<16xi32>
      %add3A_2307 = arith.addi %add3A_2306, %iota3A : vector<16xi32>
      %shift_right_arithmetic3A_2308 = arith.constant 3 : i32
      %shift_right_arithmetic3A_2309 = vector.broadcast %shift_right_arithmetic3A_2308 : i32 to vector<16xi32>
      %shift_right_arithmetic3A_2310 = arith.shrsi %add3A_2307, %shift_right_arithmetic3A_2309 : vector<16xi32>
      %and3A_2311 = arith.constant 7 : i32
      %and3A_2312 = vector.broadcast %and3A_2311 : i32 to vector<16xi32>
      %and3A_2313 = arith.andi %add3A_2307, %and3A_2312 : vector<16xi32>
      %gather3A_2314 = tpu.vector_load_idx %arg9[%broadcast_in_dim3A_2283, %shift_right_arithmetic3A_2310, %and3A_2313, %broadcast_in_dim3A_2276] : memref<8x4x8x128xf32, #tpu.memory_space<vmem>>[vector<16xi32>, vector<16xi32>, vector<16xi32>, vector<16xi32>], vector<16xf32>,
      %shift_right_arithmetic3A_2315 = arith.constant 3 : i32
      %shift_right_arithmetic3A_2316 = vector.broadcast %shift_right_arithmetic3A_2315 : i32 to vector<16xi32>
      %shift_right_arithmetic3A_2317 = arith.shrsi %add3A_2307, %shift_right_arithmetic3A_2316 : vector<16xi32>
      %and3A_2318 = arith.constant 7 : i32
      %and3A_2319 = vector.broadcast %and3A_2318 : i32 to vector<16xi32>
      %and3A_2320 = arith.andi %add3A_2307, %and3A_2319 : vector<16xi32>
      %gather3A_2321 = tpu.vector_load_idx %arg10[%broadcast_in_dim3A_2283, %shift_right_arithmetic3A_2317, %and3A_2320, %broadcast_in_dim3A_2281] : memref<8x4x8x128xf32, #tpu.memory_space<vmem>>[vector<16xi32>, vector<16xi32>, vector<16xi32>, vector<16xi32>], vector<16xf32>,
      %mul3A_2322 = arith.mulf %gather3A_2314, %gather3A_2321 : vector<16xf32>
      %add3A_2323 = arith.addf %add3A_2304, %mul3A_2322 : vector<16xf32>
      %broadcast_in_dim3A_2324 = arith.constant true
      %broadcast_in_dim3A_2325 = vector.broadcast %broadcast_in_dim3A_2324 : i1 to vector<16xi1>
      %masked_cumsum3A_2326 = tpu.scan <sum>, %add3A_2323 masked %broadcast_in_dim3A_2325 : vector<16xf32>, vector<16xi1> -> vector<16xf32>
      %lt3A_2327 = arith.constant 0 : i32
      %lt3A_2328 = vector.broadcast %lt3A_2327 : i32 to vector<16xi32>
      %lt3A_2329 = arith.cmpi slt, %broadcast_in_dim3A_3, %lt3A_2328 : vector<16xi32>
      %add3A_2330 = arith.constant 16 : i32
      %add3A_2331 = vector.broadcast %add3A_2330 : i32 to vector<16xi32>
      %add3A_2332 = arith.addi %broadcast_in_dim3A_3, %add3A_2331 : vector<16xi32>
      %select_n3A_2333 = arith.select %lt3A_2329, %add3A_2332, %broadcast_in_dim3A_3 : vector<16xi1>, vector<16xi32>
      %broadcast_in_dim3A_2334 = vector.shape_cast %select_n3A_2333 : vector<16xi32> to vector<16x1xi32>
      %gather3A_2335 = vector.shape_cast %broadcast_in_dim3A_2334 : vector<16x1xi32> to vector<16xi32>
      %gather3A_2336 = tpu.dynamic_gather %masked_cumsum3A_2326[%gather3A_2335] in [0] : vector<16xf32>, vector<16xi32> -> vector<16xf32>
      %eq3A_2337 = arith.constant 15 : i32
      %eq3A_2338 = vector.broadcast %eq3A_2337 : i32 to vector<16xi32>
      %eq3A_2339 = arith.cmpi eq, %iota3A, %eq3A_2338 : vector<16xi32>
      %select_n3A_2340 = arith.select %eq3A_2339, %gather3A_2336, %select_n3A_2218 : vector<16xi1>, vector<16xf32>
      %add3A_2341 = arith.constant 1 : i32
      %add3A_2342 = arith.addi %scan3A_418, %add3A_2341 : i32
      %lt3A_2343 = arith.constant 32 : i32
      %lt3A_2344 = arith.cmpi slt, %add3A_2342, %lt3A_2343 : i32
      %convert_element_type3A_2345 = arith.extui %lt3A_2344 : i1 to i32
      %cond3A_2346 = arith.constant 0 : i32
      %cond3A_2347 = arith.cmpi ne, %convert_element_type3A_2345, %cond3A_2346 : i32
      scf.if %cond3A_2347 {
        %mul3A_2351 = arith.constant 16 : i32
        %mul3A_2352 = arith.muli %add3A_2342, %mul3A_2351 : i32
        %get3A_2353 = arith.index_cast %mul3A_2352 : i32 to index
        %get3A_2354 = tpu.vector_load %arg7[%get3A_2353] {strides = array<i32>} : memref<512xi32, #tpu.memory_space<vmem>>, vector<16xi32>,
        %mul3A_2355 = arith.constant 16 : i32
        %mul3A_2356 = arith.muli %add3A_2342, %mul3A_2355 : i32
        %get3A_2357 = arith.index_cast %mul3A_2356 : i32 to index
        %get3A_2358 = tpu.vector_load %arg8[%get3A_2357] {strides = array<i32>} : memref<512xi32, #tpu.memory_space<vmem>>, vector<16xi32>,
        %slice3A_2359 = vector.extract_strided_slice %get3A_2354 {offsets = [7], sizes = [1], strides = [1]} : vector<16xi32> to vector<1xi32>
        %squeeze3A_2360 = vector.extract %slice3A_2359[0] : i32 from vector<1xi32>
        %slice3A_2361 = vector.extract_strided_slice %get3A_2358 {offsets = [7], sizes = [1], strides = [1]} : vector<16xi32> to vector<1xi32>
        %squeeze3A_2362 = vector.extract %slice3A_2361[0] : i32 from vector<1xi32>
        %shift_right_arithmetic3A_2363 = arith.constant 7 : i32
        %shift_right_arithmetic3A_2364 = arith.shrsi %squeeze3A_2360, %shift_right_arithmetic3A_2363 : i32
        %shift_left3A_2365 = arith.constant 7 : i32
        %shift_left3A_2366 = arith.shli %shift_right_arithmetic3A_2364, %shift_left3A_2365 : i32
        %multiple_of3A_2367 = tpu.assume_multiple %shift_left3A_2366, 128 : i32
        %shift_right_arithmetic3A_2368 = arith.constant 7 : i32
        %shift_right_arithmetic3A_2369 = arith.shrsi %squeeze3A_2362, %shift_right_arithmetic3A_2368 : i32
        %shift_left3A_2370 = arith.constant 7 : i32
        %shift_left3A_2371 = arith.shli %shift_right_arithmetic3A_2369, %shift_left3A_2370 : i32
        %multiple_of3A_2372 = tpu.assume_multiple %shift_left3A_2371, 128 : i32
        %dma_start3A_2373 = arith.constant 7 : i32
        %dma_start3A_2374 = arith.constant 0 : i32
        %dma_start3A_2375 = arith.constant 0 : i32
        %dma_start3A_2376 = arith.constant 0 : i32
        %dma_start3A_2377 = tpu.memref_slice %arg9[%dma_start3A_2373, %dma_start3A_2374, %dma_start3A_2375, %dma_start3A_2376] : memref<8x4x8x128xf32, #tpu.memory_space<vmem>> -> memref<1x4x8x128xf32, #tpu.memory_space<vmem>>
        %dma_start3A_2378 = tpu.memref_squeeze %dma_start3A_2377 : memref<1x4x8x128xf32, #tpu.memory_space<vmem>> -> memref<4x8x128xf32, #tpu.memory_space<vmem>>
        %dma_start3A_2379 = arith.constant 0 : i32
        %dma_start3A_2380 = arith.constant 0 : i32
        %dma_start3A_2381 = tpu.memref_slice %arg4[%dma_start3A_2379, %dma_start3A_2380, %multiple_of3A_2367] : memref<4x8x1000000xf32, #tpu.memory_space<hbm>> -> memref<4x8x128xf32, #tpu.memory_space<hbm>>
        %dma_start3A_2382 = arith.constant 0 : i32
        %dma_start3A_2383 = arith.constant 0 : i32
        %dma_start3A_2384 = arith.constant 0 : i32
        %dma_start3A_2385 = tpu.memref_slice %arg9[%dma_start3A_2373, %dma_start3A_2382, %dma_start3A_2383, %dma_start3A_2384] : memref<8x4x8x128xf32, #tpu.memory_space<vmem>> -> memref<1x4x8x128xf32, #tpu.memory_space<vmem>>
        %dma_start3A_2386 = tpu.memref_squeeze %dma_start3A_2385 : memref<1x4x8x128xf32, #tpu.memory_space<vmem>> -> memref<4x8x128xf32, #tpu.memory_space<vmem>>
        %dma_start3A_2387 = arith.constant 0 : i32
        %dma_start3A_2388 = arith.constant 0 : i32
        %dma_start3A_2389 = tpu.memref_slice %arg4[%dma_start3A_2387, %dma_start3A_2388, %multiple_of3A_2367] : memref<4x8x1000000xf32, #tpu.memory_space<hbm>> -> memref<4x8x128xf32, #tpu.memory_space<hbm>>
        tpu.enqueue_dma source(%dma_start3A_2389 : memref<4x8x128xf32, #tpu.memory_space<hbm>>) target(%dma_start3A_2386 : memref<4x8x128xf32, #tpu.memory_space<vmem>>) target_semaphore(%arg12 : memref<!tpu.dma_semaphore, #tpu.memory_space<semaphore_mem>>)
        %dma_start3A_2390 = arith.constant 7 : i32
        %dma_start3A_2391 = arith.constant 0 : i32
        %dma_start3A_2392 = arith.constant 0 : i32
        %dma_start3A_2393 = arith.constant 0 : i32
        %dma_start3A_2394 = tpu.memref_slice %arg10[%dma_start3A_2390, %dma_start3A_2391, %dma_start3A_2392, %dma_start3A_2393] : memref<8x4x8x128xf32, #tpu.memory_space<vmem>> -> memref<1x4x8x128xf32, #tpu.memory_space<vmem>>
        %dma_start3A_2395 = tpu.memref_squeeze %dma_start3A_2394 : memref<1x4x8x128xf32, #tpu.memory_space<vmem>> -> memref<4x8x128xf32, #tpu.memory_space<vmem>>
        %dma_start3A_2396 = arith.constant 0 : i32
        %dma_start3A_2397 = arith.constant 0 : i32
        %dma_start3A_2398 = tpu.memref_slice %arg5[%dma_start3A_2396, %dma_start3A_2397, %multiple_of3A_2372] : memref<4x8x1000000xf32, #tpu.memory_space<hbm>> -> memref<4x8x128xf32, #tpu.memory_space<hbm>>
        %dma_start3A_2399 = arith.constant 0 : i32
        %dma_start3A_2400 = arith.constant 0 : i32
        %dma_start3A_2401 = arith.constant 0 : i32
        %dma_start3A_2402 = tpu.memref_slice %arg10[%dma_start3A_2390, %dma_start3A_2399, %dma_start3A_2400, %dma_start3A_2401] : memref<8x4x8x128xf32, #tpu.memory_space<vmem>> -> memref<1x4x8x128xf32, #tpu.memory_space<vmem>>
        %dma_start3A_2403 = tpu.memref_squeeze %dma_start3A_2402 : memref<1x4x8x128xf32, #tpu.memory_space<vmem>> -> memref<4x8x128xf32, #tpu.memory_space<vmem>>
        %dma_start3A_2404 = arith.constant 0 : i32
        %dma_start3A_2405 = arith.constant 0 : i32
        %dma_start3A_2406 = tpu.memref_slice %arg5[%dma_start3A_2404, %dma_start3A_2405, %multiple_of3A_2372] : memref<4x8x1000000xf32, #tpu.memory_space<hbm>> -> memref<4x8x128xf32, #tpu.memory_space<hbm>>
        tpu.enqueue_dma source(%dma_start3A_2406 : memref<4x8x128xf32, #tpu.memory_space<hbm>>) target(%dma_start3A_2403 : memref<4x8x128xf32, #tpu.memory_space<vmem>>) target_semaphore(%arg13 : memref<!tpu.dma_semaphore, #tpu.memory_space<semaphore_mem>>)
      } else {
      }
      %mul3A_2348 = arith.constant 16 : i32
      %mul3A_2349 = arith.muli %scan3A_418, %mul3A_2348 : i32
      %swap3A = arith.index_cast %mul3A_2349 : i32 to index
      %swap3A_2350 = tpu.vector_load %arg11[%swap3A] {strides = array<i32>} : memref<512xf32, #tpu.memory_space<vmem>>, vector<16xf32>,
      tpu.vector_store %arg11[%swap3A], %select_n3A_2340 {strides = array<i32>} : memref<512xf32, #tpu.memory_space<vmem>>, vector<16xf32>,
    }
    %scan3A_417 = arith.constant 32 : i32
    "tpu.region"() ({
      %run_scoped3A = tpu.sem_alloc : memref<!tpu.dma_semaphore, #tpu.memory_space<semaphore_mem>>
      %dma_start3A_418 = tpu.memref_slice %arg6[%mul3A_2] : memref<16384xf32, #tpu.memory_space<hbm>> -> memref<512xf32, #tpu.memory_space<hbm>>
      %dma_start3A_419 = tpu.memref_slice %arg6[%mul3A_2] : memref<16384xf32, #tpu.memory_space<hbm>> -> memref<512xf32, #tpu.memory_space<hbm>>
      tpu.enqueue_dma source(%arg11 : memref<512xf32, #tpu.memory_space<vmem>>) target(%dma_start3A_419 : memref<512xf32, #tpu.memory_space<hbm>>) target_semaphore(%run_scoped3A : memref<!tpu.dma_semaphore, #tpu.memory_space<semaphore_mem>>)
      %dma_wait3A = tpu.memref_slice %arg6[%mul3A_2] : memref<16384xf32, #tpu.memory_space<hbm>> -> memref<512xf32, #tpu.memory_space<hbm>>
      %dma_wait3A_420 = tpu.memref_slice %arg6[%mul3A_2] : memref<16384xf32, #tpu.memory_space<hbm>> -> memref<512xf32, #tpu.memory_space<hbm>>
      tpu.wait_dma2 semaphore(%run_scoped3A : memref<!tpu.dma_semaphore, #tpu.memory_space<semaphore_mem>>) src(%arg11 : memref<512xf32, #tpu.memory_space<vmem>>) dst(%dma_wait3A_420 : memref<512xf32, #tpu.memory_space<hbm>>)
      tpu.yield
    }) : () -> ()
    return
  }
}

</mosaic_0001>

<sc_bundles>
// kernel: kernel.3.cloned.1.call-start
scs
__scs_entry_jumppad:
0x0: {  	(pc) =	sbr.rel $0x88, $3  }
0x1: {  	(tag) =	ssettag $0x0;
	lr =	simm.s32 $0x1  }
0x2: {  	[smem:$0x3F9C] =	sst lr;
	_ =	strace $0xD0000000  }
0x3: {  	_ = 	snop  }
0x4: {  	_ = 	snop  }
0x5: {  	_ = 	snop  }
0x6: {  	_ = 	snop  }
0x7: {  	_ = 	snop  }
__scs_overlays_trampoline_lowered:
0x8: {  	[smem:$0x3FAB] =	sst s0  }
0x9: {  	[smem:$0x3FAC] =	sst s1  }
0xa: {  	[smem:$0x3FAD] =	sst s2  }
0xb: {  	[smem:$0x3FAE] =	sst s3  }
0xc: {  	[smem:$0x3FAF] =	sst s4  }
0xd: {  	[smem:$0x3FB0] =	sst s5  }
0xe: {  	[smem:$0x3FB1] =	sst s6  }
0xf: {  	[smem:$0x3FB2] =	sst s7  }
0x10: {  	[smem:$0x3FB3] =	sst s8  }
0x11: {  	[smem:$0x3FB4] =	sst s9;
	s0 =	simm.s32 @!p0 $0x0  }
0x12: {  	s1 =	sld [smem:$0x3F9A];
	s0 =	simm.s32 @p0 $0x1  }
0x13: {  	[smem:$0x3FB5] =	sst s0;
	s0 =	simm.s32 @!p1 $0x0  }
0x14: {  	s2 =	sld [smem:$0x3F99];
	s0 =	simm.s32 @p1 $0x1  }
0x15: {  	[smem:$0x3FB6] =	sst s0;
	s0 =	simm.s32 @!p2 $0x0  }
0x16: {  	s3 =	sld [smem:$0x3FDB];
	s0 =	simm.s32 @p2 $0x1  }
0x17: {  	s4 =	simm.s32 $0x1BF5;
	[smem:$0x3FB8] =	sst s0  }
0x18: {  	s0 =	sld [smem:$0x3F9B];
	_ =	swait.ge [sflag:s4], $0x0  }
0x19: {  	s7 =	sld [smem:$0x3F9C]  }
0x1a: {  	s8 =	sadd.s32 $0xFFFFE003, lr  }
0x1b: {  	s9 =	sadd.s32 $0xFFFFFEF7, lr;
	s5 =	simm.s32 $0xFFFFFFFF;
	p2 =	slt.u32 s8, $0xFFFFF086  }
0x1c: {  	p1 =	slt.u32 s9, $0xF7A;
	s5 =	simm.s32 @!p2 $0x0  }
0x1d: {  	s5 =	simm.s32 @p1 $0x1;
	p0 =	seq.s32 s7, s2  }
0x1e: {  	s7 =	smul.u32 @!p0 $0xF7A, s2;
	p2 =	seq.s32 @!p0 s5, $0x0  }
0x1f: {  	s9 =	smul.u32 $0xF7A, s1;
	s8 =	simm.s32 @!p0 $0x1BF5;
	p2 =	por !p2, p0  }
0x20: {  	[sflag:s8] =	ssyncset.s32 @!p0 $0xFFFFF086;
	s6 =	sadd.s32 @!p0 s3, s7;
	s7 =	simm.s32 @!p0 $0x108  }
0x21: {  	s3 =	sadd.s32 s3, s9;
	s6 =	sadd.s32 @!p0 $0x88, s6;
	s7 =	simm.s32 @p2 $0x1082  }
0x22: {  	[simem:s7], [sflag:s8] =	dma.local @!p0 [hbm:s6], $0xF7A  }
0x23: {  	s9 =	sor.u32 $0xD0000000, s2;
	s6 =	simm.s32 $0x108;
	_ =	swait.ge @!p0 [sflag:s8], $0x0  }
0x24: {  	s3 =	sadd.s32 $0x88, s3;
	s6 =	simm.s32 @!p1 $0x1082;
	[sflag:s4] =	ssyncset.s32 $0xFFFFF086  }
0x25: {  	[simem:s6], [sflag:s4] =	dma.local [hbm:s3], $0xF7A  }
0x26: {  	[smem:$0x3F9C] =	sst s1;
	(tag) =	ssettag s2;
	_ =	strace s9  }
0x27: {  	s1 =	sld [smem:$0x3FAC]  }
0x28: {  	s2 =	sld [smem:$0x3FAD]  }
0x29: {  	s4 =	sld [smem:$0x3FAF]  }
0x2a: {  	p0 =	seq.s32 s5, $0x0;
	s5 =	sld [smem:$0x3FB0]  }
0x2b: {  	s6 =	sld [smem:$0x3FB1]  }
0x2c: {  	s7 =	sld [smem:$0x3FB2]  }
0x2d: {  	s3 =	simm.s32 $0x108;
	s8 =	sld [smem:$0x3FB3]  }
0x2e: {  	s3 =	simm.s32 @!p0 $0x1082;
	s9 =	sld [smem:$0x3FB4]  }
0x2f: {  	lr =	sadd.s32 s0, s3;
	s0 =	sld [smem:$0x3FAB]  }
0x30: {  	s3 =	sld [smem:$0x3FAE]  }
0x31: {  	[smem:$0x3FB7] =	sst s10  }
0x32: {  	s10 =	sld [smem:$0x3FB5];
	_ =	sdelay $0x3  }
0x33: {  	p0 =	seq.s32 s10, $0x1;
	s10 =	sld [smem:$0x3FB7];
	_ =	sdelay $0x3  }
0x34: {  	[smem:$0x3FB7] =	sst s10  }
0x35: {  	s10 =	sld [smem:$0x3FB6];
	_ =	sdelay $0x3  }
0x36: {  	p1 =	seq.s32 s10, $0x1;
	s10 =	sld [smem:$0x3FB7];
	_ =	sdelay $0x3  }
0x37: {  	[smem:$0x3FB7] =	sst s10  }
0x38: {  	s10 =	sld [smem:$0x3FB8]  }
0x39: {  	_ = 	snop;
	(pc) =	sbr.ind lr, $3  }
0x3a: {  	_ = 	snop  }
0x3b: {  	_ = 	snop  }
0x3c: {  	p2 =	seq.s32 s10, $0x1;
	s10 =	sld [smem:$0x3FB7]  }
0x3d: {  	_ =	shalt  }
0x3e: {  	_ =	shalt  }
0x3f: {  	_ =	shalt  }
0x40: {  	_ =	shalt  }
0x41: {  	_ =	shalt  }
0x42: {  	_ =	shalt  }
0x43: {  	_ =	shalt  }
0x44: {  	_ =	shalt  }
0x45: {  	_ =	shalt  }
0x46: {  	_ =	shalt  }
0x47: {  	_ =	shalt  }
0x48: {  	_ =	shalt  }
0x49: {  	_ =	shalt  }
0x4a: {  	_ =	shalt  }
0x4b: {  	_ =	shalt  }
0x4c: {  	_ =	shalt  }
0x4d: {  	_ =	shalt  }
0x4e: {  	_ =	shalt  }
0x4f: {  	_ =	shalt  }
0x50: {  	_ =	shalt  }
0x51: {  	_ =	shalt  }
0x52: {  	_ =	shalt  }
0x53: {  	_ =	shalt  }
0x54: {  	_ =	shalt  }
0x55: {  	_ =	shalt  }
0x56: {  	_ =	shalt  }
0x57: {  	_ =	shalt  }
0x58: {  	_ =	shalt  }
0x59: {  	_ =	shalt  }
0x5a: {  	_ =	shalt  }
0x5b: {  	_ =	shalt  }
0x5c: {  	_ =	shalt  }
0x5d: {  	_ =	shalt  }
0x5e: {  	_ =	shalt  }
0x5f: {  	_ =	shalt  }
0x60: {  	_ =	shalt  }
0x61: {  	_ =	shalt  }
0x62: {  	_ =	shalt  }
0x63: {  	_ =	shalt  }
0x64: {  	_ =	shalt  }
0x65: {  	_ =	shalt  }
0x66: {  	_ =	shalt  }
0x67: {  	_ =	shalt  }
0x68: {  	_ =	shalt  }
0x69: {  	_ =	shalt  }
0x6a: {  	_ =	shalt  }
0x6b: {  	_ =	shalt  }
0x6c: {  	_ =	shalt  }
0x6d: {  	_ =	shalt  }
0x6e: {  	_ =	shalt  }
0x6f: {  	_ =	shalt  }
0x70: {  	_ =	shalt  }
0x71: {  	_ =	shalt  }
0x72: {  	_ =	shalt  }
0x73: {  	_ =	shalt  }
0x74: {  	_ =	shalt  }
0x75: {  	_ =	shalt  }
0x76: {  	_ =	shalt  }
0x77: {  	_ =	shalt  }
0x78: {  	_ =	shalt  }
0x79: {  	_ =	shalt  }
0x7a: {  	_ =	shalt  }
0x7b: {  	_ =	shalt  }
0x7c: {  	_ =	shalt  }
0x7d: {  	_ =	shalt  }
0x7e: {  	_ =	shalt  }
0x7f: {  	_ =	shalt  }
0x80: {  	_ =	shalt  }
0x81: {  	_ =	shalt  }
0x82: {  	_ =	shalt  }
0x83: {  	_ =	shalt  }
0x84: {  	_ =	shalt  }
0x85: {  	_ =	shalt  }
0x86: {  	_ =	shalt  }
0x87: {  	_ =	shalt  }
.Lfunc_end0:
.L_simem_size_0:
called_computation_lowered:
.L_overlay_start_0:
0x88: {  	s2 =	sld [smem:$0x3FD9]  }
0x89: {  	s3 =	sld [smem:$0x3FFE];
	_ =	sdelay $0x1  }
0x8a: {  	s1 =	srdreg.scid  }
0x8b: {  	s0 =	sand.u32 $0x1, s1  }
0x8c: {  	s18 =	sshll.u32 s0, $0xA;
	s2 =	sadd.s32 s3, s2  }
0x8d: {  	s2 =	sadd.s32 s2, s18  }
0x8e: {  	[smem:$0x3FC3] =	sst s2  }
0x8f: {  	_ = 	snop  }
0x90: {  	s2 =	sld [smem:$0x3FC9]  }
0x91: {  	s19 =	sld [smem:$0x3FC8]  }
0x92: {  	s4 =	sld [smem:$0x3FC7]  }
0x93: {  	s5 =	sld [smem:$0x3FC6]  }
0x94: {  	s6 =	sld [smem:$0x3FD0];
	(tm) =	ssettm $0x1  }
0x95: {  	s7 =	sld [smem:$0x3FFB];
	_ =	sdelay $0x3  }
0x96: {  	_ =	strace s7  }
0x97: {  	s7 =	sld [smem:$0x3FFC];
	_ =	sdelay $0x3  }
0x98: {  	_ =	strace s7  }
0x99: {  	s7 =	sld [smem:$0x3FFD];
	_ =	sdelay $0x3  }
0x9a: {  	_ =	strace s7  }
0x9b: {  	_ =	strace $0x8FFFFFFF  }
0x9c: {  	s20 =	sld [smem:$0x3FDB];
	_ =	sdelay $0x1  }
0x9d: {  	s8 =	simm.s32 $_scs_section_size  }
0x9e: {  	s9 =	simm.s32 $_size__tile_overlayer_lowered;
	s10 =	simm.s32 $_tile_overlayer_lowered  }
0x9f: {  	s23 =	simm.s32 $0x1BFF;
	s22 =	sshll.u32 s10, $0x1;
	s7 =	sadd.s32 s8, s20  }
0xa0: {  	s11 =	simm.s32 $0x0;
	s21 =	sshll.u32 s9, $0x1;
	s9 =	sadd.s32 s22, s7  }
0xa1: {  	[timem:s11], [sflag:s23] =	dma.local [hbm:s9], s21  }
0xa2: {  	_ =	swait.ge [sflag:s23], s21  }
0xa3: {  	s8 =	ssub.s32 $0x0, s21;
	[sflag:s23] =	ssyncset.done $0x0  }
0xa4: {  	[sflag:s23] =	ssyncadd.s32 s8;
	_ =	sdelay $0x1  }
0xa5: {  	s24 =	simm.s32 $0x1B8B  }
0xa6: {  	_ =	swait.ge [sflag:s24], $0x1  }
0xa7: {  	[sflag:s24] =	ssyncset.done $0x0  }
0xa8: {  	s25 =	simm.s32 $0x1B8E;
	[sflag:s24] =	ssyncadd.s32 $0xFFFFFFFF  }
0xa9: {  	s26 =	simm.s32 $execute0_lowered;
	[smem:$0x3FD2] =	sst s25  }
0xaa: {  	s8 =	sshll.u32 s26, $0x1;
	_ =	strace $0x80000046;
	[dreg:$0x1] =	wrdreg $0xFFFFFFFF  }
0xab: {  	s28 =	simm.s32 $_size_execute0_lowered;
	s7 =	sadd.s32 s7, s8;
	[dreg:$0x0] =	wrdreg $0x0  }
0xac: {  	s8 =	sshll.u32 s28, $0x1;
	[dreg:$0x2] =	wrdreg s7  }
0xad: {  	[dreg:$0x3] =	wrdreg s8  }
0xae: {  	[dreg:$0x4] =	wrdreg $0xC0  }
0xaf: {  	_ =	task [dreg:s11], $0x5FFFF  }
0xb0: {  	[dreg:$0x1] =	wrdreg $0xFFFFFFFF  }
0xb1: {  	[dreg:$0x0] =	wrdreg $0x60  }
0xb2: {  	[dreg:$0x2] =	wrdreg s2  }
0xb3: {  	[dreg:$0x3] =	wrdreg s19  }
0xb4: {  	[dreg:$0x4] =	wrdreg s4  }
0xb5: {  	[dreg:$0x5] =	wrdreg s5  }
0xb6: {  	[dreg:$0x6] =	wrdreg s6  }
0xb7: {  	[dreg:$0x7] =	wrdreg $0x9  }
0xb8: {  	_ =	task.clear_ibuf [dreg:s11], $0x8FFFF;
	_ =	strace $0x90000046  }
0xb9: {  	s29 =	simm.s32 $0x9;
	_ =	strace $0x80000048  }
0xba: {  	_ =	swait.ge [sflag:s29], $0x1  }
0xbb: {  	[sflag:s29] =	ssyncadd.s32 $0xFFFFFFFF  }
0xbc: {  	_ =	strace $0x90000048  }
0xbd: {  	_ =	sfence  }
0xbe: {  	s30 =	sld [smem:$0x0];
	_ =	sdelay $0x2  }
0xbf: {  	s31 =	sshll.u32 s1, $0xD;
	s1 =	sshrl.u32 s1, $0x2  }
0xc0: {  	s3 =	sand.u32 $0x4000, s31;
	s1 =	sadd.s32 s1, s30  }
0xc1: {  	s0 =	sor.u32 s3, s0;
	s1 =	sshll.u32 s1, $0x11  }
0xc2: {  	s0 =	sor.u32 s1, s0  }
0xc3: {  	s0 =	sadd.s32 $0x8F2B, s0  }
0xc4: {  	[sflag:s0] =	ssyncadd.remote.s32 $0x1  }
0xc5: {  	_ =	sfence.sel $0xFFFF  }
0xc6: {  	[dreg:$0x0] =	wrdreg $0xFFFFFFFF;
	(pc) =	sbr.abs _section_cstart, $3  }
0xc7: {  	[dreg:$0x1] =	wrdreg $0xFFFFFFFF  }
0xc8: {  	_ =	task.clear_ibuf [dreg:s11], $0x2FFFF;
	_ =	strace $0x9FFFFFFF  }
0xc9: {  	(tm) =	ssettm $0x7FFFFFFF  }
tec
execute0_lowered:
.L_overlay_start_1:
0x0: {  	(tag) =	ssettag $0x1  }
0x1: {  	s0 =	rddreg [dreg:$0x0]  }
0x2: {  	s3 =	rddreg [dreg:$0x1]  }
0x3: {  	s1 =	rddreg [dreg:$0x2]  }
0x4: {  	s2 =	rddreg [dreg:$0x3]  }
0x5: {  	s5 =	rddreg [dreg:$0x4]  }
0x6: {  	s6 =	srdreg.scid;
	s4 =	simm.s32 $0x0;
	s9 =	stileid.u32  }
0x7: {  	s11 =	simm.s32 $0x7A1400;
	s12 =	simm.s32 $0x400;
	s13 =	simm.s32 $0x8400  }
0x8: {  	s14 =	simm.s32 $0x1400;
	s15 =	simm.s32 $0x9400;
	s16 =	simm.s32 $0x2400  }
0x9: {  	v0 =	vlaneseq.u32;
	v2 =	vimm.s32 $0xF;
	vm0 =	vmmov $0x1;
	s17 =	simm.s32 $0xA400;
	s18 =	simm.s32 $0x3400;
	s19 =	simm.s32 $0xB400  }
0xa: {  	vm1 =	vmmov $0x3;
	vm2 =	vmmov $0x7;
	vm3 =	vmmov $0xf;
	s20 =	simm.s32 $0x4400;
	s21 =	simm.s32 $0xC400;
	s22 =	simm.s32 $0x5400  }
0xb: {  	vm4 =	vmmov $0x1f;
	vm5 =	vmmov $0x3f;
	s23 =	simm.s32 $0xD400;
	s24 =	simm.s32 $0x6400;
	vm6 =	vmmov $0x7f;
	s28 =	simm.s32 $0xF400  }
0xc: {  	vm7 =	vmmov $0xff;
	vm8 =	vmmov $0x1ff;
	vm9 =	vmmov $0x3ff;
	s29 =	simm.s32 $0x1;
	s6 =	sand.u32 $0x1, s6;
	[smem:$0x7FF] =	sst s4  }
0xd: {  	vm10 =	vmmov $0x7ff;
	vm11 =	vmmov $0xfff;
	v0 =	vmul.u32 $0x80, v0;
	s9 =	sshll.u32 s9, $0x7;
	s7 =	ssub.s32 $0x2, s6;
	s6 =	sshll.u32 s6, $0x6  }
0xe: {  	vm12 =	vmmov $0x1fff;
	vm13 =	vmmov $0x3fff;
	vm14 =	vmmov $0x7fff;
	s30 =	simm.s32 $0x2;
	_ =	strace $0x80000047;
	s6 =	sor.u32 s6, s9  }
.Ltmp0:
0xf: {  	s8 =	sshrl.u32 s7, $0x1;
	v1 =	vor.u32 $0x800, v0;
	v3 =	vor.u32 $0x1000, v0;
	v4 =	vor.u32 $0x1800, v0;
	s0 =	sadd.s32 s0, s6;
	(pc) =	sbr.rel .LBB2_1-.Ltmp0, $4  }
0x10: {  	v5 =	vor.u32 $0x2000, v0;
	v6 =	vor.u32 $0x2800, v0;
	s9 =	simm.s32 $0x3;
	v7 =	vor.u32 $0x3000, v0;
	s25 =	sadd.s32 s3, s6;
	[dreg:$0x6] =	wrdreg s0  }
0x11: {  	v8 =	vor.u32 $0x3800, v0;
	v9 =	vor.u32 $0x4000, v0;
	v10 =	vor.u32 $0x4800, v0;
	s8 =	ssub.s32 s7, s8;
	s26 =	sadd.s32 s5, s6;
	[dreg:$0x7] =	wrdreg s25  }
0x12: {  	v11 =	vor.u32 $0x5000, v0;
	v12 =	vor.u32 $0x5800, v0;
	v13 =	vor.u32 $0x6000, v0;
	[dreg:$0x8] =	wrdreg s26;
	s31 =	smax.u32 s8, $0x1;
	s25 =	simm.s32 $0xE400  }
0x13: {  	v14 =	vor.u32 $0x6800, v0;
	v15 =	vor.u32 $0x7000, v0;
	v16 =	vor.u32 $0x7800, v0;
	s26 =	simm.s32 $0x7400;
	s0 =	simm.s32 $0x0;
	[dreg:$0x9] =	wrdreg s31  }
.LBB2_3:
0x14: {  	[tilespmem:s10+$0x10400] =	vst v17  }
.LBB2_5:
0x15: {  	s3 =	rddreg [dreg:$0x8];
	s5 =	simm.s32 $0x10400  }
0x16: {  	[hbm4b:s3+s4] =	stream.linear.scatter [tilespmem:s5], [sflag:$0x3], $0x200, $0x38;
	[tilespmem:$0x10600] =	vst v63  }
0x17: {  	_ =	swait.ge [sflag:s9], $0x200  }
0x18: {  	s0 =	sadd.s32 $0x1, s0;
	s31 =	rddreg [dreg:$0x9]  }
0x19: {  	p0 =	sne.s32 s0, s31  }
.Ltmp1:
0x1a: {  	_ = 	snop;
	(pc) =	sbr.rel @!p0 .LBB2_6-.Ltmp1, $3  }
0x1b: {  	_ =	sdelay $0x1  }
0x1c: {  	[sflag:s9] =	ssyncset.done $0x0  }
0x1d: {  	[sflag:s9] =	ssyncadd.s32 $0xFFFFFE00  }
.LBB2_1:
0x1e: {  	s3 =	rddreg [dreg:$0x6]  }
0x1f: {  	[tilespmem:s4], [sflag:$0x3] =	stream.linear.gather [hbm4b:s3+s4], $0x200, $0x38;
	[tilespmem:$0x10600] =	vst v63  }
0x20: {  	_ =	swait.ge [sflag:s9], $0x200  }
0x21: {  	[sflag:s9] =	ssyncset.done $0x0  }
0x22: {  	s5 =	simm.s32 $0x200;
	s6 =	rddreg [dreg:$0x7];
	[sflag:s9] =	ssyncadd.s32 $0xFFFFFE00  }
0x23: {  	[tilespmem:s5], [sflag:$0x3] =	stream.linear.gather [hbm4b:s6+s4], $0x200, $0x38;
	[tilespmem:$0x10600] =	vst v63  }
0x24: {  	_ =	swait.ge [sflag:s9], $0x200  }
0x25: {  	[sflag:s9] =	ssyncset.done $0x0  }
0x26: {  	[sflag:s9] =	ssyncadd.s32 $0xFFFFFE00  }
0x27: {  	v17 =	vld [tilespmem:$0x0];
	_ =	sdelay $0x1  }
0x28: {  	v18 =	vld [tilespmem:$0x200];
	_ =	sdelay $0x2  }
0x29: {  	(v2sf) =	vpush v17, $0x0;
	_ =	sdelay $0x1  }
0x2a: {  	(v2sf) =	vpush v18, $0x0;
	_ =	sdelay $0xc  }
0x2b: {  	s7 =	spop (v2sf)  }
0x2c: {  	s3 =	sand.u32 $0xFFFFF80, s7  }
0x2d: {  	s8 =	spop (v2sf);
	s3 =	sadd.s32 s1, s3  }
0x2e: {  	[tilespmem:s12], [sflag:$0x1] =	stream.strided.gather [hbm4b:s3+s12], $0x1000, s11, s12, $0x38;
	[tilespmem:$0x10600] =	vst v63  }
0x2f: {  	s3 =	sand.u32 $0xFFFFF80, s8  }
0x30: {  	s3 =	sadd.s32 s2, s3  }
0x31: {  	[tilespmem:s13], [sflag:$0x2] =	stream.strided.gather [hbm4b:s3+s12], $0x1000, s11, s12, $0x38;
	[tilespmem:$0x10600] =	vst v63  }
0x32: {  	v17 =	vld [tilespmem:$0x0];
	_ =	sdelay $0x1  }
0x33: {  	v18 =	vld [tilespmem:$0x200];
	_ =	sdelay $0x2  }
0x34: {  	(v2sf) =	vpush v17, $0x1;
	_ =	sdelay $0x1  }
0x35: {  	(v2sf) =	vpush v18, $0x1;
	_ =	sdelay $0xc  }
0x36: {  	s10 =	spop (v2sf)  }
0x37: {  	s3 =	sand.u32 $0xFFFFF80, s10  }
0x38: {  	s31 =	spop (v2sf);
	s3 =	sadd.s32 s1, s3  }
0x39: {  	[tilespmem:s14], [sflag:$0x1] =	stream.strided.gather [hbm4b:s3+s12], $0x1000, s11, s12, $0x38;
	[tilespmem:$0x10600] =	vst v63  }
0x3a: {  	s3 =	sand.u32 $0xFFFFF80, s31  }
0x3b: {  	s3 =	sadd.s32 s2, s3  }
0x3c: {  	[tilespmem:s15], [sflag:$0x2] =	stream.strided.gather [hbm4b:s3+s12], $0x1000, s11, s12, $0x38;
	[tilespmem:$0x10600] =	vst v63  }
0x3d: {  	v17 =	vld [tilespmem:$0x0];
	_ =	sdelay $0x1  }
0x3e: {  	v18 =	vld [tilespmem:$0x200];
	_ =	sdelay $0x2  }
0x3f: {  	(v2sf) =	vpush v17, $0x2;
	_ =	sdelay $0x1  }
0x40: {  	(v2sf) =	vpush v18, $0x2;
	_ =	sdelay $0xc  }
0x41: {  	s5 =	spop (v2sf)  }
0x42: {  	s3 =	sand.u32 $0xFFFFF80, s5  }
0x43: {  	s6 =	spop (v2sf);
	s3 =	sadd.s32 s1, s3  }
0x44: {  	[tilespmem:s16], [sflag:$0x1] =	stream.strided.gather [hbm4b:s3+s12], $0x1000, s11, s12, $0x38;
	[tilespmem:$0x10600] =	vst v63  }
0x45: {  	s3 =	sand.u32 $0xFFFFF80, s6  }
0x46: {  	s3 =	sadd.s32 s2, s3  }
0x47: {  	[tilespmem:s17], [sflag:$0x2] =	stream.strided.gather [hbm4b:s3+s12], $0x1000, s11, s12, $0x38;
	[tilespmem:$0x10600] =	vst v63  }
0x48: {  	v17 =	vld [tilespmem:$0x0];
	_ =	sdelay $0x1  }
0x49: {  	v18 =	vld [tilespmem:$0x200];
	_ =	sdelay $0x2  }
0x4a: {  	(v2sf) =	vpush v17, $0x3;
	_ =	sdelay $0x1  }
0x4b: {  	(v2sf) =	vpush v18, $0x3;
	_ =	sdelay $0xc  }
0x4c: {  	s7 =	spop (v2sf)  }
0x4d: {  	s3 =	sand.u32 $0xFFFFF80, s7  }
0x4e: {  	s8 =	spop (v2sf);
	s3 =	sadd.s32 s1, s3  }
0x4f: {  	[tilespmem:s18], [sflag:$0x1] =	stream.strided.gather [hbm4b:s3+s12], $0x1000, s11, s12, $0x38;
	[tilespmem:$0x10600] =	vst v63  }
0x50: {  	s3 =	sand.u32 $0xFFFFF80, s8  }
0x51: {  	s3 =	sadd.s32 s2, s3  }
0x52: {  	[tilespmem:s19], [sflag:$0x2] =	stream.strided.gather [hbm4b:s3+s12], $0x1000, s11, s12, $0x38;
	[tilespmem:$0x10600] =	vst v63  }
0x53: {  	v17 =	vld [tilespmem:$0x0];
	_ =	sdelay $0x1  }
0x54: {  	v18 =	vld [tilespmem:$0x200];
	_ =	sdelay $0x2  }
0x55: {  	(v2sf) =	vpush v17, $0x4;
	_ =	sdelay $0x1  }
0x56: {  	(v2sf) =	vpush v18, $0x4;
	_ =	sdelay $0xc  }
0x57: {  	s10 =	spop (v2sf)  }
0x58: {  	s3 =	sand.u32 $0xFFFFF80, s10  }
0x59: {  	s31 =	spop (v2sf);
	s3 =	sadd.s32 s1, s3  }
0x5a: {  	[tilespmem:s20], [sflag:$0x1] =	stream.strided.gather [hbm4b:s3+s12], $0x1000, s11, s12, $0x38;
	[tilespmem:$0x10600] =	vst v63  }
0x5b: {  	s3 =	sand.u32 $0xFFFFF80, s31  }
0x5c: {  	s3 =	sadd.s32 s2, s3  }
0x5d: {  	[tilespmem:s21], [sflag:$0x2] =	stream.strided.gather [hbm4b:s3+s12], $0x1000, s11, s12, $0x38;
	[tilespmem:$0x10600] =	vst v63  }
0x5e: {  	v17 =	vld [tilespmem:$0x0];
	_ =	sdelay $0x1  }
0x5f: {  	v18 =	vld [tilespmem:$0x200];
	_ =	sdelay $0x2  }
0x60: {  	(v2sf) =	vpush v17, $0x5;
	_ =	sdelay $0x1  }
0x61: {  	(v2sf) =	vpush v18, $0x5;
	_ =	sdelay $0xc  }
0x62: {  	s5 =	spop (v2sf)  }
0x63: {  	s3 =	sand.u32 $0xFFFFF80, s5  }
0x64: {  	s6 =	spop (v2sf);
	s3 =	sadd.s32 s1, s3  }
0x65: {  	[tilespmem:s22], [sflag:$0x1] =	stream.strided.gather [hbm4b:s3+s12], $0x1000, s11, s12, $0x38;
	[tilespmem:$0x10600] =	vst v63  }
0x66: {  	s3 =	sand.u32 $0xFFFFF80, s6  }
0x67: {  	s3 =	sadd.s32 s2, s3  }
0x68: {  	[tilespmem:s23], [sflag:$0x2] =	stream.strided.gather [hbm4b:s3+s12], $0x1000, s11, s12, $0x38;
	[tilespmem:$0x10600] =	vst v63  }
0x69: {  	v17 =	vld [tilespmem:$0x0];
	_ =	sdelay $0x1  }
0x6a: {  	v18 =	vld [tilespmem:$0x200];
	_ =	sdelay $0x2  }
0x6b: {  	(v2sf) =	vpush v17, $0x6;
	_ =	sdelay $0x1  }
0x6c: {  	(v2sf) =	vpush v18, $0x6;
	_ =	sdelay $0xc  }
0x6d: {  	s7 =	spop (v2sf)  }
0x6e: {  	s3 =	sand.u32 $0xFFFFF80, s7  }
0x6f: {  	s8 =	spop (v2sf);
	s3 =	sadd.s32 s1, s3  }
0x70: {  	[tilespmem:s24], [sflag:$0x1] =	stream.strided.gather [hbm4b:s3+s12], $0x1000, s11, s12, $0x38;
	[tilespmem:$0x10600] =	vst v63  }
0x71: {  	s3 =	sand.u32 $0xFFFFF80, s8  }
0x72: {  	s3 =	sadd.s32 s2, s3  }
0x73: {  	[tilespmem:s25], [sflag:$0x2] =	stream.strided.gather [hbm4b:s3+s12], $0x1000, s11, s12, $0x38;
	[tilespmem:$0x10600] =	vst v63  }
0x74: {  	v17 =	vld [tilespmem:$0x0];
	_ =	sdelay $0x1  }
0x75: {  	v18 =	vld [tilespmem:$0x200];
	_ =	sdelay $0x2  }
0x76: {  	(v2sf) =	vpush v17, $0x7;
	_ =	sdelay $0x1  }
0x77: {  	(v2sf) =	vpush v18, $0x7;
	_ =	sdelay $0xc  }
0x78: {  	s10 =	spop (v2sf)  }
0x79: {  	s3 =	sand.u32 $0xFFFFF80, s10  }
0x7a: {  	s31 =	spop (v2sf);
	s3 =	sadd.s32 s1, s3  }
0x7b: {  	[tilespmem:s26], [sflag:$0x1] =	stream.strided.gather [hbm4b:s3+s12], $0x1000, s11, s12, $0x38;
	[tilespmem:$0x10600] =	vst v63  }
0x7c: {  	s3 =	sand.u32 $0xFFFFF80, s31  }
0x7d: {  	s3 =	sadd.s32 s2, s3  }
0x7e: {  	[tilespmem:s28], [sflag:$0x2] =	stream.strided.gather [hbm4b:s3+s12], $0x1000, s11, s12, $0x38;
	[tilespmem:$0x10600] =	vst v63  }
0x7f: {  	s3 =	simm.s32 $0x0  }
.LBB2_2:
0x80: {  	_ =	swait.ge [sflag:s29], $0x1000  }
0x81: {  	[sflag:s29] =	ssyncset.done $0x0  }
0x82: {  	[sflag:s29] =	ssyncadd.s32 $0xFFFFF000  }
0x83: {  	_ =	swait.ge [sflag:s30], $0x1000  }
0x84: {  	[sflag:s30] =	ssyncset.done $0x0  }
0x85: {  	s10 =	sshra.s32 s3, $0x2;
	[sflag:s30] =	ssyncadd.s32 $0xFFFFF000  }
0x86: {  	v17 =	vld [tilespmem:s10+$0x0]  }
0x87: {  	v18 =	vld [tilespmem:s10+$0x200];
	_ =	sdelay $0x3  }
0x88: {  	(v2sf) =	vpush v17, $0x0  }
0x89: {  	(v2sf) =	vpush v18, $0x0;
	_ =	sdelay $0xd  }
0x8a: {  	s5 =	spop (v2sf)  }
0x8b: {  	s5 =	sand.u32 $0x7F, s5;
	s6 =	spop (v2sf)  }
0x8c: {  	s6 =	sand.u32 $0x7F, s6;
	v19 =	vor.u32 s5, v0  }
0x8d: {  	v20 =	vor.u32 s6, v0  }
0x8e: {  	v21 =	vor.u32 s5, v1  }
0x8f: {  	v22 =	vor.u32 s6, v1;
	_ =	sdelay $0x1  }
0x90: {  	v19 =	vld.idx.msk [tilespmem:v19+s12+$0x0], $0xffff  }
0x91: {  	(v2sf) =	vpush v17, $0x8;
	v17 =	vld.idx.msk [tilespmem:v20+s13+$0x0], $0xffff  }
0x92: {  	v56 =	vld.idx.msk [tilespmem:v21+s12+$0x0], $0xffff  }
0x93: {  	(v2sf) =	vpush v18, $0x8;
	v57 =	vld.idx.msk [tilespmem:v22+s13+$0x0], $0xffff;
	_ =	sdelay $0x2  }
0x94: {  	v17 =	vmul.f32 v17, v19;
	_ =	sdelay $0x1  }
0x95: {  	v18 =	vmul.f32 v57, v56;
	v17 =	vadd.f32 $0.0e+00, v17;
	_ =	sdelay $0x1  }
0x96: {  	v17 =	vadd.f32 v18, v17;
	_ =	sdelay $0x1  }
0x97: {  	(xrf2) =	vadd.scan.msk.f32 $0xffff, v17;
	_ =	sdelay $0x3  }
0x98: {  	s8 =	spop (v2sf)  }
0x99: {  	s5 =	sand.u32 $0xFFFFF80, s8  }
0x9a: {  	s31 =	spop (v2sf);
	s5 =	sadd.s32 s1, s5  }
0x9b: {  	[tilespmem:s12], [sflag:$0x1] =	stream.strided.gather [hbm4b:s5+s12], $0x1000, s11, s12, $0x38;
	[tilespmem:$0x10600] =	vst v63  }
0x9c: {  	s5 =	sand.u32 $0xFFFFF80, s31  }
0x9d: {  	s5 =	sadd.s32 s2, s5  }
0x9e: {  	[tilespmem:s13], [sflag:$0x2] =	stream.strided.gather [hbm4b:s5+s12], $0x1000, s11, s12, $0x38;
	v17, _, _ =	vpop (xrf2);
	[tilespmem:$0x10600] =	vst v63  }
0x9f: {  	_ =	swait.ge [sflag:s29], $0x1000  }
0xa0: {  	[sflag:s29] =	ssyncset.done $0x0  }
0xa1: {  	[sflag:s29] =	ssyncadd.s32 $0xFFFFF000  }
0xa2: {  	_ =	swait.ge [sflag:s30], $0x1000  }
0xa3: {  	[sflag:s30] =	ssyncset.done $0x0  }
0xa4: {  	[sflag:s30] =	ssyncadd.s32 $0xFFFFF000  }
0xa5: {  	v18 =	vld [tilespmem:s10+$0x0]  }
0xa6: {  	v19 =	vld [tilespmem:s10+$0x200];
	_ =	sdelay $0x3  }
0xa7: {  	(v2sf) =	vpush v18, $0x1  }
0xa8: {  	(v2sf) =	vpush v19, $0x1;
	_ =	sdelay $0xd  }
0xa9: {  	s6 =	spop (v2sf)  }
0xaa: {  	s5 =	sand.u32 $0x7F, s6;
	s7 =	spop (v2sf)  }
0xab: {  	s6 =	sand.u32 $0x7F, s7;
	v58 =	vor.u32 s5, v3  }
0xac: {  	v59 =	vor.u32 s6, v3  }
0xad: {  	v60 =	vor.u32 s5, v4  }
0xae: {  	v23 =	vor.u32 s6, v4;
	_ =	sdelay $0x1  }
0xaf: {  	v20 =	vld.idx.msk [tilespmem:v58+s12+$0x0], $0xffff  }
0xb0: {  	(v2sf) =	vpush v18, $0x9;
	v18 =	vld.idx.msk [tilespmem:v59+s13+$0x0], $0xffff  }
0xb1: {  	v61 =	vld.idx.msk [tilespmem:v60+s12+$0x0], $0xffff  }
0xb2: {  	(v2sf) =	vpush v19, $0x9;
	v62 =	vld.idx.msk [tilespmem:v23+s13+$0x0], $0xffff;
	_ =	sdelay $0x2  }
0xb3: {  	v18 =	vmul.f32 v18, v20;
	_ =	sdelay $0x1  }
0xb4: {  	v19 =	vmul.f32 v62, v61;
	v18 =	vadd.f32 $0.0e+00, v18;
	_ =	sdelay $0x1  }
0xb5: {  	v18 =	vadd.f32 v19, v18;
	_ =	sdelay $0x1  }
0xb6: {  	(xrf2) =	vadd.scan.msk.f32 $0xffff, v18;
	_ =	sdelay $0x3  }
0xb7: {  	s8 =	spop (v2sf)  }
0xb8: {  	s5 =	sand.u32 $0xFFFFF80, s8  }
0xb9: {  	s31 =	spop (v2sf);
	s5 =	sadd.s32 s1, s5  }
0xba: {  	[tilespmem:s14], [sflag:$0x1] =	stream.strided.gather [hbm4b:s5+s12], $0x1000, s11, s12, $0x38;
	[tilespmem:$0x10600] =	vst v63  }
0xbb: {  	s5 =	sand.u32 $0xFFFFF80, s31  }
0xbc: {  	s5 =	sadd.s32 s2, s5  }
0xbd: {  	[tilespmem:s15], [sflag:$0x2] =	stream.strided.gather [hbm4b:s5+s12], $0x1000, s11, s12, $0x38;
	v18, _, _ =	vpop (xrf2);
	[tilespmem:$0x10600] =	vst v63  }
0xbe: {  	_ =	swait.ge [sflag:s29], $0x1000  }
0xbf: {  	[sflag:s29] =	ssyncset.done $0x0  }
0xc0: {  	[sflag:s29] =	ssyncadd.s32 $0xFFFFF000  }
0xc1: {  	_ =	swait.ge [sflag:s30], $0x1000  }
0xc2: {  	[sflag:s30] =	ssyncset.done $0x0  }
0xc3: {  	[sflag:s30] =	ssyncadd.s32 $0xFFFFF000  }
0xc4: {  	v19 =	vld [tilespmem:s10+$0x0]  }
0xc5: {  	v63 =	vld [tilespmem:s10+$0x200];
	_ =	sdelay $0x3  }
0xc6: {  	(v2sf) =	vpush v19, $0x2  }
0xc7: {  	(v2sf) =	vpush v63, $0x2;
	_ =	sdelay $0xd  }
0xc8: {  	s6 =	spop (v2sf)  }
0xc9: {  	s5 =	sand.u32 $0x7F, s6;
	s7 =	spop (v2sf)  }
0xca: {  	s6 =	sand.u32 $0x7F, s7;
	v28 =	vor.u32 s5, v5  }
0xcb: {  	v29 =	vor.u32 s6, v5  }
0xcc: {  	v30 =	vor.u32 s5, v6  }
0xcd: {  	v24 =	vor.u32 s6, v6;
	_ =	sdelay $0x1  }
0xce: {  	v21 =	vld.idx.msk [tilespmem:v28+s12+$0x0], $0xffff  }
0xcf: {  	(v2sf) =	vpush v19, $0xA;
	v19 =	vld.idx.msk [tilespmem:v29+s13+$0x0], $0xffff  }
0xd0: {  	v31 =	vld.idx.msk [tilespmem:v30+s12+$0x0], $0xffff  }
0xd1: {  	(v2sf) =	vpush v63, $0xA;
	v32 =	vld.idx.msk [tilespmem:v24+s13+$0x0], $0xffff;
	_ =	sdelay $0x2  }
0xd2: {  	v19 =	vmul.f32 v19, v21;
	_ =	sdelay $0x1  }
0xd3: {  	v33 =	vmul.f32 v32, v31;
	v19 =	vadd.f32 $0.0e+00, v19;
	_ =	sdelay $0x1  }
0xd4: {  	v19 =	vadd.f32 v33, v19;
	_ =	sdelay $0x1  }
0xd5: {  	(xrf2) =	vadd.scan.msk.f32 $0xffff, v19;
	_ =	sdelay $0x3  }
0xd6: {  	s8 =	spop (v2sf)  }
0xd7: {  	s5 =	sand.u32 $0xFFFFF80, s8  }
0xd8: {  	s31 =	spop (v2sf);
	s5 =	sadd.s32 s1, s5  }
0xd9: {  	[tilespmem:s16], [sflag:$0x1] =	stream.strided.gather [hbm4b:s5+s12], $0x1000, s11, s12, $0x38;
	[tilespmem:$0x10600] =	vst v63  }
0xda: {  	s5 =	sand.u32 $0xFFFFF80, s31  }
0xdb: {  	s5 =	sadd.s32 s2, s5  }
0xdc: {  	[tilespmem:s17], [sflag:$0x2] =	stream.strided.gather [hbm4b:s5+s12], $0x1000, s11, s12, $0x38;
	v19, _, _ =	vpop (xrf2);
	[tilespmem:$0x10600] =	vst v63  }
0xdd: {  	_ =	swait.ge [sflag:s29], $0x1000  }
0xde: {  	[sflag:s29] =	ssyncset.done $0x0  }
0xdf: {  	[sflag:s29] =	ssyncadd.s32 $0xFFFFF000  }
0xe0: {  	_ =	swait.ge [sflag:s30], $0x1000  }
0xe1: {  	[sflag:s30] =	ssyncset.done $0x0  }
0xe2: {  	[sflag:s30] =	ssyncadd.s32 $0xFFFFF000  }
0xe3: {  	v34 =	vld [tilespmem:s10+$0x0]  }
0xe4: {  	v35 =	vld [tilespmem:s10+$0x200];
	_ =	sdelay $0x3  }
0xe5: {  	(v2sf) =	vpush v34, $0x3  }
0xe6: {  	(v2sf) =	vpush v35, $0x3;
	_ =	sdelay $0xd  }
0xe7: {  	s6 =	spop (v2sf)  }
0xe8: {  	s5 =	sand.u32 $0x7F, s6;
	s7 =	spop (v2sf)  }
0xe9: {  	s6 =	sand.u32 $0x7F, s7;
	v36 =	vor.u32 s5, v7  }
0xea: {  	v37 =	vor.u32 s6, v7  }
0xeb: {  	v38 =	vor.u32 s5, v8  }
0xec: {  	v25 =	vor.u32 s6, v8;
	_ =	sdelay $0x1  }
0xed: {  	v22 =	vld.idx.msk [tilespmem:v36+s12+$0x0], $0xffff  }
0xee: {  	(v2sf) =	vpush v34, $0xB;
	v39 =	vld.idx.msk [tilespmem:v37+s13+$0x0], $0xffff  }
0xef: {  	v40 =	vld.idx.msk [tilespmem:v38+s12+$0x0], $0xffff  }
0xf0: {  	(v2sf) =	vpush v35, $0xB;
	v41 =	vld.idx.msk [tilespmem:v25+s13+$0x0], $0xffff;
	_ =	sdelay $0x2  }
0xf1: {  	v20 =	vmul.f32 v39, v22;
	_ =	sdelay $0x1  }
0xf2: {  	v42 =	vmul.f32 v41, v40;
	v20 =	vadd.f32 $0.0e+00, v20;
	_ =	sdelay $0x1  }
0xf3: {  	v20 =	vadd.f32 v42, v20;
	_ =	sdelay $0x1  }
0xf4: {  	(xrf2) =	vadd.scan.msk.f32 $0xffff, v20;
	_ =	sdelay $0x3  }
0xf5: {  	s8 =	spop (v2sf)  }
0xf6: {  	s5 =	sand.u32 $0xFFFFF80, s8  }
0xf7: {  	s31 =	spop (v2sf);
	s5 =	sadd.s32 s1, s5  }
0xf8: {  	[tilespmem:s18], [sflag:$0x1] =	stream.strided.gather [hbm4b:s5+s12], $0x1000, s11, s12, $0x38;
	[tilespmem:$0x10600] =	vst v63  }
0xf9: {  	s5 =	sand.u32 $0xFFFFF80, s31  }
0xfa: {  	s5 =	sadd.s32 s2, s5  }
0xfb: {  	[tilespmem:s19], [sflag:$0x2] =	stream.strided.gather [hbm4b:s5+s12], $0x1000, s11, s12, $0x38;
	v20, _, _ =	vpop (xrf2);
	[tilespmem:$0x10600] =	vst v63  }
0xfc: {  	_ =	swait.ge [sflag:s29], $0x1000  }
0xfd: {  	[sflag:s29] =	ssyncset.done $0x0  }
0xfe: {  	[sflag:s29] =	ssyncadd.s32 $0xFFFFF000  }
0xff: {  	_ =	swait.ge [sflag:s30], $0x1000  }
0x100: {  	[sflag:s30] =	ssyncset.done $0x0  }
0x101: {  	[sflag:s30] =	ssyncadd.s32 $0xFFFFF000  }
0x102: {  	v43 =	vld [tilespmem:s10+$0x0]  }
0x103: {  	v44 =	vld [tilespmem:s10+$0x200];
	_ =	sdelay $0x3  }
0x104: {  	(v2sf) =	vpush v43, $0x4  }
0x105: {  	(v2sf) =	vpush v44, $0x4;
	_ =	sdelay $0xd  }
0x106: {  	s6 =	spop (v2sf)  }
0x107: {  	s5 =	sand.u32 $0x7F, s6;
	s7 =	spop (v2sf)  }
0x108: {  	s6 =	sand.u32 $0x7F, s7;
	v45 =	vor.u32 s5, v9  }
0x109: {  	v46 =	vor.u32 s6, v9  }
0x10a: {  	v47 =	vor.u32 s5, v10  }
0x10b: {  	v26 =	vor.u32 s6, v10;
	_ =	sdelay $0x1  }
0x10c: {  	v23 =	vld.idx.msk [tilespmem:v45+s12+$0x0], $0xffff  }
0x10d: {  	(v2sf) =	vpush v43, $0xC;
	v48 =	vld.idx.msk [tilespmem:v46+s13+$0x0], $0xffff  }
0x10e: {  	v49 =	vld.idx.msk [tilespmem:v47+s12+$0x0], $0xffff  }
0x10f: {  	(v2sf) =	vpush v44, $0xC;
	v50 =	vld.idx.msk [tilespmem:v26+s13+$0x0], $0xffff;
	_ =	sdelay $0x2  }
0x110: {  	v21 =	vmul.f32 v48, v23;
	_ =	sdelay $0x1  }
0x111: {  	v51 =	vmul.f32 v50, v49;
	v21 =	vadd.f32 $0.0e+00, v21;
	_ =	sdelay $0x1  }
0x112: {  	v21 =	vadd.f32 v51, v21;
	_ =	sdelay $0x1  }
0x113: {  	(xrf2) =	vadd.scan.msk.f32 $0xffff, v21;
	_ =	sdelay $0x3  }
0x114: {  	s8 =	spop (v2sf)  }
0x115: {  	s5 =	sand.u32 $0xFFFFF80, s8  }
0x116: {  	s31 =	spop (v2sf);
	s5 =	sadd.s32 s1, s5  }
0x117: {  	[tilespmem:s20], [sflag:$0x1] =	stream.strided.gather [hbm4b:s5+s12], $0x1000, s11, s12, $0x38;
	[tilespmem:$0x10600] =	vst v63  }
0x118: {  	s5 =	sand.u32 $0xFFFFF80, s31  }
0x119: {  	s5 =	sadd.s32 s2, s5  }
0x11a: {  	[tilespmem:s21], [sflag:$0x2] =	stream.strided.gather [hbm4b:s5+s12], $0x1000, s11, s12, $0x38;
	v21, _, _ =	vpop (xrf2);
	[tilespmem:$0x10600] =	vst v63  }
0x11b: {  	_ =	swait.ge [sflag:s29], $0x1000  }
0x11c: {  	[sflag:s29] =	ssyncset.done $0x0  }
0x11d: {  	[sflag:s29] =	ssyncadd.s32 $0xFFFFF000  }
0x11e: {  	_ =	swait.ge [sflag:s30], $0x1000  }
0x11f: {  	[sflag:s30] =	ssyncset.done $0x0  }
0x120: {  	[sflag:s30] =	ssyncadd.s32 $0xFFFFF000  }
0x121: {  	v52 =	vld [tilespmem:s10+$0x0]  }
0x122: {  	v53 =	vld [tilespmem:s10+$0x200];
	_ =	sdelay $0x3  }
0x123: {  	(v2sf) =	vpush v52, $0x5  }
0x124: {  	(v2sf) =	vpush v53, $0x5;
	_ =	sdelay $0xd  }
0x125: {  	s6 =	spop (v2sf)  }
0x126: {  	s5 =	sand.u32 $0x7F, s6;
	s7 =	spop (v2sf)  }
0x127: {  	s6 =	sand.u32 $0x7F, s7;
	v54 =	vor.u32 s5, v11  }
0x128: {  	v55 =	vor.u32 s6, v11  }
0x129: {  	v56 =	vor.u32 s5, v12  }
0x12a: {  	v27 =	vor.u32 s6, v12;
	_ =	sdelay $0x1  }
0x12b: {  	v24 =	vld.idx.msk [tilespmem:v54+s12+$0x0], $0xffff  }
0x12c: {  	(v2sf) =	vpush v52, $0xD;
	v57 =	vld.idx.msk [tilespmem:v55+s13+$0x0], $0xffff  }
0x12d: {  	v58 =	vld.idx.msk [tilespmem:v56+s12+$0x0], $0xffff  }
0x12e: {  	(v2sf) =	vpush v53, $0xD;
	v59 =	vld.idx.msk [tilespmem:v27+s13+$0x0], $0xffff;
	_ =	sdelay $0x2  }
0x12f: {  	v22 =	vmul.f32 v57, v24;
	_ =	sdelay $0x1  }
0x130: {  	v60 =	vmul.f32 v59, v58;
	v22 =	vadd.f32 $0.0e+00, v22;
	_ =	sdelay $0x1  }
0x131: {  	v22 =	vadd.f32 v60, v22;
	_ =	sdelay $0x1  }
0x132: {  	(xrf2) =	vadd.scan.msk.f32 $0xffff, v22;
	_ =	sdelay $0x3  }
0x133: {  	s8 =	spop (v2sf)  }
0x134: {  	s5 =	sand.u32 $0xFFFFF80, s8  }
0x135: {  	s31 =	spop (v2sf);
	s5 =	sadd.s32 s1, s5  }
0x136: {  	[tilespmem:s22], [sflag:$0x1] =	stream.strided.gather [hbm4b:s5+s12], $0x1000, s11, s12, $0x38;
	[tilespmem:$0x10600] =	vst v63  }
0x137: {  	s5 =	sand.u32 $0xFFFFF80, s31  }
0x138: {  	s5 =	sadd.s32 s2, s5  }
0x139: {  	[tilespmem:s23], [sflag:$0x2] =	stream.strided.gather [hbm4b:s5+s12], $0x1000, s11, s12, $0x38;
	v22, _, _ =	vpop (xrf2);
	[tilespmem:$0x10600] =	vst v63  }
0x13a: {  	_ =	swait.ge [sflag:s29], $0x1000  }
0x13b: {  	[sflag:s29] =	ssyncset.done $0x0  }
0x13c: {  	[sflag:s29] =	ssyncadd.s32 $0xFFFFF000  }
0x13d: {  	_ =	swait.ge [sflag:s30], $0x1000  }
0x13e: {  	[sflag:s30] =	ssyncset.done $0x0  }
0x13f: {  	[sflag:s30] =	ssyncadd.s32 $0xFFFFF000  }
0x140: {  	v61 =	vld [tilespmem:s10+$0x0]  }
0x141: {  	v62 =	vld [tilespmem:s10+$0x200];
	_ =	sdelay $0x3  }
0x142: {  	(v2sf) =	vpush v61, $0x6  }
0x143: {  	(v2sf) =	vpush v62, $0x6;
	_ =	sdelay $0xd  }
0x144: {  	s6 =	spop (v2sf)  }
0x145: {  	s5 =	sand.u32 $0x7F, s6;
	s7 =	spop (v2sf)  }
0x146: {  	s6 =	sand.u32 $0x7F, s7;
	v63 =	vor.u32 s5, v13  }
0x147: {  	v32 =	vor.u32 s6, v13  }
0x148: {  	v33 =	vor.u32 s5, v14  }
0x149: {  	v28 =	vor.u32 s6, v14;
	_ =	sdelay $0x1  }
0x14a: {  	v25 =	vld.idx.msk [tilespmem:v63+s12+$0x0], $0xffff  }
0x14b: {  	(v2sf) =	vpush v61, $0xE;
	v34 =	vld.idx.msk [tilespmem:v32+s13+$0x0], $0xffff  }
0x14c: {  	v35 =	vld.idx.msk [tilespmem:v33+s12+$0x0], $0xffff  }
0x14d: {  	(v2sf) =	vpush v62, $0xE;
	v36 =	vld.idx.msk [tilespmem:v28+s13+$0x0], $0xffff;
	_ =	sdelay $0x2  }
0x14e: {  	v23 =	vmul.f32 v34, v25;
	_ =	sdelay $0x1  }
0x14f: {  	v37 =	vmul.f32 v36, v35;
	v23 =	vadd.f32 $0.0e+00, v23;
	_ =	sdelay $0x1  }
0x150: {  	v23 =	vadd.f32 v37, v23;
	_ =	sdelay $0x1  }
0x151: {  	(xrf2) =	vadd.scan.msk.f32 $0xffff, v23;
	_ =	sdelay $0x3  }
0x152: {  	s8 =	spop (v2sf)  }
0x153: {  	s5 =	sand.u32 $0xFFFFF80, s8  }
0x154: {  	s31 =	spop (v2sf);
	s5 =	sadd.s32 s1, s5  }
0x155: {  	[tilespmem:s24], [sflag:$0x1] =	stream.strided.gather [hbm4b:s5+s12], $0x1000, s11, s12, $0x38;
	[tilespmem:$0x10600] =	vst v63  }
0x156: {  	s5 =	sand.u32 $0xFFFFF80, s31  }
0x157: {  	s5 =	sadd.s32 s2, s5  }
0x158: {  	[tilespmem:s25], [sflag:$0x2] =	stream.strided.gather [hbm4b:s5+s12], $0x1000, s11, s12, $0x38;
	v23, _, _ =	vpop (xrf2);
	[tilespmem:$0x10600] =	vst v63  }
0x159: {  	_ =	swait.ge [sflag:s29], $0x1000  }
0x15a: {  	[sflag:s29] =	ssyncset.done $0x0  }
0x15b: {  	[sflag:s29] =	ssyncadd.s32 $0xFFFFF000  }
0x15c: {  	_ =	swait.ge [sflag:s30], $0x1000  }
0x15d: {  	[sflag:s30] =	ssyncset.done $0x0  }
0x15e: {  	[sflag:s30] =	ssyncadd.s32 $0xFFFFF000  }
0x15f: {  	v38 =	vld [tilespmem:s10+$0x0]  }
0x160: {  	v39 =	vld [tilespmem:s10+$0x200];
	_ =	sdelay $0x3  }
0x161: {  	(v2sf) =	vpush v38, $0x7  }
0x162: {  	(v2sf) =	vpush v39, $0x7;
	_ =	sdelay $0xd  }
0x163: {  	s6 =	spop (v2sf)  }
0x164: {  	s5 =	sand.u32 $0x7F, s6;
	s7 =	spop (v2sf)  }
0x165: {  	s6 =	sand.u32 $0x7F, s7;
	v40 =	vor.u32 s5, v15  }
0x166: {  	v41 =	vor.u32 s6, v15  }
0x167: {  	v42 =	vor.u32 s5, v16  }
0x168: {  	v29 =	vor.u32 s6, v16;
	_ =	sdelay $0x1  }
0x169: {  	v26 =	vld.idx.msk [tilespmem:v40+s12+$0x0], $0xffff  }
0x16a: {  	(v2sf) =	vpush v38, $0xF;
	v43 =	vld.idx.msk [tilespmem:v41+s13+$0x0], $0xffff  }
0x16b: {  	v44 =	vld.idx.msk [tilespmem:v42+s12+$0x0], $0xffff  }
0x16c: {  	(v2sf) =	vpush v39, $0xF;
	v45 =	vld.idx.msk [tilespmem:v29+s13+$0x0], $0xffff;
	_ =	sdelay $0x2  }
0x16d: {  	v24 =	vmul.f32 v43, v26;
	_ =	sdelay $0x1  }
0x16e: {  	v46 =	vmul.f32 v45, v44;
	v24 =	vadd.f32 $0.0e+00, v24;
	_ =	sdelay $0x1  }
0x16f: {  	v24 =	vadd.f32 v46, v24;
	_ =	sdelay $0x1  }
0x170: {  	(xrf2) =	vadd.scan.msk.f32 $0xffff, v24;
	_ =	sdelay $0x3  }
0x171: {  	s8 =	spop (v2sf)  }
0x172: {  	s5 =	sand.u32 $0xFFFFF80, s8  }
0x173: {  	s31 =	spop (v2sf);
	s5 =	sadd.s32 s1, s5  }
0x174: {  	[tilespmem:s26], [sflag:$0x1] =	stream.strided.gather [hbm4b:s5+s12], $0x1000, s11, s12, $0x38;
	[tilespmem:$0x10600] =	vst v63  }
0x175: {  	s5 =	sand.u32 $0xFFFFF80, s31  }
0x176: {  	s5 =	sadd.s32 s2, s5  }
0x177: {  	[tilespmem:s28], [sflag:$0x2] =	stream.strided.gather [hbm4b:s5+s12], $0x1000, s11, s12, $0x38;
	v24, _, _ =	vpop (xrf2);
	[tilespmem:$0x10600] =	vst v63  }
0x178: {  	_ =	swait.ge [sflag:s29], $0x1000  }
0x179: {  	[sflag:s29] =	ssyncset.done $0x0  }
0x17a: {  	[sflag:s29] =	ssyncadd.s32 $0xFFFFF000  }
0x17b: {  	_ =	swait.ge [sflag:s30], $0x1000  }
0x17c: {  	[sflag:s30] =	ssyncset.done $0x0  }
0x17d: {  	[sflag:s30] =	ssyncadd.s32 $0xFFFFF000  }
0x17e: {  	v47 =	vld [tilespmem:s10+$0x0]  }
0x17f: {  	v48 =	vld [tilespmem:s10+$0x200];
	_ =	sdelay $0x3  }
0x180: {  	(v2sf) =	vpush v47, $0x8  }
0x181: {  	(v2sf) =	vpush v48, $0x8;
	_ =	sdelay $0xd  }
0x182: {  	p0 =	seq.s32 s3, $0x7C0;
	s6 =	spop (v2sf)  }
0x183: {  	s31 =	sshra.s32 @!p0 s3, $0x2;
	s5 =	sand.u32 $0x7F, s6;
	s7 =	spop (v2sf)  }
0x184: {  	v26 =	vld @!p0 [tilespmem:s31+$0x10];
	s6 =	sand.u32 $0x7F, s7;
	v49 =	vor.u32 s5, v0  }
0x185: {  	v50 =	vor.u32 s6, v0  }
0x186: {  	v51 =	vor.u32 s5, v1  }
0x187: {  	v52 =	vor.u32 s6, v1  }
0x188: {  	v30 =	vld @!p0 [tilespmem:s31+$0x210]  }
0x189: {  	(v2sf) =	vpush @!p0 v26, $0x0;
	v25 =	vld.idx.msk [tilespmem:v49+s12+$0x0], $0xffff  }
0x18a: {  	v53 =	vld.idx.msk [tilespmem:v50+s13+$0x0], $0xffff  }
0x18b: {  	v54 =	vld.idx.msk [tilespmem:v51+s12+$0x0], $0xffff  }
0x18c: {  	v55 =	vld.idx.msk [tilespmem:v52+s13+$0x0], $0xffff  }
0x18d: {  	(v2sf) =	vpush @!p0 v30, $0x0;
	_ =	sdelay $0x1  }
0x18e: {  	v25 =	vmul.f32 v53, v25;
	_ =	sdelay $0x1  }
0x18f: {  	v56 =	vmul.f32 v55, v54;
	v25 =	vadd.f32 $0.0e+00, v25;
	_ =	sdelay $0x1  }
0x190: {  	v25 =	vadd.f32 v56, v25;
	_ =	sdelay $0x1  }
0x191: {  	(xrf2) =	vadd.scan.msk.f32 $0xffff, v25;
	_ =	sdelay $0x2  }
0x192: {  	s5 =	spop @!p0 (v2sf)  }
0x193: {  	s5 =	sand.u32 @!p0 $0xFFFFF80, s5  }
0x194: {  	s6 =	simm.s32 @!p0 $0x400;
	s7 =	sadd.s32 @!p0 s1, s5;
	s5 =	simm.s32 @!p0 $0x7A1400  }
0x195: {  	[tilespmem:s6], [sflag:$0x1] =	stream.strided.gather @!p0 [hbm4b:s7+s6], $0x1000, s5, s6, $0x38;
	[tilespmem:$0x10600] =	vst v63  }
0x196: {  	s7 =	spop @!p0 (v2sf)  }
0x197: {  	s7 =	sand.u32 @!p0 $0xFFFFF80, s7  }
0x198: {  	s8 =	simm.s32 @!p0 $0x8400;
	s7 =	sadd.s32 @!p0 s2, s7  }
0x199: {  	[tilespmem:s8], [sflag:$0x2] =	stream.strided.gather @!p0 [hbm4b:s7+s6], $0x1000, s5, s6, $0x38;
	v25, _, _ =	vpop (xrf2);
	[tilespmem:$0x10600] =	vst v63  }
0x19a: {  	_ =	swait.ge [sflag:s29], $0x1000  }
0x19b: {  	[sflag:s29] =	ssyncset.done $0x0  }
0x19c: {  	[sflag:s29] =	ssyncadd.s32 $0xFFFFF000  }
0x19d: {  	_ =	swait.ge [sflag:s30], $0x1000  }
0x19e: {  	[sflag:s30] =	ssyncset.done $0x0  }
0x19f: {  	[sflag:s30] =	ssyncadd.s32 $0xFFFFF000  }
0x1a0: {  	v57 =	vld [tilespmem:s10+$0x0]  }
0x1a1: {  	v58 =	vld [tilespmem:s10+$0x200];
	_ =	sdelay $0x3  }
0x1a2: {  	(v2sf) =	vpush v57, $0x9  }
0x1a3: {  	(v2sf) =	vpush v58, $0x9;
	_ =	sdelay $0xd  }
0x1a4: {  	s8 =	spop (v2sf)  }
0x1a5: {  	s7 =	sand.u32 $0x7F, s8;
	s8 =	spop (v2sf)  }
0x1a6: {  	v27 =	vld @!p0 [tilespmem:s31+$0x10];
	s8 =	sand.u32 $0x7F, s8;
	v59 =	vor.u32 s7, v3  }
0x1a7: {  	v60 =	vor.u32 s8, v3  }
0x1a8: {  	v61 =	vor.u32 s7, v4  }
0x1a9: {  	v62 =	vor.u32 s8, v4  }
0x1aa: {  	v31 =	vld @!p0 [tilespmem:s31+$0x210]  }
0x1ab: {  	(v2sf) =	vpush @!p0 v27, $0x1;
	v26 =	vld.idx.msk [tilespmem:v59+s12+$0x0], $0xffff  }
0x1ac: {  	v63 =	vld.idx.msk [tilespmem:v60+s13+$0x0], $0xffff  }
0x1ad: {  	v32 =	vld.idx.msk [tilespmem:v61+s12+$0x0], $0xffff  }
0x1ae: {  	v33 =	vld.idx.msk [tilespmem:v62+s13+$0x0], $0xffff  }
0x1af: {  	(v2sf) =	vpush @!p0 v31, $0x1;
	_ =	sdelay $0x1  }
0x1b0: {  	v26 =	vmul.f32 v63, v26;
	_ =	sdelay $0x1  }
0x1b1: {  	v34 =	vmul.f32 v33, v32;
	v26 =	vadd.f32 $0.0e+00, v26;
	_ =	sdelay $0x1  }
0x1b2: {  	v26 =	vadd.f32 v34, v26;
	_ =	sdelay $0x1  }
0x1b3: {  	(xrf2) =	vadd.scan.msk.f32 $0xffff, v26;
	_ =	sdelay $0x2  }
0x1b4: {  	s7 =	spop @!p0 (v2sf)  }
0x1b5: {  	s7 =	sand.u32 @!p0 $0xFFFFF80, s7  }
0x1b6: {  	s8 =	simm.s32 @!p0 $0x1400;
	s7 =	sadd.s32 @!p0 s1, s7  }
0x1b7: {  	[tilespmem:s8], [sflag:$0x1] =	stream.strided.gather @!p0 [hbm4b:s7+s6], $0x1000, s5, s6, $0x38;
	[tilespmem:$0x10600] =	vst v63  }
0x1b8: {  	s7 =	spop @!p0 (v2sf)  }
0x1b9: {  	s7 =	sand.u32 @!p0 $0xFFFFF80, s7  }
0x1ba: {  	s8 =	simm.s32 @!p0 $0x9400;
	s7 =	sadd.s32 @!p0 s2, s7  }
0x1bb: {  	[tilespmem:s8], [sflag:$0x2] =	stream.strided.gather @!p0 [hbm4b:s7+s6], $0x1000, s5, s6, $0x38;
	v26, _, _ =	vpop (xrf2);
	[tilespmem:$0x10600] =	vst v63  }
0x1bc: {  	_ =	swait.ge [sflag:s29], $0x1000  }
0x1bd: {  	[sflag:s29] =	ssyncset.done $0x0  }
0x1be: {  	[sflag:s29] =	ssyncadd.s32 $0xFFFFF000  }
0x1bf: {  	_ =	swait.ge [sflag:s30], $0x1000  }
0x1c0: {  	[sflag:s30] =	ssyncset.done $0x0  }
0x1c1: {  	[sflag:s30] =	ssyncadd.s32 $0xFFFFF000  }
0x1c2: {  	v35 =	vld [tilespmem:s10+$0x0]  }
0x1c3: {  	v36 =	vld [tilespmem:s10+$0x200];
	_ =	sdelay $0x3  }
0x1c4: {  	(v2sf) =	vpush v35, $0xA  }
0x1c5: {  	(v2sf) =	vpush v36, $0xA;
	_ =	sdelay $0xd  }
0x1c6: {  	s8 =	spop (v2sf)  }
0x1c7: {  	s7 =	sand.u32 $0x7F, s8;
	s8 =	spop (v2sf)  }
0x1c8: {  	v28 =	vld @!p0 [tilespmem:s31+$0x10];
	s8 =	sand.u32 $0x7F, s8;
	v37 =	vor.u32 s7, v5  }
0x1c9: {  	v38 =	vor.u32 s8, v5  }
0x1ca: {  	v39 =	vor.u32 s7, v6  }
0x1cb: {  	v40 =	vor.u32 s8, v6  }
0x1cc: {  	v32 =	vld @!p0 [tilespmem:s31+$0x210]  }
0x1cd: {  	(v2sf) =	vpush @!p0 v28, $0x2;
	v27 =	vld.idx.msk [tilespmem:v37+s12+$0x0], $0xffff  }
0x1ce: {  	v41 =	vld.idx.msk [tilespmem:v38+s13+$0x0], $0xffff  }
0x1cf: {  	v42 =	vld.idx.msk [tilespmem:v39+s12+$0x0], $0xffff  }
0x1d0: {  	v43 =	vld.idx.msk [tilespmem:v40+s13+$0x0], $0xffff  }
0x1d1: {  	(v2sf) =	vpush @!p0 v32, $0x2;
	_ =	sdelay $0x1  }
0x1d2: {  	v27 =	vmul.f32 v41, v27;
	_ =	sdelay $0x1  }
0x1d3: {  	v44 =	vmul.f32 v43, v42;
	v27 =	vadd.f32 $0.0e+00, v27;
	_ =	sdelay $0x1  }
0x1d4: {  	v27 =	vadd.f32 v44, v27;
	_ =	sdelay $0x1  }
0x1d5: {  	(xrf2) =	vadd.scan.msk.f32 $0xffff, v27;
	_ =	sdelay $0x2  }
0x1d6: {  	s7 =	spop @!p0 (v2sf)  }
0x1d7: {  	s7 =	sand.u32 @!p0 $0xFFFFF80, s7  }
0x1d8: {  	s8 =	simm.s32 @!p0 $0x2400;
	s7 =	sadd.s32 @!p0 s1, s7  }
0x1d9: {  	[tilespmem:s8], [sflag:$0x1] =	stream.strided.gather @!p0 [hbm4b:s7+s6], $0x1000, s5, s6, $0x38;
	[tilespmem:$0x10600] =	vst v63  }
0x1da: {  	s7 =	spop @!p0 (v2sf)  }
0x1db: {  	s7 =	sand.u32 @!p0 $0xFFFFF80, s7  }
0x1dc: {  	s8 =	simm.s32 @!p0 $0xA400;
	s7 =	sadd.s32 @!p0 s2, s7  }
0x1dd: {  	[tilespmem:s8], [sflag:$0x2] =	stream.strided.gather @!p0 [hbm4b:s7+s6], $0x1000, s5, s6, $0x38;
	v27, _, _ =	vpop (xrf2);
	[tilespmem:$0x10600] =	vst v63  }
0x1de: {  	_ =	swait.ge [sflag:s29], $0x1000  }
0x1df: {  	[sflag:s29] =	ssyncset.done $0x0  }
0x1e0: {  	[sflag:s29] =	ssyncadd.s32 $0xFFFFF000  }
0x1e1: {  	_ =	swait.ge [sflag:s30], $0x1000  }
0x1e2: {  	[sflag:s30] =	ssyncset.done $0x0  }
0x1e3: {  	[sflag:s30] =	ssyncadd.s32 $0xFFFFF000  }
0x1e4: {  	v45 =	vld [tilespmem:s10+$0x0]  }
0x1e5: {  	v46 =	vld [tilespmem:s10+$0x200];
	_ =	sdelay $0x3  }
0x1e6: {  	(v2sf) =	vpush v45, $0xB  }
0x1e7: {  	(v2sf) =	vpush v46, $0xB;
	_ =	sdelay $0xd  }
0x1e8: {  	s8 =	spop (v2sf)  }
0x1e9: {  	s7 =	sand.u32 $0x7F, s8;
	s8 =	spop (v2sf)  }
0x1ea: {  	v29 =	vld @!p0 [tilespmem:s31+$0x10];
	s8 =	sand.u32 $0x7F, s8;
	v47 =	vor.u32 s7, v7  }
0x1eb: {  	v48 =	vor.u32 s8, v7  }
0x1ec: {  	v49 =	vor.u32 s7, v8  }
0x1ed: {  	v50 =	vor.u32 s8, v8  }
0x1ee: {  	v33 =	vld @!p0 [tilespmem:s31+$0x210]  }
0x1ef: {  	(v2sf) =	vpush @!p0 v29, $0x3;
	v28 =	vld.idx.msk [tilespmem:v47+s12+$0x0], $0xffff  }
0x1f0: {  	v51 =	vld.idx.msk [tilespmem:v48+s13+$0x0], $0xffff  }
0x1f1: {  	v52 =	vld.idx.msk [tilespmem:v49+s12+$0x0], $0xffff  }
0x1f2: {  	v53 =	vld.idx.msk [tilespmem:v50+s13+$0x0], $0xffff  }
0x1f3: {  	(v2sf) =	vpush @!p0 v33, $0x3;
	_ =	sdelay $0x1  }
0x1f4: {  	v28 =	vmul.f32 v51, v28;
	_ =	sdelay $0x1  }
0x1f5: {  	v54 =	vmul.f32 v53, v52;
	v28 =	vadd.f32 $0.0e+00, v28;
	_ =	sdelay $0x1  }
0x1f6: {  	v28 =	vadd.f32 v54, v28;
	_ =	sdelay $0x1  }
0x1f7: {  	(xrf2) =	vadd.scan.msk.f32 $0xffff, v28;
	_ =	sdelay $0x2  }
0x1f8: {  	s7 =	spop @!p0 (v2sf)  }
0x1f9: {  	s7 =	sand.u32 @!p0 $0xFFFFF80, s7  }
0x1fa: {  	s8 =	simm.s32 @!p0 $0x3400;
	s7 =	sadd.s32 @!p0 s1, s7  }
0x1fb: {  	[tilespmem:s8], [sflag:$0x1] =	stream.strided.gather @!p0 [hbm4b:s7+s6], $0x1000, s5, s6, $0x38;
	[tilespmem:$0x10600] =	vst v63  }
0x1fc: {  	s7 =	spop @!p0 (v2sf)  }
0x1fd: {  	s7 =	sand.u32 @!p0 $0xFFFFF80, s7  }
0x1fe: {  	s8 =	simm.s32 @!p0 $0xB400;
	s7 =	sadd.s32 @!p0 s2, s7  }
0x1ff: {  	[tilespmem:s8], [sflag:$0x2] =	stream.strided.gather @!p0 [hbm4b:s7+s6], $0x1000, s5, s6, $0x38;
	v28, _, _ =	vpop (xrf2);
	[tilespmem:$0x10600] =	vst v63  }
0x200: {  	_ =	swait.ge [sflag:s29], $0x1000  }
0x201: {  	[sflag:s29] =	ssyncset.done $0x0  }
0x202: {  	[sflag:s29] =	ssyncadd.s32 $0xFFFFF000  }
0x203: {  	_ =	swait.ge [sflag:s30], $0x1000  }
0x204: {  	[sflag:s30] =	ssyncset.done $0x0  }
0x205: {  	[sflag:s30] =	ssyncadd.s32 $0xFFFFF000  }
0x206: {  	v55 =	vld [tilespmem:s10+$0x0]  }
0x207: {  	v56 =	vld [tilespmem:s10+$0x200];
	_ =	sdelay $0x3  }
0x208: {  	(v2sf) =	vpush v55, $0xC  }
0x209: {  	(v2sf) =	vpush v56, $0xC;
	_ =	sdelay $0xd  }
0x20a: {  	s8 =	spop (v2sf)  }
0x20b: {  	s7 =	sand.u32 $0x7F, s8;
	s8 =	spop (v2sf)  }
0x20c: {  	v30 =	vld @!p0 [tilespmem:s31+$0x10];
	s8 =	sand.u32 $0x7F, s8;
	v57 =	vor.u32 s7, v9  }
0x20d: {  	v58 =	vor.u32 s8, v9  }
0x20e: {  	v59 =	vor.u32 s7, v10  }
0x20f: {  	v60 =	vor.u32 s8, v10  }
0x210: {  	v34 =	vld @!p0 [tilespmem:s31+$0x210]  }
0x211: {  	(v2sf) =	vpush @!p0 v30, $0x4;
	v29 =	vld.idx.msk [tilespmem:v57+s12+$0x0], $0xffff  }
0x212: {  	v61 =	vld.idx.msk [tilespmem:v58+s13+$0x0], $0xffff  }
0x213: {  	v62 =	vld.idx.msk [tilespmem:v59+s12+$0x0], $0xffff  }
0x214: {  	v63 =	vld.idx.msk [tilespmem:v60+s13+$0x0], $0xffff  }
0x215: {  	(v2sf) =	vpush @!p0 v34, $0x4;
	_ =	sdelay $0x1  }
0x216: {  	v29 =	vmul.f32 v61, v29;
	_ =	sdelay $0x1  }
0x217: {  	v35 =	vmul.f32 v63, v62;
	v29 =	vadd.f32 $0.0e+00, v29;
	_ =	sdelay $0x1  }
0x218: {  	v29 =	vadd.f32 v35, v29;
	_ =	sdelay $0x1  }
0x219: {  	(xrf2) =	vadd.scan.msk.f32 $0xffff, v29;
	_ =	sdelay $0x2  }
0x21a: {  	s7 =	spop @!p0 (v2sf)  }
0x21b: {  	s7 =	sand.u32 @!p0 $0xFFFFF80, s7  }
0x21c: {  	s8 =	simm.s32 @!p0 $0x4400;
	s7 =	sadd.s32 @!p0 s1, s7  }
0x21d: {  	[tilespmem:s8], [sflag:$0x1] =	stream.strided.gather @!p0 [hbm4b:s7+s6], $0x1000, s5, s6, $0x38;
	[tilespmem:$0x10600] =	vst v63  }
0x21e: {  	s7 =	spop @!p0 (v2sf)  }
0x21f: {  	s7 =	sand.u32 @!p0 $0xFFFFF80, s7  }
0x220: {  	s8 =	simm.s32 @!p0 $0xC400;
	s7 =	sadd.s32 @!p0 s2, s7  }
0x221: {  	[tilespmem:s8], [sflag:$0x2] =	stream.strided.gather @!p0 [hbm4b:s7+s6], $0x1000, s5, s6, $0x38;
	v29, _, _ =	vpop (xrf2);
	[tilespmem:$0x10600] =	vst v63  }
0x222: {  	_ =	swait.ge [sflag:s29], $0x1000  }
0x223: {  	[sflag:s29] =	ssyncset.done $0x0  }
0x224: {  	[sflag:s29] =	ssyncadd.s32 $0xFFFFF000  }
0x225: {  	_ =	swait.ge [sflag:s30], $0x1000  }
0x226: {  	[sflag:s30] =	ssyncset.done $0x0  }
0x227: {  	[sflag:s30] =	ssyncadd.s32 $0xFFFFF000  }
0x228: {  	v36 =	vld [tilespmem:s10+$0x0]  }
0x229: {  	v37 =	vld [tilespmem:s10+$0x200];
	_ =	sdelay $0x3  }
0x22a: {  	(v2sf) =	vpush v36, $0xD  }
0x22b: {  	(v2sf) =	vpush v37, $0xD;
	_ =	sdelay $0xd  }
0x22c: {  	s8 =	spop (v2sf)  }
0x22d: {  	s7 =	sand.u32 $0x7F, s8;
	s8 =	spop (v2sf)  }
0x22e: {  	v31 =	vld @!p0 [tilespmem:s31+$0x10];
	s8 =	sand.u32 $0x7F, s8;
	v38 =	vor.u32 s7, v11  }
0x22f: {  	v39 =	vor.u32 s8, v11  }
0x230: {  	v40 =	vor.u32 s7, v12  }
0x231: {  	v41 =	vor.u32 s8, v12  }
0x232: {  	v35 =	vld @!p0 [tilespmem:s31+$0x210]  }
0x233: {  	(v2sf) =	vpush @!p0 v31, $0x5;
	v30 =	vld.idx.msk [tilespmem:v38+s12+$0x0], $0xffff  }
0x234: {  	v42 =	vld.idx.msk [tilespmem:v39+s13+$0x0], $0xffff  }
0x235: {  	v43 =	vld.idx.msk [tilespmem:v40+s12+$0x0], $0xffff  }
0x236: {  	v44 =	vld.idx.msk [tilespmem:v41+s13+$0x0], $0xffff  }
0x237: {  	(v2sf) =	vpush @!p0 v35, $0x5;
	_ =	sdelay $0x1  }
0x238: {  	v30 =	vmul.f32 v42, v30;
	_ =	sdelay $0x1  }
0x239: {  	v45 =	vmul.f32 v44, v43;
	v30 =	vadd.f32 $0.0e+00, v30;
	_ =	sdelay $0x1  }
0x23a: {  	v30 =	vadd.f32 v45, v30;
	_ =	sdelay $0x1  }
0x23b: {  	(xrf2) =	vadd.scan.msk.f32 $0xffff, v30;
	_ =	sdelay $0x2  }
0x23c: {  	s7 =	spop @!p0 (v2sf)  }
0x23d: {  	s7 =	sand.u32 @!p0 $0xFFFFF80, s7  }
0x23e: {  	s8 =	simm.s32 @!p0 $0x5400;
	s7 =	sadd.s32 @!p0 s1, s7  }
0x23f: {  	[tilespmem:s8], [sflag:$0x1] =	stream.strided.gather @!p0 [hbm4b:s7+s6], $0x1000, s5, s6, $0x38;
	[tilespmem:$0x10600] =	vst v63  }
0x240: {  	s7 =	spop @!p0 (v2sf)  }
0x241: {  	s7 =	sand.u32 @!p0 $0xFFFFF80, s7  }
0x242: {  	s8 =	simm.s32 @!p0 $0xD400;
	s7 =	sadd.s32 @!p0 s2, s7  }
0x243: {  	[tilespmem:s8], [sflag:$0x2] =	stream.strided.gather @!p0 [hbm4b:s7+s6], $0x1000, s5, s6, $0x38;
	v30, _, _ =	vpop (xrf2);
	[tilespmem:$0x10600] =	vst v63  }
0x244: {  	_ =	swait.ge [sflag:s29], $0x1000  }
0x245: {  	[sflag:s29] =	ssyncset.done $0x0  }
0x246: {  	[sflag:s29] =	ssyncadd.s32 $0xFFFFF000  }
0x247: {  	_ =	swait.ge [sflag:s30], $0x1000  }
0x248: {  	[sflag:s30] =	ssyncset.done $0x0  }
0x249: {  	[sflag:s30] =	ssyncadd.s32 $0xFFFFF000  }
0x24a: {  	v46 =	vld [tilespmem:s10+$0x0]  }
0x24b: {  	v47 =	vld [tilespmem:s10+$0x200];
	_ =	sdelay $0x3  }
0x24c: {  	(v2sf) =	vpush v46, $0xE  }
0x24d: {  	(v2sf) =	vpush v47, $0xE;
	_ =	sdelay $0xd  }
0x24e: {  	s8 =	spop (v2sf)  }
0x24f: {  	s7 =	sand.u32 $0x7F, s8;
	s8 =	spop (v2sf)  }
0x250: {  	v32 =	vld @!p0 [tilespmem:s31+$0x10];
	s8 =	sand.u32 $0x7F, s8;
	v48 =	vor.u32 s7, v13  }
0x251: {  	v49 =	vor.u32 s8, v13  }
0x252: {  	v50 =	vor.u32 s7, v14  }
0x253: {  	v51 =	vor.u32 s8, v14  }
0x254: {  	v36 =	vld @!p0 [tilespmem:s31+$0x210]  }
0x255: {  	(v2sf) =	vpush @!p0 v32, $0x6;
	v31 =	vld.idx.msk [tilespmem:v48+s12+$0x0], $0xffff  }
0x256: {  	v52 =	vld.idx.msk [tilespmem:v49+s13+$0x0], $0xffff  }
0x257: {  	v53 =	vld.idx.msk [tilespmem:v50+s12+$0x0], $0xffff  }
0x258: {  	v54 =	vld.idx.msk [tilespmem:v51+s13+$0x0], $0xffff  }
0x259: {  	(v2sf) =	vpush @!p0 v36, $0x6;
	_ =	sdelay $0x1  }
0x25a: {  	v31 =	vmul.f32 v52, v31;
	_ =	sdelay $0x1  }
0x25b: {  	v55 =	vmul.f32 v54, v53;
	v31 =	vadd.f32 $0.0e+00, v31;
	_ =	sdelay $0x1  }
0x25c: {  	v31 =	vadd.f32 v55, v31;
	_ =	sdelay $0x1  }
0x25d: {  	(xrf2) =	vadd.scan.msk.f32 $0xffff, v31;
	_ =	sdelay $0x2  }
0x25e: {  	s7 =	spop @!p0 (v2sf)  }
0x25f: {  	s7 =	sand.u32 @!p0 $0xFFFFF80, s7  }
0x260: {  	s8 =	simm.s32 @!p0 $0x6400;
	s7 =	sadd.s32 @!p0 s1, s7  }
0x261: {  	[tilespmem:s8], [sflag:$0x1] =	stream.strided.gather @!p0 [hbm4b:s7+s6], $0x1000, s5, s6, $0x38;
	[tilespmem:$0x10600] =	vst v63  }
0x262: {  	s7 =	spop @!p0 (v2sf)  }
0x263: {  	s7 =	sand.u32 @!p0 $0xFFFFF80, s7  }
0x264: {  	s8 =	simm.s32 @!p0 $0xE400;
	s7 =	sadd.s32 @!p0 s2, s7  }
0x265: {  	[tilespmem:s8], [sflag:$0x2] =	stream.strided.gather @!p0 [hbm4b:s7+s6], $0x1000, s5, s6, $0x38;
	v31, _, _ =	vpop (xrf2);
	[tilespmem:$0x10600] =	vst v63  }
0x266: {  	_ =	swait.ge [sflag:s29], $0x1000  }
0x267: {  	[sflag:s29] =	ssyncset.done $0x0  }
0x268: {  	[sflag:s29] =	ssyncadd.s32 $0xFFFFF000  }
0x269: {  	_ =	swait.ge [sflag:s30], $0x1000  }
0x26a: {  	[sflag:s30] =	ssyncset.done $0x0  }
0x26b: {  	[sflag:s30] =	ssyncadd.s32 $0xFFFFF000  }
0x26c: {  	v56 =	vld [tilespmem:s10+$0x0]  }
0x26d: {  	v57 =	vld [tilespmem:s10+$0x200];
	_ =	sdelay $0x3  }
0x26e: {  	(v2sf) =	vpush v56, $0xF  }
0x26f: {  	(v2sf) =	vpush v57, $0xF;
	_ =	sdelay $0xd  }
0x270: {  	s8 =	spop (v2sf)  }
0x271: {  	s5 =	sand.u32 $0x7F, s8;
	s31 =	spop (v2sf)  }
0x272: {  	s6 =	sand.u32 $0x7F, s31;
	v58 =	vor.u32 s5, v15  }
0x273: {  	v59 =	vor.u32 s6, v15  }
0x274: {  	v60 =	vor.u32 s5, v16  }
0x275: {  	v61 =	vor.u32 s6, v16;
	_ =	sdelay $0x1  }
0x276: {  	v32 =	vld.idx.msk [tilespmem:v58+s12+$0x0], $0xffff  }
0x277: {  	v33 =	vld.idx.msk [tilespmem:v59+s13+$0x0], $0xffff  }
0x278: {  	v34 =	vld.idx.msk [tilespmem:v60+s12+$0x0], $0xffff  }
0x279: {  	v35 =	vld.idx.msk [tilespmem:v61+s13+$0x0], $0xffff;
	_ =	sdelay $0x2  }
0x27a: {  	v32 =	vmul.f32 v33, v32;
	_ =	sdelay $0x1  }
0x27b: {  	v62 =	vmul.f32 v35, v34;
	v32 =	vadd.f32 $0.0e+00, v32  }
0x27c: {  	v17 =	vperm.xlane v17, v2;
	v18 =	vperm.xlane v18, v2  }
0x27d: {  	v19 =	vperm.xlane v19, v2;
	v32 =	vadd.f32 v62, v32  }
0x27e: {  	v17 =	vsel vm0, v17, v18;
	v18 =	vperm.xlane v20, v2  }
0x27f: {  	v17 =	vsel vm1, v17, v19;
	v19 =	vperm.xlane v21, v2;
	(xrf2) =	vadd.scan.msk.f32 $0xffff, v32  }
0x280: {  	v17 =	vsel vm2, v17, v18;
	v18 =	vperm.xlane v22, v2  }
0x281: {  	v17 =	vsel vm3, v17, v19;
	v19 =	vperm.xlane v23, v2  }
0x282: {  	v17 =	vsel vm4, v17, v18;
	v18 =	vperm.xlane v24, v2  }
0x283: {  	v17 =	vsel vm5, v17, v19;
	v19 =	vperm.xlane v25, v2  }
0x284: {  	v17 =	vsel vm6, v17, v18;
	v18 =	vperm.xlane v26, v2  }
0x285: {  	v17 =	vsel vm7, v17, v19;
	v19 =	vperm.xlane v27, v2  }
0x286: {  	v17 =	vsel vm8, v17, v18;
	v18 =	vperm.xlane v28, v2  }
0x287: {  	v17 =	vsel vm9, v17, v19;
	v19 =	vperm.xlane v29, v2;
	p0 =	sne.s32 s3, $0x7C0  }
.Ltmp2:
0x288: {  	v17 =	vsel vm10, v17, v18;
	v18 =	vperm.xlane v30, v2;
	(pc) =	sbr.rel @!p0 .LBB2_3-.Ltmp2, $4  }
0x289: {  	v17 =	vsel vm11, v17, v19;
	v19 =	vperm.xlane v31, v2;
	v63, _, _ =	vpop (xrf2)  }
0x28a: {  	v17 =	vsel vm12, v17, v18;
	v18 =	vperm.xlane v63, v2  }
0x28b: {  	v17 =	vsel vm13, v17, v19  }
0x28c: {  	v17 =	vsel vm14, v17, v18  }
0x28d: {  	v18 =	vld [tilespmem:s10+$0x10];
	_ =	sdelay $0x3  }
0x28e: {  	v19 =	vld [tilespmem:s10+$0x210]  }
0x28f: {  	(v2sf) =	vpush v18, $0x7;
	_ =	sdelay $0x3  }
0x290: {  	(v2sf) =	vpush v19, $0x7;
	_ =	sdelay $0xa  }
0x291: {  	s5 =	spop (v2sf)  }
0x292: {  	s3 =	sadd.s32 $0x40, s3;
	s5 =	sand.u32 $0xFFFFF80, s5  }
0x293: {  	p0 =	sne.s32 s3, $0x800;
	s5 =	sadd.s32 s1, s5  }
0x294: {  	[tilespmem:s26], [sflag:$0x1] =	stream.strided.gather [hbm4b:s5+s12], $0x1000, s11, s12, $0x38;
	[tilespmem:$0x10600] =	vst v63  }
.Ltmp3:
0x295: {  	s31 =	spop (v2sf);
	(pc) =	sbr.rel @p0 .LBB2_2-.Ltmp3, $4  }
.Ltmp4:
0x296: {  	s5 =	sand.u32 $0xFFFFF80, s31;
	(pc) =	sbr.rel @!p0 .LBB2_5-.Ltmp4, $4  }
0x297: {  	s5 =	sadd.s32 s2, s5  }
0x298: {  	[tilespmem:s28], [sflag:$0x2] =	stream.strided.gather [hbm4b:s5+s12], $0x1000, s11, s12, $0x38;
	[tilespmem:$0x10600] =	vst v63  }
0x299: {  	[tilespmem:s10+$0x10400] =	vst v17  }
0x29a: {  	_ = 	snop  }
.LBB2_6:
0x29b: {  	_ =	sfence.sel $0x180000  }
0x29c: {  	[bflag:$0x0] =	sbarrier.arrive $0xFFFF  }
0x29d: {  	_ =	strace $0x90000047  }
0x29e: {  	s0 =	stileid.u32;
	[bflag:$0x2] =	sbarrier.arrive $0xFFFF  }
0x29f: {  	p0 =	sne.s32 s0, $0x0;
	s0 =	rddreg [dreg:$0x5]  }
0x2a0: {  	s0 =	sadd.s32 @!p0 $0x100000, s0  }
0x2a1: {  	[sflag:s0] =	ssyncadd.tile.s32 @!p0 $0x1;
	_ =	shalt  }
.Lfunc_end2:
_tile_overlayer_lowered:
.L_overlay_start_2:
0x2a2: {  	(tag) =	ssettag $0x2  }
0x2a3: {  	s0 =	rddreg [dreg:$0x0];
	s2 =	stileid.u32  }
0x2a4: {  	s1 =	rddreg [dreg:$0x1];
	p0 =	sne.s32 s2, $0x0  }
0x2a5: {  	s3 =	rddreg [dreg:$0x2];
	[bflag:$0x3] =	sbarrier.arrive $0xFFFF;
	s2 =	simm.s32 @!p0 $0x1C03  }
0x2a6: {  	[timem:s3], [sflag:s2] =	dma.local @!p0 [hbm:s0], s1  }
0x2a7: {  	s0 =	simm.s32 @!p0 $0x3  }
0x2a8: {  	_ =	swait.ge @!p0 [sflag:s0], s1  }
0x2a9: {  	s1 =	ssub.s32 @!p0 $0x0, s1;
	[sflag:s0] =	ssyncset.done @!p0 $0x0  }
0x2aa: {  	[sflag:s0] =	ssyncadd.s32 @!p0 s1  }
0x2ab: {  	[bflag:$0x3] =	sbarrier.arrive $0xFFFF  }
0x2ac: {  	_ =	shalt  }

</sc_bundles>
